<compile_context>
chip_gen: v7x
topology: tpu7x:2x2x1
jax: 0.10.2.dev20260603
libtpu: 0.0.44.dev20260713+nightly
codegen_flags: <defaults>
</compile_context>

<pallas_src>
import functools

import jax
import jax.numpy as jnp
from jax import lax
from jax.experimental import pallas as pl
from jax.experimental.pallas import tpu as pltpu
from jax.experimental.pallas import tpu_sc as plsc

_CV, _CF, _CD = 64, 128, 32
_NCH = _CV + _CF + _CD
_B = 4
_HW = 64 * 64
_NV = _HW // 16
_CBLK = 32
_NBLK = _NCH // _CBLK
_BND0 = _CV // _CBLK
_BND1 = (_CV + _CF) // _CBLK
_BIG = 1 << 30


def _sc_select_body(u0_hbm, u1_hbm, u2_hbm, tb_hbm, sel_hbm,
                    uv0, uv1, uv2, hv, gv, cv, hist3, idxf3, btot, selv, tv,
                    b1s, r1s, fcs, hts, lts, ess, bms):
    wid = lax.axis_index("s") * 2 + lax.axis_index("c")

    @pl.when(wid < _B)
    def _body():
        lane = lax.broadcasted_iota(jnp.int32, (16,), 0)
        zf = jnp.zeros((16,), jnp.float32)
        mone = jnp.full((16,), -1, jnp.int32)

        pltpu.sync_copy(tb_hbm, tv)
        pltpu.sync_copy(u0_hbm.at[wid], uv0)
        pltpu.sync_copy(u1_hbm.at[wid], uv1)
        pltpu.sync_copy(u2_hbm.at[wid], uv2)
        T = jnp.sum(jnp.where(lane == 0, tv[...], 0.0))

        def zero(ref, nvec):
            def zb(i, c):
                for t in range(4):
                    ref[pl.ds((i * 4 + t) * 16, 16)] = zf
                return c
            lax.fori_loop(0, nvec // 4, zb, 0)

        zero(hist3, 256)

        def p1(i, c):
            for t in range(4):
                o = (i * 4 + t) * 16
                a0 = uv0[pl.ds(o, 16)]
                a1 = uv1[pl.ds(o, 16)]
                a2 = uv2[pl.ds(o, 16)]
                best = jnp.maximum(a0, jnp.maximum(a1, a2))
                gi = jnp.where(a0 == best, 0,
                               jnp.where(a1 == best, 1, 2)).astype(jnp.int32)
                cost = jnp.where(gi == 0, 4.0, jnp.where(gi == 1, 2.0, 1.0))
                h = lax.bitcast_convert_type(jnp.maximum(best, 0.0), jnp.int32)
                vc = jnp.where(best > 0.0, cost, 0.0)
                hv[pl.ds(o, 16)] = h
                gv[pl.ds(o, 16)] = gi
                cv[pl.ds(o, 16)] = vc
                plsc.addupdate_scatter(hist3, [lane * 256 + (h >> 24)], vc)
            return c
        lax.fori_loop(0, _NV // 4, p1, 0)

        def combine(base, nchunk):
            def cb(j, car):
                tacc, ctv = car
                bt = hist3[pl.ds(base + j * 16, 16)]
                for l in range(1, 16):
                    bt = bt + hist3[pl.ds(base + l * 256 + j * 16, 16)]
                btot[pl.ds(j * 16, 16)] = bt
                s = jnp.sum(bt)
                return tacc + s, jnp.where(lane == j, s, ctv)
            return lax.fori_loop(0, nchunk, cb, (0.0, zf))

        def search(total, ctv, target):
            thr = total - target
            cc = plsc.cumsum(ctv)
            jc = jnp.min(jnp.where(cc >= thr, lane, 16))
            found = jc < 16
            jcs = jnp.where(found, jc, 0)
            pref = jnp.sum(jnp.where(lane == jcs, cc - ctv, 0.0))
            bt = btot[pl.ds(jcs * 16, 16)]
            cin = plsc.cumsum(bt) + pref
            ln = jnp.min(jnp.where(cin >= thr, lane, 16))
            lns = jnp.where(ln < 16, ln, 0)
            bstar = jnp.where(found, jcs * 16 + lns, jnp.int32(256))
            pstar = jnp.where(found,
                              jnp.sum(jnp.where(lane == lns, cin, 0.0)), 0.0)
            bm = jnp.where(found, jnp.sum(jnp.where(lane == lns, bt, 0.0)),
                           0.0)
            return bstar, pstar, found, bm

        tot1, ctv1 = combine(0, 8)

        def l1c(c, carry):
            tgt = T - jnp.where(c == 0, 4.0, jnp.where(c == 1, 2.0, 1.0))
            b1, p1v, fc, bm = search(tot1, ctv1, tgt)
            b1s[c] = jnp.where(fc, b1, 0)
            r1s[c] = tgt - (tot1 - p1v)
            fcs[c] = jnp.where(fc, 1, 0)
            bms[c] = jnp.where(fc, bm, 0.0)
            return carry
        lax.fori_loop(0, 3, l1c, 0)

        def lvl(v, carry):
            sm = 24 - v * 8

            def skiplvl(car2):
                def sk(c, cc):
                    b1s[c] = b1s[c] << 8
                    return cc
                lax.fori_loop(0, 3, sk, 0)
                return car2

            def dolvl(car2):
                mv0, mv1, mv2 = b1s[0], b1s[1], b1s[2]
                zero(hist3, 768)

                def hb(i, cc):
                    for t in range(4):
                        o = (i * 4 + t) * 16
                        h = hv[pl.ds(o, 16)]
                        vc = cv[pl.ds(o, 16)]
                        hm = h >> sm
                        bidx = lane * 256 + ((h >> (sm - 8)) & 255)
                        for c, mvc in ((0, mv0), (1, mv1), (2, mv2)):
                            plsc.addupdate_scatter(hist3, [c * 4096 + bidx],
                                                   vc, mask=hm == mvc)
                    return cc
                lax.fori_loop(0, _NV // 4, hb, 0)

                def upd(c, car):
                    total, ctv = combine(c * 4096, 16)
                    rem = r1s[c]
                    b, p, fnd, bm = search(total, ctv, rem)
                    b1s[c] = (b1s[c] << 8) | jnp.where(b < 256, b, 0)
                    r1s[c] = rem - (total - p)
                    bms[c] = jnp.where(fnd, bm, 0.0)
                    return car
                lax.fori_loop(0, 3, upd, 0)
                return car2

            lax.cond(bms[0] + bms[1] + bms[2] > 0.0, dolvl, skiplvl, 0)
            return carry
        lax.fori_loop(0, 3, lvl, 0)

        def skipidx(car2):
            def sk(c, cc):
                fc = fcs[c] > 0
                hts[c] = jnp.where(fc, b1s[c], _BIG)
                lts[c] = jnp.where(fc, 0, _BIG)
                return cc
            lax.fori_loop(0, 3, sk, 0)
            return car2

        def doidx(car2):
            zero(idxf3, 768)
            zero(hist3, 768)
            h0, h1, h2 = b1s[0], b1s[1], b1s[2]

            def ib(i, cc):
                for t in range(4):
                    o = i * 4 + t
                    h = hv[pl.ds(o * 16, 16)]
                    vc = cv[pl.ds(o * 16, 16)]
                    li = 4095 - (o * 16 + lane)
                    cidx = lane * 256 + (li >> 4)
                    for c, hc in ((0, h0), (1, h1), (2, h2)):
                        mk = h == hc
                        plsc.addupdate_scatter(idxf3, [c * 4096 + li], vc,
                                               mask=mk)
                        plsc.addupdate_scatter(hist3, [c * 4096 + cidx], vc,
                                               mask=mk)
                return cc
            lax.fori_loop(0, _NV // 4, ib, 0)

            def idxc(c, carry):
                total, ctv = combine(c * 4096, 16)
                rem = r1s[c]
                cb5, p5v, _, _ = search(total, ctv, rem)
                cbs = jnp.where(cb5 < 256, cb5, 0)
                fv = idxf3[pl.ds(c * 4096 + cbs * 16, 16)]
                cin = plsc.cumsum(fv) + (p5v - jnp.sum(fv))
                ln = jnp.min(jnp.where(cin >= total - rem, lane, 16))
                lst = cbs * 16 + jnp.where(ln < 16, ln, 0)
                fc = fcs[c] > 0
                hts[c] = jnp.where(fc, b1s[c], _BIG)
                lts[c] = jnp.where(fc, lst, _BIG)
                return carry
            lax.fori_loop(0, 3, idxc, 0)
            return car2

        lax.cond(bms[0] + bms[1] + bms[2] > 0.0, doidx, skipidx, 0)

        hs0, hs1, hs2 = hts[0], hts[1], hts[2]
        ls0, ls1, ls2 = lts[0], lts[1], lts[2]

        def acc1_of(h, gi, li):
            hs = jnp.where(gi == 0, hs0, jnp.where(gi == 1, hs1, hs2))
            ls = jnp.where(gi == 0, ls0, jnp.where(gi == 1, ls1, ls2))
            return (h > 0) & ((h > hs) | ((h == hs) & (li >= ls)))

        def bb(i, car):
            uacc, ah, al = car
            for t in range(4):
                o = i * 4 + t
                h = hv[pl.ds(o * 16, 16)]
                gi = gv[pl.ds(o * 16, 16)]
                vc = cv[pl.ds(o * 16, 16)]
                li = 4095 - (o * 16 + lane)
                a1 = acc1_of(h, gi, li)
                uacc = uacc + jnp.where(a1, vc, 0.0)
                m = (h > 0) & jnp.logical_not(a1)
                mh = jnp.where(m, h, -1)
                btr = (mh > ah) | ((mh == ah) & (li > al))
                ah = jnp.where(btr, mh, ah)
                al = jnp.where(btr, li, al)
            return (uacc, ah, al)
        uacc, ah, al = lax.fori_loop(0, _NV // 4, bb, (zf, mone, mone))
        ph0 = jnp.max(ah)
        plv0 = jnp.max(jnp.where(ah == ph0, al, -1))
        r0 = T - jnp.sum(uacc)

        def rnd(k, car):
            def do(car2):
                ph, plv, r = car2

                def rb(i, icar):
                    ah, al, ac = icar
                    for t in range(4):
                        o = i * 4 + t
                        h = hv[pl.ds(o * 16, 16)]
                        gi = gv[pl.ds(o * 16, 16)]
                        vc = cv[pl.ds(o * 16, 16)]
                        li = 4095 - (o * 16 + lane)
                        a1 = acc1_of(h, gi, li)
                        m = (h > 0) & jnp.logical_not(a1)
                        klt = (h < ph) | ((h == ph) & (li < plv))
                        cand = m & klt & (vc <= r)
                        mh = jnp.where(cand, h, -1)
                        btr = (mh > ah) | ((mh == ah) & (li > al))
                        ah = jnp.where(btr, mh, ah)
                        al = jnp.where(btr, li, al)
                        ac = jnp.where(btr, vc, ac)
                    return (ah, al, ac)
                ah, al, ac = lax.fori_loop(0, _NV // 4, rb, (mone, mone, zf))
                ch = jnp.max(ah)
                cl = jnp.max(jnp.where(ah == ch, al, -1))
                cc = jnp.sum(jnp.where((ah == ch) & (al == cl), ac, 0.0))
                found = ch >= 0
                ess[k] = jnp.where(found, cl, jnp.int32(-7))
                return (jnp.where(found, ch, ph), jnp.where(found, cl, plv),
                        jnp.where(found, r - cc, r))

            def skip(car2):
                ess[k] = jnp.int32(-7)
                return car2

            ph, plv, r = car
            return lax.cond((r >= 1.0) & (ph >= 0), do, skip, car)
        lax.fori_loop(0, 3, rnd, (ph0, plv0, r0))

        e0, e1, e2 = ess[0], ess[1], ess[2]

        def fb(i, c):
            for t in range(4):
                o = i * 4 + t
                h = hv[pl.ds(o * 16, 16)]
                gi = gv[pl.ds(o * 16, 16)]
                li = 4095 - (o * 16 + lane)
                acc = (acc1_of(h, gi, li) | (li == e0) | (li == e1)
                       | (li == e2))
                selv[pl.ds(o * 16, 16)] = jnp.where(
                    acc, gi.astype(jnp.float32), -1.0)
            return c
        lax.fori_loop(0, _NV // 4, fb, 0)
        pltpu.sync_copy(selv, sel_hbm.at[wid])


_sc_select = functools.partial(
    pl.kernel,
    out_type=jax.ShapeDtypeStruct((_B, _HW), jnp.float32),
    mesh=plsc.VectorSubcoreMesh(core_axis_name="c", subcore_axis_name="s"),
    compiler_params=pltpu.CompilerParams(needs_layout_passes=False),
    scratch_types=[
        pltpu.VMEM((_HW,), jnp.float32),
        pltpu.VMEM((_HW,), jnp.float32),
        pltpu.VMEM((_HW,), jnp.float32),
        pltpu.VMEM((_HW,), jnp.int32),
        pltpu.VMEM((_HW,), jnp.int32),
        pltpu.VMEM((_HW,), jnp.float32),
        pltpu.VMEM((3 * _HW,), jnp.float32),
        pltpu.VMEM((3 * _HW,), jnp.float32),
        pltpu.VMEM((256,), jnp.float32),
        pltpu.VMEM((_HW,), jnp.float32),
        pltpu.VMEM((16,), jnp.float32),
        pltpu.SMEM((4,), jnp.int32),
        pltpu.SMEM((4,), jnp.float32),
        pltpu.SMEM((4,), jnp.int32),
        pltpu.SMEM((4,), jnp.int32),
        pltpu.SMEM((4,), jnp.int32),
        pltpu.SMEM((4,), jnp.int32),
        pltpu.SMEM((4,), jnp.float32),
    ],
)(_sc_select_body)


def _mask_mult_body(sel_ref, col_ref, out_ref):
    j = pl.program_id(0)
    s = sel_ref[...]
    t = jnp.where(j < _BND0, 0.0, jnp.where(j < _BND1, 1.0, 2.0))
    out_ref[...] = col_ref[...] * jnp.where(s == t, 1.0, 0.0)[:, None, :]


def kernel(collab_bev_data_list, bandwidth_budget, utility_map_list):
    col3 = collab_bev_data_list.reshape(_B, _NCH, _HW)
    u = utility_map_list.reshape(_B, _HW, 3)
    tb = jnp.full((16,), jnp.asarray(bandwidth_budget, jnp.float32) / _B,
                  jnp.float32)
    sel = _sc_select(u[:, :, 0], u[:, :, 1], u[:, :, 2], tb)
    out3 = pl.pallas_call(
        _mask_mult_body,
        grid=(_NBLK,),
        in_specs=[
            pl.BlockSpec((_B, _HW), lambda j: (0, 0)),
            pl.BlockSpec((_B, _CBLK, _HW), lambda j: (0, j, 0)),
        ],
        out_specs=pl.BlockSpec((_B, _CBLK, _HW), lambda j: (0, j, 0)),
        out_shape=jax.ShapeDtypeStruct((_B, _NCH, _HW), jnp.float32),
    )(sel, col3)
    return out3.reshape(_B, _NCH, 64, 64), sel.reshape(_B, 64, 64)

# --- scband reference (transcript-rebuilt; emitter-appended) ---
"""Pipeline reference for scband-communication-88441966559569 (READ-ONLY COPY).

The authoritative reference and input builder live on the scoring server;
editing this copy changes nothing except your own understanding.
"""

import jax, jax.numpy as jnp
import numpy as np

C_V, C_F, C_D = 64, 128, 32
COSTS = jnp.array([4.0, 2.0, 1.0], dtype=jnp.float32)
THRESH = 0.0

def setup_inputs(seed: int = 0) -> dict:
    key = jax.random.key(seed)
    k1, k2 = jax.random.split(key)
    collab = jax.random.normal(k1, (4, C_V + C_F + C_D, 64, 64), dtype=jnp.float32)
    util = jax.random.uniform(k2, (4, 64, 64, 3), dtype=jnp.float32)
    return {"collab_bev_data_list": collab, "bandwidth_budget": 8192, "utility_map_list": util}

def _selection(utility, budget_per_sample):
    # Faithful vectorization of the greedy per-pixel budgeted selection.
    # Original sorts all candidates globally by utility but enforces a per-sample
    # budget, so samples are independent -> per-sample descending sort + scan.
    B, H, W, G = utility.shape
    best_u = jnp.max(utility, axis=3)            # [B,H,W]
    best_g = jnp.argmax(utility, axis=3)         # [B,H,W]
    flat_u = best_u.reshape(B, H * W)
    flat_g = best_g.reshape(B, H * W)
    valid = flat_u > THRESH
    order = jnp.argsort(-flat_u, axis=1)
    s_u = jnp.take_along_axis(flat_u, order, axis=1)
    s_g = jnp.take_along_axis(flat_g, order, axis=1)
    s_valid = jnp.take_along_axis(valid, order, axis=1)
    s_cost = COSTS[s_g]                          # [B,HW]

    def step(used, xs):
        cost, v = xs
        accept = v & (used + cost <= budget_per_sample)
        used = used + jnp.where(accept, cost, 0.0)
        return used, accept

    used0 = jnp.zeros((B,), dtype=jnp.float32)
    _, accept = jax.lax.scan(step, used0, (s_cost.T, s_valid.T))
    accept = accept.T                            # [B,HW]
    sel_sorted = jnp.where(accept, s_g.astype(jnp.float32), -1.0)
    flat_sel = jnp.full((B, H * W), -1.0, dtype=jnp.float32)
    flat_sel = flat_sel.at[jnp.arange(B)[:, None], order].set(sel_sorted)
    return flat_sel.reshape(B, H, W)

def reference(collab_bev_data_list, bandwidth_budget, utility_map_list):
    B = collab_bev_data_list.shape[0]
    sel = _selection(utility_map_list, bandwidth_budget / B)
    F_vox = collab_bev_data_list[:, :C_V]
    F_feat = collab_bev_data_list[:, C_V:C_V + C_F]
    F_det = collab_bev_data_list[:, C_V + C_F:C_V + C_F + C_D]
    m0 = (sel == 0.0)[:, None, :, :]
    m1 = (sel == 1.0)[:, None, :, :]
    m2 = (sel == 2.0)[:, None, :, :]
    sparse_trans_bev = jnp.concatenate([F_vox * m0, F_feat * m1, F_det * m2], axis=1)
    return sparse_trans_bev, sel

if __name__ == "__main__":
    import jax
    _d = setup_inputs()
    print(jax.jit(kernel)(*tuple(_d.values())))

</pallas_src>

<mosaic_0001>
#map = affine_map<(d0, d1) -> (0, 0)>
#map1 = affine_map<(d0, d1) -> (0)>
module attributes {stable_mosaic.version = 14 : i64} {
  func.func @_sc_select_body(%arg0: i32, %arg1: i32, %arg2: memref<4x4096xf32, #tpu.memory_space<hbm>>, %arg3: memref<4x4096xf32, #tpu.memory_space<hbm>>, %arg4: memref<4x4096xf32, #tpu.memory_space<hbm>>, %arg5: memref<16xf32, #tpu.memory_space<hbm>>, %arg6: memref<4x4096xf32, #tpu.memory_space<hbm>>, %arg7: memref<4096xf32, #tpu.memory_space<vmem>>, %arg8: memref<4096xf32, #tpu.memory_space<vmem>>, %arg9: memref<4096xf32, #tpu.memory_space<vmem>>, %arg10: memref<4096xi32, #tpu.memory_space<vmem>>, %arg11: memref<4096xi32, #tpu.memory_space<vmem>>, %arg12: memref<4096xf32, #tpu.memory_space<vmem>>, %arg13: memref<12288xf32, #tpu.memory_space<vmem>>, %arg14: memref<12288xf32, #tpu.memory_space<vmem>>, %arg15: memref<256xf32, #tpu.memory_space<vmem>>, %arg16: memref<4096xf32, #tpu.memory_space<vmem>>, %arg17: memref<16xf32, #tpu.memory_space<vmem>>, %arg18: memref<4xi32, #tpu.memory_space<smem>>, %arg19: memref<4xf32, #tpu.memory_space<smem>>, %arg20: memref<4xi32, #tpu.memory_space<smem>>, %arg21: memref<4xi32, #tpu.memory_space<smem>>, %arg22: memref<4xi32, #tpu.memory_space<smem>>, %arg23: memref<4xi32, #tpu.memory_space<smem>>, %arg24: memref<4xf32, #tpu.memory_space<smem>>) attributes {dimension_semantics = [#tpu.dimension_semantics<core_parallel>, #tpu.dimension_semantics<subcore_parallel>], iteration_bounds = array<i64: 2, 16>, scalar_prefetch = 0 : i64, scratch_operands = 18 : i64, tpu.core_type = #tpu.core_type<sc_vector_subcore>, window_params = [{transform_indices = #map}, {transform_indices = #map}, {transform_indices = #map}, {transform_indices = #map1}, {transform_indices = #map}]} {
    %mul3A = arith.constant 2 : i32
    %mul3A_0 = arith.muli %arg1, %mul3A : i32
    %add3A = arith.addi %mul3A_0, %arg0 : i32
    %lt3A = arith.constant 4 : i32
    %lt3A_1 = arith.cmpi slt, %add3A, %lt3A : i32
    %convert_element_type3A = arith.extui %lt3A_1 : i1 to i32
    %cond3A = arith.constant 0 : i32
    %cond3A_2 = arith.cmpi ne, %convert_element_type3A, %cond3A : i32
    scf.if %cond3A_2 {
      %iota3A = tpu.iota {dimensions = array<i32: 0>} : vector<16xi32>
      %broadcast_in_dim3A = arith.constant 0.000000e+00 : f32
      %broadcast_in_dim3A_3 = vector.broadcast %broadcast_in_dim3A : f32 to vector<16xf32>
      %broadcast_in_dim3A_4 = arith.constant -1 : i32
      %broadcast_in_dim3A_5 = vector.broadcast %broadcast_in_dim3A_4 : i32 to vector<16xi32>
      "tpu.region"() ({
        %run_scoped3A = tpu.sem_alloc : memref<!tpu.dma_semaphore, #tpu.memory_space<semaphore_mem>>
        tpu.enqueue_dma source(%arg5 : memref<16xf32, #tpu.memory_space<hbm>>) target(%arg17 : memref<16xf32, #tpu.memory_space<vmem>>) target_semaphore(%run_scoped3A : memref<!tpu.dma_semaphore, #tpu.memory_space<semaphore_mem>>)
        tpu.wait_dma2 semaphore(%run_scoped3A : memref<!tpu.dma_semaphore, #tpu.memory_space<semaphore_mem>>) src(%arg5 : memref<16xf32, #tpu.memory_space<hbm>>) dst(%arg17 : memref<16xf32, #tpu.memory_space<vmem>>)
        tpu.yield
      }) : () -> ()
      "tpu.region"() ({
        %run_scoped3A = tpu.sem_alloc : memref<!tpu.dma_semaphore, #tpu.memory_space<semaphore_mem>>
        %dma_start3A = arith.constant 0 : i32
        %dma_start3A_128 = tpu.memref_slice %arg2[%add3A, %dma_start3A] : memref<4x4096xf32, #tpu.memory_space<hbm>> -> memref<1x4096xf32, #tpu.memory_space<hbm>>
        %dma_start3A_129 = tpu.memref_squeeze %dma_start3A_128 : memref<1x4096xf32, #tpu.memory_space<hbm>> -> memref<4096xf32, #tpu.memory_space<hbm>>
        %dma_start3A_130 = arith.constant 0 : i32
        %dma_start3A_131 = tpu.memref_slice %arg2[%add3A, %dma_start3A_130] : memref<4x4096xf32, #tpu.memory_space<hbm>> -> memref<1x4096xf32, #tpu.memory_space<hbm>>
        %dma_start3A_132 = tpu.memref_squeeze %dma_start3A_131 : memref<1x4096xf32, #tpu.memory_space<hbm>> -> memref<4096xf32, #tpu.memory_space<hbm>>
        tpu.enqueue_dma source(%dma_start3A_132 : memref<4096xf32, #tpu.memory_space<hbm>>) target(%arg7 : memref<4096xf32, #tpu.memory_space<vmem>>) target_semaphore(%run_scoped3A : memref<!tpu.dma_semaphore, #tpu.memory_space<semaphore_mem>>)
        %dma_wait3A = arith.constant 0 : i32
        %dma_wait3A_133 = tpu.memref_slice %arg2[%add3A, %dma_wait3A] : memref<4x4096xf32, #tpu.memory_space<hbm>> -> memref<1x4096xf32, #tpu.memory_space<hbm>>
        %dma_wait3A_134 = tpu.memref_squeeze %dma_wait3A_133 : memref<1x4096xf32, #tpu.memory_space<hbm>> -> memref<4096xf32, #tpu.memory_space<hbm>>
        %dma_wait3A_135 = arith.constant 0 : i32
        %dma_wait3A_136 = tpu.memref_slice %arg2[%add3A, %dma_wait3A_135] : memref<4x4096xf32, #tpu.memory_space<hbm>> -> memref<1x4096xf32, #tpu.memory_space<hbm>>
        %dma_wait3A_137 = tpu.memref_squeeze %dma_wait3A_136 : memref<1x4096xf32, #tpu.memory_space<hbm>> -> memref<4096xf32, #tpu.memory_space<hbm>>
        tpu.wait_dma2 semaphore(%run_scoped3A : memref<!tpu.dma_semaphore, #tpu.memory_space<semaphore_mem>>) src(%dma_wait3A_137 : memref<4096xf32, #tpu.memory_space<hbm>>) dst(%arg7 : memref<4096xf32, #tpu.memory_space<vmem>>)
        tpu.yield
      }) : () -> ()
      "tpu.region"() ({
        %run_scoped3A = tpu.sem_alloc : memref<!tpu.dma_semaphore, #tpu.memory_space<semaphore_mem>>
        %dma_start3A = arith.constant 0 : i32
        %dma_start3A_128 = tpu.memref_slice %arg3[%add3A, %dma_start3A] : memref<4x4096xf32, #tpu.memory_space<hbm>> -> memref<1x4096xf32, #tpu.memory_space<hbm>>
        %dma_start3A_129 = tpu.memref_squeeze %dma_start3A_128 : memref<1x4096xf32, #tpu.memory_space<hbm>> -> memref<4096xf32, #tpu.memory_space<hbm>>
        %dma_start3A_130 = arith.constant 0 : i32
        %dma_start3A_131 = tpu.memref_slice %arg3[%add3A, %dma_start3A_130] : memref<4x4096xf32, #tpu.memory_space<hbm>> -> memref<1x4096xf32, #tpu.memory_space<hbm>>
        %dma_start3A_132 = tpu.memref_squeeze %dma_start3A_131 : memref<1x4096xf32, #tpu.memory_space<hbm>> -> memref<4096xf32, #tpu.memory_space<hbm>>
        tpu.enqueue_dma source(%dma_start3A_132 : memref<4096xf32, #tpu.memory_space<hbm>>) target(%arg8 : memref<4096xf32, #tpu.memory_space<vmem>>) target_semaphore(%run_scoped3A : memref<!tpu.dma_semaphore, #tpu.memory_space<semaphore_mem>>)
        %dma_wait3A = arith.constant 0 : i32
        %dma_wait3A_133 = tpu.memref_slice %arg3[%add3A, %dma_wait3A] : memref<4x4096xf32, #tpu.memory_space<hbm>> -> memref<1x4096xf32, #tpu.memory_space<hbm>>
        %dma_wait3A_134 = tpu.memref_squeeze %dma_wait3A_133 : memref<1x4096xf32, #tpu.memory_space<hbm>> -> memref<4096xf32, #tpu.memory_space<hbm>>
        %dma_wait3A_135 = arith.constant 0 : i32
        %dma_wait3A_136 = tpu.memref_slice %arg3[%add3A, %dma_wait3A_135] : memref<4x4096xf32, #tpu.memory_space<hbm>> -> memref<1x4096xf32, #tpu.memory_space<hbm>>
        %dma_wait3A_137 = tpu.memref_squeeze %dma_wait3A_136 : memref<1x4096xf32, #tpu.memory_space<hbm>> -> memref<4096xf32, #tpu.memory_space<hbm>>
        tpu.wait_dma2 semaphore(%run_scoped3A : memref<!tpu.dma_semaphore, #tpu.memory_space<semaphore_mem>>) src(%dma_wait3A_137 : memref<4096xf32, #tpu.memory_space<hbm>>) dst(%arg8 : memref<4096xf32, #tpu.memory_space<vmem>>)
        tpu.yield
      }) : () -> ()
      "tpu.region"() ({
        %run_scoped3A = tpu.sem_alloc : memref<!tpu.dma_semaphore, #tpu.memory_space<semaphore_mem>>
        %dma_start3A = arith.constant 0 : i32
        %dma_start3A_128 = tpu.memref_slice %arg4[%add3A, %dma_start3A] : memref<4x4096xf32, #tpu.memory_space<hbm>> -> memref<1x4096xf32, #tpu.memory_space<hbm>>
        %dma_start3A_129 = tpu.memref_squeeze %dma_start3A_128 : memref<1x4096xf32, #tpu.memory_space<hbm>> -> memref<4096xf32, #tpu.memory_space<hbm>>
        %dma_start3A_130 = arith.constant 0 : i32
        %dma_start3A_131 = tpu.memref_slice %arg4[%add3A, %dma_start3A_130] : memref<4x4096xf32, #tpu.memory_space<hbm>> -> memref<1x4096xf32, #tpu.memory_space<hbm>>
        %dma_start3A_132 = tpu.memref_squeeze %dma_start3A_131 : memref<1x4096xf32, #tpu.memory_space<hbm>> -> memref<4096xf32, #tpu.memory_space<hbm>>
        tpu.enqueue_dma source(%dma_start3A_132 : memref<4096xf32, #tpu.memory_space<hbm>>) target(%arg9 : memref<4096xf32, #tpu.memory_space<vmem>>) target_semaphore(%run_scoped3A : memref<!tpu.dma_semaphore, #tpu.memory_space<semaphore_mem>>)
        %dma_wait3A = arith.constant 0 : i32
        %dma_wait3A_133 = tpu.memref_slice %arg4[%add3A, %dma_wait3A] : memref<4x4096xf32, #tpu.memory_space<hbm>> -> memref<1x4096xf32, #tpu.memory_space<hbm>>
        %dma_wait3A_134 = tpu.memref_squeeze %dma_wait3A_133 : memref<1x4096xf32, #tpu.memory_space<hbm>> -> memref<4096xf32, #tpu.memory_space<hbm>>
        %dma_wait3A_135 = arith.constant 0 : i32
        %dma_wait3A_136 = tpu.memref_slice %arg4[%add3A, %dma_wait3A_135] : memref<4x4096xf32, #tpu.memory_space<hbm>> -> memref<1x4096xf32, #tpu.memory_space<hbm>>
        %dma_wait3A_137 = tpu.memref_squeeze %dma_wait3A_136 : memref<1x4096xf32, #tpu.memory_space<hbm>> -> memref<4096xf32, #tpu.memory_space<hbm>>
        tpu.wait_dma2 semaphore(%run_scoped3A : memref<!tpu.dma_semaphore, #tpu.memory_space<semaphore_mem>>) src(%dma_wait3A_137 : memref<4096xf32, #tpu.memory_space<hbm>>) dst(%arg9 : memref<4096xf32, #tpu.memory_space<vmem>>)
        tpu.yield
      }) : () -> ()
      %eq3A = arith.constant 0 : i32
      %eq3A_6 = vector.broadcast %eq3A : i32 to vector<16xi32>
      %eq3A_7 = arith.cmpi eq, %iota3A, %eq3A_6 : vector<16xi32>
      %get3A = arith.constant 0 : index
      %get3A_8 = tpu.vector_load %arg17[%get3A] {strides = array<i32>} : memref<16xf32, #tpu.memory_space<vmem>>, vector<16xf32>,
      %jit3A = arith.constant 0.000000e+00 : f32
      %broadcast_in_dim3A_9 = vector.broadcast %jit3A : f32 to vector<16xf32>
      %select_n3A = arith.select %eq3A_7, %get3A_8, %broadcast_in_dim3A_9 : vector<16xi1>, vector<16xf32>
      %reduce_sum3A = arith.constant true
      %reduce_sum3A_10 = vector.broadcast %reduce_sum3A : i1 to vector<16xi1>
      %reduce_sum3A_11 = tpu.scan <sum>, %select_n3A masked %reduce_sum3A_10 : vector<16xf32>, vector<16xi1> -> vector<16xf32>
      %reduce_sum3A_12 = vector.extract %reduce_sum3A_11[15] : f32 from vector<16xf32>
      %scan3A = arith.constant 0 : i32
      %scan3A_13 = arith.constant 0 : i32
      %scan3A_14 = arith.constant 64 : i32
      %scan3A_15 = arith.addi %scan3A_13, %scan3A_14 : i32
      %scan3A_16 = arith.constant 1 : i32
      scf.for %scan3A_128 = %scan3A_13 to %scan3A_15 step %scan3A_16  : i32 {
        %mul3A_129 = arith.constant 4 : i32
        %mul3A_130 = arith.muli %scan3A_128, %mul3A_129 : i32
        %add3A_131 = arith.constant 0 : i32
        %add3A_132 = arith.addi %mul3A_130, %add3A_131 : i32
        %mul3A_133 = arith.constant 16 : i32
        %mul3A_134 = arith.muli %add3A_132, %mul3A_133 : i32
        %swap3A = arith.index_cast %mul3A_134 : i32 to index
        %swap3A_135 = tpu.vector_load %arg13[%swap3A] {strides = array<i32>} : memref<12288xf32, #tpu.memory_space<vmem>>, vector<16xf32>,
        tpu.vector_store %arg13[%swap3A], %broadcast_in_dim3A_3 {strides = array<i32>} : memref<12288xf32, #tpu.memory_space<vmem>>, vector<16xf32>,
        %mul3A_136 = arith.constant 4 : i32
        %mul3A_137 = arith.muli %scan3A_128, %mul3A_136 : i32
        %add3A_138 = arith.constant 1 : i32
        %add3A_139 = arith.addi %mul3A_137, %add3A_138 : i32
        %mul3A_140 = arith.constant 16 : i32
        %mul3A_141 = arith.muli %add3A_139, %mul3A_140 : i32
        %swap3A_142 = arith.index_cast %mul3A_141 : i32 to index
        %swap3A_143 = tpu.vector_load %arg13[%swap3A_142] {strides = array<i32>} : memref<12288xf32, #tpu.memory_space<vmem>>, vector<16xf32>,
        tpu.vector_store %arg13[%swap3A_142], %broadcast_in_dim3A_3 {strides = array<i32>} : memref<12288xf32, #tpu.memory_space<vmem>>, vector<16xf32>,
        %mul3A_144 = arith.constant 4 : i32
        %mul3A_145 = arith.muli %scan3A_128, %mul3A_144 : i32
        %add3A_146 = arith.constant 2 : i32
        %add3A_147 = arith.addi %mul3A_145, %add3A_146 : i32
        %mul3A_148 = arith.constant 16 : i32
        %mul3A_149 = arith.muli %add3A_147, %mul3A_148 : i32
        %swap3A_150 = arith.index_cast %mul3A_149 : i32 to index
        %swap3A_151 = tpu.vector_load %arg13[%swap3A_150] {strides = array<i32>} : memref<12288xf32, #tpu.memory_space<vmem>>, vector<16xf32>,
        tpu.vector_store %arg13[%swap3A_150], %broadcast_in_dim3A_3 {strides = array<i32>} : memref<12288xf32, #tpu.memory_space<vmem>>, vector<16xf32>,
        %mul3A_152 = arith.constant 4 : i32
        %mul3A_153 = arith.muli %scan3A_128, %mul3A_152 : i32
        %add3A_154 = arith.constant 3 : i32
        %add3A_155 = arith.addi %mul3A_153, %add3A_154 : i32
        %mul3A_156 = arith.constant 16 : i32
        %mul3A_157 = arith.muli %add3A_155, %mul3A_156 : i32
        %swap3A_158 = arith.index_cast %mul3A_157 : i32 to index
        %swap3A_159 = tpu.vector_load %arg13[%swap3A_158] {strides = array<i32>} : memref<12288xf32, #tpu.memory_space<vmem>>, vector<16xf32>,
        tpu.vector_store %arg13[%swap3A_158], %broadcast_in_dim3A_3 {strides = array<i32>} : memref<12288xf32, #tpu.memory_space<vmem>>, vector<16xf32>,
      }
      %scan3A_17 = arith.constant 64 : i32
      %scan3A_18 = arith.constant 0 : i32
      %scan3A_19 = arith.constant 0 : i32
      %scan3A_20 = arith.constant 64 : i32
      %scan3A_21 = arith.addi %scan3A_19, %scan3A_20 : i32
      %scan3A_22 = arith.constant 1 : i32
      scf.for %scan3A_128 = %scan3A_19 to %scan3A_21 step %scan3A_22  : i32 {
        %mul3A_129 = arith.constant 4 : i32
        %mul3A_130 = arith.muli %scan3A_128, %mul3A_129 : i32
        %add3A_131 = arith.constant 0 : i32
        %add3A_132 = arith.addi %mul3A_130, %add3A_131 : i32
        %mul3A_133 = arith.constant 16 : i32
        %mul3A_134 = arith.muli %add3A_132, %mul3A_133 : i32
        %get3A_135 = arith.index_cast %mul3A_134 : i32 to index
        %get3A_136 = tpu.vector_load %arg7[%get3A_135] {strides = array<i32>} : memref<4096xf32, #tpu.memory_space<vmem>>, vector<16xf32>,
        %get3A_137 = arith.index_cast %mul3A_134 : i32 to index
        %get3A_138 = tpu.vector_load %arg8[%get3A_137] {strides = array<i32>} : memref<4096xf32, #tpu.memory_space<vmem>>, vector<16xf32>,
        %get3A_139 = arith.index_cast %mul3A_134 : i32 to index
        %get3A_140 = tpu.vector_load %arg9[%get3A_139] {strides = array<i32>} : memref<4096xf32, #tpu.memory_space<vmem>>, vector<16xf32>,
        %max3A = arith.maximumf %get3A_138, %get3A_140 : vector<16xf32>
        %max3A_141 = arith.maximumf %get3A_136, %max3A : vector<16xf32>
        %eq3A_142 = arith.cmpf oeq, %get3A_136, %max3A_141 : vector<16xf32>
        %eq3A_143 = arith.cmpf oeq, %get3A_138, %max3A_141 : vector<16xf32>
        %jit3A_144 = arith.constant 1 : i32
        %jit3A_145 = arith.constant 2 : i32
        %broadcast_in_dim3A_146 = vector.broadcast %jit3A_144 : i32 to vector<16xi32>
        %broadcast_in_dim3A_147 = vector.broadcast %jit3A_145 : i32 to vector<16xi32>
        %select_n3A_148 = arith.select %eq3A_143, %broadcast_in_dim3A_146, %broadcast_in_dim3A_147 : vector<16xi1>, vector<16xi32>
        %jit3A_149 = arith.constant 0 : i32
        %broadcast_in_dim3A_150 = vector.broadcast %jit3A_149 : i32 to vector<16xi32>
        %select_n3A_151 = arith.select %eq3A_142, %broadcast_in_dim3A_150, %select_n3A_148 : vector<16xi1>, vector<16xi32>
        %eq3A_152 = arith.constant 0 : i32
        %eq3A_153 = vector.broadcast %eq3A_152 : i32 to vector<16xi32>
        %eq3A_154 = arith.cmpi eq, %select_n3A_151, %eq3A_153 : vector<16xi32>
        %eq3A_155 = arith.constant 1 : i32
        %eq3A_156 = vector.broadcast %eq3A_155 : i32 to vector<16xi32>
        %eq3A_157 = arith.cmpi eq, %select_n3A_151, %eq3A_156 : vector<16xi32>
        %jit3A_158 = arith.constant 2.000000e+00 : f32
        %jit3A_159 = arith.constant 1.000000e+00 : f32
        %broadcast_in_dim3A_160 = vector.broadcast %jit3A_158 : f32 to vector<16xf32>
        %broadcast_in_dim3A_161 = vector.broadcast %jit3A_159 : f32 to vector<16xf32>
        %select_n3A_162 = arith.select %eq3A_157, %broadcast_in_dim3A_160, %broadcast_in_dim3A_161 : vector<16xi1>, vector<16xf32>
        %jit3A_163 = arith.constant 4.000000e+00 : f32
        %broadcast_in_dim3A_164 = vector.broadcast %jit3A_163 : f32 to vector<16xf32>
        %select_n3A_165 = arith.select %eq3A_154, %broadcast_in_dim3A_164, %select_n3A_162 : vector<16xi1>, vector<16xf32>
        %max3A_166 = arith.constant 0.000000e+00 : f32
        %max3A_167 = vector.broadcast %max3A_166 : f32 to vector<16xf32>
        %max3A_168 = arith.maximumf %max3A_141, %max3A_167 : vector<16xf32>
        %bitcast_convert_type3A = tpu.bitcast %max3A_168 : vector<16xf32> -> vector<16xi32>
        %gt3A_169 = arith.constant 0.000000e+00 : f32
        %gt3A_170 = vector.broadcast %gt3A_169 : f32 to vector<16xf32>
        %gt3A_171 = arith.cmpf ogt, %max3A_141, %gt3A_170 : vector<16xf32>
        %jit3A_172 = arith.constant 0.000000e+00 : f32
        %broadcast_in_dim3A_173 = vector.broadcast %jit3A_172 : f32 to vector<16xf32>
        %select_n3A_174 = arith.select %gt3A_171, %select_n3A_165, %broadcast_in_dim3A_173 : vector<16xi1>, vector<16xf32>
        %swap3A = arith.index_cast %mul3A_134 : i32 to index
        %swap3A_175 = tpu.vector_load %arg10[%swap3A] {strides = array<i32>} : memref<4096xi32, #tpu.memory_space<vmem>>, vector<16xi32>,
        tpu.vector_store %arg10[%swap3A], %bitcast_convert_type3A {strides = array<i32>} : memref<4096xi32, #tpu.memory_space<vmem>>, vector<16xi32>,
        %swap3A_176 = arith.index_cast %mul3A_134 : i32 to index
        %swap3A_177 = tpu.vector_load %arg11[%swap3A_176] {strides = array<i32>} : memref<4096xi32, #tpu.memory_space<vmem>>, vector<16xi32>,
        tpu.vector_store %arg11[%swap3A_176], %select_n3A_151 {strides = array<i32>} : memref<4096xi32, #tpu.memory_space<vmem>>, vector<16xi32>,
        %swap3A_178 = arith.index_cast %mul3A_134 : i32 to index
        %swap3A_179 = tpu.vector_load %arg12[%swap3A_178] {strides = array<i32>} : memref<4096xf32, #tpu.memory_space<vmem>>, vector<16xf32>,
        tpu.vector_store %arg12[%swap3A_178], %select_n3A_174 {strides = array<i32>} : memref<4096xf32, #tpu.memory_space<vmem>>, vector<16xf32>,
        %mul3A_180 = arith.constant 256 : i32
        %mul3A_181 = vector.broadcast %mul3A_180 : i32 to vector<16xi32>
        %mul3A_182 = arith.muli %iota3A, %mul3A_181 : vector<16xi32>
        %shift_right_arithmetic3A = arith.constant 24 : i32
        %shift_right_arithmetic3A_183 = vector.broadcast %shift_right_arithmetic3A : i32 to vector<16xi32>
        %shift_right_arithmetic3A_184 = arith.shrsi %bitcast_convert_type3A, %shift_right_arithmetic3A_183 : vector<16xi32>
        %add3A_185 = arith.addi %mul3A_182, %shift_right_arithmetic3A_184 : vector<16xi32>
        tpu.vector_store_idx %arg13[%add3A_185], %select_n3A_174 {add = true} : memref<12288xf32, #tpu.memory_space<vmem>>[vector<16xi32>], vector<16xf32>,
        %mul3A_186 = arith.constant 4 : i32
        %mul3A_187 = arith.muli %scan3A_128, %mul3A_186 : i32
        %add3A_188 = arith.constant 1 : i32
        %add3A_189 = arith.addi %mul3A_187, %add3A_188 : i32
        %mul3A_190 = arith.constant 16 : i32
        %mul3A_191 = arith.muli %add3A_189, %mul3A_190 : i32
        %get3A_192 = arith.index_cast %mul3A_191 : i32 to index
        %get3A_193 = tpu.vector_load %arg7[%get3A_192] {strides = array<i32>} : memref<4096xf32, #tpu.memory_space<vmem>>, vector<16xf32>,
        %get3A_194 = arith.index_cast %mul3A_191 : i32 to index
        %get3A_195 = tpu.vector_load %arg8[%get3A_194] {strides = array<i32>} : memref<4096xf32, #tpu.memory_space<vmem>>, vector<16xf32>,
        %get3A_196 = arith.index_cast %mul3A_191 : i32 to index
        %get3A_197 = tpu.vector_load %arg9[%get3A_196] {strides = array<i32>} : memref<4096xf32, #tpu.memory_space<vmem>>, vector<16xf32>,
        %max3A_198 = arith.maximumf %get3A_195, %get3A_197 : vector<16xf32>
        %max3A_199 = arith.maximumf %get3A_193, %max3A_198 : vector<16xf32>
        %eq3A_200 = arith.cmpf oeq, %get3A_193, %max3A_199 : vector<16xf32>
        %eq3A_201 = arith.cmpf oeq, %get3A_195, %max3A_199 : vector<16xf32>
        %jit3A_202 = arith.constant 1 : i32
        %jit3A_203 = arith.constant 2 : i32
        %broadcast_in_dim3A_204 = vector.broadcast %jit3A_202 : i32 to vector<16xi32>
        %broadcast_in_dim3A_205 = vector.broadcast %jit3A_203 : i32 to vector<16xi32>
        %select_n3A_206 = arith.select %eq3A_201, %broadcast_in_dim3A_204, %broadcast_in_dim3A_205 : vector<16xi1>, vector<16xi32>
        %jit3A_207 = arith.constant 0 : i32
        %broadcast_in_dim3A_208 = vector.broadcast %jit3A_207 : i32 to vector<16xi32>
        %select_n3A_209 = arith.select %eq3A_200, %broadcast_in_dim3A_208, %select_n3A_206 : vector<16xi1>, vector<16xi32>
        %eq3A_210 = arith.constant 0 : i32
        %eq3A_211 = vector.broadcast %eq3A_210 : i32 to vector<16xi32>
        %eq3A_212 = arith.cmpi eq, %select_n3A_209, %eq3A_211 : vector<16xi32>
        %eq3A_213 = arith.constant 1 : i32
        %eq3A_214 = vector.broadcast %eq3A_213 : i32 to vector<16xi32>
        %eq3A_215 = arith.cmpi eq, %select_n3A_209, %eq3A_214 : vector<16xi32>
        %jit3A_216 = arith.constant 2.000000e+00 : f32
        %jit3A_217 = arith.constant 1.000000e+00 : f32
        %broadcast_in_dim3A_218 = vector.broadcast %jit3A_216 : f32 to vector<16xf32>
        %broadcast_in_dim3A_219 = vector.broadcast %jit3A_217 : f32 to vector<16xf32>
        %select_n3A_220 = arith.select %eq3A_215, %broadcast_in_dim3A_218, %broadcast_in_dim3A_219 : vector<16xi1>, vector<16xf32>
        %jit3A_221 = arith.constant 4.000000e+00 : f32
        %broadcast_in_dim3A_222 = vector.broadcast %jit3A_221 : f32 to vector<16xf32>
        %select_n3A_223 = arith.select %eq3A_212, %broadcast_in_dim3A_222, %select_n3A_220 : vector<16xi1>, vector<16xf32>
        %max3A_224 = arith.constant 0.000000e+00 : f32
        %max3A_225 = vector.broadcast %max3A_224 : f32 to vector<16xf32>
        %max3A_226 = arith.maximumf %max3A_199, %max3A_225 : vector<16xf32>
        %bitcast_convert_type3A_227 = tpu.bitcast %max3A_226 : vector<16xf32> -> vector<16xi32>
        %gt3A_228 = arith.constant 0.000000e+00 : f32
        %gt3A_229 = vector.broadcast %gt3A_228 : f32 to vector<16xf32>
        %gt3A_230 = arith.cmpf ogt, %max3A_199, %gt3A_229 : vector<16xf32>
        %jit3A_231 = arith.constant 0.000000e+00 : f32
        %broadcast_in_dim3A_232 = vector.broadcast %jit3A_231 : f32 to vector<16xf32>
        %select_n3A_233 = arith.select %gt3A_230, %select_n3A_223, %broadcast_in_dim3A_232 : vector<16xi1>, vector<16xf32>
        %swap3A_234 = arith.index_cast %mul3A_191 : i32 to index
        %swap3A_235 = tpu.vector_load %arg10[%swap3A_234] {strides = array<i32>} : memref<4096xi32, #tpu.memory_space<vmem>>, vector<16xi32>,
        tpu.vector_store %arg10[%swap3A_234], %bitcast_convert_type3A_227 {strides = array<i32>} : memref<4096xi32, #tpu.memory_space<vmem>>, vector<16xi32>,
        %swap3A_236 = arith.index_cast %mul3A_191 : i32 to index
        %swap3A_237 = tpu.vector_load %arg11[%swap3A_236] {strides = array<i32>} : memref<4096xi32, #tpu.memory_space<vmem>>, vector<16xi32>,
        tpu.vector_store %arg11[%swap3A_236], %select_n3A_209 {strides = array<i32>} : memref<4096xi32, #tpu.memory_space<vmem>>, vector<16xi32>,
        %swap3A_238 = arith.index_cast %mul3A_191 : i32 to index
        %swap3A_239 = tpu.vector_load %arg12[%swap3A_238] {strides = array<i32>} : memref<4096xf32, #tpu.memory_space<vmem>>, vector<16xf32>,
        tpu.vector_store %arg12[%swap3A_238], %select_n3A_233 {strides = array<i32>} : memref<4096xf32, #tpu.memory_space<vmem>>, vector<16xf32>,
        %mul3A_240 = arith.constant 256 : i32
        %mul3A_241 = vector.broadcast %mul3A_240 : i32 to vector<16xi32>
        %mul3A_242 = arith.muli %iota3A, %mul3A_241 : vector<16xi32>
        %shift_right_arithmetic3A_243 = arith.constant 24 : i32
        %shift_right_arithmetic3A_244 = vector.broadcast %shift_right_arithmetic3A_243 : i32 to vector<16xi32>
        %shift_right_arithmetic3A_245 = arith.shrsi %bitcast_convert_type3A_227, %shift_right_arithmetic3A_244 : vector<16xi32>
        %add3A_246 = arith.addi %mul3A_242, %shift_right_arithmetic3A_245 : vector<16xi32>
        tpu.vector_store_idx %arg13[%add3A_246], %select_n3A_233 {add = true} : memref<12288xf32, #tpu.memory_space<vmem>>[vector<16xi32>], vector<16xf32>,
        %mul3A_247 = arith.constant 4 : i32
        %mul3A_248 = arith.muli %scan3A_128, %mul3A_247 : i32
        %add3A_249 = arith.constant 2 : i32
        %add3A_250 = arith.addi %mul3A_248, %add3A_249 : i32
        %mul3A_251 = arith.constant 16 : i32
        %mul3A_252 = arith.muli %add3A_250, %mul3A_251 : i32
        %get3A_253 = arith.index_cast %mul3A_252 : i32 to index
        %get3A_254 = tpu.vector_load %arg7[%get3A_253] {strides = array<i32>} : memref<4096xf32, #tpu.memory_space<vmem>>, vector<16xf32>,
        %get3A_255 = arith.index_cast %mul3A_252 : i32 to index
        %get3A_256 = tpu.vector_load %arg8[%get3A_255] {strides = array<i32>} : memref<4096xf32, #tpu.memory_space<vmem>>, vector<16xf32>,
        %get3A_257 = arith.index_cast %mul3A_252 : i32 to index
        %get3A_258 = tpu.vector_load %arg9[%get3A_257] {strides = array<i32>} : memref<4096xf32, #tpu.memory_space<vmem>>, vector<16xf32>,
        %max3A_259 = arith.maximumf %get3A_256, %get3A_258 : vector<16xf32>
        %max3A_260 = arith.maximumf %get3A_254, %max3A_259 : vector<16xf32>
        %eq3A_261 = arith.cmpf oeq, %get3A_254, %max3A_260 : vector<16xf32>
        %eq3A_262 = arith.cmpf oeq, %get3A_256, %max3A_260 : vector<16xf32>
        %jit3A_263 = arith.constant 1 : i32
        %jit3A_264 = arith.constant 2 : i32
        %broadcast_in_dim3A_265 = vector.broadcast %jit3A_263 : i32 to vector<16xi32>
        %broadcast_in_dim3A_266 = vector.broadcast %jit3A_264 : i32 to vector<16xi32>
        %select_n3A_267 = arith.select %eq3A_262, %broadcast_in_dim3A_265, %broadcast_in_dim3A_266 : vector<16xi1>, vector<16xi32>
        %jit3A_268 = arith.constant 0 : i32
        %broadcast_in_dim3A_269 = vector.broadcast %jit3A_268 : i32 to vector<16xi32>
        %select_n3A_270 = arith.select %eq3A_261, %broadcast_in_dim3A_269, %select_n3A_267 : vector<16xi1>, vector<16xi32>
        %eq3A_271 = arith.constant 0 : i32
        %eq3A_272 = vector.broadcast %eq3A_271 : i32 to vector<16xi32>
        %eq3A_273 = arith.cmpi eq, %select_n3A_270, %eq3A_272 : vector<16xi32>
        %eq3A_274 = arith.constant 1 : i32
        %eq3A_275 = vector.broadcast %eq3A_274 : i32 to vector<16xi32>
        %eq3A_276 = arith.cmpi eq, %select_n3A_270, %eq3A_275 : vector<16xi32>
        %jit3A_277 = arith.constant 2.000000e+00 : f32
        %jit3A_278 = arith.constant 1.000000e+00 : f32
        %broadcast_in_dim3A_279 = vector.broadcast %jit3A_277 : f32 to vector<16xf32>
        %broadcast_in_dim3A_280 = vector.broadcast %jit3A_278 : f32 to vector<16xf32>
        %select_n3A_281 = arith.select %eq3A_276, %broadcast_in_dim3A_279, %broadcast_in_dim3A_280 : vector<16xi1>, vector<16xf32>
        %jit3A_282 = arith.constant 4.000000e+00 : f32
        %broadcast_in_dim3A_283 = vector.broadcast %jit3A_282 : f32 to vector<16xf32>
        %select_n3A_284 = arith.select %eq3A_273, %broadcast_in_dim3A_283, %select_n3A_281 : vector<16xi1>, vector<16xf32>
        %max3A_285 = arith.constant 0.000000e+00 : f32
        %max3A_286 = vector.broadcast %max3A_285 : f32 to vector<16xf32>
        %max3A_287 = arith.maximumf %max3A_260, %max3A_286 : vector<16xf32>
        %bitcast_convert_type3A_288 = tpu.bitcast %max3A_287 : vector<16xf32> -> vector<16xi32>
        %gt3A_289 = arith.constant 0.000000e+00 : f32
        %gt3A_290 = vector.broadcast %gt3A_289 : f32 to vector<16xf32>
        %gt3A_291 = arith.cmpf ogt, %max3A_260, %gt3A_290 : vector<16xf32>
        %jit3A_292 = arith.constant 0.000000e+00 : f32
        %broadcast_in_dim3A_293 = vector.broadcast %jit3A_292 : f32 to vector<16xf32>
        %select_n3A_294 = arith.select %gt3A_291, %select_n3A_284, %broadcast_in_dim3A_293 : vector<16xi1>, vector<16xf32>
        %swap3A_295 = arith.index_cast %mul3A_252 : i32 to index
        %swap3A_296 = tpu.vector_load %arg10[%swap3A_295] {strides = array<i32>} : memref<4096xi32, #tpu.memory_space<vmem>>, vector<16xi32>,
        tpu.vector_store %arg10[%swap3A_295], %bitcast_convert_type3A_288 {strides = array<i32>} : memref<4096xi32, #tpu.memory_space<vmem>>, vector<16xi32>,
        %swap3A_297 = arith.index_cast %mul3A_252 : i32 to index
        %swap3A_298 = tpu.vector_load %arg11[%swap3A_297] {strides = array<i32>} : memref<4096xi32, #tpu.memory_space<vmem>>, vector<16xi32>,
        tpu.vector_store %arg11[%swap3A_297], %select_n3A_270 {strides = array<i32>} : memref<4096xi32, #tpu.memory_space<vmem>>, vector<16xi32>,
        %swap3A_299 = arith.index_cast %mul3A_252 : i32 to index
        %swap3A_300 = tpu.vector_load %arg12[%swap3A_299] {strides = array<i32>} : memref<4096xf32, #tpu.memory_space<vmem>>, vector<16xf32>,
        tpu.vector_store %arg12[%swap3A_299], %select_n3A_294 {strides = array<i32>} : memref<4096xf32, #tpu.memory_space<vmem>>, vector<16xf32>,
        %mul3A_301 = arith.constant 256 : i32
        %mul3A_302 = vector.broadcast %mul3A_301 : i32 to vector<16xi32>
        %mul3A_303 = arith.muli %iota3A, %mul3A_302 : vector<16xi32>
        %shift_right_arithmetic3A_304 = arith.constant 24 : i32
        %shift_right_arithmetic3A_305 = vector.broadcast %shift_right_arithmetic3A_304 : i32 to vector<16xi32>
        %shift_right_arithmetic3A_306 = arith.shrsi %bitcast_convert_type3A_288, %shift_right_arithmetic3A_305 : vector<16xi32>
        %add3A_307 = arith.addi %mul3A_303, %shift_right_arithmetic3A_306 : vector<16xi32>
        tpu.vector_store_idx %arg13[%add3A_307], %select_n3A_294 {add = true} : memref<12288xf32, #tpu.memory_space<vmem>>[vector<16xi32>], vector<16xf32>,
        %mul3A_308 = arith.constant 4 : i32
        %mul3A_309 = arith.muli %scan3A_128, %mul3A_308 : i32
        %add3A_310 = arith.constant 3 : i32
        %add3A_311 = arith.addi %mul3A_309, %add3A_310 : i32
        %mul3A_312 = arith.constant 16 : i32
        %mul3A_313 = arith.muli %add3A_311, %mul3A_312 : i32
        %get3A_314 = arith.index_cast %mul3A_313 : i32 to index
        %get3A_315 = tpu.vector_load %arg7[%get3A_314] {strides = array<i32>} : memref<4096xf32, #tpu.memory_space<vmem>>, vector<16xf32>,
        %get3A_316 = arith.index_cast %mul3A_313 : i32 to index
        %get3A_317 = tpu.vector_load %arg8[%get3A_316] {strides = array<i32>} : memref<4096xf32, #tpu.memory_space<vmem>>, vector<16xf32>,
        %get3A_318 = arith.index_cast %mul3A_313 : i32 to index
        %get3A_319 = tpu.vector_load %arg9[%get3A_318] {strides = array<i32>} : memref<4096xf32, #tpu.memory_space<vmem>>, vector<16xf32>,
        %max3A_320 = arith.maximumf %get3A_317, %get3A_319 : vector<16xf32>
        %max3A_321 = arith.maximumf %get3A_315, %max3A_320 : vector<16xf32>
        %eq3A_322 = arith.cmpf oeq, %get3A_315, %max3A_321 : vector<16xf32>
        %eq3A_323 = arith.cmpf oeq, %get3A_317, %max3A_321 : vector<16xf32>
        %jit3A_324 = arith.constant 1 : i32
        %jit3A_325 = arith.constant 2 : i32
        %broadcast_in_dim3A_326 = vector.broadcast %jit3A_324 : i32 to vector<16xi32>
        %broadcast_in_dim3A_327 = vector.broadcast %jit3A_325 : i32 to vector<16xi32>
        %select_n3A_328 = arith.select %eq3A_323, %broadcast_in_dim3A_326, %broadcast_in_dim3A_327 : vector<16xi1>, vector<16xi32>
        %jit3A_329 = arith.constant 0 : i32
        %broadcast_in_dim3A_330 = vector.broadcast %jit3A_329 : i32 to vector<16xi32>
        %select_n3A_331 = arith.select %eq3A_322, %broadcast_in_dim3A_330, %select_n3A_328 : vector<16xi1>, vector<16xi32>
        %eq3A_332 = arith.constant 0 : i32
        %eq3A_333 = vector.broadcast %eq3A_332 : i32 to vector<16xi32>
        %eq3A_334 = arith.cmpi eq, %select_n3A_331, %eq3A_333 : vector<16xi32>
        %eq3A_335 = arith.constant 1 : i32
        %eq3A_336 = vector.broadcast %eq3A_335 : i32 to vector<16xi32>
        %eq3A_337 = arith.cmpi eq, %select_n3A_331, %eq3A_336 : vector<16xi32>
        %jit3A_338 = arith.constant 2.000000e+00 : f32
        %jit3A_339 = arith.constant 1.000000e+00 : f32
        %broadcast_in_dim3A_340 = vector.broadcast %jit3A_338 : f32 to vector<16xf32>
        %broadcast_in_dim3A_341 = vector.broadcast %jit3A_339 : f32 to vector<16xf32>
        %select_n3A_342 = arith.select %eq3A_337, %broadcast_in_dim3A_340, %broadcast_in_dim3A_341 : vector<16xi1>, vector<16xf32>
        %jit3A_343 = arith.constant 4.000000e+00 : f32
        %broadcast_in_dim3A_344 = vector.broadcast %jit3A_343 : f32 to vector<16xf32>
        %select_n3A_345 = arith.select %eq3A_334, %broadcast_in_dim3A_344, %select_n3A_342 : vector<16xi1>, vector<16xf32>
        %max3A_346 = arith.constant 0.000000e+00 : f32
        %max3A_347 = vector.broadcast %max3A_346 : f32 to vector<16xf32>
        %max3A_348 = arith.maximumf %max3A_321, %max3A_347 : vector<16xf32>
        %bitcast_convert_type3A_349 = tpu.bitcast %max3A_348 : vector<16xf32> -> vector<16xi32>
        %gt3A_350 = arith.constant 0.000000e+00 : f32
        %gt3A_351 = vector.broadcast %gt3A_350 : f32 to vector<16xf32>
        %gt3A_352 = arith.cmpf ogt, %max3A_321, %gt3A_351 : vector<16xf32>
        %jit3A_353 = arith.constant 0.000000e+00 : f32
        %broadcast_in_dim3A_354 = vector.broadcast %jit3A_353 : f32 to vector<16xf32>
        %select_n3A_355 = arith.select %gt3A_352, %select_n3A_345, %broadcast_in_dim3A_354 : vector<16xi1>, vector<16xf32>
        %swap3A_356 = arith.index_cast %mul3A_313 : i32 to index
        %swap3A_357 = tpu.vector_load %arg10[%swap3A_356] {strides = array<i32>} : memref<4096xi32, #tpu.memory_space<vmem>>, vector<16xi32>,
        tpu.vector_store %arg10[%swap3A_356], %bitcast_convert_type3A_349 {strides = array<i32>} : memref<4096xi32, #tpu.memory_space<vmem>>, vector<16xi32>,
        %swap3A_358 = arith.index_cast %mul3A_313 : i32 to index
        %swap3A_359 = tpu.vector_load %arg11[%swap3A_358] {strides = array<i32>} : memref<4096xi32, #tpu.memory_space<vmem>>, vector<16xi32>,
        tpu.vector_store %arg11[%swap3A_358], %select_n3A_331 {strides = array<i32>} : memref<4096xi32, #tpu.memory_space<vmem>>, vector<16xi32>,
        %swap3A_360 = arith.index_cast %mul3A_313 : i32 to index
        %swap3A_361 = tpu.vector_load %arg12[%swap3A_360] {strides = array<i32>} : memref<4096xf32, #tpu.memory_space<vmem>>, vector<16xf32>,
        tpu.vector_store %arg12[%swap3A_360], %select_n3A_355 {strides = array<i32>} : memref<4096xf32, #tpu.memory_space<vmem>>, vector<16xf32>,
        %mul3A_362 = arith.constant 256 : i32
        %mul3A_363 = vector.broadcast %mul3A_362 : i32 to vector<16xi32>
        %mul3A_364 = arith.muli %iota3A, %mul3A_363 : vector<16xi32>
        %shift_right_arithmetic3A_365 = arith.constant 24 : i32
        %shift_right_arithmetic3A_366 = vector.broadcast %shift_right_arithmetic3A_365 : i32 to vector<16xi32>
        %shift_right_arithmetic3A_367 = arith.shrsi %bitcast_convert_type3A_349, %shift_right_arithmetic3A_366 : vector<16xi32>
        %add3A_368 = arith.addi %mul3A_364, %shift_right_arithmetic3A_367 : vector<16xi32>
        tpu.vector_store_idx %arg13[%add3A_368], %select_n3A_355 {add = true} : memref<12288xf32, #tpu.memory_space<vmem>>[vector<16xi32>], vector<16xf32>,
      }
      %scan3A_23 = arith.constant 64 : i32
      %scan3A_24 = arith.constant 0.000000e+00 : f32
      %scan3A_25 = arith.constant 0 : i32
      %scan3A_26 = arith.constant 8 : i32
      %scan3A_27 = arith.addi %scan3A_25, %scan3A_26 : i32
      %scan3A_28 = arith.constant 1 : i32
      %scan3A_29:2 = scf.for %scan3A_128 = %scan3A_25 to %scan3A_27 step %scan3A_28 iter_args(%scan3A_129 = %scan3A_24, %scan3A_130 = %broadcast_in_dim3A_3) -> (f32, vector<16xf32>)  : i32 {
        %mul3A_131 = arith.constant 16 : i32
        %mul3A_132 = arith.muli %scan3A_128, %mul3A_131 : i32
        %add3A_133 = arith.constant 0 : i32
        %add3A_134 = arith.addi %add3A_133, %mul3A_132 : i32
        %get3A_135 = arith.index_cast %add3A_134 : i32 to index
        %get3A_136 = tpu.vector_load %arg13[%get3A_135] {strides = array<i32>} : memref<12288xf32, #tpu.memory_space<vmem>>, vector<16xf32>,
        %mul3A_137 = arith.constant 16 : i32
        %mul3A_138 = arith.muli %scan3A_128, %mul3A_137 : i32
        %add3A_139 = arith.constant 256 : i32
        %add3A_140 = arith.addi %add3A_139, %mul3A_138 : i32
        %get3A_141 = arith.index_cast %add3A_140 : i32 to index
        %get3A_142 = tpu.vector_load %arg13[%get3A_141] {strides = array<i32>} : memref<12288xf32, #tpu.memory_space<vmem>>, vector<16xf32>,
        %add3A_143 = arith.addf %get3A_136, %get3A_142 : vector<16xf32>
        %mul3A_144 = arith.constant 16 : i32
        %mul3A_145 = arith.muli %scan3A_128, %mul3A_144 : i32
        %add3A_146 = arith.constant 512 : i32
        %add3A_147 = arith.addi %add3A_146, %mul3A_145 : i32
        %get3A_148 = arith.index_cast %add3A_147 : i32 to index
        %get3A_149 = tpu.vector_load %arg13[%get3A_148] {strides = array<i32>} : memref<12288xf32, #tpu.memory_space<vmem>>, vector<16xf32>,
        %add3A_150 = arith.addf %add3A_143, %get3A_149 : vector<16xf32>
        %mul3A_151 = arith.constant 16 : i32
        %mul3A_152 = arith.muli %scan3A_128, %mul3A_151 : i32
        %add3A_153 = arith.constant 768 : i32
        %add3A_154 = arith.addi %add3A_153, %mul3A_152 : i32
        %get3A_155 = arith.index_cast %add3A_154 : i32 to index
        %get3A_156 = tpu.vector_load %arg13[%get3A_155] {strides = array<i32>} : memref<12288xf32, #tpu.memory_space<vmem>>, vector<16xf32>,
        %add3A_157 = arith.addf %add3A_150, %get3A_156 : vector<16xf32>
        %mul3A_158 = arith.constant 16 : i32
        %mul3A_159 = arith.muli %scan3A_128, %mul3A_158 : i32
        %add3A_160 = arith.constant 1024 : i32
        %add3A_161 = arith.addi %add3A_160, %mul3A_159 : i32
        %get3A_162 = arith.index_cast %add3A_161 : i32 to index
        %get3A_163 = tpu.vector_load %arg13[%get3A_162] {strides = array<i32>} : memref<12288xf32, #tpu.memory_space<vmem>>, vector<16xf32>,
        %add3A_164 = arith.addf %add3A_157, %get3A_163 : vector<16xf32>
        %mul3A_165 = arith.constant 16 : i32
        %mul3A_166 = arith.muli %scan3A_128, %mul3A_165 : i32
        %add3A_167 = arith.constant 1280 : i32
        %add3A_168 = arith.addi %add3A_167, %mul3A_166 : i32
        %get3A_169 = arith.index_cast %add3A_168 : i32 to index
        %get3A_170 = tpu.vector_load %arg13[%get3A_169] {strides = array<i32>} : memref<12288xf32, #tpu.memory_space<vmem>>, vector<16xf32>,
        %add3A_171 = arith.addf %add3A_164, %get3A_170 : vector<16xf32>
        %mul3A_172 = arith.constant 16 : i32
        %mul3A_173 = arith.muli %scan3A_128, %mul3A_172 : i32
        %add3A_174 = arith.constant 1536 : i32
        %add3A_175 = arith.addi %add3A_174, %mul3A_173 : i32
        %get3A_176 = arith.index_cast %add3A_175 : i32 to index
        %get3A_177 = tpu.vector_load %arg13[%get3A_176] {strides = array<i32>} : memref<12288xf32, #tpu.memory_space<vmem>>, vector<16xf32>,
        %add3A_178 = arith.addf %add3A_171, %get3A_177 : vector<16xf32>
        %mul3A_179 = arith.constant 16 : i32
        %mul3A_180 = arith.muli %scan3A_128, %mul3A_179 : i32
        %add3A_181 = arith.constant 1792 : i32
        %add3A_182 = arith.addi %add3A_181, %mul3A_180 : i32
        %get3A_183 = arith.index_cast %add3A_182 : i32 to index
        %get3A_184 = tpu.vector_load %arg13[%get3A_183] {strides = array<i32>} : memref<12288xf32, #tpu.memory_space<vmem>>, vector<16xf32>,
        %add3A_185 = arith.addf %add3A_178, %get3A_184 : vector<16xf32>
        %mul3A_186 = arith.constant 16 : i32
        %mul3A_187 = arith.muli %scan3A_128, %mul3A_186 : i32
        %add3A_188 = arith.constant 2048 : i32
        %add3A_189 = arith.addi %add3A_188, %mul3A_187 : i32
        %get3A_190 = arith.index_cast %add3A_189 : i32 to index
        %get3A_191 = tpu.vector_load %arg13[%get3A_190] {strides = array<i32>} : memref<12288xf32, #tpu.memory_space<vmem>>, vector<16xf32>,
        %add3A_192 = arith.addf %add3A_185, %get3A_191 : vector<16xf32>
        %mul3A_193 = arith.constant 16 : i32
        %mul3A_194 = arith.muli %scan3A_128, %mul3A_193 : i32
        %add3A_195 = arith.constant 2304 : i32
        %add3A_196 = arith.addi %add3A_195, %mul3A_194 : i32
        %get3A_197 = arith.index_cast %add3A_196 : i32 to index
        %get3A_198 = tpu.vector_load %arg13[%get3A_197] {strides = array<i32>} : memref<12288xf32, #tpu.memory_space<vmem>>, vector<16xf32>,
        %add3A_199 = arith.addf %add3A_192, %get3A_198 : vector<16xf32>
        %mul3A_200 = arith.constant 16 : i32
        %mul3A_201 = arith.muli %scan3A_128, %mul3A_200 : i32
        %add3A_202 = arith.constant 2560 : i32
        %add3A_203 = arith.addi %add3A_202, %mul3A_201 : i32
        %get3A_204 = arith.index_cast %add3A_203 : i32 to index
        %get3A_205 = tpu.vector_load %arg13[%get3A_204] {strides = array<i32>} : memref<12288xf32, #tpu.memory_space<vmem>>, vector<16xf32>,
        %add3A_206 = arith.addf %add3A_199, %get3A_205 : vector<16xf32>
        %mul3A_207 = arith.constant 16 : i32
        %mul3A_208 = arith.muli %scan3A_128, %mul3A_207 : i32
        %add3A_209 = arith.constant 2816 : i32
        %add3A_210 = arith.addi %add3A_209, %mul3A_208 : i32
        %get3A_211 = arith.index_cast %add3A_210 : i32 to index
        %get3A_212 = tpu.vector_load %arg13[%get3A_211] {strides = array<i32>} : memref<12288xf32, #tpu.memory_space<vmem>>, vector<16xf32>,
        %add3A_213 = arith.addf %add3A_206, %get3A_212 : vector<16xf32>
        %mul3A_214 = arith.constant 16 : i32
        %mul3A_215 = arith.muli %scan3A_128, %mul3A_214 : i32
        %add3A_216 = arith.constant 3072 : i32
        %add3A_217 = arith.addi %add3A_216, %mul3A_215 : i32
        %get3A_218 = arith.index_cast %add3A_217 : i32 to index
        %get3A_219 = tpu.vector_load %arg13[%get3A_218] {strides = array<i32>} : memref<12288xf32, #tpu.memory_space<vmem>>, vector<16xf32>,
        %add3A_220 = arith.addf %add3A_213, %get3A_219 : vector<16xf32>
        %mul3A_221 = arith.constant 16 : i32
        %mul3A_222 = arith.muli %scan3A_128, %mul3A_221 : i32
        %add3A_223 = arith.constant 3328 : i32
        %add3A_224 = arith.addi %add3A_223, %mul3A_222 : i32
        %get3A_225 = arith.index_cast %add3A_224 : i32 to index
        %get3A_226 = tpu.vector_load %arg13[%get3A_225] {strides = array<i32>} : memref<12288xf32, #tpu.memory_space<vmem>>, vector<16xf32>,
        %add3A_227 = arith.addf %add3A_220, %get3A_226 : vector<16xf32>
        %mul3A_228 = arith.constant 16 : i32
        %mul3A_229 = arith.muli %scan3A_128, %mul3A_228 : i32
        %add3A_230 = arith.constant 3584 : i32
        %add3A_231 = arith.addi %add3A_230, %mul3A_229 : i32
        %get3A_232 = arith.index_cast %add3A_231 : i32 to index
        %get3A_233 = tpu.vector_load %arg13[%get3A_232] {strides = array<i32>} : memref<12288xf32, #tpu.memory_space<vmem>>, vector<16xf32>,
        %add3A_234 = arith.addf %add3A_227, %get3A_233 : vector<16xf32>
        %mul3A_235 = arith.constant 16 : i32
        %mul3A_236 = arith.muli %scan3A_128, %mul3A_235 : i32
        %add3A_237 = arith.constant 3840 : i32
        %add3A_238 = arith.addi %add3A_237, %mul3A_236 : i32
        %get3A_239 = arith.index_cast %add3A_238 : i32 to index
        %get3A_240 = tpu.vector_load %arg13[%get3A_239] {strides = array<i32>} : memref<12288xf32, #tpu.memory_space<vmem>>, vector<16xf32>,
        %add3A_241 = arith.addf %add3A_234, %get3A_240 : vector<16xf32>
        %mul3A_242 = arith.constant 16 : i32
        %mul3A_243 = arith.muli %scan3A_128, %mul3A_242 : i32
        %swap3A = arith.index_cast %mul3A_243 : i32 to index
        %swap3A_244 = tpu.vector_load %arg15[%swap3A] {strides = array<i32>} : memref<256xf32, #tpu.memory_space<vmem>>, vector<16xf32>,
        tpu.vector_store %arg15[%swap3A], %add3A_241 {strides = array<i32>} : memref<256xf32, #tpu.memory_space<vmem>>, vector<16xf32>,
        %reduce_sum3A_245 = arith.constant true
        %reduce_sum3A_246 = vector.broadcast %reduce_sum3A_245 : i1 to vector<16xi1>
        %reduce_sum3A_247 = tpu.scan <sum>, %add3A_241 masked %reduce_sum3A_246 : vector<16xf32>, vector<16xi1> -> vector<16xf32>
        %reduce_sum3A_248 = vector.extract %reduce_sum3A_247[15] : f32 from vector<16xf32>
        %add3A_249 = arith.addf %scan3A_129, %reduce_sum3A_248 : f32
        %eq3A_250 = vector.broadcast %scan3A_128 : i32 to vector<16xi32>
        %eq3A_251 = arith.cmpi eq, %iota3A, %eq3A_250 : vector<16xi32>
        %broadcast_in_dim3A_252 = vector.broadcast %reduce_sum3A_248 : f32 to vector<16xf32>
        %select_n3A_253 = arith.select %eq3A_251, %broadcast_in_dim3A_252, %scan3A_130 : vector<16xi1>, vector<16xf32>
        scf.yield %add3A_249, %select_n3A_253 : f32, vector<16xf32>
      }
      %scan3A_30 = arith.constant 8 : i32
      %scan3A_31 = arith.constant 0 : i32
      %scan3A_32 = arith.constant 0 : i32
      %scan3A_33 = arith.constant 3 : i32
      %scan3A_34 = arith.addi %scan3A_32, %scan3A_33 : i32
      %scan3A_35 = arith.constant 1 : i32
      scf.for %scan3A_128 = %scan3A_32 to %scan3A_34 step %scan3A_35  : i32 {
        %eq3A_129 = arith.constant 0 : i32
        %eq3A_130 = arith.cmpi eq, %scan3A_128, %eq3A_129 : i32
        %eq3A_131 = arith.constant 1 : i32
        %eq3A_132 = arith.cmpi eq, %scan3A_128, %eq3A_131 : i32
        %jit3A_133 = arith.constant 2.000000e+00 : f32
        %jit3A_134 = arith.constant 1.000000e+00 : f32
        %select_n3A_135 = arith.select %eq3A_132, %jit3A_133, %jit3A_134 : f32
        %jit3A_136 = arith.constant 4.000000e+00 : f32
        %select_n3A_137 = arith.select %eq3A_130, %jit3A_136, %select_n3A_135 : f32
        %sub3A_138 = arith.subf %reduce_sum3A_12, %select_n3A_137 : f32
        %sub3A_139 = arith.subf %scan3A_29#0, %sub3A_138 : f32
        %broadcast_in_dim3A_140 = arith.constant true
        %broadcast_in_dim3A_141 = vector.broadcast %broadcast_in_dim3A_140 : i1 to vector<16xi1>
        %masked_cumsum3A = tpu.scan <sum>, %scan3A_29#1 masked %broadcast_in_dim3A_141 : vector<16xf32>, vector<16xi1> -> vector<16xf32>
        %ge3A = vector.broadcast %sub3A_139 : f32 to vector<16xf32>
        %ge3A_142 = arith.cmpf oge, %masked_cumsum3A, %ge3A : vector<16xf32>
        %jit3A_143 = arith.constant 16 : i32
        %broadcast_in_dim3A_144 = vector.broadcast %jit3A_143 : i32 to vector<16xi32>
        %select_n3A_145 = arith.select %ge3A_142, %iota3A, %broadcast_in_dim3A_144 : vector<16xi1>, vector<16xi32>
        %reduce_min3A = arith.constant true
        %reduce_min3A_146 = vector.broadcast %reduce_min3A : i1 to vector<16xi1>
        %reduce_min3A_147 = arith.constant -2147483648 : i32
        %reduce_min3A_148 = vector.broadcast %reduce_min3A_147 : i32 to vector<16xi32>
        %reduce_min3A_149 = arith.xori %select_n3A_145, %reduce_min3A_148 : vector<16xi32>
        %reduce_min3A_150 = tpu.scan <min>, %reduce_min3A_149 masked %reduce_min3A_146 : vector<16xi32>, vector<16xi1> -> vector<16xi32>
        %reduce_min3A_151 = arith.xori %reduce_min3A_150, %reduce_min3A_148 : vector<16xi32>
        %reduce_min3A_152 = vector.extract %reduce_min3A_151[15] : i32 from vector<16xi32>
        %lt3A_153 = arith.constant 16 : i32
        %lt3A_154 = arith.cmpi slt, %reduce_min3A_152, %lt3A_153 : i32
        %jit3A_155 = arith.constant 0 : i32
        %select_n3A_156 = arith.select %lt3A_154, %reduce_min3A_152, %jit3A_155 : i32
        %eq3A_157 = vector.broadcast %select_n3A_156 : i32 to vector<16xi32>
        %eq3A_158 = arith.cmpi eq, %iota3A, %eq3A_157 : vector<16xi32>
        %sub3A_159 = arith.subf %masked_cumsum3A, %scan3A_29#1 : vector<16xf32>
        %jit3A_160 = arith.constant 0.000000e+00 : f32
        %broadcast_in_dim3A_161 = vector.broadcast %jit3A_160 : f32 to vector<16xf32>
        %select_n3A_162 = arith.select %eq3A_158, %sub3A_159, %broadcast_in_dim3A_161 : vector<16xi1>, vector<16xf32>
        %reduce_sum3A_163 = arith.constant true
        %reduce_sum3A_164 = vector.broadcast %reduce_sum3A_163 : i1 to vector<16xi1>
        %reduce_sum3A_165 = tpu.scan <sum>, %select_n3A_162 masked %reduce_sum3A_164 : vector<16xf32>, vector<16xi1> -> vector<16xf32>
        %reduce_sum3A_166 = vector.extract %reduce_sum3A_165[15] : f32 from vector<16xf32>
        %mul3A_167 = arith.constant 16 : i32
        %mul3A_168 = arith.muli %select_n3A_156, %mul3A_167 : i32
        %get3A_169 = arith.index_cast %mul3A_168 : i32 to index
        %get3A_170 = tpu.vector_load %arg15[%get3A_169] {strides = array<i32>} : memref<256xf32, #tpu.memory_space<vmem>>, vector<16xf32>,
        %broadcast_in_dim3A_171 = arith.constant true
        %broadcast_in_dim3A_172 = vector.broadcast %broadcast_in_dim3A_171 : i1 to vector<16xi1>
        %masked_cumsum3A_173 = tpu.scan <sum>, %get3A_170 masked %broadcast_in_dim3A_172 : vector<16xf32>, vector<16xi1> -> vector<16xf32>
        %add3A_174 = vector.broadcast %reduce_sum3A_166 : f32 to vector<16xf32>
        %add3A_175 = arith.addf %masked_cumsum3A_173, %add3A_174 : vector<16xf32>
        %ge3A_176 = vector.broadcast %sub3A_139 : f32 to vector<16xf32>
        %ge3A_177 = arith.cmpf oge, %add3A_175, %ge3A_176 : vector<16xf32>
        %jit3A_178 = arith.constant 16 : i32
        %broadcast_in_dim3A_179 = vector.broadcast %jit3A_178 : i32 to vector<16xi32>
        %select_n3A_180 = arith.select %ge3A_177, %iota3A, %broadcast_in_dim3A_179 : vector<16xi1>, vector<16xi32>
        %reduce_min3A_181 = arith.constant true
        %reduce_min3A_182 = vector.broadcast %reduce_min3A_181 : i1 to vector<16xi1>
        %reduce_min3A_183 = arith.constant -2147483648 : i32
        %reduce_min3A_184 = vector.broadcast %reduce_min3A_183 : i32 to vector<16xi32>
        %reduce_min3A_185 = arith.xori %select_n3A_180, %reduce_min3A_184 : vector<16xi32>
        %reduce_min3A_186 = tpu.scan <min>, %reduce_min3A_185 masked %reduce_min3A_182 : vector<16xi32>, vector<16xi1> -> vector<16xi32>
        %reduce_min3A_187 = arith.xori %reduce_min3A_186, %reduce_min3A_184 : vector<16xi32>
        %reduce_min3A_188 = vector.extract %reduce_min3A_187[15] : i32 from vector<16xi32>
        %lt3A_189 = arith.constant 16 : i32
        %lt3A_190 = arith.cmpi slt, %reduce_min3A_188, %lt3A_189 : i32
        %jit3A_191 = arith.constant 0 : i32
        %select_n3A_192 = arith.select %lt3A_190, %reduce_min3A_188, %jit3A_191 : i32
        %mul3A_193 = arith.constant 16 : i32
        %mul3A_194 = arith.muli %select_n3A_156, %mul3A_193 : i32
        %add3A_195 = arith.addi %mul3A_194, %select_n3A_192 : i32
        %jit3A_196 = arith.constant 256 : i32
        %select_n3A_197 = arith.select %lt3A_154, %add3A_195, %jit3A_196 : i32
        %eq3A_198 = vector.broadcast %select_n3A_192 : i32 to vector<16xi32>
        %eq3A_199 = arith.cmpi eq, %iota3A, %eq3A_198 : vector<16xi32>
        %jit3A_200 = arith.constant 0.000000e+00 : f32
        %broadcast_in_dim3A_201 = vector.broadcast %jit3A_200 : f32 to vector<16xf32>
        %select_n3A_202 = arith.select %eq3A_199, %add3A_175, %broadcast_in_dim3A_201 : vector<16xi1>, vector<16xf32>
        %reduce_sum3A_203 = arith.constant true
        %reduce_sum3A_204 = vector.broadcast %reduce_sum3A_203 : i1 to vector<16xi1>
        %reduce_sum3A_205 = tpu.scan <sum>, %select_n3A_202 masked %reduce_sum3A_204 : vector<16xf32>, vector<16xi1> -> vector<16xf32>
        %reduce_sum3A_206 = vector.extract %reduce_sum3A_205[15] : f32 from vector<16xf32>
        %jit3A_207 = arith.constant 0.000000e+00 : f32
        %select_n3A_208 = arith.select %lt3A_154, %reduce_sum3A_206, %jit3A_207 : f32
        %eq3A_209 = vector.broadcast %select_n3A_192 : i32 to vector<16xi32>
        %eq3A_210 = arith.cmpi eq, %iota3A, %eq3A_209 : vector<16xi32>
        %jit3A_211 = arith.constant 0.000000e+00 : f32
        %broadcast_in_dim3A_212 = vector.broadcast %jit3A_211 : f32 to vector<16xf32>
        %select_n3A_213 = arith.select %eq3A_210, %get3A_170, %broadcast_in_dim3A_212 : vector<16xi1>, vector<16xf32>
        %reduce_sum3A_214 = arith.constant true
        %reduce_sum3A_215 = vector.broadcast %reduce_sum3A_214 : i1 to vector<16xi1>
        %reduce_sum3A_216 = tpu.scan <sum>, %select_n3A_213 masked %reduce_sum3A_215 : vector<16xf32>, vector<16xi1> -> vector<16xf32>
        %reduce_sum3A_217 = vector.extract %reduce_sum3A_216[15] : f32 from vector<16xf32>
        %jit3A_218 = arith.constant 0.000000e+00 : f32
        %select_n3A_219 = arith.select %lt3A_154, %reduce_sum3A_217, %jit3A_218 : f32
        %jit3A_220 = arith.constant 0 : i32
        %select_n3A_221 = arith.select %lt3A_154, %select_n3A_197, %jit3A_220 : i32
        %swap3A = arith.index_cast %scan3A_128 : i32 to index
        %swap3A_222 = memref.load %arg18[%swap3A] : memref<4xi32, #tpu.memory_space<smem>>
        memref.store %select_n3A_221, %arg18[%swap3A] : memref<4xi32, #tpu.memory_space<smem>>
        %sub3A_223 = arith.subf %scan3A_29#0, %select_n3A_208 : f32
        %sub3A_224 = arith.subf %sub3A_138, %sub3A_223 : f32
        %swap3A_225 = arith.index_cast %scan3A_128 : i32 to index
        %swap3A_226 = memref.load %arg19[%swap3A_225] : memref<4xf32, #tpu.memory_space<smem>>
        memref.store %sub3A_224, %arg19[%swap3A_225] : memref<4xf32, #tpu.memory_space<smem>>
        %jit3A_227 = arith.constant 1 : i32
        %jit3A_228 = arith.constant 0 : i32
        %select_n3A_229 = arith.select %lt3A_154, %jit3A_227, %jit3A_228 : i32
        %swap3A_230 = arith.index_cast %scan3A_128 : i32 to index
        %swap3A_231 = memref.load %arg20[%swap3A_230] : memref<4xi32, #tpu.memory_space<smem>>
        memref.store %select_n3A_229, %arg20[%swap3A_230] : memref<4xi32, #tpu.memory_space<smem>>
        %jit3A_232 = arith.constant 0.000000e+00 : f32
        %select_n3A_233 = arith.select %lt3A_154, %select_n3A_219, %jit3A_232 : f32
        %swap3A_234 = arith.index_cast %scan3A_128 : i32 to index
        %swap3A_235 = memref.load %arg24[%swap3A_234] : memref<4xf32, #tpu.memory_space<smem>>
        memref.store %select_n3A_233, %arg24[%swap3A_234] : memref<4xf32, #tpu.memory_space<smem>>
      }
      %scan3A_36 = arith.constant 3 : i32
      %scan3A_37 = arith.constant 0 : i32
      %scan3A_38 = arith.constant 0 : i32
      %scan3A_39 = arith.constant 3 : i32
      %scan3A_40 = arith.addi %scan3A_38, %scan3A_39 : i32
      %scan3A_41 = arith.constant 1 : i32
      scf.for %scan3A_128 = %scan3A_38 to %scan3A_40 step %scan3A_41  : i32 {
        %mul3A_129 = arith.constant 8 : i32
        %mul3A_130 = arith.muli %scan3A_128, %mul3A_129 : i32
        %sub3A_131 = arith.constant 24 : i32
        %sub3A_132 = arith.subi %sub3A_131, %mul3A_130 : i32
        %get3A_133 = arith.constant 0 : i32
        %get3A_134 = arith.index_cast %get3A_133 : i32 to index
        %get3A_135 = memref.load %arg24[%get3A_134] : memref<4xf32, #tpu.memory_space<smem>>
        %get3A_136 = arith.constant 1 : i32
        %get3A_137 = arith.index_cast %get3A_136 : i32 to index
        %get3A_138 = memref.load %arg24[%get3A_137] : memref<4xf32, #tpu.memory_space<smem>>
        %add3A_139 = arith.addf %get3A_135, %get3A_138 : f32
        %get3A_140 = arith.constant 2 : i32
        %get3A_141 = arith.index_cast %get3A_140 : i32 to index
        %get3A_142 = memref.load %arg24[%get3A_141] : memref<4xf32, #tpu.memory_space<smem>>
        %add3A_143 = arith.addf %add3A_139, %get3A_142 : f32
        %gt3A_144 = arith.constant 0.000000e+00 : f32
        %gt3A_145 = arith.cmpf ogt, %add3A_143, %gt3A_144 : f32
        %convert_element_type3A_146 = arith.extui %gt3A_145 : i1 to i32
        %cond3A_147 = arith.constant 0 : i32
        %cond3A_148 = arith.constant 0 : i32
        %cond3A_149 = arith.cmpi ne, %convert_element_type3A_146, %cond3A_148 : i32
        scf.if %cond3A_149 {
          %get3A_150 = arith.constant 0 : i32
          %get3A_151 = arith.index_cast %get3A_150 : i32 to index
          %get3A_152 = memref.load %arg18[%get3A_151] : memref<4xi32, #tpu.memory_space<smem>>
          %get3A_153 = arith.constant 1 : i32
          %get3A_154 = arith.index_cast %get3A_153 : i32 to index
          %get3A_155 = memref.load %arg18[%get3A_154] : memref<4xi32, #tpu.memory_space<smem>>
          %get3A_156 = arith.constant 2 : i32
          %get3A_157 = arith.index_cast %get3A_156 : i32 to index
          %get3A_158 = memref.load %arg18[%get3A_157] : memref<4xi32, #tpu.memory_space<smem>>
          %scan3A_159 = arith.constant 0 : i32
          %scan3A_160 = arith.constant 0 : i32
          %scan3A_161 = arith.constant 192 : i32
          %scan3A_162 = arith.addi %scan3A_160, %scan3A_161 : i32
          %scan3A_163 = arith.constant 1 : i32
          scf.for %scan3A_177 = %scan3A_160 to %scan3A_162 step %scan3A_163  : i32 {
            %mul3A_178 = arith.constant 4 : i32
            %mul3A_179 = arith.muli %scan3A_177, %mul3A_178 : i32
            %add3A_180 = arith.constant 0 : i32
            %add3A_181 = arith.addi %mul3A_179, %add3A_180 : i32
            %mul3A_182 = arith.constant 16 : i32
            %mul3A_183 = arith.muli %add3A_181, %mul3A_182 : i32
            %swap3A = arith.index_cast %mul3A_183 : i32 to index
            %swap3A_184 = tpu.vector_load %arg13[%swap3A] {strides = array<i32>} : memref<12288xf32, #tpu.memory_space<vmem>>, vector<16xf32>,
            tpu.vector_store %arg13[%swap3A], %broadcast_in_dim3A_3 {strides = array<i32>} : memref<12288xf32, #tpu.memory_space<vmem>>, vector<16xf32>,
            %mul3A_185 = arith.constant 4 : i32
            %mul3A_186 = arith.muli %scan3A_177, %mul3A_185 : i32
            %add3A_187 = arith.constant 1 : i32
            %add3A_188 = arith.addi %mul3A_186, %add3A_187 : i32
            %mul3A_189 = arith.constant 16 : i32
            %mul3A_190 = arith.muli %add3A_188, %mul3A_189 : i32
            %swap3A_191 = arith.index_cast %mul3A_190 : i32 to index
            %swap3A_192 = tpu.vector_load %arg13[%swap3A_191] {strides = array<i32>} : memref<12288xf32, #tpu.memory_space<vmem>>, vector<16xf32>,
            tpu.vector_store %arg13[%swap3A_191], %broadcast_in_dim3A_3 {strides = array<i32>} : memref<12288xf32, #tpu.memory_space<vmem>>, vector<16xf32>,
            %mul3A_193 = arith.constant 4 : i32
            %mul3A_194 = arith.muli %scan3A_177, %mul3A_193 : i32
            %add3A_195 = arith.constant 2 : i32
            %add3A_196 = arith.addi %mul3A_194, %add3A_195 : i32
            %mul3A_197 = arith.constant 16 : i32
            %mul3A_198 = arith.muli %add3A_196, %mul3A_197 : i32
            %swap3A_199 = arith.index_cast %mul3A_198 : i32 to index
            %swap3A_200 = tpu.vector_load %arg13[%swap3A_199] {strides = array<i32>} : memref<12288xf32, #tpu.memory_space<vmem>>, vector<16xf32>,
            tpu.vector_store %arg13[%swap3A_199], %broadcast_in_dim3A_3 {strides = array<i32>} : memref<12288xf32, #tpu.memory_space<vmem>>, vector<16xf32>,
            %mul3A_201 = arith.constant 4 : i32
            %mul3A_202 = arith.muli %scan3A_177, %mul3A_201 : i32
            %add3A_203 = arith.constant 3 : i32
            %add3A_204 = arith.addi %mul3A_202, %add3A_203 : i32
            %mul3A_205 = arith.constant 16 : i32
            %mul3A_206 = arith.muli %add3A_204, %mul3A_205 : i32
            %swap3A_207 = arith.index_cast %mul3A_206 : i32 to index
            %swap3A_208 = tpu.vector_load %arg13[%swap3A_207] {strides = array<i32>} : memref<12288xf32, #tpu.memory_space<vmem>>, vector<16xf32>,
            tpu.vector_store %arg13[%swap3A_207], %broadcast_in_dim3A_3 {strides = array<i32>} : memref<12288xf32, #tpu.memory_space<vmem>>, vector<16xf32>,
          }
          %scan3A_164 = arith.constant 192 : i32
          %scan3A_165 = arith.constant 0 : i32
          %scan3A_166 = arith.constant 0 : i32
          %scan3A_167 = arith.constant 64 : i32
          %scan3A_168 = arith.addi %scan3A_166, %scan3A_167 : i32
          %scan3A_169 = arith.constant 1 : i32
          scf.for %scan3A_177 = %scan3A_166 to %scan3A_168 step %scan3A_169  : i32 {
            %mul3A_178 = arith.constant 4 : i32
            %mul3A_179 = arith.muli %scan3A_177, %mul3A_178 : i32
            %add3A_180 = arith.constant 0 : i32
            %add3A_181 = arith.addi %mul3A_179, %add3A_180 : i32
            %mul3A_182 = arith.constant 16 : i32
            %mul3A_183 = arith.muli %add3A_181, %mul3A_182 : i32
            %get3A_184 = arith.index_cast %mul3A_183 : i32 to index
            %get3A_185 = tpu.vector_load %arg10[%get3A_184] {strides = array<i32>} : memref<4096xi32, #tpu.memory_space<vmem>>, vector<16xi32>,
            %get3A_186 = arith.index_cast %mul3A_183 : i32 to index
            %get3A_187 = tpu.vector_load %arg12[%get3A_186] {strides = array<i32>} : memref<4096xf32, #tpu.memory_space<vmem>>, vector<16xf32>,
            %shift_right_arithmetic3A = vector.broadcast %sub3A_132 : i32 to vector<16xi32>
            %shift_right_arithmetic3A_188 = arith.shrsi %get3A_185, %shift_right_arithmetic3A : vector<16xi32>
            %mul3A_189 = arith.constant 256 : i32
            %mul3A_190 = vector.broadcast %mul3A_189 : i32 to vector<16xi32>
            %mul3A_191 = arith.muli %iota3A, %mul3A_190 : vector<16xi32>
            %sub3A_192 = arith.constant 8 : i32
            %sub3A_193 = arith.subi %sub3A_132, %sub3A_192 : i32
            %shift_right_arithmetic3A_194 = vector.broadcast %sub3A_193 : i32 to vector<16xi32>
            %shift_right_arithmetic3A_195 = arith.shrsi %get3A_185, %shift_right_arithmetic3A_194 : vector<16xi32>
            %and3A = arith.constant 255 : i32
            %and3A_196 = vector.broadcast %and3A : i32 to vector<16xi32>
            %and3A_197 = arith.andi %shift_right_arithmetic3A_195, %and3A_196 : vector<16xi32>
            %add3A_198 = arith.addi %mul3A_191, %and3A_197 : vector<16xi32>
            %add3A_199 = arith.constant 0 : i32
            %add3A_200 = vector.broadcast %add3A_199 : i32 to vector<16xi32>
            %add3A_201 = arith.addi %add3A_200, %add3A_198 : vector<16xi32>
            %eq3A_202 = vector.broadcast %get3A_152 : i32 to vector<16xi32>
            %eq3A_203 = arith.cmpi eq, %shift_right_arithmetic3A_188, %eq3A_202 : vector<16xi32>
            tpu.vector_store_idx %arg13[%add3A_201], %get3A_187 masked %eq3A_203 {add = true} : memref<12288xf32, #tpu.memory_space<vmem>>[vector<16xi32>], vector<16xf32>, vector<16xi1>
            %add3A_204 = arith.constant 4096 : i32
            %add3A_205 = vector.broadcast %add3A_204 : i32 to vector<16xi32>
            %add3A_206 = arith.addi %add3A_205, %add3A_198 : vector<16xi32>
            %eq3A_207 = vector.broadcast %get3A_155 : i32 to vector<16xi32>
            %eq3A_208 = arith.cmpi eq, %shift_right_arithmetic3A_188, %eq3A_207 : vector<16xi32>
            tpu.vector_store_idx %arg13[%add3A_206], %get3A_187 masked %eq3A_208 {add = true} : memref<12288xf32, #tpu.memory_space<vmem>>[vector<16xi32>], vector<16xf32>, vector<16xi1>
            %add3A_209 = arith.constant 8192 : i32
            %add3A_210 = vector.broadcast %add3A_209 : i32 to vector<16xi32>
            %add3A_211 = arith.addi %add3A_210, %add3A_198 : vector<16xi32>
            %eq3A_212 = vector.broadcast %get3A_158 : i32 to vector<16xi32>
            %eq3A_213 = arith.cmpi eq, %shift_right_arithmetic3A_188, %eq3A_212 : vector<16xi32>
            tpu.vector_store_idx %arg13[%add3A_211], %get3A_187 masked %eq3A_213 {add = true} : memref<12288xf32, #tpu.memory_space<vmem>>[vector<16xi32>], vector<16xf32>, vector<16xi1>
            %mul3A_214 = arith.constant 4 : i32
            %mul3A_215 = arith.muli %scan3A_177, %mul3A_214 : i32
            %add3A_216 = arith.constant 1 : i32
            %add3A_217 = arith.addi %mul3A_215, %add3A_216 : i32
            %mul3A_218 = arith.constant 16 : i32
            %mul3A_219 = arith.muli %add3A_217, %mul3A_218 : i32
            %get3A_220 = arith.index_cast %mul3A_219 : i32 to index
            %get3A_221 = tpu.vector_load %arg10[%get3A_220] {strides = array<i32>} : memref<4096xi32, #tpu.memory_space<vmem>>, vector<16xi32>,
            %get3A_222 = arith.index_cast %mul3A_219 : i32 to index
            %get3A_223 = tpu.vector_load %arg12[%get3A_222] {strides = array<i32>} : memref<4096xf32, #tpu.memory_space<vmem>>, vector<16xf32>,
            %shift_right_arithmetic3A_224 = vector.broadcast %sub3A_132 : i32 to vector<16xi32>
            %shift_right_arithmetic3A_225 = arith.shrsi %get3A_221, %shift_right_arithmetic3A_224 : vector<16xi32>
            %mul3A_226 = arith.constant 256 : i32
            %mul3A_227 = vector.broadcast %mul3A_226 : i32 to vector<16xi32>
            %mul3A_228 = arith.muli %iota3A, %mul3A_227 : vector<16xi32>
            %sub3A_229 = arith.constant 8 : i32
            %sub3A_230 = arith.subi %sub3A_132, %sub3A_229 : i32
            %shift_right_arithmetic3A_231 = vector.broadcast %sub3A_230 : i32 to vector<16xi32>
            %shift_right_arithmetic3A_232 = arith.shrsi %get3A_221, %shift_right_arithmetic3A_231 : vector<16xi32>
            %and3A_233 = arith.constant 255 : i32
            %and3A_234 = vector.broadcast %and3A_233 : i32 to vector<16xi32>
            %and3A_235 = arith.andi %shift_right_arithmetic3A_232, %and3A_234 : vector<16xi32>
            %add3A_236 = arith.addi %mul3A_228, %and3A_235 : vector<16xi32>
            %add3A_237 = arith.constant 0 : i32
            %add3A_238 = vector.broadcast %add3A_237 : i32 to vector<16xi32>
            %add3A_239 = arith.addi %add3A_238, %add3A_236 : vector<16xi32>
            %eq3A_240 = vector.broadcast %get3A_152 : i32 to vector<16xi32>
            %eq3A_241 = arith.cmpi eq, %shift_right_arithmetic3A_225, %eq3A_240 : vector<16xi32>
            tpu.vector_store_idx %arg13[%add3A_239], %get3A_223 masked %eq3A_241 {add = true} : memref<12288xf32, #tpu.memory_space<vmem>>[vector<16xi32>], vector<16xf32>, vector<16xi1>
            %add3A_242 = arith.constant 4096 : i32
            %add3A_243 = vector.broadcast %add3A_242 : i32 to vector<16xi32>
            %add3A_244 = arith.addi %add3A_243, %add3A_236 : vector<16xi32>
            %eq3A_245 = vector.broadcast %get3A_155 : i32 to vector<16xi32>
            %eq3A_246 = arith.cmpi eq, %shift_right_arithmetic3A_225, %eq3A_245 : vector<16xi32>
            tpu.vector_store_idx %arg13[%add3A_244], %get3A_223 masked %eq3A_246 {add = true} : memref<12288xf32, #tpu.memory_space<vmem>>[vector<16xi32>], vector<16xf32>, vector<16xi1>
            %add3A_247 = arith.constant 8192 : i32
            %add3A_248 = vector.broadcast %add3A_247 : i32 to vector<16xi32>
            %add3A_249 = arith.addi %add3A_248, %add3A_236 : vector<16xi32>
            %eq3A_250 = vector.broadcast %get3A_158 : i32 to vector<16xi32>
            %eq3A_251 = arith.cmpi eq, %shift_right_arithmetic3A_225, %eq3A_250 : vector<16xi32>
            tpu.vector_store_idx %arg13[%add3A_249], %get3A_223 masked %eq3A_251 {add = true} : memref<12288xf32, #tpu.memory_space<vmem>>[vector<16xi32>], vector<16xf32>, vector<16xi1>
            %mul3A_252 = arith.constant 4 : i32
            %mul3A_253 = arith.muli %scan3A_177, %mul3A_252 : i32
            %add3A_254 = arith.constant 2 : i32
            %add3A_255 = arith.addi %mul3A_253, %add3A_254 : i32
            %mul3A_256 = arith.constant 16 : i32
            %mul3A_257 = arith.muli %add3A_255, %mul3A_256 : i32
            %get3A_258 = arith.index_cast %mul3A_257 : i32 to index
            %get3A_259 = tpu.vector_load %arg10[%get3A_258] {strides = array<i32>} : memref<4096xi32, #tpu.memory_space<vmem>>, vector<16xi32>,
            %get3A_260 = arith.index_cast %mul3A_257 : i32 to index
            %get3A_261 = tpu.vector_load %arg12[%get3A_260] {strides = array<i32>} : memref<4096xf32, #tpu.memory_space<vmem>>, vector<16xf32>,
            %shift_right_arithmetic3A_262 = vector.broadcast %sub3A_132 : i32 to vector<16xi32>
            %shift_right_arithmetic3A_263 = arith.shrsi %get3A_259, %shift_right_arithmetic3A_262 : vector<16xi32>
            %mul3A_264 = arith.constant 256 : i32
            %mul3A_265 = vector.broadcast %mul3A_264 : i32 to vector<16xi32>
            %mul3A_266 = arith.muli %iota3A, %mul3A_265 : vector<16xi32>
            %sub3A_267 = arith.constant 8 : i32
            %sub3A_268 = arith.subi %sub3A_132, %sub3A_267 : i32
            %shift_right_arithmetic3A_269 = vector.broadcast %sub3A_268 : i32 to vector<16xi32>
            %shift_right_arithmetic3A_270 = arith.shrsi %get3A_259, %shift_right_arithmetic3A_269 : vector<16xi32>
            %and3A_271 = arith.constant 255 : i32
            %and3A_272 = vector.broadcast %and3A_271 : i32 to vector<16xi32>
            %and3A_273 = arith.andi %shift_right_arithmetic3A_270, %and3A_272 : vector<16xi32>
            %add3A_274 = arith.addi %mul3A_266, %and3A_273 : vector<16xi32>
            %add3A_275 = arith.constant 0 : i32
            %add3A_276 = vector.broadcast %add3A_275 : i32 to vector<16xi32>
            %add3A_277 = arith.addi %add3A_276, %add3A_274 : vector<16xi32>
            %eq3A_278 = vector.broadcast %get3A_152 : i32 to vector<16xi32>
            %eq3A_279 = arith.cmpi eq, %shift_right_arithmetic3A_263, %eq3A_278 : vector<16xi32>
            tpu.vector_store_idx %arg13[%add3A_277], %get3A_261 masked %eq3A_279 {add = true} : memref<12288xf32, #tpu.memory_space<vmem>>[vector<16xi32>], vector<16xf32>, vector<16xi1>
            %add3A_280 = arith.constant 4096 : i32
            %add3A_281 = vector.broadcast %add3A_280 : i32 to vector<16xi32>
            %add3A_282 = arith.addi %add3A_281, %add3A_274 : vector<16xi32>
            %eq3A_283 = vector.broadcast %get3A_155 : i32 to vector<16xi32>
            %eq3A_284 = arith.cmpi eq, %shift_right_arithmetic3A_263, %eq3A_283 : vector<16xi32>
            tpu.vector_store_idx %arg13[%add3A_282], %get3A_261 masked %eq3A_284 {add = true} : memref<12288xf32, #tpu.memory_space<vmem>>[vector<16xi32>], vector<16xf32>, vector<16xi1>
            %add3A_285 = arith.constant 8192 : i32
            %add3A_286 = vector.broadcast %add3A_285 : i32 to vector<16xi32>
            %add3A_287 = arith.addi %add3A_286, %add3A_274 : vector<16xi32>
            %eq3A_288 = vector.broadcast %get3A_158 : i32 to vector<16xi32>
            %eq3A_289 = arith.cmpi eq, %shift_right_arithmetic3A_263, %eq3A_288 : vector<16xi32>
            tpu.vector_store_idx %arg13[%add3A_287], %get3A_261 masked %eq3A_289 {add = true} : memref<12288xf32, #tpu.memory_space<vmem>>[vector<16xi32>], vector<16xf32>, vector<16xi1>
            %mul3A_290 = arith.constant 4 : i32
            %mul3A_291 = arith.muli %scan3A_177, %mul3A_290 : i32
            %add3A_292 = arith.constant 3 : i32
            %add3A_293 = arith.addi %mul3A_291, %add3A_292 : i32
            %mul3A_294 = arith.constant 16 : i32
            %mul3A_295 = arith.muli %add3A_293, %mul3A_294 : i32
            %get3A_296 = arith.index_cast %mul3A_295 : i32 to index
            %get3A_297 = tpu.vector_load %arg10[%get3A_296] {strides = array<i32>} : memref<4096xi32, #tpu.memory_space<vmem>>, vector<16xi32>,
            %get3A_298 = arith.index_cast %mul3A_295 : i32 to index
            %get3A_299 = tpu.vector_load %arg12[%get3A_298] {strides = array<i32>} : memref<4096xf32, #tpu.memory_space<vmem>>, vector<16xf32>,
            %shift_right_arithmetic3A_300 = vector.broadcast %sub3A_132 : i32 to vector<16xi32>
            %shift_right_arithmetic3A_301 = arith.shrsi %get3A_297, %shift_right_arithmetic3A_300 : vector<16xi32>
            %mul3A_302 = arith.constant 256 : i32
            %mul3A_303 = vector.broadcast %mul3A_302 : i32 to vector<16xi32>
            %mul3A_304 = arith.muli %iota3A, %mul3A_303 : vector<16xi32>
            %sub3A_305 = arith.constant 8 : i32
            %sub3A_306 = arith.subi %sub3A_132, %sub3A_305 : i32
            %shift_right_arithmetic3A_307 = vector.broadcast %sub3A_306 : i32 to vector<16xi32>
            %shift_right_arithmetic3A_308 = arith.shrsi %get3A_297, %shift_right_arithmetic3A_307 : vector<16xi32>
            %and3A_309 = arith.constant 255 : i32
            %and3A_310 = vector.broadcast %and3A_309 : i32 to vector<16xi32>
            %and3A_311 = arith.andi %shift_right_arithmetic3A_308, %and3A_310 : vector<16xi32>
            %add3A_312 = arith.addi %mul3A_304, %and3A_311 : vector<16xi32>
            %add3A_313 = arith.constant 0 : i32
            %add3A_314 = vector.broadcast %add3A_313 : i32 to vector<16xi32>
            %add3A_315 = arith.addi %add3A_314, %add3A_312 : vector<16xi32>
            %eq3A_316 = vector.broadcast %get3A_152 : i32 to vector<16xi32>
            %eq3A_317 = arith.cmpi eq, %shift_right_arithmetic3A_301, %eq3A_316 : vector<16xi32>
            tpu.vector_store_idx %arg13[%add3A_315], %get3A_299 masked %eq3A_317 {add = true} : memref<12288xf32, #tpu.memory_space<vmem>>[vector<16xi32>], vector<16xf32>, vector<16xi1>
            %add3A_318 = arith.constant 4096 : i32
            %add3A_319 = vector.broadcast %add3A_318 : i32 to vector<16xi32>
            %add3A_320 = arith.addi %add3A_319, %add3A_312 : vector<16xi32>
            %eq3A_321 = vector.broadcast %get3A_155 : i32 to vector<16xi32>
            %eq3A_322 = arith.cmpi eq, %shift_right_arithmetic3A_301, %eq3A_321 : vector<16xi32>
            tpu.vector_store_idx %arg13[%add3A_320], %get3A_299 masked %eq3A_322 {add = true} : memref<12288xf32, #tpu.memory_space<vmem>>[vector<16xi32>], vector<16xf32>, vector<16xi1>
            %add3A_323 = arith.constant 8192 : i32
            %add3A_324 = vector.broadcast %add3A_323 : i32 to vector<16xi32>
            %add3A_325 = arith.addi %add3A_324, %add3A_312 : vector<16xi32>
            %eq3A_326 = vector.broadcast %get3A_158 : i32 to vector<16xi32>
            %eq3A_327 = arith.cmpi eq, %shift_right_arithmetic3A_301, %eq3A_326 : vector<16xi32>
            tpu.vector_store_idx %arg13[%add3A_325], %get3A_299 masked %eq3A_327 {add = true} : memref<12288xf32, #tpu.memory_space<vmem>>[vector<16xi32>], vector<16xf32>, vector<16xi1>
          }
          %scan3A_170 = arith.constant 64 : i32
          %scan3A_171 = arith.constant 0 : i32
          %scan3A_172 = arith.constant 0 : i32
          %scan3A_173 = arith.constant 3 : i32
          %scan3A_174 = arith.addi %scan3A_172, %scan3A_173 : i32
          %scan3A_175 = arith.constant 1 : i32
          scf.for %scan3A_177 = %scan3A_172 to %scan3A_174 step %scan3A_175  : i32 {
            %mul3A_178 = arith.constant 4096 : i32
            %mul3A_179 = arith.muli %scan3A_177, %mul3A_178 : i32
            %scan3A_180 = arith.constant 0.000000e+00 : f32
            %scan3A_181 = arith.constant 0 : i32
            %scan3A_182 = arith.constant 16 : i32
            %scan3A_183 = arith.addi %scan3A_181, %scan3A_182 : i32
            %scan3A_184 = arith.constant 1 : i32
            %scan3A_185:2 = scf.for %scan3A_286 = %scan3A_181 to %scan3A_183 step %scan3A_184 iter_args(%scan3A_287 = %scan3A_180, %scan3A_288 = %broadcast_in_dim3A_3) -> (f32, vector<16xf32>)  : i32 {
              %mul3A_289 = arith.constant 16 : i32
              %mul3A_290 = arith.muli %scan3A_286, %mul3A_289 : i32
              %add3A_291 = arith.addi %mul3A_179, %mul3A_290 : i32
              %get3A_292 = arith.index_cast %add3A_291 : i32 to index
              %get3A_293 = tpu.vector_load %arg13[%get3A_292] {strides = array<i32>} : memref<12288xf32, #tpu.memory_space<vmem>>, vector<16xf32>,
              %add3A_294 = arith.constant 256 : i32
              %add3A_295 = arith.addi %mul3A_179, %add3A_294 : i32
              %mul3A_296 = arith.constant 16 : i32
              %mul3A_297 = arith.muli %scan3A_286, %mul3A_296 : i32
              %add3A_298 = arith.addi %add3A_295, %mul3A_297 : i32
              %get3A_299 = arith.index_cast %add3A_298 : i32 to index
              %get3A_300 = tpu.vector_load %arg13[%get3A_299] {strides = array<i32>} : memref<12288xf32, #tpu.memory_space<vmem>>, vector<16xf32>,
              %add3A_301 = arith.addf %get3A_293, %get3A_300 : vector<16xf32>
              %add3A_302 = arith.constant 512 : i32
              %add3A_303 = arith.addi %mul3A_179, %add3A_302 : i32
              %mul3A_304 = arith.constant 16 : i32
              %mul3A_305 = arith.muli %scan3A_286, %mul3A_304 : i32
              %add3A_306 = arith.addi %add3A_303, %mul3A_305 : i32
              %get3A_307 = arith.index_cast %add3A_306 : i32 to index
              %get3A_308 = tpu.vector_load %arg13[%get3A_307] {strides = array<i32>} : memref<12288xf32, #tpu.memory_space<vmem>>, vector<16xf32>,
              %add3A_309 = arith.addf %add3A_301, %get3A_308 : vector<16xf32>
              %add3A_310 = arith.constant 768 : i32
              %add3A_311 = arith.addi %mul3A_179, %add3A_310 : i32
              %mul3A_312 = arith.constant 16 : i32
              %mul3A_313 = arith.muli %scan3A_286, %mul3A_312 : i32
              %add3A_314 = arith.addi %add3A_311, %mul3A_313 : i32
              %get3A_315 = arith.index_cast %add3A_314 : i32 to index
              %get3A_316 = tpu.vector_load %arg13[%get3A_315] {strides = array<i32>} : memref<12288xf32, #tpu.memory_space<vmem>>, vector<16xf32>,
              %add3A_317 = arith.addf %add3A_309, %get3A_316 : vector<16xf32>
              %add3A_318 = arith.constant 1024 : i32
              %add3A_319 = arith.addi %mul3A_179, %add3A_318 : i32
              %mul3A_320 = arith.constant 16 : i32
              %mul3A_321 = arith.muli %scan3A_286, %mul3A_320 : i32
              %add3A_322 = arith.addi %add3A_319, %mul3A_321 : i32
              %get3A_323 = arith.index_cast %add3A_322 : i32 to index
              %get3A_324 = tpu.vector_load %arg13[%get3A_323] {strides = array<i32>} : memref<12288xf32, #tpu.memory_space<vmem>>, vector<16xf32>,
              %add3A_325 = arith.addf %add3A_317, %get3A_324 : vector<16xf32>
              %add3A_326 = arith.constant 1280 : i32
              %add3A_327 = arith.addi %mul3A_179, %add3A_326 : i32
              %mul3A_328 = arith.constant 16 : i32
              %mul3A_329 = arith.muli %scan3A_286, %mul3A_328 : i32
              %add3A_330 = arith.addi %add3A_327, %mul3A_329 : i32
              %get3A_331 = arith.index_cast %add3A_330 : i32 to index
              %get3A_332 = tpu.vector_load %arg13[%get3A_331] {strides = array<i32>} : memref<12288xf32, #tpu.memory_space<vmem>>, vector<16xf32>,
              %add3A_333 = arith.addf %add3A_325, %get3A_332 : vector<16xf32>
              %add3A_334 = arith.constant 1536 : i32
              %add3A_335 = arith.addi %mul3A_179, %add3A_334 : i32
              %mul3A_336 = arith.constant 16 : i32
              %mul3A_337 = arith.muli %scan3A_286, %mul3A_336 : i32
              %add3A_338 = arith.addi %add3A_335, %mul3A_337 : i32
              %get3A_339 = arith.index_cast %add3A_338 : i32 to index
              %get3A_340 = tpu.vector_load %arg13[%get3A_339] {strides = array<i32>} : memref<12288xf32, #tpu.memory_space<vmem>>, vector<16xf32>,
              %add3A_341 = arith.addf %add3A_333, %get3A_340 : vector<16xf32>
              %add3A_342 = arith.constant 1792 : i32
              %add3A_343 = arith.addi %mul3A_179, %add3A_342 : i32
              %mul3A_344 = arith.constant 16 : i32
              %mul3A_345 = arith.muli %scan3A_286, %mul3A_344 : i32
              %add3A_346 = arith.addi %add3A_343, %mul3A_345 : i32
              %get3A_347 = arith.index_cast %add3A_346 : i32 to index
              %get3A_348 = tpu.vector_load %arg13[%get3A_347] {strides = array<i32>} : memref<12288xf32, #tpu.memory_space<vmem>>, vector<16xf32>,
              %add3A_349 = arith.addf %add3A_341, %get3A_348 : vector<16xf32>
              %add3A_350 = arith.constant 2048 : i32
              %add3A_351 = arith.addi %mul3A_179, %add3A_350 : i32
              %mul3A_352 = arith.constant 16 : i32
              %mul3A_353 = arith.muli %scan3A_286, %mul3A_352 : i32
              %add3A_354 = arith.addi %add3A_351, %mul3A_353 : i32
              %get3A_355 = arith.index_cast %add3A_354 : i32 to index
              %get3A_356 = tpu.vector_load %arg13[%get3A_355] {strides = array<i32>} : memref<12288xf32, #tpu.memory_space<vmem>>, vector<16xf32>,
              %add3A_357 = arith.addf %add3A_349, %get3A_356 : vector<16xf32>
              %add3A_358 = arith.constant 2304 : i32
              %add3A_359 = arith.addi %mul3A_179, %add3A_358 : i32
              %mul3A_360 = arith.constant 16 : i32
              %mul3A_361 = arith.muli %scan3A_286, %mul3A_360 : i32
              %add3A_362 = arith.addi %add3A_359, %mul3A_361 : i32
              %get3A_363 = arith.index_cast %add3A_362 : i32 to index
              %get3A_364 = tpu.vector_load %arg13[%get3A_363] {strides = array<i32>} : memref<12288xf32, #tpu.memory_space<vmem>>, vector<16xf32>,
              %add3A_365 = arith.addf %add3A_357, %get3A_364 : vector<16xf32>
              %add3A_366 = arith.constant 2560 : i32
              %add3A_367 = arith.addi %mul3A_179, %add3A_366 : i32
              %mul3A_368 = arith.constant 16 : i32
              %mul3A_369 = arith.muli %scan3A_286, %mul3A_368 : i32
              %add3A_370 = arith.addi %add3A_367, %mul3A_369 : i32
              %get3A_371 = arith.index_cast %add3A_370 : i32 to index
              %get3A_372 = tpu.vector_load %arg13[%get3A_371] {strides = array<i32>} : memref<12288xf32, #tpu.memory_space<vmem>>, vector<16xf32>,
              %add3A_373 = arith.addf %add3A_365, %get3A_372 : vector<16xf32>
              %add3A_374 = arith.constant 2816 : i32
              %add3A_375 = arith.addi %mul3A_179, %add3A_374 : i32
              %mul3A_376 = arith.constant 16 : i32
              %mul3A_377 = arith.muli %scan3A_286, %mul3A_376 : i32
              %add3A_378 = arith.addi %add3A_375, %mul3A_377 : i32
              %get3A_379 = arith.index_cast %add3A_378 : i32 to index
              %get3A_380 = tpu.vector_load %arg13[%get3A_379] {strides = array<i32>} : memref<12288xf32, #tpu.memory_space<vmem>>, vector<16xf32>,
              %add3A_381 = arith.addf %add3A_373, %get3A_380 : vector<16xf32>
              %add3A_382 = arith.constant 3072 : i32
              %add3A_383 = arith.addi %mul3A_179, %add3A_382 : i32
              %mul3A_384 = arith.constant 16 : i32
              %mul3A_385 = arith.muli %scan3A_286, %mul3A_384 : i32
              %add3A_386 = arith.addi %add3A_383, %mul3A_385 : i32
              %get3A_387 = arith.index_cast %add3A_386 : i32 to index
              %get3A_388 = tpu.vector_load %arg13[%get3A_387] {strides = array<i32>} : memref<12288xf32, #tpu.memory_space<vmem>>, vector<16xf32>,
              %add3A_389 = arith.addf %add3A_381, %get3A_388 : vector<16xf32>
              %add3A_390 = arith.constant 3328 : i32
              %add3A_391 = arith.addi %mul3A_179, %add3A_390 : i32
              %mul3A_392 = arith.constant 16 : i32
              %mul3A_393 = arith.muli %scan3A_286, %mul3A_392 : i32
              %add3A_394 = arith.addi %add3A_391, %mul3A_393 : i32
              %get3A_395 = arith.index_cast %add3A_394 : i32 to index
              %get3A_396 = tpu.vector_load %arg13[%get3A_395] {strides = array<i32>} : memref<12288xf32, #tpu.memory_space<vmem>>, vector<16xf32>,
              %add3A_397 = arith.addf %add3A_389, %get3A_396 : vector<16xf32>
              %add3A_398 = arith.constant 3584 : i32
              %add3A_399 = arith.addi %mul3A_179, %add3A_398 : i32
              %mul3A_400 = arith.constant 16 : i32
              %mul3A_401 = arith.muli %scan3A_286, %mul3A_400 : i32
              %add3A_402 = arith.addi %add3A_399, %mul3A_401 : i32
              %get3A_403 = arith.index_cast %add3A_402 : i32 to index
              %get3A_404 = tpu.vector_load %arg13[%get3A_403] {strides = array<i32>} : memref<12288xf32, #tpu.memory_space<vmem>>, vector<16xf32>,
              %add3A_405 = arith.addf %add3A_397, %get3A_404 : vector<16xf32>
              %add3A_406 = arith.constant 3840 : i32
              %add3A_407 = arith.addi %mul3A_179, %add3A_406 : i32
              %mul3A_408 = arith.constant 16 : i32
              %mul3A_409 = arith.muli %scan3A_286, %mul3A_408 : i32
              %add3A_410 = arith.addi %add3A_407, %mul3A_409 : i32
              %get3A_411 = arith.index_cast %add3A_410 : i32 to index
              %get3A_412 = tpu.vector_load %arg13[%get3A_411] {strides = array<i32>} : memref<12288xf32, #tpu.memory_space<vmem>>, vector<16xf32>,
              %add3A_413 = arith.addf %add3A_405, %get3A_412 : vector<16xf32>
              %mul3A_414 = arith.constant 16 : i32
              %mul3A_415 = arith.muli %scan3A_286, %mul3A_414 : i32
              %swap3A_416 = arith.index_cast %mul3A_415 : i32 to index
              %swap3A_417 = tpu.vector_load %arg15[%swap3A_416] {strides = array<i32>} : memref<256xf32, #tpu.memory_space<vmem>>, vector<16xf32>,
              tpu.vector_store %arg15[%swap3A_416], %add3A_413 {strides = array<i32>} : memref<256xf32, #tpu.memory_space<vmem>>, vector<16xf32>,
              %reduce_sum3A_418 = arith.constant true
              %reduce_sum3A_419 = vector.broadcast %reduce_sum3A_418 : i1 to vector<16xi1>
              %reduce_sum3A_420 = tpu.scan <sum>, %add3A_413 masked %reduce_sum3A_419 : vector<16xf32>, vector<16xi1> -> vector<16xf32>
              %reduce_sum3A_421 = vector.extract %reduce_sum3A_420[15] : f32 from vector<16xf32>
              %add3A_422 = arith.addf %scan3A_287, %reduce_sum3A_421 : f32
              %eq3A_423 = vector.broadcast %scan3A_286 : i32 to vector<16xi32>
              %eq3A_424 = arith.cmpi eq, %iota3A, %eq3A_423 : vector<16xi32>
              %broadcast_in_dim3A_425 = vector.broadcast %reduce_sum3A_421 : f32 to vector<16xf32>
              %select_n3A_426 = arith.select %eq3A_424, %broadcast_in_dim3A_425, %scan3A_288 : vector<16xi1>, vector<16xf32>
              scf.yield %add3A_422, %select_n3A_426 : f32, vector<16xf32>
            }
            %scan3A_186 = arith.constant 16 : i32
            %get3A_187 = arith.index_cast %scan3A_177 : i32 to index
            %get3A_188 = memref.load %arg19[%get3A_187] : memref<4xf32, #tpu.memory_space<smem>>
            %sub3A_189 = arith.subf %scan3A_185#0, %get3A_188 : f32
            %broadcast_in_dim3A_190 = arith.constant true
            %broadcast_in_dim3A_191 = vector.broadcast %broadcast_in_dim3A_190 : i1 to vector<16xi1>
            %masked_cumsum3A = tpu.scan <sum>, %scan3A_185#1 masked %broadcast_in_dim3A_191 : vector<16xf32>, vector<16xi1> -> vector<16xf32>
            %ge3A = vector.broadcast %sub3A_189 : f32 to vector<16xf32>
            %ge3A_192 = arith.cmpf oge, %masked_cumsum3A, %ge3A : vector<16xf32>
            %jit3A_193 = arith.constant 16 : i32
            %broadcast_in_dim3A_194 = vector.broadcast %jit3A_193 : i32 to vector<16xi32>
            %select_n3A_195 = arith.select %ge3A_192, %iota3A, %broadcast_in_dim3A_194 : vector<16xi1>, vector<16xi32>
            %reduce_min3A = arith.constant true
            %reduce_min3A_196 = vector.broadcast %reduce_min3A : i1 to vector<16xi1>
            %reduce_min3A_197 = arith.constant -2147483648 : i32
            %reduce_min3A_198 = vector.broadcast %reduce_min3A_197 : i32 to vector<16xi32>
            %reduce_min3A_199 = arith.xori %select_n3A_195, %reduce_min3A_198 : vector<16xi32>
            %reduce_min3A_200 = tpu.scan <min>, %reduce_min3A_199 masked %reduce_min3A_196 : vector<16xi32>, vector<16xi1> -> vector<16xi32>
            %reduce_min3A_201 = arith.xori %reduce_min3A_200, %reduce_min3A_198 : vector<16xi32>
            %reduce_min3A_202 = vector.extract %reduce_min3A_201[15] : i32 from vector<16xi32>
            %lt3A_203 = arith.constant 16 : i32
            %lt3A_204 = arith.cmpi slt, %reduce_min3A_202, %lt3A_203 : i32
            %jit3A_205 = arith.constant 0 : i32
            %select_n3A_206 = arith.select %lt3A_204, %reduce_min3A_202, %jit3A_205 : i32
            %eq3A_207 = vector.broadcast %select_n3A_206 : i32 to vector<16xi32>
            %eq3A_208 = arith.cmpi eq, %iota3A, %eq3A_207 : vector<16xi32>
            %sub3A_209 = arith.subf %masked_cumsum3A, %scan3A_185#1 : vector<16xf32>
            %jit3A_210 = arith.constant 0.000000e+00 : f32
            %broadcast_in_dim3A_211 = vector.broadcast %jit3A_210 : f32 to vector<16xf32>
            %select_n3A_212 = arith.select %eq3A_208, %sub3A_209, %broadcast_in_dim3A_211 : vector<16xi1>, vector<16xf32>
            %reduce_sum3A_213 = arith.constant true
            %reduce_sum3A_214 = vector.broadcast %reduce_sum3A_213 : i1 to vector<16xi1>
            %reduce_sum3A_215 = tpu.scan <sum>, %select_n3A_212 masked %reduce_sum3A_214 : vector<16xf32>, vector<16xi1> -> vector<16xf32>
            %reduce_sum3A_216 = vector.extract %reduce_sum3A_215[15] : f32 from vector<16xf32>
            %mul3A_217 = arith.constant 16 : i32
            %mul3A_218 = arith.muli %select_n3A_206, %mul3A_217 : i32
            %get3A_219 = arith.index_cast %mul3A_218 : i32 to index
            %get3A_220 = tpu.vector_load %arg15[%get3A_219] {strides = array<i32>} : memref<256xf32, #tpu.memory_space<vmem>>, vector<16xf32>,
            %broadcast_in_dim3A_221 = arith.constant true
            %broadcast_in_dim3A_222 = vector.broadcast %broadcast_in_dim3A_221 : i1 to vector<16xi1>
            %masked_cumsum3A_223 = tpu.scan <sum>, %get3A_220 masked %broadcast_in_dim3A_222 : vector<16xf32>, vector<16xi1> -> vector<16xf32>
            %add3A_224 = vector.broadcast %reduce_sum3A_216 : f32 to vector<16xf32>
            %add3A_225 = arith.addf %masked_cumsum3A_223, %add3A_224 : vector<16xf32>
            %ge3A_226 = vector.broadcast %sub3A_189 : f32 to vector<16xf32>
            %ge3A_227 = arith.cmpf oge, %add3A_225, %ge3A_226 : vector<16xf32>
            %jit3A_228 = arith.constant 16 : i32
            %broadcast_in_dim3A_229 = vector.broadcast %jit3A_228 : i32 to vector<16xi32>
            %select_n3A_230 = arith.select %ge3A_227, %iota3A, %broadcast_in_dim3A_229 : vector<16xi1>, vector<16xi32>
            %reduce_min3A_231 = arith.constant true
            %reduce_min3A_232 = vector.broadcast %reduce_min3A_231 : i1 to vector<16xi1>
            %reduce_min3A_233 = arith.constant -2147483648 : i32
            %reduce_min3A_234 = vector.broadcast %reduce_min3A_233 : i32 to vector<16xi32>
            %reduce_min3A_235 = arith.xori %select_n3A_230, %reduce_min3A_234 : vector<16xi32>
            %reduce_min3A_236 = tpu.scan <min>, %reduce_min3A_235 masked %reduce_min3A_232 : vector<16xi32>, vector<16xi1> -> vector<16xi32>
            %reduce_min3A_237 = arith.xori %reduce_min3A_236, %reduce_min3A_234 : vector<16xi32>
            %reduce_min3A_238 = vector.extract %reduce_min3A_237[15] : i32 from vector<16xi32>
            %lt3A_239 = arith.constant 16 : i32
            %lt3A_240 = arith.cmpi slt, %reduce_min3A_238, %lt3A_239 : i32
            %jit3A_241 = arith.constant 0 : i32
            %select_n3A_242 = arith.select %lt3A_240, %reduce_min3A_238, %jit3A_241 : i32
            %mul3A_243 = arith.constant 16 : i32
            %mul3A_244 = arith.muli %select_n3A_206, %mul3A_243 : i32
            %add3A_245 = arith.addi %mul3A_244, %select_n3A_242 : i32
            %jit3A_246 = arith.constant 256 : i32
            %select_n3A_247 = arith.select %lt3A_204, %add3A_245, %jit3A_246 : i32
            %eq3A_248 = vector.broadcast %select_n3A_242 : i32 to vector<16xi32>
            %eq3A_249 = arith.cmpi eq, %iota3A, %eq3A_248 : vector<16xi32>
            %jit3A_250 = arith.constant 0.000000e+00 : f32
            %broadcast_in_dim3A_251 = vector.broadcast %jit3A_250 : f32 to vector<16xf32>
            %select_n3A_252 = arith.select %eq3A_249, %add3A_225, %broadcast_in_dim3A_251 : vector<16xi1>, vector<16xf32>
            %reduce_sum3A_253 = arith.constant true
            %reduce_sum3A_254 = vector.broadcast %reduce_sum3A_253 : i1 to vector<16xi1>
            %reduce_sum3A_255 = tpu.scan <sum>, %select_n3A_252 masked %reduce_sum3A_254 : vector<16xf32>, vector<16xi1> -> vector<16xf32>
            %reduce_sum3A_256 = vector.extract %reduce_sum3A_255[15] : f32 from vector<16xf32>
            %jit3A_257 = arith.constant 0.000000e+00 : f32
            %select_n3A_258 = arith.select %lt3A_204, %reduce_sum3A_256, %jit3A_257 : f32
            %eq3A_259 = vector.broadcast %select_n3A_242 : i32 to vector<16xi32>
            %eq3A_260 = arith.cmpi eq, %iota3A, %eq3A_259 : vector<16xi32>
            %jit3A_261 = arith.constant 0.000000e+00 : f32
            %broadcast_in_dim3A_262 = vector.broadcast %jit3A_261 : f32 to vector<16xf32>
            %select_n3A_263 = arith.select %eq3A_260, %get3A_220, %broadcast_in_dim3A_262 : vector<16xi1>, vector<16xf32>
            %reduce_sum3A_264 = arith.constant true
            %reduce_sum3A_265 = vector.broadcast %reduce_sum3A_264 : i1 to vector<16xi1>
            %reduce_sum3A_266 = tpu.scan <sum>, %select_n3A_263 masked %reduce_sum3A_265 : vector<16xf32>, vector<16xi1> -> vector<16xf32>
            %reduce_sum3A_267 = vector.extract %reduce_sum3A_266[15] : f32 from vector<16xf32>
            %jit3A_268 = arith.constant 0.000000e+00 : f32
            %select_n3A_269 = arith.select %lt3A_204, %reduce_sum3A_267, %jit3A_268 : f32
            %get3A_270 = arith.index_cast %scan3A_177 : i32 to index
            %get3A_271 = memref.load %arg18[%get3A_270] : memref<4xi32, #tpu.memory_space<smem>>
            %shift_left3A = arith.constant 8 : i32
            %shift_left3A_272 = arith.shli %get3A_271, %shift_left3A : i32
            %lt3A_273 = arith.constant 256 : i32
            %lt3A_274 = arith.cmpi slt, %select_n3A_247, %lt3A_273 : i32
            %jit3A_275 = arith.constant 0 : i32
            %select_n3A_276 = arith.select %lt3A_274, %select_n3A_247, %jit3A_275 : i32
            %or3A = arith.ori %shift_left3A_272, %select_n3A_276 : i32
            %swap3A = arith.index_cast %scan3A_177 : i32 to index
            %swap3A_277 = memref.load %arg18[%swap3A] : memref<4xi32, #tpu.memory_space<smem>>
            memref.store %or3A, %arg18[%swap3A] : memref<4xi32, #tpu.memory_space<smem>>
            %sub3A_278 = arith.subf %scan3A_185#0, %select_n3A_258 : f32
            %sub3A_279 = arith.subf %get3A_188, %sub3A_278 : f32
            %swap3A_280 = arith.index_cast %scan3A_177 : i32 to index
            %swap3A_281 = memref.load %arg19[%swap3A_280] : memref<4xf32, #tpu.memory_space<smem>>
            memref.store %sub3A_279, %arg19[%swap3A_280] : memref<4xf32, #tpu.memory_space<smem>>
            %jit3A_282 = arith.constant 0.000000e+00 : f32
            %select_n3A_283 = arith.select %lt3A_204, %select_n3A_269, %jit3A_282 : f32
            %swap3A_284 = arith.index_cast %scan3A_177 : i32 to index
            %swap3A_285 = memref.load %arg24[%swap3A_284] : memref<4xf32, #tpu.memory_space<smem>>
            memref.store %select_n3A_283, %arg24[%swap3A_284] : memref<4xf32, #tpu.memory_space<smem>>
          }
          %scan3A_176 = arith.constant 3 : i32
        } else {
          %scan3A_150 = arith.constant 0 : i32
          %scan3A_151 = arith.constant 0 : i32
          %scan3A_152 = arith.constant 3 : i32
          %scan3A_153 = arith.addi %scan3A_151, %scan3A_152 : i32
          %scan3A_154 = arith.constant 1 : i32
          scf.for %scan3A_156 = %scan3A_151 to %scan3A_153 step %scan3A_154  : i32 {
            %get3A_157 = arith.index_cast %scan3A_156 : i32 to index
            %get3A_158 = memref.load %arg18[%get3A_157] : memref<4xi32, #tpu.memory_space<smem>>
            %shift_left3A = arith.constant 8 : i32
            %shift_left3A_159 = arith.shli %get3A_158, %shift_left3A : i32
            %swap3A = arith.index_cast %scan3A_156 : i32 to index
            %swap3A_160 = memref.load %arg18[%swap3A] : memref<4xi32, #tpu.memory_space<smem>>
            memref.store %shift_left3A_159, %arg18[%swap3A] : memref<4xi32, #tpu.memory_space<smem>>
          }
          %scan3A_155 = arith.constant 3 : i32
        }
      }
      %scan3A_42 = arith.constant 3 : i32
      %get3A_43 = arith.constant 0 : i32
      %get3A_44 = arith.index_cast %get3A_43 : i32 to index
      %get3A_45 = memref.load %arg24[%get3A_44] : memref<4xf32, #tpu.memory_space<smem>>
      %get3A_46 = arith.constant 1 : i32
      %get3A_47 = arith.index_cast %get3A_46 : i32 to index
      %get3A_48 = memref.load %arg24[%get3A_47] : memref<4xf32, #tpu.memory_space<smem>>
      %add3A_49 = arith.addf %get3A_45, %get3A_48 : f32
      %get3A_50 = arith.constant 2 : i32
      %get3A_51 = arith.index_cast %get3A_50 : i32 to index
      %get3A_52 = memref.load %arg24[%get3A_51] : memref<4xf32, #tpu.memory_space<smem>>
      %add3A_53 = arith.addf %add3A_49, %get3A_52 : f32
      %gt3A = arith.constant 0.000000e+00 : f32
      %gt3A_54 = arith.cmpf ogt, %add3A_53, %gt3A : f32
      %convert_element_type3A_55 = arith.extui %gt3A_54 : i1 to i32
      %cond3A_56 = arith.constant 0 : i32
      %cond3A_57 = arith.constant 0 : i32
      %cond3A_58 = arith.cmpi ne, %convert_element_type3A_55, %cond3A_57 : i32
      scf.if %cond3A_58 {
        %scan3A_128 = arith.constant 0 : i32
        %scan3A_129 = arith.constant 0 : i32
        %scan3A_130 = arith.constant 192 : i32
        %scan3A_131 = arith.addi %scan3A_129, %scan3A_130 : i32
        %scan3A_132 = arith.constant 1 : i32
        scf.for %scan3A_161 = %scan3A_129 to %scan3A_131 step %scan3A_132  : i32 {
          %mul3A_162 = arith.constant 4 : i32
          %mul3A_163 = arith.muli %scan3A_161, %mul3A_162 : i32
          %add3A_164 = arith.constant 0 : i32
          %add3A_165 = arith.addi %mul3A_163, %add3A_164 : i32
          %mul3A_166 = arith.constant 16 : i32
          %mul3A_167 = arith.muli %add3A_165, %mul3A_166 : i32
          %swap3A = arith.index_cast %mul3A_167 : i32 to index
          %swap3A_168 = tpu.vector_load %arg14[%swap3A] {strides = array<i32>} : memref<12288xf32, #tpu.memory_space<vmem>>, vector<16xf32>,
          tpu.vector_store %arg14[%swap3A], %broadcast_in_dim3A_3 {strides = array<i32>} : memref<12288xf32, #tpu.memory_space<vmem>>, vector<16xf32>,
          %mul3A_169 = arith.constant 4 : i32
          %mul3A_170 = arith.muli %scan3A_161, %mul3A_169 : i32
          %add3A_171 = arith.constant 1 : i32
          %add3A_172 = arith.addi %mul3A_170, %add3A_171 : i32
          %mul3A_173 = arith.constant 16 : i32
          %mul3A_174 = arith.muli %add3A_172, %mul3A_173 : i32
          %swap3A_175 = arith.index_cast %mul3A_174 : i32 to index
          %swap3A_176 = tpu.vector_load %arg14[%swap3A_175] {strides = array<i32>} : memref<12288xf32, #tpu.memory_space<vmem>>, vector<16xf32>,
          tpu.vector_store %arg14[%swap3A_175], %broadcast_in_dim3A_3 {strides = array<i32>} : memref<12288xf32, #tpu.memory_space<vmem>>, vector<16xf32>,
          %mul3A_177 = arith.constant 4 : i32
          %mul3A_178 = arith.muli %scan3A_161, %mul3A_177 : i32
          %add3A_179 = arith.constant 2 : i32
          %add3A_180 = arith.addi %mul3A_178, %add3A_179 : i32
          %mul3A_181 = arith.constant 16 : i32
          %mul3A_182 = arith.muli %add3A_180, %mul3A_181 : i32
          %swap3A_183 = arith.index_cast %mul3A_182 : i32 to index
          %swap3A_184 = tpu.vector_load %arg14[%swap3A_183] {strides = array<i32>} : memref<12288xf32, #tpu.memory_space<vmem>>, vector<16xf32>,
          tpu.vector_store %arg14[%swap3A_183], %broadcast_in_dim3A_3 {strides = array<i32>} : memref<12288xf32, #tpu.memory_space<vmem>>, vector<16xf32>,
          %mul3A_185 = arith.constant 4 : i32
          %mul3A_186 = arith.muli %scan3A_161, %mul3A_185 : i32
          %add3A_187 = arith.constant 3 : i32
          %add3A_188 = arith.addi %mul3A_186, %add3A_187 : i32
          %mul3A_189 = arith.constant 16 : i32
          %mul3A_190 = arith.muli %add3A_188, %mul3A_189 : i32
          %swap3A_191 = arith.index_cast %mul3A_190 : i32 to index
          %swap3A_192 = tpu.vector_load %arg14[%swap3A_191] {strides = array<i32>} : memref<12288xf32, #tpu.memory_space<vmem>>, vector<16xf32>,
          tpu.vector_store %arg14[%swap3A_191], %broadcast_in_dim3A_3 {strides = array<i32>} : memref<12288xf32, #tpu.memory_space<vmem>>, vector<16xf32>,
        }
        %scan3A_133 = arith.constant 192 : i32
        %scan3A_134 = arith.constant 0 : i32
        %scan3A_135 = arith.constant 0 : i32
        %scan3A_136 = arith.constant 192 : i32
        %scan3A_137 = arith.addi %scan3A_135, %scan3A_136 : i32
        %scan3A_138 = arith.constant 1 : i32
        scf.for %scan3A_161 = %scan3A_135 to %scan3A_137 step %scan3A_138  : i32 {
          %mul3A_162 = arith.constant 4 : i32
          %mul3A_163 = arith.muli %scan3A_161, %mul3A_162 : i32
          %add3A_164 = arith.constant 0 : i32
          %add3A_165 = arith.addi %mul3A_163, %add3A_164 : i32
          %mul3A_166 = arith.constant 16 : i32
          %mul3A_167 = arith.muli %add3A_165, %mul3A_166 : i32
          %swap3A = arith.index_cast %mul3A_167 : i32 to index
          %swap3A_168 = tpu.vector_load %arg13[%swap3A] {strides = array<i32>} : memref<12288xf32, #tpu.memory_space<vmem>>, vector<16xf32>,
          tpu.vector_store %arg13[%swap3A], %broadcast_in_dim3A_3 {strides = array<i32>} : memref<12288xf32, #tpu.memory_space<vmem>>, vector<16xf32>,
          %mul3A_169 = arith.constant 4 : i32
          %mul3A_170 = arith.muli %scan3A_161, %mul3A_169 : i32
          %add3A_171 = arith.constant 1 : i32
          %add3A_172 = arith.addi %mul3A_170, %add3A_171 : i32
          %mul3A_173 = arith.constant 16 : i32
          %mul3A_174 = arith.muli %add3A_172, %mul3A_173 : i32
          %swap3A_175 = arith.index_cast %mul3A_174 : i32 to index
          %swap3A_176 = tpu.vector_load %arg13[%swap3A_175] {strides = array<i32>} : memref<12288xf32, #tpu.memory_space<vmem>>, vector<16xf32>,
          tpu.vector_store %arg13[%swap3A_175], %broadcast_in_dim3A_3 {strides = array<i32>} : memref<12288xf32, #tpu.memory_space<vmem>>, vector<16xf32>,
          %mul3A_177 = arith.constant 4 : i32
          %mul3A_178 = arith.muli %scan3A_161, %mul3A_177 : i32
          %add3A_179 = arith.constant 2 : i32
          %add3A_180 = arith.addi %mul3A_178, %add3A_179 : i32
          %mul3A_181 = arith.constant 16 : i32
          %mul3A_182 = arith.muli %add3A_180, %mul3A_181 : i32
          %swap3A_183 = arith.index_cast %mul3A_182 : i32 to index
          %swap3A_184 = tpu.vector_load %arg13[%swap3A_183] {strides = array<i32>} : memref<12288xf32, #tpu.memory_space<vmem>>, vector<16xf32>,
          tpu.vector_store %arg13[%swap3A_183], %broadcast_in_dim3A_3 {strides = array<i32>} : memref<12288xf32, #tpu.memory_space<vmem>>, vector<16xf32>,
          %mul3A_185 = arith.constant 4 : i32
          %mul3A_186 = arith.muli %scan3A_161, %mul3A_185 : i32
          %add3A_187 = arith.constant 3 : i32
          %add3A_188 = arith.addi %mul3A_186, %add3A_187 : i32
          %mul3A_189 = arith.constant 16 : i32
          %mul3A_190 = arith.muli %add3A_188, %mul3A_189 : i32
          %swap3A_191 = arith.index_cast %mul3A_190 : i32 to index
          %swap3A_192 = tpu.vector_load %arg13[%swap3A_191] {strides = array<i32>} : memref<12288xf32, #tpu.memory_space<vmem>>, vector<16xf32>,
          tpu.vector_store %arg13[%swap3A_191], %broadcast_in_dim3A_3 {strides = array<i32>} : memref<12288xf32, #tpu.memory_space<vmem>>, vector<16xf32>,
        }
        %scan3A_139 = arith.constant 192 : i32
        %get3A_140 = arith.constant 0 : i32
        %get3A_141 = arith.index_cast %get3A_140 : i32 to index
        %get3A_142 = memref.load %arg18[%get3A_141] : memref<4xi32, #tpu.memory_space<smem>>
        %get3A_143 = arith.constant 1 : i32
        %get3A_144 = arith.index_cast %get3A_143 : i32 to index
        %get3A_145 = memref.load %arg18[%get3A_144] : memref<4xi32, #tpu.memory_space<smem>>
        %get3A_146 = arith.constant 2 : i32
        %get3A_147 = arith.index_cast %get3A_146 : i32 to index
        %get3A_148 = memref.load %arg18[%get3A_147] : memref<4xi32, #tpu.memory_space<smem>>
        %scan3A_149 = arith.constant 0 : i32
        %scan3A_150 = arith.constant 0 : i32
        %scan3A_151 = arith.constant 64 : i32
        %scan3A_152 = arith.addi %scan3A_150, %scan3A_151 : i32
        %scan3A_153 = arith.constant 1 : i32
        scf.for %scan3A_161 = %scan3A_150 to %scan3A_152 step %scan3A_153  : i32 {
          %mul3A_162 = arith.constant 4 : i32
          %mul3A_163 = arith.muli %scan3A_161, %mul3A_162 : i32
          %add3A_164 = arith.constant 0 : i32
          %add3A_165 = arith.addi %mul3A_163, %add3A_164 : i32
          %mul3A_166 = arith.constant 16 : i32
          %mul3A_167 = arith.muli %add3A_165, %mul3A_166 : i32
          %get3A_168 = arith.index_cast %mul3A_167 : i32 to index
          %get3A_169 = tpu.vector_load %arg10[%get3A_168] {strides = array<i32>} : memref<4096xi32, #tpu.memory_space<vmem>>, vector<16xi32>,
          %mul3A_170 = arith.constant 16 : i32
          %mul3A_171 = arith.muli %add3A_165, %mul3A_170 : i32
          %get3A_172 = arith.index_cast %mul3A_171 : i32 to index
          %get3A_173 = tpu.vector_load %arg12[%get3A_172] {strides = array<i32>} : memref<4096xf32, #tpu.memory_space<vmem>>, vector<16xf32>,
          %mul3A_174 = arith.constant 16 : i32
          %mul3A_175 = arith.muli %add3A_165, %mul3A_174 : i32
          %add3A_176 = vector.broadcast %mul3A_175 : i32 to vector<16xi32>
          %add3A_177 = arith.addi %add3A_176, %iota3A : vector<16xi32>
          %sub3A_178 = arith.constant 4095 : i32
          %sub3A_179 = vector.broadcast %sub3A_178 : i32 to vector<16xi32>
          %sub3A_180 = arith.subi %sub3A_179, %add3A_177 : vector<16xi32>
          %mul3A_181 = arith.constant 256 : i32
          %mul3A_182 = vector.broadcast %mul3A_181 : i32 to vector<16xi32>
          %mul3A_183 = arith.muli %iota3A, %mul3A_182 : vector<16xi32>
          %shift_right_arithmetic3A = arith.constant 4 : i32
          %shift_right_arithmetic3A_184 = vector.broadcast %shift_right_arithmetic3A : i32 to vector<16xi32>
          %shift_right_arithmetic3A_185 = arith.shrsi %sub3A_180, %shift_right_arithmetic3A_184 : vector<16xi32>
          %add3A_186 = arith.addi %mul3A_183, %shift_right_arithmetic3A_185 : vector<16xi32>
          %eq3A_187 = vector.broadcast %get3A_142 : i32 to vector<16xi32>
          %eq3A_188 = arith.cmpi eq, %get3A_169, %eq3A_187 : vector<16xi32>
          %add3A_189 = arith.constant 0 : i32
          %add3A_190 = vector.broadcast %add3A_189 : i32 to vector<16xi32>
          %add3A_191 = arith.addi %add3A_190, %sub3A_180 : vector<16xi32>
          tpu.vector_store_idx %arg14[%add3A_191], %get3A_173 masked %eq3A_188 {add = true} : memref<12288xf32, #tpu.memory_space<vmem>>[vector<16xi32>], vector<16xf32>, vector<16xi1>
          %add3A_192 = arith.constant 0 : i32
          %add3A_193 = vector.broadcast %add3A_192 : i32 to vector<16xi32>
          %add3A_194 = arith.addi %add3A_193, %add3A_186 : vector<16xi32>
          tpu.vector_store_idx %arg13[%add3A_194], %get3A_173 masked %eq3A_188 {add = true} : memref<12288xf32, #tpu.memory_space<vmem>>[vector<16xi32>], vector<16xf32>, vector<16xi1>
          %eq3A_195 = vector.broadcast %get3A_145 : i32 to vector<16xi32>
          %eq3A_196 = arith.cmpi eq, %get3A_169, %eq3A_195 : vector<16xi32>
          %add3A_197 = arith.constant 4096 : i32
          %add3A_198 = vector.broadcast %add3A_197 : i32 to vector<16xi32>
          %add3A_199 = arith.addi %add3A_198, %sub3A_180 : vector<16xi32>
          tpu.vector_store_idx %arg14[%add3A_199], %get3A_173 masked %eq3A_196 {add = true} : memref<12288xf32, #tpu.memory_space<vmem>>[vector<16xi32>], vector<16xf32>, vector<16xi1>
          %add3A_200 = arith.constant 4096 : i32
          %add3A_201 = vector.broadcast %add3A_200 : i32 to vector<16xi32>
          %add3A_202 = arith.addi %add3A_201, %add3A_186 : vector<16xi32>
          tpu.vector_store_idx %arg13[%add3A_202], %get3A_173 masked %eq3A_196 {add = true} : memref<12288xf32, #tpu.memory_space<vmem>>[vector<16xi32>], vector<16xf32>, vector<16xi1>
          %eq3A_203 = vector.broadcast %get3A_148 : i32 to vector<16xi32>
          %eq3A_204 = arith.cmpi eq, %get3A_169, %eq3A_203 : vector<16xi32>
          %add3A_205 = arith.constant 8192 : i32
          %add3A_206 = vector.broadcast %add3A_205 : i32 to vector<16xi32>
          %add3A_207 = arith.addi %add3A_206, %sub3A_180 : vector<16xi32>
          tpu.vector_store_idx %arg14[%add3A_207], %get3A_173 masked %eq3A_204 {add = true} : memref<12288xf32, #tpu.memory_space<vmem>>[vector<16xi32>], vector<16xf32>, vector<16xi1>
          %add3A_208 = arith.constant 8192 : i32
          %add3A_209 = vector.broadcast %add3A_208 : i32 to vector<16xi32>
          %add3A_210 = arith.addi %add3A_209, %add3A_186 : vector<16xi32>
          tpu.vector_store_idx %arg13[%add3A_210], %get3A_173 masked %eq3A_204 {add = true} : memref<12288xf32, #tpu.memory_space<vmem>>[vector<16xi32>], vector<16xf32>, vector<16xi1>
          %mul3A_211 = arith.constant 4 : i32
          %mul3A_212 = arith.muli %scan3A_161, %mul3A_211 : i32
          %add3A_213 = arith.constant 1 : i32
          %add3A_214 = arith.addi %mul3A_212, %add3A_213 : i32
          %mul3A_215 = arith.constant 16 : i32
          %mul3A_216 = arith.muli %add3A_214, %mul3A_215 : i32
          %get3A_217 = arith.index_cast %mul3A_216 : i32 to index
          %get3A_218 = tpu.vector_load %arg10[%get3A_217] {strides = array<i32>} : memref<4096xi32, #tpu.memory_space<vmem>>, vector<16xi32>,
          %mul3A_219 = arith.constant 16 : i32
          %mul3A_220 = arith.muli %add3A_214, %mul3A_219 : i32
          %get3A_221 = arith.index_cast %mul3A_220 : i32 to index
          %get3A_222 = tpu.vector_load %arg12[%get3A_221] {strides = array<i32>} : memref<4096xf32, #tpu.memory_space<vmem>>, vector<16xf32>,
          %mul3A_223 = arith.constant 16 : i32
          %mul3A_224 = arith.muli %add3A_214, %mul3A_223 : i32
          %add3A_225 = vector.broadcast %mul3A_224 : i32 to vector<16xi32>
          %add3A_226 = arith.addi %add3A_225, %iota3A : vector<16xi32>
          %sub3A_227 = arith.constant 4095 : i32
          %sub3A_228 = vector.broadcast %sub3A_227 : i32 to vector<16xi32>
          %sub3A_229 = arith.subi %sub3A_228, %add3A_226 : vector<16xi32>
          %mul3A_230 = arith.constant 256 : i32
          %mul3A_231 = vector.broadcast %mul3A_230 : i32 to vector<16xi32>
          %mul3A_232 = arith.muli %iota3A, %mul3A_231 : vector<16xi32>
          %shift_right_arithmetic3A_233 = arith.constant 4 : i32
          %shift_right_arithmetic3A_234 = vector.broadcast %shift_right_arithmetic3A_233 : i32 to vector<16xi32>
          %shift_right_arithmetic3A_235 = arith.shrsi %sub3A_229, %shift_right_arithmetic3A_234 : vector<16xi32>
          %add3A_236 = arith.addi %mul3A_232, %shift_right_arithmetic3A_235 : vector<16xi32>
          %eq3A_237 = vector.broadcast %get3A_142 : i32 to vector<16xi32>
          %eq3A_238 = arith.cmpi eq, %get3A_218, %eq3A_237 : vector<16xi32>
          %add3A_239 = arith.constant 0 : i32
          %add3A_240 = vector.broadcast %add3A_239 : i32 to vector<16xi32>
          %add3A_241 = arith.addi %add3A_240, %sub3A_229 : vector<16xi32>
          tpu.vector_store_idx %arg14[%add3A_241], %get3A_222 masked %eq3A_238 {add = true} : memref<12288xf32, #tpu.memory_space<vmem>>[vector<16xi32>], vector<16xf32>, vector<16xi1>
          %add3A_242 = arith.constant 0 : i32
          %add3A_243 = vector.broadcast %add3A_242 : i32 to vector<16xi32>
          %add3A_244 = arith.addi %add3A_243, %add3A_236 : vector<16xi32>
          tpu.vector_store_idx %arg13[%add3A_244], %get3A_222 masked %eq3A_238 {add = true} : memref<12288xf32, #tpu.memory_space<vmem>>[vector<16xi32>], vector<16xf32>, vector<16xi1>
          %eq3A_245 = vector.broadcast %get3A_145 : i32 to vector<16xi32>
          %eq3A_246 = arith.cmpi eq, %get3A_218, %eq3A_245 : vector<16xi32>
          %add3A_247 = arith.constant 4096 : i32
          %add3A_248 = vector.broadcast %add3A_247 : i32 to vector<16xi32>
          %add3A_249 = arith.addi %add3A_248, %sub3A_229 : vector<16xi32>
          tpu.vector_store_idx %arg14[%add3A_249], %get3A_222 masked %eq3A_246 {add = true} : memref<12288xf32, #tpu.memory_space<vmem>>[vector<16xi32>], vector<16xf32>, vector<16xi1>
          %add3A_250 = arith.constant 4096 : i32
          %add3A_251 = vector.broadcast %add3A_250 : i32 to vector<16xi32>
          %add3A_252 = arith.addi %add3A_251, %add3A_236 : vector<16xi32>
          tpu.vector_store_idx %arg13[%add3A_252], %get3A_222 masked %eq3A_246 {add = true} : memref<12288xf32, #tpu.memory_space<vmem>>[vector<16xi32>], vector<16xf32>, vector<16xi1>
          %eq3A_253 = vector.broadcast %get3A_148 : i32 to vector<16xi32>
          %eq3A_254 = arith.cmpi eq, %get3A_218, %eq3A_253 : vector<16xi32>
          %add3A_255 = arith.constant 8192 : i32
          %add3A_256 = vector.broadcast %add3A_255 : i32 to vector<16xi32>
          %add3A_257 = arith.addi %add3A_256, %sub3A_229 : vector<16xi32>
          tpu.vector_store_idx %arg14[%add3A_257], %get3A_222 masked %eq3A_254 {add = true} : memref<12288xf32, #tpu.memory_space<vmem>>[vector<16xi32>], vector<16xf32>, vector<16xi1>
          %add3A_258 = arith.constant 8192 : i32
          %add3A_259 = vector.broadcast %add3A_258 : i32 to vector<16xi32>
          %add3A_260 = arith.addi %add3A_259, %add3A_236 : vector<16xi32>
          tpu.vector_store_idx %arg13[%add3A_260], %get3A_222 masked %eq3A_254 {add = true} : memref<12288xf32, #tpu.memory_space<vmem>>[vector<16xi32>], vector<16xf32>, vector<16xi1>
          %mul3A_261 = arith.constant 4 : i32
          %mul3A_262 = arith.muli %scan3A_161, %mul3A_261 : i32
          %add3A_263 = arith.constant 2 : i32
          %add3A_264 = arith.addi %mul3A_262, %add3A_263 : i32
          %mul3A_265 = arith.constant 16 : i32
          %mul3A_266 = arith.muli %add3A_264, %mul3A_265 : i32
          %get3A_267 = arith.index_cast %mul3A_266 : i32 to index
          %get3A_268 = tpu.vector_load %arg10[%get3A_267] {strides = array<i32>} : memref<4096xi32, #tpu.memory_space<vmem>>, vector<16xi32>,
          %mul3A_269 = arith.constant 16 : i32
          %mul3A_270 = arith.muli %add3A_264, %mul3A_269 : i32
          %get3A_271 = arith.index_cast %mul3A_270 : i32 to index
          %get3A_272 = tpu.vector_load %arg12[%get3A_271] {strides = array<i32>} : memref<4096xf32, #tpu.memory_space<vmem>>, vector<16xf32>,
          %mul3A_273 = arith.constant 16 : i32
          %mul3A_274 = arith.muli %add3A_264, %mul3A_273 : i32
          %add3A_275 = vector.broadcast %mul3A_274 : i32 to vector<16xi32>
          %add3A_276 = arith.addi %add3A_275, %iota3A : vector<16xi32>
          %sub3A_277 = arith.constant 4095 : i32
          %sub3A_278 = vector.broadcast %sub3A_277 : i32 to vector<16xi32>
          %sub3A_279 = arith.subi %sub3A_278, %add3A_276 : vector<16xi32>
          %mul3A_280 = arith.constant 256 : i32
          %mul3A_281 = vector.broadcast %mul3A_280 : i32 to vector<16xi32>
          %mul3A_282 = arith.muli %iota3A, %mul3A_281 : vector<16xi32>
          %shift_right_arithmetic3A_283 = arith.constant 4 : i32
          %shift_right_arithmetic3A_284 = vector.broadcast %shift_right_arithmetic3A_283 : i32 to vector<16xi32>
          %shift_right_arithmetic3A_285 = arith.shrsi %sub3A_279, %shift_right_arithmetic3A_284 : vector<16xi32>
          %add3A_286 = arith.addi %mul3A_282, %shift_right_arithmetic3A_285 : vector<16xi32>
          %eq3A_287 = vector.broadcast %get3A_142 : i32 to vector<16xi32>
          %eq3A_288 = arith.cmpi eq, %get3A_268, %eq3A_287 : vector<16xi32>
          %add3A_289 = arith.constant 0 : i32
          %add3A_290 = vector.broadcast %add3A_289 : i32 to vector<16xi32>
          %add3A_291 = arith.addi %add3A_290, %sub3A_279 : vector<16xi32>
          tpu.vector_store_idx %arg14[%add3A_291], %get3A_272 masked %eq3A_288 {add = true} : memref<12288xf32, #tpu.memory_space<vmem>>[vector<16xi32>], vector<16xf32>, vector<16xi1>
          %add3A_292 = arith.constant 0 : i32
          %add3A_293 = vector.broadcast %add3A_292 : i32 to vector<16xi32>
          %add3A_294 = arith.addi %add3A_293, %add3A_286 : vector<16xi32>
          tpu.vector_store_idx %arg13[%add3A_294], %get3A_272 masked %eq3A_288 {add = true} : memref<12288xf32, #tpu.memory_space<vmem>>[vector<16xi32>], vector<16xf32>, vector<16xi1>
          %eq3A_295 = vector.broadcast %get3A_145 : i32 to vector<16xi32>
          %eq3A_296 = arith.cmpi eq, %get3A_268, %eq3A_295 : vector<16xi32>
          %add3A_297 = arith.constant 4096 : i32
          %add3A_298 = vector.broadcast %add3A_297 : i32 to vector<16xi32>
          %add3A_299 = arith.addi %add3A_298, %sub3A_279 : vector<16xi32>
          tpu.vector_store_idx %arg14[%add3A_299], %get3A_272 masked %eq3A_296 {add = true} : memref<12288xf32, #tpu.memory_space<vmem>>[vector<16xi32>], vector<16xf32>, vector<16xi1>
          %add3A_300 = arith.constant 4096 : i32
          %add3A_301 = vector.broadcast %add3A_300 : i32 to vector<16xi32>
          %add3A_302 = arith.addi %add3A_301, %add3A_286 : vector<16xi32>
          tpu.vector_store_idx %arg13[%add3A_302], %get3A_272 masked %eq3A_296 {add = true} : memref<12288xf32, #tpu.memory_space<vmem>>[vector<16xi32>], vector<16xf32>, vector<16xi1>
          %eq3A_303 = vector.broadcast %get3A_148 : i32 to vector<16xi32>
          %eq3A_304 = arith.cmpi eq, %get3A_268, %eq3A_303 : vector<16xi32>
          %add3A_305 = arith.constant 8192 : i32
          %add3A_306 = vector.broadcast %add3A_305 : i32 to vector<16xi32>
          %add3A_307 = arith.addi %add3A_306, %sub3A_279 : vector<16xi32>
          tpu.vector_store_idx %arg14[%add3A_307], %get3A_272 masked %eq3A_304 {add = true} : memref<12288xf32, #tpu.memory_space<vmem>>[vector<16xi32>], vector<16xf32>, vector<16xi1>
          %add3A_308 = arith.constant 8192 : i32
          %add3A_309 = vector.broadcast %add3A_308 : i32 to vector<16xi32>
          %add3A_310 = arith.addi %add3A_309, %add3A_286 : vector<16xi32>
          tpu.vector_store_idx %arg13[%add3A_310], %get3A_272 masked %eq3A_304 {add = true} : memref<12288xf32, #tpu.memory_space<vmem>>[vector<16xi32>], vector<16xf32>, vector<16xi1>
          %mul3A_311 = arith.constant 4 : i32
          %mul3A_312 = arith.muli %scan3A_161, %mul3A_311 : i32
          %add3A_313 = arith.constant 3 : i32
          %add3A_314 = arith.addi %mul3A_312, %add3A_313 : i32
          %mul3A_315 = arith.constant 16 : i32
          %mul3A_316 = arith.muli %add3A_314, %mul3A_315 : i32
          %get3A_317 = arith.index_cast %mul3A_316 : i32 to index
          %get3A_318 = tpu.vector_load %arg10[%get3A_317] {strides = array<i32>} : memref<4096xi32, #tpu.memory_space<vmem>>, vector<16xi32>,
          %mul3A_319 = arith.constant 16 : i32
          %mul3A_320 = arith.muli %add3A_314, %mul3A_319 : i32
          %get3A_321 = arith.index_cast %mul3A_320 : i32 to index
          %get3A_322 = tpu.vector_load %arg12[%get3A_321] {strides = array<i32>} : memref<4096xf32, #tpu.memory_space<vmem>>, vector<16xf32>,
          %mul3A_323 = arith.constant 16 : i32
          %mul3A_324 = arith.muli %add3A_314, %mul3A_323 : i32
          %add3A_325 = vector.broadcast %mul3A_324 : i32 to vector<16xi32>
          %add3A_326 = arith.addi %add3A_325, %iota3A : vector<16xi32>
          %sub3A_327 = arith.constant 4095 : i32
          %sub3A_328 = vector.broadcast %sub3A_327 : i32 to vector<16xi32>
          %sub3A_329 = arith.subi %sub3A_328, %add3A_326 : vector<16xi32>
          %mul3A_330 = arith.constant 256 : i32
          %mul3A_331 = vector.broadcast %mul3A_330 : i32 to vector<16xi32>
          %mul3A_332 = arith.muli %iota3A, %mul3A_331 : vector<16xi32>
          %shift_right_arithmetic3A_333 = arith.constant 4 : i32
          %shift_right_arithmetic3A_334 = vector.broadcast %shift_right_arithmetic3A_333 : i32 to vector<16xi32>
          %shift_right_arithmetic3A_335 = arith.shrsi %sub3A_329, %shift_right_arithmetic3A_334 : vector<16xi32>
          %add3A_336 = arith.addi %mul3A_332, %shift_right_arithmetic3A_335 : vector<16xi32>
          %eq3A_337 = vector.broadcast %get3A_142 : i32 to vector<16xi32>
          %eq3A_338 = arith.cmpi eq, %get3A_318, %eq3A_337 : vector<16xi32>
          %add3A_339 = arith.constant 0 : i32
          %add3A_340 = vector.broadcast %add3A_339 : i32 to vector<16xi32>
          %add3A_341 = arith.addi %add3A_340, %sub3A_329 : vector<16xi32>
          tpu.vector_store_idx %arg14[%add3A_341], %get3A_322 masked %eq3A_338 {add = true} : memref<12288xf32, #tpu.memory_space<vmem>>[vector<16xi32>], vector<16xf32>, vector<16xi1>
          %add3A_342 = arith.constant 0 : i32
          %add3A_343 = vector.broadcast %add3A_342 : i32 to vector<16xi32>
          %add3A_344 = arith.addi %add3A_343, %add3A_336 : vector<16xi32>
          tpu.vector_store_idx %arg13[%add3A_344], %get3A_322 masked %eq3A_338 {add = true} : memref<12288xf32, #tpu.memory_space<vmem>>[vector<16xi32>], vector<16xf32>, vector<16xi1>
          %eq3A_345 = vector.broadcast %get3A_145 : i32 to vector<16xi32>
          %eq3A_346 = arith.cmpi eq, %get3A_318, %eq3A_345 : vector<16xi32>
          %add3A_347 = arith.constant 4096 : i32
          %add3A_348 = vector.broadcast %add3A_347 : i32 to vector<16xi32>
          %add3A_349 = arith.addi %add3A_348, %sub3A_329 : vector<16xi32>
          tpu.vector_store_idx %arg14[%add3A_349], %get3A_322 masked %eq3A_346 {add = true} : memref<12288xf32, #tpu.memory_space<vmem>>[vector<16xi32>], vector<16xf32>, vector<16xi1>
          %add3A_350 = arith.constant 4096 : i32
          %add3A_351 = vector.broadcast %add3A_350 : i32 to vector<16xi32>
          %add3A_352 = arith.addi %add3A_351, %add3A_336 : vector<16xi32>
          tpu.vector_store_idx %arg13[%add3A_352], %get3A_322 masked %eq3A_346 {add = true} : memref<12288xf32, #tpu.memory_space<vmem>>[vector<16xi32>], vector<16xf32>, vector<16xi1>
          %eq3A_353 = vector.broadcast %get3A_148 : i32 to vector<16xi32>
          %eq3A_354 = arith.cmpi eq, %get3A_318, %eq3A_353 : vector<16xi32>
          %add3A_355 = arith.constant 8192 : i32
          %add3A_356 = vector.broadcast %add3A_355 : i32 to vector<16xi32>
          %add3A_357 = arith.addi %add3A_356, %sub3A_329 : vector<16xi32>
          tpu.vector_store_idx %arg14[%add3A_357], %get3A_322 masked %eq3A_354 {add = true} : memref<12288xf32, #tpu.memory_space<vmem>>[vector<16xi32>], vector<16xf32>, vector<16xi1>
          %add3A_358 = arith.constant 8192 : i32
          %add3A_359 = vector.broadcast %add3A_358 : i32 to vector<16xi32>
          %add3A_360 = arith.addi %add3A_359, %add3A_336 : vector<16xi32>
          tpu.vector_store_idx %arg13[%add3A_360], %get3A_322 masked %eq3A_354 {add = true} : memref<12288xf32, #tpu.memory_space<vmem>>[vector<16xi32>], vector<16xf32>, vector<16xi1>
        }
        %scan3A_154 = arith.constant 64 : i32
        %scan3A_155 = arith.constant 0 : i32
        %scan3A_156 = arith.constant 0 : i32
        %scan3A_157 = arith.constant 3 : i32
        %scan3A_158 = arith.addi %scan3A_156, %scan3A_157 : i32
        %scan3A_159 = arith.constant 1 : i32
        scf.for %scan3A_161 = %scan3A_156 to %scan3A_158 step %scan3A_159  : i32 {
          %mul3A_162 = arith.constant 4096 : i32
          %mul3A_163 = arith.muli %scan3A_161, %mul3A_162 : i32
          %scan3A_164 = arith.constant 0.000000e+00 : f32
          %scan3A_165 = arith.constant 0 : i32
          %scan3A_166 = arith.constant 16 : i32
          %scan3A_167 = arith.addi %scan3A_165, %scan3A_166 : i32
          %scan3A_168 = arith.constant 1 : i32
          %scan3A_169:2 = scf.for %scan3A_309 = %scan3A_165 to %scan3A_167 step %scan3A_168 iter_args(%scan3A_310 = %scan3A_164, %scan3A_311 = %broadcast_in_dim3A_3) -> (f32, vector<16xf32>)  : i32 {
            %mul3A_312 = arith.constant 16 : i32
            %mul3A_313 = arith.muli %scan3A_309, %mul3A_312 : i32
            %add3A_314 = arith.addi %mul3A_163, %mul3A_313 : i32
            %get3A_315 = arith.index_cast %add3A_314 : i32 to index
            %get3A_316 = tpu.vector_load %arg13[%get3A_315] {strides = array<i32>} : memref<12288xf32, #tpu.memory_space<vmem>>, vector<16xf32>,
            %add3A_317 = arith.constant 256 : i32
            %add3A_318 = arith.addi %mul3A_163, %add3A_317 : i32
            %mul3A_319 = arith.constant 16 : i32
            %mul3A_320 = arith.muli %scan3A_309, %mul3A_319 : i32
            %add3A_321 = arith.addi %add3A_318, %mul3A_320 : i32
            %get3A_322 = arith.index_cast %add3A_321 : i32 to index
            %get3A_323 = tpu.vector_load %arg13[%get3A_322] {strides = array<i32>} : memref<12288xf32, #tpu.memory_space<vmem>>, vector<16xf32>,
            %add3A_324 = arith.addf %get3A_316, %get3A_323 : vector<16xf32>
            %add3A_325 = arith.constant 512 : i32
            %add3A_326 = arith.addi %mul3A_163, %add3A_325 : i32
            %mul3A_327 = arith.constant 16 : i32
            %mul3A_328 = arith.muli %scan3A_309, %mul3A_327 : i32
            %add3A_329 = arith.addi %add3A_326, %mul3A_328 : i32
            %get3A_330 = arith.index_cast %add3A_329 : i32 to index
            %get3A_331 = tpu.vector_load %arg13[%get3A_330] {strides = array<i32>} : memref<12288xf32, #tpu.memory_space<vmem>>, vector<16xf32>,
            %add3A_332 = arith.addf %add3A_324, %get3A_331 : vector<16xf32>
            %add3A_333 = arith.constant 768 : i32
            %add3A_334 = arith.addi %mul3A_163, %add3A_333 : i32
            %mul3A_335 = arith.constant 16 : i32
            %mul3A_336 = arith.muli %scan3A_309, %mul3A_335 : i32
            %add3A_337 = arith.addi %add3A_334, %mul3A_336 : i32
            %get3A_338 = arith.index_cast %add3A_337 : i32 to index
            %get3A_339 = tpu.vector_load %arg13[%get3A_338] {strides = array<i32>} : memref<12288xf32, #tpu.memory_space<vmem>>, vector<16xf32>,
            %add3A_340 = arith.addf %add3A_332, %get3A_339 : vector<16xf32>
            %add3A_341 = arith.constant 1024 : i32
            %add3A_342 = arith.addi %mul3A_163, %add3A_341 : i32
            %mul3A_343 = arith.constant 16 : i32
            %mul3A_344 = arith.muli %scan3A_309, %mul3A_343 : i32
            %add3A_345 = arith.addi %add3A_342, %mul3A_344 : i32
            %get3A_346 = arith.index_cast %add3A_345 : i32 to index
            %get3A_347 = tpu.vector_load %arg13[%get3A_346] {strides = array<i32>} : memref<12288xf32, #tpu.memory_space<vmem>>, vector<16xf32>,
            %add3A_348 = arith.addf %add3A_340, %get3A_347 : vector<16xf32>
            %add3A_349 = arith.constant 1280 : i32
            %add3A_350 = arith.addi %mul3A_163, %add3A_349 : i32
            %mul3A_351 = arith.constant 16 : i32
            %mul3A_352 = arith.muli %scan3A_309, %mul3A_351 : i32
            %add3A_353 = arith.addi %add3A_350, %mul3A_352 : i32
            %get3A_354 = arith.index_cast %add3A_353 : i32 to index
            %get3A_355 = tpu.vector_load %arg13[%get3A_354] {strides = array<i32>} : memref<12288xf32, #tpu.memory_space<vmem>>, vector<16xf32>,
            %add3A_356 = arith.addf %add3A_348, %get3A_355 : vector<16xf32>
            %add3A_357 = arith.constant 1536 : i32
            %add3A_358 = arith.addi %mul3A_163, %add3A_357 : i32
            %mul3A_359 = arith.constant 16 : i32
            %mul3A_360 = arith.muli %scan3A_309, %mul3A_359 : i32
            %add3A_361 = arith.addi %add3A_358, %mul3A_360 : i32
            %get3A_362 = arith.index_cast %add3A_361 : i32 to index
            %get3A_363 = tpu.vector_load %arg13[%get3A_362] {strides = array<i32>} : memref<12288xf32, #tpu.memory_space<vmem>>, vector<16xf32>,
            %add3A_364 = arith.addf %add3A_356, %get3A_363 : vector<16xf32>
            %add3A_365 = arith.constant 1792 : i32
            %add3A_366 = arith.addi %mul3A_163, %add3A_365 : i32
            %mul3A_367 = arith.constant 16 : i32
            %mul3A_368 = arith.muli %scan3A_309, %mul3A_367 : i32
            %add3A_369 = arith.addi %add3A_366, %mul3A_368 : i32
            %get3A_370 = arith.index_cast %add3A_369 : i32 to index
            %get3A_371 = tpu.vector_load %arg13[%get3A_370] {strides = array<i32>} : memref<12288xf32, #tpu.memory_space<vmem>>, vector<16xf32>,
            %add3A_372 = arith.addf %add3A_364, %get3A_371 : vector<16xf32>
            %add3A_373 = arith.constant 2048 : i32
            %add3A_374 = arith.addi %mul3A_163, %add3A_373 : i32
            %mul3A_375 = arith.constant 16 : i32
            %mul3A_376 = arith.muli %scan3A_309, %mul3A_375 : i32
            %add3A_377 = arith.addi %add3A_374, %mul3A_376 : i32
            %get3A_378 = arith.index_cast %add3A_377 : i32 to index
            %get3A_379 = tpu.vector_load %arg13[%get3A_378] {strides = array<i32>} : memref<12288xf32, #tpu.memory_space<vmem>>, vector<16xf32>,
            %add3A_380 = arith.addf %add3A_372, %get3A_379 : vector<16xf32>
            %add3A_381 = arith.constant 2304 : i32
            %add3A_382 = arith.addi %mul3A_163, %add3A_381 : i32
            %mul3A_383 = arith.constant 16 : i32
            %mul3A_384 = arith.muli %scan3A_309, %mul3A_383 : i32
            %add3A_385 = arith.addi %add3A_382, %mul3A_384 : i32
            %get3A_386 = arith.index_cast %add3A_385 : i32 to index
            %get3A_387 = tpu.vector_load %arg13[%get3A_386] {strides = array<i32>} : memref<12288xf32, #tpu.memory_space<vmem>>, vector<16xf32>,
            %add3A_388 = arith.addf %add3A_380, %get3A_387 : vector<16xf32>
            %add3A_389 = arith.constant 2560 : i32
            %add3A_390 = arith.addi %mul3A_163, %add3A_389 : i32
            %mul3A_391 = arith.constant 16 : i32
            %mul3A_392 = arith.muli %scan3A_309, %mul3A_391 : i32
            %add3A_393 = arith.addi %add3A_390, %mul3A_392 : i32
            %get3A_394 = arith.index_cast %add3A_393 : i32 to index
            %get3A_395 = tpu.vector_load %arg13[%get3A_394] {strides = array<i32>} : memref<12288xf32, #tpu.memory_space<vmem>>, vector<16xf32>,
            %add3A_396 = arith.addf %add3A_388, %get3A_395 : vector<16xf32>
            %add3A_397 = arith.constant 2816 : i32
            %add3A_398 = arith.addi %mul3A_163, %add3A_397 : i32
            %mul3A_399 = arith.constant 16 : i32
            %mul3A_400 = arith.muli %scan3A_309, %mul3A_399 : i32
            %add3A_401 = arith.addi %add3A_398, %mul3A_400 : i32
            %get3A_402 = arith.index_cast %add3A_401 : i32 to index
            %get3A_403 = tpu.vector_load %arg13[%get3A_402] {strides = array<i32>} : memref<12288xf32, #tpu.memory_space<vmem>>, vector<16xf32>,
            %add3A_404 = arith.addf %add3A_396, %get3A_403 : vector<16xf32>
            %add3A_405 = arith.constant 3072 : i32
            %add3A_406 = arith.addi %mul3A_163, %add3A_405 : i32
            %mul3A_407 = arith.constant 16 : i32
            %mul3A_408 = arith.muli %scan3A_309, %mul3A_407 : i32
            %add3A_409 = arith.addi %add3A_406, %mul3A_408 : i32
            %get3A_410 = arith.index_cast %add3A_409 : i32 to index
            %get3A_411 = tpu.vector_load %arg13[%get3A_410] {strides = array<i32>} : memref<12288xf32, #tpu.memory_space<vmem>>, vector<16xf32>,
            %add3A_412 = arith.addf %add3A_404, %get3A_411 : vector<16xf32>
            %add3A_413 = arith.constant 3328 : i32
            %add3A_414 = arith.addi %mul3A_163, %add3A_413 : i32
            %mul3A_415 = arith.constant 16 : i32
            %mul3A_416 = arith.muli %scan3A_309, %mul3A_415 : i32
            %add3A_417 = arith.addi %add3A_414, %mul3A_416 : i32
            %get3A_418 = arith.index_cast %add3A_417 : i32 to index
            %get3A_419 = tpu.vector_load %arg13[%get3A_418] {strides = array<i32>} : memref<12288xf32, #tpu.memory_space<vmem>>, vector<16xf32>,
            %add3A_420 = arith.addf %add3A_412, %get3A_419 : vector<16xf32>
            %add3A_421 = arith.constant 3584 : i32
            %add3A_422 = arith.addi %mul3A_163, %add3A_421 : i32
            %mul3A_423 = arith.constant 16 : i32
            %mul3A_424 = arith.muli %scan3A_309, %mul3A_423 : i32
            %add3A_425 = arith.addi %add3A_422, %mul3A_424 : i32
            %get3A_426 = arith.index_cast %add3A_425 : i32 to index
            %get3A_427 = tpu.vector_load %arg13[%get3A_426] {strides = array<i32>} : memref<12288xf32, #tpu.memory_space<vmem>>, vector<16xf32>,
            %add3A_428 = arith.addf %add3A_420, %get3A_427 : vector<16xf32>
            %add3A_429 = arith.constant 3840 : i32
            %add3A_430 = arith.addi %mul3A_163, %add3A_429 : i32
            %mul3A_431 = arith.constant 16 : i32
            %mul3A_432 = arith.muli %scan3A_309, %mul3A_431 : i32
            %add3A_433 = arith.addi %add3A_430, %mul3A_432 : i32
            %get3A_434 = arith.index_cast %add3A_433 : i32 to index
            %get3A_435 = tpu.vector_load %arg13[%get3A_434] {strides = array<i32>} : memref<12288xf32, #tpu.memory_space<vmem>>, vector<16xf32>,
            %add3A_436 = arith.addf %add3A_428, %get3A_435 : vector<16xf32>
            %mul3A_437 = arith.constant 16 : i32
            %mul3A_438 = arith.muli %scan3A_309, %mul3A_437 : i32
            %swap3A_439 = arith.index_cast %mul3A_438 : i32 to index
            %swap3A_440 = tpu.vector_load %arg15[%swap3A_439] {strides = array<i32>} : memref<256xf32, #tpu.memory_space<vmem>>, vector<16xf32>,
            tpu.vector_store %arg15[%swap3A_439], %add3A_436 {strides = array<i32>} : memref<256xf32, #tpu.memory_space<vmem>>, vector<16xf32>,
            %reduce_sum3A_441 = arith.constant true
            %reduce_sum3A_442 = vector.broadcast %reduce_sum3A_441 : i1 to vector<16xi1>
            %reduce_sum3A_443 = tpu.scan <sum>, %add3A_436 masked %reduce_sum3A_442 : vector<16xf32>, vector<16xi1> -> vector<16xf32>
            %reduce_sum3A_444 = vector.extract %reduce_sum3A_443[15] : f32 from vector<16xf32>
            %add3A_445 = arith.addf %scan3A_310, %reduce_sum3A_444 : f32
            %eq3A_446 = vector.broadcast %scan3A_309 : i32 to vector<16xi32>
            %eq3A_447 = arith.cmpi eq, %iota3A, %eq3A_446 : vector<16xi32>
            %broadcast_in_dim3A_448 = vector.broadcast %reduce_sum3A_444 : f32 to vector<16xf32>
            %select_n3A_449 = arith.select %eq3A_447, %broadcast_in_dim3A_448, %scan3A_311 : vector<16xi1>, vector<16xf32>
            scf.yield %add3A_445, %select_n3A_449 : f32, vector<16xf32>
          }
          %scan3A_170 = arith.constant 16 : i32
          %get3A_171 = arith.index_cast %scan3A_161 : i32 to index
          %get3A_172 = memref.load %arg19[%get3A_171] : memref<4xf32, #tpu.memory_space<smem>>
          %sub3A_173 = arith.subf %scan3A_169#0, %get3A_172 : f32
          %broadcast_in_dim3A_174 = arith.constant true
          %broadcast_in_dim3A_175 = vector.broadcast %broadcast_in_dim3A_174 : i1 to vector<16xi1>
          %masked_cumsum3A = tpu.scan <sum>, %scan3A_169#1 masked %broadcast_in_dim3A_175 : vector<16xf32>, vector<16xi1> -> vector<16xf32>
          %ge3A = vector.broadcast %sub3A_173 : f32 to vector<16xf32>
          %ge3A_176 = arith.cmpf oge, %masked_cumsum3A, %ge3A : vector<16xf32>
          %jit3A_177 = arith.constant 16 : i32
          %broadcast_in_dim3A_178 = vector.broadcast %jit3A_177 : i32 to vector<16xi32>
          %select_n3A_179 = arith.select %ge3A_176, %iota3A, %broadcast_in_dim3A_178 : vector<16xi1>, vector<16xi32>
          %reduce_min3A = arith.constant true
          %reduce_min3A_180 = vector.broadcast %reduce_min3A : i1 to vector<16xi1>
          %reduce_min3A_181 = arith.constant -2147483648 : i32
          %reduce_min3A_182 = vector.broadcast %reduce_min3A_181 : i32 to vector<16xi32>
          %reduce_min3A_183 = arith.xori %select_n3A_179, %reduce_min3A_182 : vector<16xi32>
          %reduce_min3A_184 = tpu.scan <min>, %reduce_min3A_183 masked %reduce_min3A_180 : vector<16xi32>, vector<16xi1> -> vector<16xi32>
          %reduce_min3A_185 = arith.xori %reduce_min3A_184, %reduce_min3A_182 : vector<16xi32>
          %reduce_min3A_186 = vector.extract %reduce_min3A_185[15] : i32 from vector<16xi32>
          %lt3A_187 = arith.constant 16 : i32
          %lt3A_188 = arith.cmpi slt, %reduce_min3A_186, %lt3A_187 : i32
          %jit3A_189 = arith.constant 0 : i32
          %select_n3A_190 = arith.select %lt3A_188, %reduce_min3A_186, %jit3A_189 : i32
          %eq3A_191 = vector.broadcast %select_n3A_190 : i32 to vector<16xi32>
          %eq3A_192 = arith.cmpi eq, %iota3A, %eq3A_191 : vector<16xi32>
          %sub3A_193 = arith.subf %masked_cumsum3A, %scan3A_169#1 : vector<16xf32>
          %jit3A_194 = arith.constant 0.000000e+00 : f32
          %broadcast_in_dim3A_195 = vector.broadcast %jit3A_194 : f32 to vector<16xf32>
          %select_n3A_196 = arith.select %eq3A_192, %sub3A_193, %broadcast_in_dim3A_195 : vector<16xi1>, vector<16xf32>
          %reduce_sum3A_197 = arith.constant true
          %reduce_sum3A_198 = vector.broadcast %reduce_sum3A_197 : i1 to vector<16xi1>
          %reduce_sum3A_199 = tpu.scan <sum>, %select_n3A_196 masked %reduce_sum3A_198 : vector<16xf32>, vector<16xi1> -> vector<16xf32>
          %reduce_sum3A_200 = vector.extract %reduce_sum3A_199[15] : f32 from vector<16xf32>
          %mul3A_201 = arith.constant 16 : i32
          %mul3A_202 = arith.muli %select_n3A_190, %mul3A_201 : i32
          %get3A_203 = arith.index_cast %mul3A_202 : i32 to index
          %get3A_204 = tpu.vector_load %arg15[%get3A_203] {strides = array<i32>} : memref<256xf32, #tpu.memory_space<vmem>>, vector<16xf32>,
          %broadcast_in_dim3A_205 = arith.constant true
          %broadcast_in_dim3A_206 = vector.broadcast %broadcast_in_dim3A_205 : i1 to vector<16xi1>
          %masked_cumsum3A_207 = tpu.scan <sum>, %get3A_204 masked %broadcast_in_dim3A_206 : vector<16xf32>, vector<16xi1> -> vector<16xf32>
          %add3A_208 = vector.broadcast %reduce_sum3A_200 : f32 to vector<16xf32>
          %add3A_209 = arith.addf %masked_cumsum3A_207, %add3A_208 : vector<16xf32>
          %ge3A_210 = vector.broadcast %sub3A_173 : f32 to vector<16xf32>
          %ge3A_211 = arith.cmpf oge, %add3A_209, %ge3A_210 : vector<16xf32>
          %jit3A_212 = arith.constant 16 : i32
          %broadcast_in_dim3A_213 = vector.broadcast %jit3A_212 : i32 to vector<16xi32>
          %select_n3A_214 = arith.select %ge3A_211, %iota3A, %broadcast_in_dim3A_213 : vector<16xi1>, vector<16xi32>
          %reduce_min3A_215 = arith.constant true
          %reduce_min3A_216 = vector.broadcast %reduce_min3A_215 : i1 to vector<16xi1>
          %reduce_min3A_217 = arith.constant -2147483648 : i32
          %reduce_min3A_218 = vector.broadcast %reduce_min3A_217 : i32 to vector<16xi32>
          %reduce_min3A_219 = arith.xori %select_n3A_214, %reduce_min3A_218 : vector<16xi32>
          %reduce_min3A_220 = tpu.scan <min>, %reduce_min3A_219 masked %reduce_min3A_216 : vector<16xi32>, vector<16xi1> -> vector<16xi32>
          %reduce_min3A_221 = arith.xori %reduce_min3A_220, %reduce_min3A_218 : vector<16xi32>
          %reduce_min3A_222 = vector.extract %reduce_min3A_221[15] : i32 from vector<16xi32>
          %lt3A_223 = arith.constant 16 : i32
          %lt3A_224 = arith.cmpi slt, %reduce_min3A_222, %lt3A_223 : i32
          %jit3A_225 = arith.constant 0 : i32
          %select_n3A_226 = arith.select %lt3A_224, %reduce_min3A_222, %jit3A_225 : i32
          %mul3A_227 = arith.constant 16 : i32
          %mul3A_228 = arith.muli %select_n3A_190, %mul3A_227 : i32
          %add3A_229 = arith.addi %mul3A_228, %select_n3A_226 : i32
          %jit3A_230 = arith.constant 256 : i32
          %select_n3A_231 = arith.select %lt3A_188, %add3A_229, %jit3A_230 : i32
          %eq3A_232 = vector.broadcast %select_n3A_226 : i32 to vector<16xi32>
          %eq3A_233 = arith.cmpi eq, %iota3A, %eq3A_232 : vector<16xi32>
          %jit3A_234 = arith.constant 0.000000e+00 : f32
          %broadcast_in_dim3A_235 = vector.broadcast %jit3A_234 : f32 to vector<16xf32>
          %select_n3A_236 = arith.select %eq3A_233, %add3A_209, %broadcast_in_dim3A_235 : vector<16xi1>, vector<16xf32>
          %reduce_sum3A_237 = arith.constant true
          %reduce_sum3A_238 = vector.broadcast %reduce_sum3A_237 : i1 to vector<16xi1>
          %reduce_sum3A_239 = tpu.scan <sum>, %select_n3A_236 masked %reduce_sum3A_238 : vector<16xf32>, vector<16xi1> -> vector<16xf32>
          %reduce_sum3A_240 = vector.extract %reduce_sum3A_239[15] : f32 from vector<16xf32>
          %jit3A_241 = arith.constant 0.000000e+00 : f32
          %select_n3A_242 = arith.select %lt3A_188, %reduce_sum3A_240, %jit3A_241 : f32
          %eq3A_243 = vector.broadcast %select_n3A_226 : i32 to vector<16xi32>
          %eq3A_244 = arith.cmpi eq, %iota3A, %eq3A_243 : vector<16xi32>
          %jit3A_245 = arith.constant 0.000000e+00 : f32
          %broadcast_in_dim3A_246 = vector.broadcast %jit3A_245 : f32 to vector<16xf32>
          %select_n3A_247 = arith.select %eq3A_244, %get3A_204, %broadcast_in_dim3A_246 : vector<16xi1>, vector<16xf32>
          %reduce_sum3A_248 = arith.constant true
          %reduce_sum3A_249 = vector.broadcast %reduce_sum3A_248 : i1 to vector<16xi1>
          %reduce_sum3A_250 = tpu.scan <sum>, %select_n3A_247 masked %reduce_sum3A_249 : vector<16xf32>, vector<16xi1> -> vector<16xf32>
          %reduce_sum3A_251 = vector.extract %reduce_sum3A_250[15] : f32 from vector<16xf32>
          %jit3A_252 = arith.constant 0.000000e+00 : f32
          %select_n3A_253 = arith.select %lt3A_188, %reduce_sum3A_251, %jit3A_252 : f32
          %lt3A_254 = arith.constant 256 : i32
          %lt3A_255 = arith.cmpi slt, %select_n3A_231, %lt3A_254 : i32
          %jit3A_256 = arith.constant 0 : i32
          %select_n3A_257 = arith.select %lt3A_255, %select_n3A_231, %jit3A_256 : i32
          %mul3A_258 = arith.constant 4096 : i32
          %mul3A_259 = arith.muli %scan3A_161, %mul3A_258 : i32
          %mul3A_260 = arith.constant 16 : i32
          %mul3A_261 = arith.muli %select_n3A_257, %mul3A_260 : i32
          %add3A_262 = arith.addi %mul3A_259, %mul3A_261 : i32
          %get3A_263 = arith.index_cast %add3A_262 : i32 to index
          %get3A_264 = tpu.vector_load %arg14[%get3A_263] {strides = array<i32>} : memref<12288xf32, #tpu.memory_space<vmem>>, vector<16xf32>,
          %broadcast_in_dim3A_265 = arith.constant true
          %broadcast_in_dim3A_266 = vector.broadcast %broadcast_in_dim3A_265 : i1 to vector<16xi1>
          %masked_cumsum3A_267 = tpu.scan <sum>, %get3A_264 masked %broadcast_in_dim3A_266 : vector<16xf32>, vector<16xi1> -> vector<16xf32>
          %reduce_sum3A_268 = arith.constant true
          %reduce_sum3A_269 = vector.broadcast %reduce_sum3A_268 : i1 to vector<16xi1>
          %reduce_sum3A_270 = tpu.scan <sum>, %get3A_264 masked %reduce_sum3A_269 : vector<16xf32>, vector<16xi1> -> vector<16xf32>
          %reduce_sum3A_271 = vector.extract %reduce_sum3A_270[15] : f32 from vector<16xf32>
          %sub3A_272 = arith.subf %select_n3A_242, %reduce_sum3A_271 : f32
          %add3A_273 = vector.broadcast %sub3A_272 : f32 to vector<16xf32>
          %add3A_274 = arith.addf %masked_cumsum3A_267, %add3A_273 : vector<16xf32>
          %sub3A_275 = arith.subf %scan3A_169#0, %get3A_172 : f32
          %ge3A_276 = vector.broadcast %sub3A_275 : f32 to vector<16xf32>
          %ge3A_277 = arith.cmpf oge, %add3A_274, %ge3A_276 : vector<16xf32>
          %jit3A_278 = arith.constant 16 : i32
          %broadcast_in_dim3A_279 = vector.broadcast %jit3A_278 : i32 to vector<16xi32>
          %select_n3A_280 = arith.select %ge3A_277, %iota3A, %broadcast_in_dim3A_279 : vector<16xi1>, vector<16xi32>
          %reduce_min3A_281 = arith.constant true
          %reduce_min3A_282 = vector.broadcast %reduce_min3A_281 : i1 to vector<16xi1>
          %reduce_min3A_283 = arith.constant -2147483648 : i32
          %reduce_min3A_284 = vector.broadcast %reduce_min3A_283 : i32 to vector<16xi32>
          %reduce_min3A_285 = arith.xori %select_n3A_280, %reduce_min3A_284 : vector<16xi32>
          %reduce_min3A_286 = tpu.scan <min>, %reduce_min3A_285 masked %reduce_min3A_282 : vector<16xi32>, vector<16xi1> -> vector<16xi32>
          %reduce_min3A_287 = arith.xori %reduce_min3A_286, %reduce_min3A_284 : vector<16xi32>
          %reduce_min3A_288 = vector.extract %reduce_min3A_287[15] : i32 from vector<16xi32>
          %mul3A_289 = arith.constant 16 : i32
          %mul3A_290 = arith.muli %select_n3A_257, %mul3A_289 : i32
          %lt3A_291 = arith.constant 16 : i32
          %lt3A_292 = arith.cmpi slt, %reduce_min3A_288, %lt3A_291 : i32
          %jit3A_293 = arith.constant 0 : i32
          %select_n3A_294 = arith.select %lt3A_292, %reduce_min3A_288, %jit3A_293 : i32
          %add3A_295 = arith.addi %mul3A_290, %select_n3A_294 : i32
          %get3A_296 = arith.index_cast %scan3A_161 : i32 to index
          %get3A_297 = memref.load %arg20[%get3A_296] : memref<4xi32, #tpu.memory_space<smem>>
          %gt3A_298 = arith.constant 0 : i32
          %gt3A_299 = arith.cmpi sgt, %get3A_297, %gt3A_298 : i32
          %get3A_300 = arith.index_cast %scan3A_161 : i32 to index
          %get3A_301 = memref.load %arg18[%get3A_300] : memref<4xi32, #tpu.memory_space<smem>>
          %jit3A_302 = arith.constant 1073741824 : i32
          %select_n3A_303 = arith.select %gt3A_299, %get3A_301, %jit3A_302 : i32
          %swap3A = arith.index_cast %scan3A_161 : i32 to index
          %swap3A_304 = memref.load %arg21[%swap3A] : memref<4xi32, #tpu.memory_space<smem>>
          memref.store %select_n3A_303, %arg21[%swap3A] : memref<4xi32, #tpu.memory_space<smem>>
          %jit3A_305 = arith.constant 1073741824 : i32
          %select_n3A_306 = arith.select %gt3A_299, %add3A_295, %jit3A_305 : i32
          %swap3A_307 = arith.index_cast %scan3A_161 : i32 to index
          %swap3A_308 = memref.load %arg22[%swap3A_307] : memref<4xi32, #tpu.memory_space<smem>>
          memref.store %select_n3A_306, %arg22[%swap3A_307] : memref<4xi32, #tpu.memory_space<smem>>
        }
        %scan3A_160 = arith.constant 3 : i32
      } else {
        %scan3A_128 = arith.constant 0 : i32
        %scan3A_129 = arith.constant 0 : i32
        %scan3A_130 = arith.constant 3 : i32
        %scan3A_131 = arith.addi %scan3A_129, %scan3A_130 : i32
        %scan3A_132 = arith.constant 1 : i32
        scf.for %scan3A_134 = %scan3A_129 to %scan3A_131 step %scan3A_132  : i32 {
          %get3A_135 = arith.index_cast %scan3A_134 : i32 to index
          %get3A_136 = memref.load %arg20[%get3A_135] : memref<4xi32, #tpu.memory_space<smem>>
          %gt3A_137 = arith.constant 0 : i32
          %gt3A_138 = arith.cmpi sgt, %get3A_136, %gt3A_137 : i32
          %get3A_139 = arith.index_cast %scan3A_134 : i32 to index
          %get3A_140 = memref.load %arg18[%get3A_139] : memref<4xi32, #tpu.memory_space<smem>>
          %jit3A_141 = arith.constant 1073741824 : i32
          %select_n3A_142 = arith.select %gt3A_138, %get3A_140, %jit3A_141 : i32
          %swap3A = arith.index_cast %scan3A_134 : i32 to index
          %swap3A_143 = memref.load %arg21[%swap3A] : memref<4xi32, #tpu.memory_space<smem>>
          memref.store %select_n3A_142, %arg21[%swap3A] : memref<4xi32, #tpu.memory_space<smem>>
          %jit3A_144 = arith.constant 0 : i32
          %jit3A_145 = arith.constant 1073741824 : i32
          %select_n3A_146 = arith.select %gt3A_138, %jit3A_144, %jit3A_145 : i32
          %swap3A_147 = arith.index_cast %scan3A_134 : i32 to index
          %swap3A_148 = memref.load %arg22[%swap3A_147] : memref<4xi32, #tpu.memory_space<smem>>
          memref.store %select_n3A_146, %arg22[%swap3A_147] : memref<4xi32, #tpu.memory_space<smem>>
        }
        %scan3A_133 = arith.constant 3 : i32
      }
      %get3A_59 = arith.constant 0 : i32
      %get3A_60 = arith.index_cast %get3A_59 : i32 to index
      %get3A_61 = memref.load %arg21[%get3A_60] : memref<4xi32, #tpu.memory_space<smem>>
      %get3A_62 = arith.constant 1 : i32
      %get3A_63 = arith.index_cast %get3A_62 : i32 to index
      %get3A_64 = memref.load %arg21[%get3A_63] : memref<4xi32, #tpu.memory_space<smem>>
      %get3A_65 = arith.constant 2 : i32
      %get3A_66 = arith.index_cast %get3A_65 : i32 to index
      %get3A_67 = memref.load %arg21[%get3A_66] : memref<4xi32, #tpu.memory_space<smem>>
      %get3A_68 = arith.constant 0 : i32
      %get3A_69 = arith.index_cast %get3A_68 : i32 to index
      %get3A_70 = memref.load %arg22[%get3A_69] : memref<4xi32, #tpu.memory_space<smem>>
      %get3A_71 = arith.constant 1 : i32
      %get3A_72 = arith.index_cast %get3A_71 : i32 to index
      %get3A_73 = memref.load %arg22[%get3A_72] : memref<4xi32, #tpu.memory_space<smem>>
      %get3A_74 = arith.constant 2 : i32
      %get3A_75 = arith.index_cast %get3A_74 : i32 to index
      %get3A_76 = memref.load %arg22[%get3A_75] : memref<4xi32, #tpu.memory_space<smem>>
      %scan3A_77 = arith.constant 0 : i32
      %scan3A_78 = arith.constant 64 : i32
      %scan3A_79 = arith.addi %scan3A_77, %scan3A_78 : i32
      %scan3A_80 = arith.constant 1 : i32
      %scan3A_81:3 = scf.for %scan3A_128 = %scan3A_77 to %scan3A_79 step %scan3A_80 iter_args(%scan3A_129 = %broadcast_in_dim3A_3, %scan3A_130 = %broadcast_in_dim3A_5, %scan3A_131 = %broadcast_in_dim3A_5) -> (vector<16xf32>, vector<16xi32>, vector<16xi32>)  : i32 {
        %mul3A_132 = arith.constant 4 : i32
        %mul3A_133 = arith.muli %scan3A_128, %mul3A_132 : i32
        %add3A_134 = arith.constant 0 : i32
        %add3A_135 = arith.addi %mul3A_133, %add3A_134 : i32
        %mul3A_136 = arith.constant 16 : i32
        %mul3A_137 = arith.muli %add3A_135, %mul3A_136 : i32
        %get3A_138 = arith.index_cast %mul3A_137 : i32 to index
        %get3A_139 = tpu.vector_load %arg10[%get3A_138] {strides = array<i32>} : memref<4096xi32, #tpu.memory_space<vmem>>, vector<16xi32>,
        %mul3A_140 = arith.constant 16 : i32
        %mul3A_141 = arith.muli %add3A_135, %mul3A_140 : i32
        %get3A_142 = arith.index_cast %mul3A_141 : i32 to index
        %get3A_143 = tpu.vector_load %arg11[%get3A_142] {strides = array<i32>} : memref<4096xi32, #tpu.memory_space<vmem>>, vector<16xi32>,
        %mul3A_144 = arith.constant 16 : i32
        %mul3A_145 = arith.muli %add3A_135, %mul3A_144 : i32
        %get3A_146 = arith.index_cast %mul3A_145 : i32 to index
        %get3A_147 = tpu.vector_load %arg12[%get3A_146] {strides = array<i32>} : memref<4096xf32, #tpu.memory_space<vmem>>, vector<16xf32>,
        %mul3A_148 = arith.constant 16 : i32
        %mul3A_149 = arith.muli %add3A_135, %mul3A_148 : i32
        %add3A_150 = vector.broadcast %mul3A_149 : i32 to vector<16xi32>
        %add3A_151 = arith.addi %add3A_150, %iota3A : vector<16xi32>
        %sub3A_152 = arith.constant 4095 : i32
        %sub3A_153 = vector.broadcast %sub3A_152 : i32 to vector<16xi32>
        %sub3A_154 = arith.subi %sub3A_153, %add3A_151 : vector<16xi32>
        %eq3A_155 = arith.constant 0 : i32
        %eq3A_156 = vector.broadcast %eq3A_155 : i32 to vector<16xi32>
        %eq3A_157 = arith.cmpi eq, %get3A_143, %eq3A_156 : vector<16xi32>
        %eq3A_158 = arith.constant 1 : i32
        %eq3A_159 = vector.broadcast %eq3A_158 : i32 to vector<16xi32>
        %eq3A_160 = arith.cmpi eq, %get3A_143, %eq3A_159 : vector<16xi32>
        %broadcast_in_dim3A_161 = vector.broadcast %get3A_64 : i32 to vector<16xi32>
        %broadcast_in_dim3A_162 = vector.broadcast %get3A_67 : i32 to vector<16xi32>
        %select_n3A_163 = arith.select %eq3A_160, %broadcast_in_dim3A_161, %broadcast_in_dim3A_162 : vector<16xi1>, vector<16xi32>
        %broadcast_in_dim3A_164 = vector.broadcast %get3A_61 : i32 to vector<16xi32>
        %select_n3A_165 = arith.select %eq3A_157, %broadcast_in_dim3A_164, %select_n3A_163 : vector<16xi1>, vector<16xi32>
        %eq3A_166 = arith.constant 0 : i32
        %eq3A_167 = vector.broadcast %eq3A_166 : i32 to vector<16xi32>
        %eq3A_168 = arith.cmpi eq, %get3A_143, %eq3A_167 : vector<16xi32>
        %eq3A_169 = arith.constant 1 : i32
        %eq3A_170 = vector.broadcast %eq3A_169 : i32 to vector<16xi32>
        %eq3A_171 = arith.cmpi eq, %get3A_143, %eq3A_170 : vector<16xi32>
        %broadcast_in_dim3A_172 = vector.broadcast %get3A_73 : i32 to vector<16xi32>
        %broadcast_in_dim3A_173 = vector.broadcast %get3A_76 : i32 to vector<16xi32>
        %select_n3A_174 = arith.select %eq3A_171, %broadcast_in_dim3A_172, %broadcast_in_dim3A_173 : vector<16xi1>, vector<16xi32>
        %broadcast_in_dim3A_175 = vector.broadcast %get3A_70 : i32 to vector<16xi32>
        %select_n3A_176 = arith.select %eq3A_168, %broadcast_in_dim3A_175, %select_n3A_174 : vector<16xi1>, vector<16xi32>
        %gt3A_177 = arith.constant 0 : i32
        %gt3A_178 = vector.broadcast %gt3A_177 : i32 to vector<16xi32>
        %gt3A_179 = arith.cmpi sgt, %get3A_139, %gt3A_178 : vector<16xi32>
        %gt3A_180 = arith.cmpi sgt, %get3A_139, %select_n3A_165 : vector<16xi32>
        %eq3A_181 = arith.cmpi eq, %get3A_139, %select_n3A_165 : vector<16xi32>
        %ge3A = arith.cmpi sge, %sub3A_154, %select_n3A_176 : vector<16xi32>
        %and3A = arith.andi %eq3A_181, %ge3A : vector<16xi1>
        %or3A = arith.ori %gt3A_180, %and3A : vector<16xi1>
        %and3A_182 = arith.andi %gt3A_179, %or3A : vector<16xi1>
        %jit3A_183 = arith.constant 0.000000e+00 : f32
        %broadcast_in_dim3A_184 = vector.broadcast %jit3A_183 : f32 to vector<16xf32>
        %select_n3A_185 = arith.select %and3A_182, %get3A_147, %broadcast_in_dim3A_184 : vector<16xi1>, vector<16xf32>
        %add3A_186 = arith.addf %scan3A_129, %select_n3A_185 : vector<16xf32>
        %gt3A_187 = arith.constant 0 : i32
        %gt3A_188 = vector.broadcast %gt3A_187 : i32 to vector<16xi32>
        %gt3A_189 = arith.cmpi sgt, %get3A_139, %gt3A_188 : vector<16xi32>
        %not3A = arith.constant dense<true> : vector<16xi1>
        %not3A_190 = arith.xori %and3A_182, %not3A : vector<16xi1>
        %and3A_191 = arith.andi %gt3A_189, %not3A_190 : vector<16xi1>
        %jit3A_192 = arith.constant -1 : i32
        %broadcast_in_dim3A_193 = vector.broadcast %jit3A_192 : i32 to vector<16xi32>
        %select_n3A_194 = arith.select %and3A_191, %get3A_139, %broadcast_in_dim3A_193 : vector<16xi1>, vector<16xi32>
        %gt3A_195 = arith.cmpi sgt, %select_n3A_194, %scan3A_130 : vector<16xi32>
        %eq3A_196 = arith.cmpi eq, %select_n3A_194, %scan3A_130 : vector<16xi32>
        %gt3A_197 = arith.cmpi sgt, %sub3A_154, %scan3A_131 : vector<16xi32>
        %and3A_198 = arith.andi %eq3A_196, %gt3A_197 : vector<16xi1>
        %or3A_199 = arith.ori %gt3A_195, %and3A_198 : vector<16xi1>
        %select_n3A_200 = arith.select %or3A_199, %select_n3A_194, %scan3A_130 : vector<16xi1>, vector<16xi32>
        %select_n3A_201 = arith.select %or3A_199, %sub3A_154, %scan3A_131 : vector<16xi1>, vector<16xi32>
        %mul3A_202 = arith.constant 4 : i32
        %mul3A_203 = arith.muli %scan3A_128, %mul3A_202 : i32
        %add3A_204 = arith.constant 1 : i32
        %add3A_205 = arith.addi %mul3A_203, %add3A_204 : i32
        %mul3A_206 = arith.constant 16 : i32
        %mul3A_207 = arith.muli %add3A_205, %mul3A_206 : i32
        %get3A_208 = arith.index_cast %mul3A_207 : i32 to index
        %get3A_209 = tpu.vector_load %arg10[%get3A_208] {strides = array<i32>} : memref<4096xi32, #tpu.memory_space<vmem>>, vector<16xi32>,
        %mul3A_210 = arith.constant 16 : i32
        %mul3A_211 = arith.muli %add3A_205, %mul3A_210 : i32
        %get3A_212 = arith.index_cast %mul3A_211 : i32 to index
        %get3A_213 = tpu.vector_load %arg11[%get3A_212] {strides = array<i32>} : memref<4096xi32, #tpu.memory_space<vmem>>, vector<16xi32>,
        %mul3A_214 = arith.constant 16 : i32
        %mul3A_215 = arith.muli %add3A_205, %mul3A_214 : i32
        %get3A_216 = arith.index_cast %mul3A_215 : i32 to index
        %get3A_217 = tpu.vector_load %arg12[%get3A_216] {strides = array<i32>} : memref<4096xf32, #tpu.memory_space<vmem>>, vector<16xf32>,
        %mul3A_218 = arith.constant 16 : i32
        %mul3A_219 = arith.muli %add3A_205, %mul3A_218 : i32
        %add3A_220 = vector.broadcast %mul3A_219 : i32 to vector<16xi32>
        %add3A_221 = arith.addi %add3A_220, %iota3A : vector<16xi32>
        %sub3A_222 = arith.constant 4095 : i32
        %sub3A_223 = vector.broadcast %sub3A_222 : i32 to vector<16xi32>
        %sub3A_224 = arith.subi %sub3A_223, %add3A_221 : vector<16xi32>
        %eq3A_225 = arith.constant 0 : i32
        %eq3A_226 = vector.broadcast %eq3A_225 : i32 to vector<16xi32>
        %eq3A_227 = arith.cmpi eq, %get3A_213, %eq3A_226 : vector<16xi32>
        %eq3A_228 = arith.constant 1 : i32
        %eq3A_229 = vector.broadcast %eq3A_228 : i32 to vector<16xi32>
        %eq3A_230 = arith.cmpi eq, %get3A_213, %eq3A_229 : vector<16xi32>
        %broadcast_in_dim3A_231 = vector.broadcast %get3A_64 : i32 to vector<16xi32>
        %broadcast_in_dim3A_232 = vector.broadcast %get3A_67 : i32 to vector<16xi32>
        %select_n3A_233 = arith.select %eq3A_230, %broadcast_in_dim3A_231, %broadcast_in_dim3A_232 : vector<16xi1>, vector<16xi32>
        %broadcast_in_dim3A_234 = vector.broadcast %get3A_61 : i32 to vector<16xi32>
        %select_n3A_235 = arith.select %eq3A_227, %broadcast_in_dim3A_234, %select_n3A_233 : vector<16xi1>, vector<16xi32>
        %eq3A_236 = arith.constant 0 : i32
        %eq3A_237 = vector.broadcast %eq3A_236 : i32 to vector<16xi32>
        %eq3A_238 = arith.cmpi eq, %get3A_213, %eq3A_237 : vector<16xi32>
        %eq3A_239 = arith.constant 1 : i32
        %eq3A_240 = vector.broadcast %eq3A_239 : i32 to vector<16xi32>
        %eq3A_241 = arith.cmpi eq, %get3A_213, %eq3A_240 : vector<16xi32>
        %broadcast_in_dim3A_242 = vector.broadcast %get3A_73 : i32 to vector<16xi32>
        %broadcast_in_dim3A_243 = vector.broadcast %get3A_76 : i32 to vector<16xi32>
        %select_n3A_244 = arith.select %eq3A_241, %broadcast_in_dim3A_242, %broadcast_in_dim3A_243 : vector<16xi1>, vector<16xi32>
        %broadcast_in_dim3A_245 = vector.broadcast %get3A_70 : i32 to vector<16xi32>
        %select_n3A_246 = arith.select %eq3A_238, %broadcast_in_dim3A_245, %select_n3A_244 : vector<16xi1>, vector<16xi32>
        %gt3A_247 = arith.constant 0 : i32
        %gt3A_248 = vector.broadcast %gt3A_247 : i32 to vector<16xi32>
        %gt3A_249 = arith.cmpi sgt, %get3A_209, %gt3A_248 : vector<16xi32>
        %gt3A_250 = arith.cmpi sgt, %get3A_209, %select_n3A_235 : vector<16xi32>
        %eq3A_251 = arith.cmpi eq, %get3A_209, %select_n3A_235 : vector<16xi32>
        %ge3A_252 = arith.cmpi sge, %sub3A_224, %select_n3A_246 : vector<16xi32>
        %and3A_253 = arith.andi %eq3A_251, %ge3A_252 : vector<16xi1>
        %or3A_254 = arith.ori %gt3A_250, %and3A_253 : vector<16xi1>
        %and3A_255 = arith.andi %gt3A_249, %or3A_254 : vector<16xi1>
        %jit3A_256 = arith.constant 0.000000e+00 : f32
        %broadcast_in_dim3A_257 = vector.broadcast %jit3A_256 : f32 to vector<16xf32>
        %select_n3A_258 = arith.select %and3A_255, %get3A_217, %broadcast_in_dim3A_257 : vector<16xi1>, vector<16xf32>
        %add3A_259 = arith.addf %add3A_186, %select_n3A_258 : vector<16xf32>
        %gt3A_260 = arith.constant 0 : i32
        %gt3A_261 = vector.broadcast %gt3A_260 : i32 to vector<16xi32>
        %gt3A_262 = arith.cmpi sgt, %get3A_209, %gt3A_261 : vector<16xi32>
        %not3A_263 = arith.constant dense<true> : vector<16xi1>
        %not3A_264 = arith.xori %and3A_255, %not3A_263 : vector<16xi1>
        %and3A_265 = arith.andi %gt3A_262, %not3A_264 : vector<16xi1>
        %jit3A_266 = arith.constant -1 : i32
        %broadcast_in_dim3A_267 = vector.broadcast %jit3A_266 : i32 to vector<16xi32>
        %select_n3A_268 = arith.select %and3A_265, %get3A_209, %broadcast_in_dim3A_267 : vector<16xi1>, vector<16xi32>
        %gt3A_269 = arith.cmpi sgt, %select_n3A_268, %select_n3A_200 : vector<16xi32>
        %eq3A_270 = arith.cmpi eq, %select_n3A_268, %select_n3A_200 : vector<16xi32>
        %gt3A_271 = arith.cmpi sgt, %sub3A_224, %select_n3A_201 : vector<16xi32>
        %and3A_272 = arith.andi %eq3A_270, %gt3A_271 : vector<16xi1>
        %or3A_273 = arith.ori %gt3A_269, %and3A_272 : vector<16xi1>
        %select_n3A_274 = arith.select %or3A_273, %select_n3A_268, %select_n3A_200 : vector<16xi1>, vector<16xi32>
        %select_n3A_275 = arith.select %or3A_273, %sub3A_224, %select_n3A_201 : vector<16xi1>, vector<16xi32>
        %mul3A_276 = arith.constant 4 : i32
        %mul3A_277 = arith.muli %scan3A_128, %mul3A_276 : i32
        %add3A_278 = arith.constant 2 : i32
        %add3A_279 = arith.addi %mul3A_277, %add3A_278 : i32
        %mul3A_280 = arith.constant 16 : i32
        %mul3A_281 = arith.muli %add3A_279, %mul3A_280 : i32
        %get3A_282 = arith.index_cast %mul3A_281 : i32 to index
        %get3A_283 = tpu.vector_load %arg10[%get3A_282] {strides = array<i32>} : memref<4096xi32, #tpu.memory_space<vmem>>, vector<16xi32>,
        %mul3A_284 = arith.constant 16 : i32
        %mul3A_285 = arith.muli %add3A_279, %mul3A_284 : i32
        %get3A_286 = arith.index_cast %mul3A_285 : i32 to index
        %get3A_287 = tpu.vector_load %arg11[%get3A_286] {strides = array<i32>} : memref<4096xi32, #tpu.memory_space<vmem>>, vector<16xi32>,
        %mul3A_288 = arith.constant 16 : i32
        %mul3A_289 = arith.muli %add3A_279, %mul3A_288 : i32
        %get3A_290 = arith.index_cast %mul3A_289 : i32 to index
        %get3A_291 = tpu.vector_load %arg12[%get3A_290] {strides = array<i32>} : memref<4096xf32, #tpu.memory_space<vmem>>, vector<16xf32>,
        %mul3A_292 = arith.constant 16 : i32
        %mul3A_293 = arith.muli %add3A_279, %mul3A_292 : i32
        %add3A_294 = vector.broadcast %mul3A_293 : i32 to vector<16xi32>
        %add3A_295 = arith.addi %add3A_294, %iota3A : vector<16xi32>
        %sub3A_296 = arith.constant 4095 : i32
        %sub3A_297 = vector.broadcast %sub3A_296 : i32 to vector<16xi32>
        %sub3A_298 = arith.subi %sub3A_297, %add3A_295 : vector<16xi32>
        %eq3A_299 = arith.constant 0 : i32
        %eq3A_300 = vector.broadcast %eq3A_299 : i32 to vector<16xi32>
        %eq3A_301 = arith.cmpi eq, %get3A_287, %eq3A_300 : vector<16xi32>
        %eq3A_302 = arith.constant 1 : i32
        %eq3A_303 = vector.broadcast %eq3A_302 : i32 to vector<16xi32>
        %eq3A_304 = arith.cmpi eq, %get3A_287, %eq3A_303 : vector<16xi32>
        %broadcast_in_dim3A_305 = vector.broadcast %get3A_64 : i32 to vector<16xi32>
        %broadcast_in_dim3A_306 = vector.broadcast %get3A_67 : i32 to vector<16xi32>
        %select_n3A_307 = arith.select %eq3A_304, %broadcast_in_dim3A_305, %broadcast_in_dim3A_306 : vector<16xi1>, vector<16xi32>
        %broadcast_in_dim3A_308 = vector.broadcast %get3A_61 : i32 to vector<16xi32>
        %select_n3A_309 = arith.select %eq3A_301, %broadcast_in_dim3A_308, %select_n3A_307 : vector<16xi1>, vector<16xi32>
        %eq3A_310 = arith.constant 0 : i32
        %eq3A_311 = vector.broadcast %eq3A_310 : i32 to vector<16xi32>
        %eq3A_312 = arith.cmpi eq, %get3A_287, %eq3A_311 : vector<16xi32>
        %eq3A_313 = arith.constant 1 : i32
        %eq3A_314 = vector.broadcast %eq3A_313 : i32 to vector<16xi32>
        %eq3A_315 = arith.cmpi eq, %get3A_287, %eq3A_314 : vector<16xi32>
        %broadcast_in_dim3A_316 = vector.broadcast %get3A_73 : i32 to vector<16xi32>
        %broadcast_in_dim3A_317 = vector.broadcast %get3A_76 : i32 to vector<16xi32>
        %select_n3A_318 = arith.select %eq3A_315, %broadcast_in_dim3A_316, %broadcast_in_dim3A_317 : vector<16xi1>, vector<16xi32>
        %broadcast_in_dim3A_319 = vector.broadcast %get3A_70 : i32 to vector<16xi32>
        %select_n3A_320 = arith.select %eq3A_312, %broadcast_in_dim3A_319, %select_n3A_318 : vector<16xi1>, vector<16xi32>
        %gt3A_321 = arith.constant 0 : i32
        %gt3A_322 = vector.broadcast %gt3A_321 : i32 to vector<16xi32>
        %gt3A_323 = arith.cmpi sgt, %get3A_283, %gt3A_322 : vector<16xi32>
        %gt3A_324 = arith.cmpi sgt, %get3A_283, %select_n3A_309 : vector<16xi32>
        %eq3A_325 = arith.cmpi eq, %get3A_283, %select_n3A_309 : vector<16xi32>
        %ge3A_326 = arith.cmpi sge, %sub3A_298, %select_n3A_320 : vector<16xi32>
        %and3A_327 = arith.andi %eq3A_325, %ge3A_326 : vector<16xi1>
        %or3A_328 = arith.ori %gt3A_324, %and3A_327 : vector<16xi1>
        %and3A_329 = arith.andi %gt3A_323, %or3A_328 : vector<16xi1>
        %jit3A_330 = arith.constant 0.000000e+00 : f32
        %broadcast_in_dim3A_331 = vector.broadcast %jit3A_330 : f32 to vector<16xf32>
        %select_n3A_332 = arith.select %and3A_329, %get3A_291, %broadcast_in_dim3A_331 : vector<16xi1>, vector<16xf32>
        %add3A_333 = arith.addf %add3A_259, %select_n3A_332 : vector<16xf32>
        %gt3A_334 = arith.constant 0 : i32
        %gt3A_335 = vector.broadcast %gt3A_334 : i32 to vector<16xi32>
        %gt3A_336 = arith.cmpi sgt, %get3A_283, %gt3A_335 : vector<16xi32>
        %not3A_337 = arith.constant dense<true> : vector<16xi1>
        %not3A_338 = arith.xori %and3A_329, %not3A_337 : vector<16xi1>
        %and3A_339 = arith.andi %gt3A_336, %not3A_338 : vector<16xi1>
        %jit3A_340 = arith.constant -1 : i32
        %broadcast_in_dim3A_341 = vector.broadcast %jit3A_340 : i32 to vector<16xi32>
        %select_n3A_342 = arith.select %and3A_339, %get3A_283, %broadcast_in_dim3A_341 : vector<16xi1>, vector<16xi32>
        %gt3A_343 = arith.cmpi sgt, %select_n3A_342, %select_n3A_274 : vector<16xi32>
        %eq3A_344 = arith.cmpi eq, %select_n3A_342, %select_n3A_274 : vector<16xi32>
        %gt3A_345 = arith.cmpi sgt, %sub3A_298, %select_n3A_275 : vector<16xi32>
        %and3A_346 = arith.andi %eq3A_344, %gt3A_345 : vector<16xi1>
        %or3A_347 = arith.ori %gt3A_343, %and3A_346 : vector<16xi1>
        %select_n3A_348 = arith.select %or3A_347, %select_n3A_342, %select_n3A_274 : vector<16xi1>, vector<16xi32>
        %select_n3A_349 = arith.select %or3A_347, %sub3A_298, %select_n3A_275 : vector<16xi1>, vector<16xi32>
        %mul3A_350 = arith.constant 4 : i32
        %mul3A_351 = arith.muli %scan3A_128, %mul3A_350 : i32
        %add3A_352 = arith.constant 3 : i32
        %add3A_353 = arith.addi %mul3A_351, %add3A_352 : i32
        %mul3A_354 = arith.constant 16 : i32
        %mul3A_355 = arith.muli %add3A_353, %mul3A_354 : i32
        %get3A_356 = arith.index_cast %mul3A_355 : i32 to index
        %get3A_357 = tpu.vector_load %arg10[%get3A_356] {strides = array<i32>} : memref<4096xi32, #tpu.memory_space<vmem>>, vector<16xi32>,
        %mul3A_358 = arith.constant 16 : i32
        %mul3A_359 = arith.muli %add3A_353, %mul3A_358 : i32
        %get3A_360 = arith.index_cast %mul3A_359 : i32 to index
        %get3A_361 = tpu.vector_load %arg11[%get3A_360] {strides = array<i32>} : memref<4096xi32, #tpu.memory_space<vmem>>, vector<16xi32>,
        %mul3A_362 = arith.constant 16 : i32
        %mul3A_363 = arith.muli %add3A_353, %mul3A_362 : i32
        %get3A_364 = arith.index_cast %mul3A_363 : i32 to index
        %get3A_365 = tpu.vector_load %arg12[%get3A_364] {strides = array<i32>} : memref<4096xf32, #tpu.memory_space<vmem>>, vector<16xf32>,
        %mul3A_366 = arith.constant 16 : i32
        %mul3A_367 = arith.muli %add3A_353, %mul3A_366 : i32
        %add3A_368 = vector.broadcast %mul3A_367 : i32 to vector<16xi32>
        %add3A_369 = arith.addi %add3A_368, %iota3A : vector<16xi32>
        %sub3A_370 = arith.constant 4095 : i32
        %sub3A_371 = vector.broadcast %sub3A_370 : i32 to vector<16xi32>
        %sub3A_372 = arith.subi %sub3A_371, %add3A_369 : vector<16xi32>
        %eq3A_373 = arith.constant 0 : i32
        %eq3A_374 = vector.broadcast %eq3A_373 : i32 to vector<16xi32>
        %eq3A_375 = arith.cmpi eq, %get3A_361, %eq3A_374 : vector<16xi32>
        %eq3A_376 = arith.constant 1 : i32
        %eq3A_377 = vector.broadcast %eq3A_376 : i32 to vector<16xi32>
        %eq3A_378 = arith.cmpi eq, %get3A_361, %eq3A_377 : vector<16xi32>
        %broadcast_in_dim3A_379 = vector.broadcast %get3A_64 : i32 to vector<16xi32>
        %broadcast_in_dim3A_380 = vector.broadcast %get3A_67 : i32 to vector<16xi32>
        %select_n3A_381 = arith.select %eq3A_378, %broadcast_in_dim3A_379, %broadcast_in_dim3A_380 : vector<16xi1>, vector<16xi32>
        %broadcast_in_dim3A_382 = vector.broadcast %get3A_61 : i32 to vector<16xi32>
        %select_n3A_383 = arith.select %eq3A_375, %broadcast_in_dim3A_382, %select_n3A_381 : vector<16xi1>, vector<16xi32>
        %eq3A_384 = arith.constant 0 : i32
        %eq3A_385 = vector.broadcast %eq3A_384 : i32 to vector<16xi32>
        %eq3A_386 = arith.cmpi eq, %get3A_361, %eq3A_385 : vector<16xi32>
        %eq3A_387 = arith.constant 1 : i32
        %eq3A_388 = vector.broadcast %eq3A_387 : i32 to vector<16xi32>
        %eq3A_389 = arith.cmpi eq, %get3A_361, %eq3A_388 : vector<16xi32>
        %broadcast_in_dim3A_390 = vector.broadcast %get3A_73 : i32 to vector<16xi32>
        %broadcast_in_dim3A_391 = vector.broadcast %get3A_76 : i32 to vector<16xi32>
        %select_n3A_392 = arith.select %eq3A_389, %broadcast_in_dim3A_390, %broadcast_in_dim3A_391 : vector<16xi1>, vector<16xi32>
        %broadcast_in_dim3A_393 = vector.broadcast %get3A_70 : i32 to vector<16xi32>
        %select_n3A_394 = arith.select %eq3A_386, %broadcast_in_dim3A_393, %select_n3A_392 : vector<16xi1>, vector<16xi32>
        %gt3A_395 = arith.constant 0 : i32
        %gt3A_396 = vector.broadcast %gt3A_395 : i32 to vector<16xi32>
        %gt3A_397 = arith.cmpi sgt, %get3A_357, %gt3A_396 : vector<16xi32>
        %gt3A_398 = arith.cmpi sgt, %get3A_357, %select_n3A_383 : vector<16xi32>
        %eq3A_399 = arith.cmpi eq, %get3A_357, %select_n3A_383 : vector<16xi32>
        %ge3A_400 = arith.cmpi sge, %sub3A_372, %select_n3A_394 : vector<16xi32>
        %and3A_401 = arith.andi %eq3A_399, %ge3A_400 : vector<16xi1>
        %or3A_402 = arith.ori %gt3A_398, %and3A_401 : vector<16xi1>
        %and3A_403 = arith.andi %gt3A_397, %or3A_402 : vector<16xi1>
        %jit3A_404 = arith.constant 0.000000e+00 : f32
        %broadcast_in_dim3A_405 = vector.broadcast %jit3A_404 : f32 to vector<16xf32>
        %select_n3A_406 = arith.select %and3A_403, %get3A_365, %broadcast_in_dim3A_405 : vector<16xi1>, vector<16xf32>
        %add3A_407 = arith.addf %add3A_333, %select_n3A_406 : vector<16xf32>
        %gt3A_408 = arith.constant 0 : i32
        %gt3A_409 = vector.broadcast %gt3A_408 : i32 to vector<16xi32>
        %gt3A_410 = arith.cmpi sgt, %get3A_357, %gt3A_409 : vector<16xi32>
        %not3A_411 = arith.constant dense<true> : vector<16xi1>
        %not3A_412 = arith.xori %and3A_403, %not3A_411 : vector<16xi1>
        %and3A_413 = arith.andi %gt3A_410, %not3A_412 : vector<16xi1>
        %jit3A_414 = arith.constant -1 : i32
        %broadcast_in_dim3A_415 = vector.broadcast %jit3A_414 : i32 to vector<16xi32>
        %select_n3A_416 = arith.select %and3A_413, %get3A_357, %broadcast_in_dim3A_415 : vector<16xi1>, vector<16xi32>
        %gt3A_417 = arith.cmpi sgt, %select_n3A_416, %select_n3A_348 : vector<16xi32>
        %eq3A_418 = arith.cmpi eq, %select_n3A_416, %select_n3A_348 : vector<16xi32>
        %gt3A_419 = arith.cmpi sgt, %sub3A_372, %select_n3A_349 : vector<16xi32>
        %and3A_420 = arith.andi %eq3A_418, %gt3A_419 : vector<16xi1>
        %or3A_421 = arith.ori %gt3A_417, %and3A_420 : vector<16xi1>
        %select_n3A_422 = arith.select %or3A_421, %select_n3A_416, %select_n3A_348 : vector<16xi1>, vector<16xi32>
        %select_n3A_423 = arith.select %or3A_421, %sub3A_372, %select_n3A_349 : vector<16xi1>, vector<16xi32>
        scf.yield %add3A_407, %select_n3A_422, %select_n3A_423 : vector<16xf32>, vector<16xi32>, vector<16xi32>
      }
      %scan3A_82 = arith.constant 64 : i32
      %reduce_max3A = arith.constant true
      %reduce_max3A_83 = vector.broadcast %reduce_max3A : i1 to vector<16xi1>
      %reduce_max3A_84 = arith.constant -2147483648 : i32
      %reduce_max3A_85 = vector.broadcast %reduce_max3A_84 : i32 to vector<16xi32>
      %reduce_max3A_86 = arith.xori %scan3A_81#1, %reduce_max3A_85 : vector<16xi32>
      %reduce_max3A_87 = tpu.scan <max>, %reduce_max3A_86 masked %reduce_max3A_83 : vector<16xi32>, vector<16xi1> -> vector<16xi32>
      %reduce_max3A_88 = arith.xori %reduce_max3A_87, %reduce_max3A_85 : vector<16xi32>
      %reduce_max3A_89 = vector.extract %reduce_max3A_88[15] : i32 from vector<16xi32>
      %eq3A_90 = vector.broadcast %reduce_max3A_89 : i32 to vector<16xi32>
      %eq3A_91 = arith.cmpi eq, %scan3A_81#1, %eq3A_90 : vector<16xi32>
      %jit3A_92 = arith.constant -1 : i32
      %broadcast_in_dim3A_93 = vector.broadcast %jit3A_92 : i32 to vector<16xi32>
      %select_n3A_94 = arith.select %eq3A_91, %scan3A_81#2, %broadcast_in_dim3A_93 : vector<16xi1>, vector<16xi32>
      %reduce_max3A_95 = arith.constant true
      %reduce_max3A_96 = vector.broadcast %reduce_max3A_95 : i1 to vector<16xi1>
      %reduce_max3A_97 = arith.constant -2147483648 : i32
      %reduce_max3A_98 = vector.broadcast %reduce_max3A_97 : i32 to vector<16xi32>
      %reduce_max3A_99 = arith.xori %select_n3A_94, %reduce_max3A_98 : vector<16xi32>
      %reduce_max3A_100 = tpu.scan <max>, %reduce_max3A_99 masked %reduce_max3A_96 : vector<16xi32>, vector<16xi1> -> vector<16xi32>
      %reduce_max3A_101 = arith.xori %reduce_max3A_100, %reduce_max3A_98 : vector<16xi32>
      %reduce_max3A_102 = vector.extract %reduce_max3A_101[15] : i32 from vector<16xi32>
      %reduce_sum3A_103 = arith.constant true
      %reduce_sum3A_104 = vector.broadcast %reduce_sum3A_103 : i1 to vector<16xi1>
      %reduce_sum3A_105 = tpu.scan <sum>, %scan3A_81#0 masked %reduce_sum3A_104 : vector<16xf32>, vector<16xi1> -> vector<16xf32>
      %reduce_sum3A_106 = vector.extract %reduce_sum3A_105[15] : f32 from vector<16xf32>
      %sub3A = arith.subf %reduce_sum3A_12, %reduce_sum3A_106 : f32
      %scan3A_107 = arith.constant 0 : i32
      %scan3A_108 = arith.constant 3 : i32
      %scan3A_109 = arith.addi %scan3A_107, %scan3A_108 : i32
      %scan3A_110 = arith.constant 1 : i32
      %scan3A_111:3 = scf.for %scan3A_128 = %scan3A_107 to %scan3A_109 step %scan3A_110 iter_args(%scan3A_129 = %reduce_max3A_89, %scan3A_130 = %reduce_max3A_102, %scan3A_131 = %sub3A) -> (i32, i32, f32)  : i32 {
        %ge3A = arith.constant 1.000000e+00 : f32
        %ge3A_132 = arith.cmpf oge, %scan3A_131, %ge3A : f32
        %ge3A_133 = arith.constant 0 : i32
        %ge3A_134 = arith.cmpi sge, %scan3A_129, %ge3A_133 : i32
        %and3A = arith.andi %ge3A_132, %ge3A_134 : i1
        %convert_element_type3A_135 = arith.extui %and3A : i1 to i32
        %cond3A_136 = arith.constant 0 : i32
        %cond3A_137 = arith.cmpi ne, %convert_element_type3A_135, %cond3A_136 : i32
        %cond3A_138:3 = scf.if %cond3A_137 -> (i32, i32, f32) {
          %scan3A_139 = arith.constant 0 : i32
          %scan3A_140 = arith.constant 64 : i32
          %scan3A_141 = arith.addi %scan3A_139, %scan3A_140 : i32
          %scan3A_142 = arith.constant 1 : i32
          %scan3A_143:3 = scf.for %scan3A_187 = %scan3A_139 to %scan3A_141 step %scan3A_142 iter_args(%scan3A_188 = %broadcast_in_dim3A_5, %scan3A_189 = %broadcast_in_dim3A_5, %scan3A_190 = %broadcast_in_dim3A_3) -> (vector<16xi32>, vector<16xi32>, vector<16xf32>)  : i32 {
            %mul3A_191 = arith.constant 4 : i32
            %mul3A_192 = arith.muli %scan3A_187, %mul3A_191 : i32
            %add3A_193 = arith.constant 0 : i32
            %add3A_194 = arith.addi %mul3A_192, %add3A_193 : i32
            %mul3A_195 = arith.constant 16 : i32
            %mul3A_196 = arith.muli %add3A_194, %mul3A_195 : i32
            %get3A_197 = arith.index_cast %mul3A_196 : i32 to index
            %get3A_198 = tpu.vector_load %arg10[%get3A_197] {strides = array<i32>} : memref<4096xi32, #tpu.memory_space<vmem>>, vector<16xi32>,
            %mul3A_199 = arith.constant 16 : i32
            %mul3A_200 = arith.muli %add3A_194, %mul3A_199 : i32
            %get3A_201 = arith.index_cast %mul3A_200 : i32 to index
            %get3A_202 = tpu.vector_load %arg11[%get3A_201] {strides = array<i32>} : memref<4096xi32, #tpu.memory_space<vmem>>, vector<16xi32>,
            %mul3A_203 = arith.constant 16 : i32
            %mul3A_204 = arith.muli %add3A_194, %mul3A_203 : i32
            %get3A_205 = arith.index_cast %mul3A_204 : i32 to index
            %get3A_206 = tpu.vector_load %arg12[%get3A_205] {strides = array<i32>} : memref<4096xf32, #tpu.memory_space<vmem>>, vector<16xf32>,
            %mul3A_207 = arith.constant 16 : i32
            %mul3A_208 = arith.muli %add3A_194, %mul3A_207 : i32
            %add3A_209 = vector.broadcast %mul3A_208 : i32 to vector<16xi32>
            %add3A_210 = arith.addi %add3A_209, %iota3A : vector<16xi32>
            %sub3A_211 = arith.constant 4095 : i32
            %sub3A_212 = vector.broadcast %sub3A_211 : i32 to vector<16xi32>
            %sub3A_213 = arith.subi %sub3A_212, %add3A_210 : vector<16xi32>
            %eq3A_214 = arith.constant 0 : i32
            %eq3A_215 = vector.broadcast %eq3A_214 : i32 to vector<16xi32>
            %eq3A_216 = arith.cmpi eq, %get3A_202, %eq3A_215 : vector<16xi32>
            %eq3A_217 = arith.constant 1 : i32
            %eq3A_218 = vector.broadcast %eq3A_217 : i32 to vector<16xi32>
            %eq3A_219 = arith.cmpi eq, %get3A_202, %eq3A_218 : vector<16xi32>
            %broadcast_in_dim3A_220 = vector.broadcast %get3A_64 : i32 to vector<16xi32>
            %broadcast_in_dim3A_221 = vector.broadcast %get3A_67 : i32 to vector<16xi32>
            %select_n3A_222 = arith.select %eq3A_219, %broadcast_in_dim3A_220, %broadcast_in_dim3A_221 : vector<16xi1>, vector<16xi32>
            %broadcast_in_dim3A_223 = vector.broadcast %get3A_61 : i32 to vector<16xi32>
            %select_n3A_224 = arith.select %eq3A_216, %broadcast_in_dim3A_223, %select_n3A_222 : vector<16xi1>, vector<16xi32>
            %eq3A_225 = arith.constant 0 : i32
            %eq3A_226 = vector.broadcast %eq3A_225 : i32 to vector<16xi32>
            %eq3A_227 = arith.cmpi eq, %get3A_202, %eq3A_226 : vector<16xi32>
            %eq3A_228 = arith.constant 1 : i32
            %eq3A_229 = vector.broadcast %eq3A_228 : i32 to vector<16xi32>
            %eq3A_230 = arith.cmpi eq, %get3A_202, %eq3A_229 : vector<16xi32>
            %broadcast_in_dim3A_231 = vector.broadcast %get3A_73 : i32 to vector<16xi32>
            %broadcast_in_dim3A_232 = vector.broadcast %get3A_76 : i32 to vector<16xi32>
            %select_n3A_233 = arith.select %eq3A_230, %broadcast_in_dim3A_231, %broadcast_in_dim3A_232 : vector<16xi1>, vector<16xi32>
            %broadcast_in_dim3A_234 = vector.broadcast %get3A_70 : i32 to vector<16xi32>
            %select_n3A_235 = arith.select %eq3A_227, %broadcast_in_dim3A_234, %select_n3A_233 : vector<16xi1>, vector<16xi32>
            %gt3A_236 = arith.constant 0 : i32
            %gt3A_237 = vector.broadcast %gt3A_236 : i32 to vector<16xi32>
            %gt3A_238 = arith.cmpi sgt, %get3A_198, %gt3A_237 : vector<16xi32>
            %gt3A_239 = arith.cmpi sgt, %get3A_198, %select_n3A_224 : vector<16xi32>
            %eq3A_240 = arith.cmpi eq, %get3A_198, %select_n3A_224 : vector<16xi32>
            %ge3A_241 = arith.cmpi sge, %sub3A_213, %select_n3A_235 : vector<16xi32>
            %and3A_242 = arith.andi %eq3A_240, %ge3A_241 : vector<16xi1>
            %or3A = arith.ori %gt3A_239, %and3A_242 : vector<16xi1>
            %and3A_243 = arith.andi %gt3A_238, %or3A : vector<16xi1>
            %gt3A_244 = arith.constant 0 : i32
            %gt3A_245 = vector.broadcast %gt3A_244 : i32 to vector<16xi32>
            %gt3A_246 = arith.cmpi sgt, %get3A_198, %gt3A_245 : vector<16xi32>
            %not3A = arith.constant dense<true> : vector<16xi1>
            %not3A_247 = arith.xori %and3A_243, %not3A : vector<16xi1>
            %and3A_248 = arith.andi %gt3A_246, %not3A_247 : vector<16xi1>
            %lt3A_249 = vector.broadcast %scan3A_129 : i32 to vector<16xi32>
            %lt3A_250 = arith.cmpi slt, %get3A_198, %lt3A_249 : vector<16xi32>
            %eq3A_251 = vector.broadcast %scan3A_129 : i32 to vector<16xi32>
            %eq3A_252 = arith.cmpi eq, %get3A_198, %eq3A_251 : vector<16xi32>
            %lt3A_253 = vector.broadcast %scan3A_130 : i32 to vector<16xi32>
            %lt3A_254 = arith.cmpi slt, %sub3A_213, %lt3A_253 : vector<16xi32>
            %and3A_255 = arith.andi %eq3A_252, %lt3A_254 : vector<16xi1>
            %or3A_256 = arith.ori %lt3A_250, %and3A_255 : vector<16xi1>
            %and3A_257 = arith.andi %and3A_248, %or3A_256 : vector<16xi1>
            %le3A = vector.broadcast %scan3A_131 : f32 to vector<16xf32>
            %le3A_258 = arith.cmpf ole, %get3A_206, %le3A : vector<16xf32>
            %and3A_259 = arith.andi %and3A_257, %le3A_258 : vector<16xi1>
            %jit3A_260 = arith.constant -1 : i32
            %broadcast_in_dim3A_261 = vector.broadcast %jit3A_260 : i32 to vector<16xi32>
            %select_n3A_262 = arith.select %and3A_259, %get3A_198, %broadcast_in_dim3A_261 : vector<16xi1>, vector<16xi32>
            %gt3A_263 = arith.cmpi sgt, %select_n3A_262, %scan3A_188 : vector<16xi32>
            %eq3A_264 = arith.cmpi eq, %select_n3A_262, %scan3A_188 : vector<16xi32>
            %gt3A_265 = arith.cmpi sgt, %sub3A_213, %scan3A_189 : vector<16xi32>
            %and3A_266 = arith.andi %eq3A_264, %gt3A_265 : vector<16xi1>
            %or3A_267 = arith.ori %gt3A_263, %and3A_266 : vector<16xi1>
            %select_n3A_268 = arith.select %or3A_267, %select_n3A_262, %scan3A_188 : vector<16xi1>, vector<16xi32>
            %select_n3A_269 = arith.select %or3A_267, %sub3A_213, %scan3A_189 : vector<16xi1>, vector<16xi32>
            %select_n3A_270 = arith.select %or3A_267, %get3A_206, %scan3A_190 : vector<16xi1>, vector<16xf32>
            %mul3A_271 = arith.constant 4 : i32
            %mul3A_272 = arith.muli %scan3A_187, %mul3A_271 : i32
            %add3A_273 = arith.constant 1 : i32
            %add3A_274 = arith.addi %mul3A_272, %add3A_273 : i32
            %mul3A_275 = arith.constant 16 : i32
            %mul3A_276 = arith.muli %add3A_274, %mul3A_275 : i32
            %get3A_277 = arith.index_cast %mul3A_276 : i32 to index
            %get3A_278 = tpu.vector_load %arg10[%get3A_277] {strides = array<i32>} : memref<4096xi32, #tpu.memory_space<vmem>>, vector<16xi32>,
            %mul3A_279 = arith.constant 16 : i32
            %mul3A_280 = arith.muli %add3A_274, %mul3A_279 : i32
            %get3A_281 = arith.index_cast %mul3A_280 : i32 to index
            %get3A_282 = tpu.vector_load %arg11[%get3A_281] {strides = array<i32>} : memref<4096xi32, #tpu.memory_space<vmem>>, vector<16xi32>,
            %mul3A_283 = arith.constant 16 : i32
            %mul3A_284 = arith.muli %add3A_274, %mul3A_283 : i32
            %get3A_285 = arith.index_cast %mul3A_284 : i32 to index
            %get3A_286 = tpu.vector_load %arg12[%get3A_285] {strides = array<i32>} : memref<4096xf32, #tpu.memory_space<vmem>>, vector<16xf32>,
            %mul3A_287 = arith.constant 16 : i32
            %mul3A_288 = arith.muli %add3A_274, %mul3A_287 : i32
            %add3A_289 = vector.broadcast %mul3A_288 : i32 to vector<16xi32>
            %add3A_290 = arith.addi %add3A_289, %iota3A : vector<16xi32>
            %sub3A_291 = arith.constant 4095 : i32
            %sub3A_292 = vector.broadcast %sub3A_291 : i32 to vector<16xi32>
            %sub3A_293 = arith.subi %sub3A_292, %add3A_290 : vector<16xi32>
            %eq3A_294 = arith.constant 0 : i32
            %eq3A_295 = vector.broadcast %eq3A_294 : i32 to vector<16xi32>
            %eq3A_296 = arith.cmpi eq, %get3A_282, %eq3A_295 : vector<16xi32>
            %eq3A_297 = arith.constant 1 : i32
            %eq3A_298 = vector.broadcast %eq3A_297 : i32 to vector<16xi32>
            %eq3A_299 = arith.cmpi eq, %get3A_282, %eq3A_298 : vector<16xi32>
            %broadcast_in_dim3A_300 = vector.broadcast %get3A_64 : i32 to vector<16xi32>
            %broadcast_in_dim3A_301 = vector.broadcast %get3A_67 : i32 to vector<16xi32>
            %select_n3A_302 = arith.select %eq3A_299, %broadcast_in_dim3A_300, %broadcast_in_dim3A_301 : vector<16xi1>, vector<16xi32>
            %broadcast_in_dim3A_303 = vector.broadcast %get3A_61 : i32 to vector<16xi32>
            %select_n3A_304 = arith.select %eq3A_296, %broadcast_in_dim3A_303, %select_n3A_302 : vector<16xi1>, vector<16xi32>
            %eq3A_305 = arith.constant 0 : i32
            %eq3A_306 = vector.broadcast %eq3A_305 : i32 to vector<16xi32>
            %eq3A_307 = arith.cmpi eq, %get3A_282, %eq3A_306 : vector<16xi32>
            %eq3A_308 = arith.constant 1 : i32
            %eq3A_309 = vector.broadcast %eq3A_308 : i32 to vector<16xi32>
            %eq3A_310 = arith.cmpi eq, %get3A_282, %eq3A_309 : vector<16xi32>
            %broadcast_in_dim3A_311 = vector.broadcast %get3A_73 : i32 to vector<16xi32>
            %broadcast_in_dim3A_312 = vector.broadcast %get3A_76 : i32 to vector<16xi32>
            %select_n3A_313 = arith.select %eq3A_310, %broadcast_in_dim3A_311, %broadcast_in_dim3A_312 : vector<16xi1>, vector<16xi32>
            %broadcast_in_dim3A_314 = vector.broadcast %get3A_70 : i32 to vector<16xi32>
            %select_n3A_315 = arith.select %eq3A_307, %broadcast_in_dim3A_314, %select_n3A_313 : vector<16xi1>, vector<16xi32>
            %gt3A_316 = arith.constant 0 : i32
            %gt3A_317 = vector.broadcast %gt3A_316 : i32 to vector<16xi32>
            %gt3A_318 = arith.cmpi sgt, %get3A_278, %gt3A_317 : vector<16xi32>
            %gt3A_319 = arith.cmpi sgt, %get3A_278, %select_n3A_304 : vector<16xi32>
            %eq3A_320 = arith.cmpi eq, %get3A_278, %select_n3A_304 : vector<16xi32>
            %ge3A_321 = arith.cmpi sge, %sub3A_293, %select_n3A_315 : vector<16xi32>
            %and3A_322 = arith.andi %eq3A_320, %ge3A_321 : vector<16xi1>
            %or3A_323 = arith.ori %gt3A_319, %and3A_322 : vector<16xi1>
            %and3A_324 = arith.andi %gt3A_318, %or3A_323 : vector<16xi1>
            %gt3A_325 = arith.constant 0 : i32
            %gt3A_326 = vector.broadcast %gt3A_325 : i32 to vector<16xi32>
            %gt3A_327 = arith.cmpi sgt, %get3A_278, %gt3A_326 : vector<16xi32>
            %not3A_328 = arith.constant dense<true> : vector<16xi1>
            %not3A_329 = arith.xori %and3A_324, %not3A_328 : vector<16xi1>
            %and3A_330 = arith.andi %gt3A_327, %not3A_329 : vector<16xi1>
            %lt3A_331 = vector.broadcast %scan3A_129 : i32 to vector<16xi32>
            %lt3A_332 = arith.cmpi slt, %get3A_278, %lt3A_331 : vector<16xi32>
            %eq3A_333 = vector.broadcast %scan3A_129 : i32 to vector<16xi32>
            %eq3A_334 = arith.cmpi eq, %get3A_278, %eq3A_333 : vector<16xi32>
            %lt3A_335 = vector.broadcast %scan3A_130 : i32 to vector<16xi32>
            %lt3A_336 = arith.cmpi slt, %sub3A_293, %lt3A_335 : vector<16xi32>
            %and3A_337 = arith.andi %eq3A_334, %lt3A_336 : vector<16xi1>
            %or3A_338 = arith.ori %lt3A_332, %and3A_337 : vector<16xi1>
            %and3A_339 = arith.andi %and3A_330, %or3A_338 : vector<16xi1>
            %le3A_340 = vector.broadcast %scan3A_131 : f32 to vector<16xf32>
            %le3A_341 = arith.cmpf ole, %get3A_286, %le3A_340 : vector<16xf32>
            %and3A_342 = arith.andi %and3A_339, %le3A_341 : vector<16xi1>
            %jit3A_343 = arith.constant -1 : i32
            %broadcast_in_dim3A_344 = vector.broadcast %jit3A_343 : i32 to vector<16xi32>
            %select_n3A_345 = arith.select %and3A_342, %get3A_278, %broadcast_in_dim3A_344 : vector<16xi1>, vector<16xi32>
            %gt3A_346 = arith.cmpi sgt, %select_n3A_345, %select_n3A_268 : vector<16xi32>
            %eq3A_347 = arith.cmpi eq, %select_n3A_345, %select_n3A_268 : vector<16xi32>
            %gt3A_348 = arith.cmpi sgt, %sub3A_293, %select_n3A_269 : vector<16xi32>
            %and3A_349 = arith.andi %eq3A_347, %gt3A_348 : vector<16xi1>
            %or3A_350 = arith.ori %gt3A_346, %and3A_349 : vector<16xi1>
            %select_n3A_351 = arith.select %or3A_350, %select_n3A_345, %select_n3A_268 : vector<16xi1>, vector<16xi32>
            %select_n3A_352 = arith.select %or3A_350, %sub3A_293, %select_n3A_269 : vector<16xi1>, vector<16xi32>
            %select_n3A_353 = arith.select %or3A_350, %get3A_286, %select_n3A_270 : vector<16xi1>, vector<16xf32>
            %mul3A_354 = arith.constant 4 : i32
            %mul3A_355 = arith.muli %scan3A_187, %mul3A_354 : i32
            %add3A_356 = arith.constant 2 : i32
            %add3A_357 = arith.addi %mul3A_355, %add3A_356 : i32
            %mul3A_358 = arith.constant 16 : i32
            %mul3A_359 = arith.muli %add3A_357, %mul3A_358 : i32
            %get3A_360 = arith.index_cast %mul3A_359 : i32 to index
            %get3A_361 = tpu.vector_load %arg10[%get3A_360] {strides = array<i32>} : memref<4096xi32, #tpu.memory_space<vmem>>, vector<16xi32>,
            %mul3A_362 = arith.constant 16 : i32
            %mul3A_363 = arith.muli %add3A_357, %mul3A_362 : i32
            %get3A_364 = arith.index_cast %mul3A_363 : i32 to index
            %get3A_365 = tpu.vector_load %arg11[%get3A_364] {strides = array<i32>} : memref<4096xi32, #tpu.memory_space<vmem>>, vector<16xi32>,
            %mul3A_366 = arith.constant 16 : i32
            %mul3A_367 = arith.muli %add3A_357, %mul3A_366 : i32
            %get3A_368 = arith.index_cast %mul3A_367 : i32 to index
            %get3A_369 = tpu.vector_load %arg12[%get3A_368] {strides = array<i32>} : memref<4096xf32, #tpu.memory_space<vmem>>, vector<16xf32>,
            %mul3A_370 = arith.constant 16 : i32
            %mul3A_371 = arith.muli %add3A_357, %mul3A_370 : i32
            %add3A_372 = vector.broadcast %mul3A_371 : i32 to vector<16xi32>
            %add3A_373 = arith.addi %add3A_372, %iota3A : vector<16xi32>
            %sub3A_374 = arith.constant 4095 : i32
            %sub3A_375 = vector.broadcast %sub3A_374 : i32 to vector<16xi32>
            %sub3A_376 = arith.subi %sub3A_375, %add3A_373 : vector<16xi32>
            %eq3A_377 = arith.constant 0 : i32
            %eq3A_378 = vector.broadcast %eq3A_377 : i32 to vector<16xi32>
            %eq3A_379 = arith.cmpi eq, %get3A_365, %eq3A_378 : vector<16xi32>
            %eq3A_380 = arith.constant 1 : i32
            %eq3A_381 = vector.broadcast %eq3A_380 : i32 to vector<16xi32>
            %eq3A_382 = arith.cmpi eq, %get3A_365, %eq3A_381 : vector<16xi32>
            %broadcast_in_dim3A_383 = vector.broadcast %get3A_64 : i32 to vector<16xi32>
            %broadcast_in_dim3A_384 = vector.broadcast %get3A_67 : i32 to vector<16xi32>
            %select_n3A_385 = arith.select %eq3A_382, %broadcast_in_dim3A_383, %broadcast_in_dim3A_384 : vector<16xi1>, vector<16xi32>
            %broadcast_in_dim3A_386 = vector.broadcast %get3A_61 : i32 to vector<16xi32>
            %select_n3A_387 = arith.select %eq3A_379, %broadcast_in_dim3A_386, %select_n3A_385 : vector<16xi1>, vector<16xi32>
            %eq3A_388 = arith.constant 0 : i32
            %eq3A_389 = vector.broadcast %eq3A_388 : i32 to vector<16xi32>
            %eq3A_390 = arith.cmpi eq, %get3A_365, %eq3A_389 : vector<16xi32>
            %eq3A_391 = arith.constant 1 : i32
            %eq3A_392 = vector.broadcast %eq3A_391 : i32 to vector<16xi32>
            %eq3A_393 = arith.cmpi eq, %get3A_365, %eq3A_392 : vector<16xi32>
            %broadcast_in_dim3A_394 = vector.broadcast %get3A_73 : i32 to vector<16xi32>
            %broadcast_in_dim3A_395 = vector.broadcast %get3A_76 : i32 to vector<16xi32>
            %select_n3A_396 = arith.select %eq3A_393, %broadcast_in_dim3A_394, %broadcast_in_dim3A_395 : vector<16xi1>, vector<16xi32>
            %broadcast_in_dim3A_397 = vector.broadcast %get3A_70 : i32 to vector<16xi32>
            %select_n3A_398 = arith.select %eq3A_390, %broadcast_in_dim3A_397, %select_n3A_396 : vector<16xi1>, vector<16xi32>
            %gt3A_399 = arith.constant 0 : i32
            %gt3A_400 = vector.broadcast %gt3A_399 : i32 to vector<16xi32>
            %gt3A_401 = arith.cmpi sgt, %get3A_361, %gt3A_400 : vector<16xi32>
            %gt3A_402 = arith.cmpi sgt, %get3A_361, %select_n3A_387 : vector<16xi32>
            %eq3A_403 = arith.cmpi eq, %get3A_361, %select_n3A_387 : vector<16xi32>
            %ge3A_404 = arith.cmpi sge, %sub3A_376, %select_n3A_398 : vector<16xi32>
            %and3A_405 = arith.andi %eq3A_403, %ge3A_404 : vector<16xi1>
            %or3A_406 = arith.ori %gt3A_402, %and3A_405 : vector<16xi1>
            %and3A_407 = arith.andi %gt3A_401, %or3A_406 : vector<16xi1>
            %gt3A_408 = arith.constant 0 : i32
            %gt3A_409 = vector.broadcast %gt3A_408 : i32 to vector<16xi32>
            %gt3A_410 = arith.cmpi sgt, %get3A_361, %gt3A_409 : vector<16xi32>
            %not3A_411 = arith.constant dense<true> : vector<16xi1>
            %not3A_412 = arith.xori %and3A_407, %not3A_411 : vector<16xi1>
            %and3A_413 = arith.andi %gt3A_410, %not3A_412 : vector<16xi1>
            %lt3A_414 = vector.broadcast %scan3A_129 : i32 to vector<16xi32>
            %lt3A_415 = arith.cmpi slt, %get3A_361, %lt3A_414 : vector<16xi32>
            %eq3A_416 = vector.broadcast %scan3A_129 : i32 to vector<16xi32>
            %eq3A_417 = arith.cmpi eq, %get3A_361, %eq3A_416 : vector<16xi32>
            %lt3A_418 = vector.broadcast %scan3A_130 : i32 to vector<16xi32>
            %lt3A_419 = arith.cmpi slt, %sub3A_376, %lt3A_418 : vector<16xi32>
            %and3A_420 = arith.andi %eq3A_417, %lt3A_419 : vector<16xi1>
            %or3A_421 = arith.ori %lt3A_415, %and3A_420 : vector<16xi1>
            %and3A_422 = arith.andi %and3A_413, %or3A_421 : vector<16xi1>
            %le3A_423 = vector.broadcast %scan3A_131 : f32 to vector<16xf32>
            %le3A_424 = arith.cmpf ole, %get3A_369, %le3A_423 : vector<16xf32>
            %and3A_425 = arith.andi %and3A_422, %le3A_424 : vector<16xi1>
            %jit3A_426 = arith.constant -1 : i32
            %broadcast_in_dim3A_427 = vector.broadcast %jit3A_426 : i32 to vector<16xi32>
            %select_n3A_428 = arith.select %and3A_425, %get3A_361, %broadcast_in_dim3A_427 : vector<16xi1>, vector<16xi32>
            %gt3A_429 = arith.cmpi sgt, %select_n3A_428, %select_n3A_351 : vector<16xi32>
            %eq3A_430 = arith.cmpi eq, %select_n3A_428, %select_n3A_351 : vector<16xi32>
            %gt3A_431 = arith.cmpi sgt, %sub3A_376, %select_n3A_352 : vector<16xi32>
            %and3A_432 = arith.andi %eq3A_430, %gt3A_431 : vector<16xi1>
            %or3A_433 = arith.ori %gt3A_429, %and3A_432 : vector<16xi1>
            %select_n3A_434 = arith.select %or3A_433, %select_n3A_428, %select_n3A_351 : vector<16xi1>, vector<16xi32>
            %select_n3A_435 = arith.select %or3A_433, %sub3A_376, %select_n3A_352 : vector<16xi1>, vector<16xi32>
            %select_n3A_436 = arith.select %or3A_433, %get3A_369, %select_n3A_353 : vector<16xi1>, vector<16xf32>
            %mul3A_437 = arith.constant 4 : i32
            %mul3A_438 = arith.muli %scan3A_187, %mul3A_437 : i32
            %add3A_439 = arith.constant 3 : i32
            %add3A_440 = arith.addi %mul3A_438, %add3A_439 : i32
            %mul3A_441 = arith.constant 16 : i32
            %mul3A_442 = arith.muli %add3A_440, %mul3A_441 : i32
            %get3A_443 = arith.index_cast %mul3A_442 : i32 to index
            %get3A_444 = tpu.vector_load %arg10[%get3A_443] {strides = array<i32>} : memref<4096xi32, #tpu.memory_space<vmem>>, vector<16xi32>,
            %mul3A_445 = arith.constant 16 : i32
            %mul3A_446 = arith.muli %add3A_440, %mul3A_445 : i32
            %get3A_447 = arith.index_cast %mul3A_446 : i32 to index
            %get3A_448 = tpu.vector_load %arg11[%get3A_447] {strides = array<i32>} : memref<4096xi32, #tpu.memory_space<vmem>>, vector<16xi32>,
            %mul3A_449 = arith.constant 16 : i32
            %mul3A_450 = arith.muli %add3A_440, %mul3A_449 : i32
            %get3A_451 = arith.index_cast %mul3A_450 : i32 to index
            %get3A_452 = tpu.vector_load %arg12[%get3A_451] {strides = array<i32>} : memref<4096xf32, #tpu.memory_space<vmem>>, vector<16xf32>,
            %mul3A_453 = arith.constant 16 : i32
            %mul3A_454 = arith.muli %add3A_440, %mul3A_453 : i32
            %add3A_455 = vector.broadcast %mul3A_454 : i32 to vector<16xi32>
            %add3A_456 = arith.addi %add3A_455, %iota3A : vector<16xi32>
            %sub3A_457 = arith.constant 4095 : i32
            %sub3A_458 = vector.broadcast %sub3A_457 : i32 to vector<16xi32>
            %sub3A_459 = arith.subi %sub3A_458, %add3A_456 : vector<16xi32>
            %eq3A_460 = arith.constant 0 : i32
            %eq3A_461 = vector.broadcast %eq3A_460 : i32 to vector<16xi32>
            %eq3A_462 = arith.cmpi eq, %get3A_448, %eq3A_461 : vector<16xi32>
            %eq3A_463 = arith.constant 1 : i32
            %eq3A_464 = vector.broadcast %eq3A_463 : i32 to vector<16xi32>
            %eq3A_465 = arith.cmpi eq, %get3A_448, %eq3A_464 : vector<16xi32>
            %broadcast_in_dim3A_466 = vector.broadcast %get3A_64 : i32 to vector<16xi32>
            %broadcast_in_dim3A_467 = vector.broadcast %get3A_67 : i32 to vector<16xi32>
            %select_n3A_468 = arith.select %eq3A_465, %broadcast_in_dim3A_466, %broadcast_in_dim3A_467 : vector<16xi1>, vector<16xi32>
            %broadcast_in_dim3A_469 = vector.broadcast %get3A_61 : i32 to vector<16xi32>
            %select_n3A_470 = arith.select %eq3A_462, %broadcast_in_dim3A_469, %select_n3A_468 : vector<16xi1>, vector<16xi32>
            %eq3A_471 = arith.constant 0 : i32
            %eq3A_472 = vector.broadcast %eq3A_471 : i32 to vector<16xi32>
            %eq3A_473 = arith.cmpi eq, %get3A_448, %eq3A_472 : vector<16xi32>
            %eq3A_474 = arith.constant 1 : i32
            %eq3A_475 = vector.broadcast %eq3A_474 : i32 to vector<16xi32>
            %eq3A_476 = arith.cmpi eq, %get3A_448, %eq3A_475 : vector<16xi32>
            %broadcast_in_dim3A_477 = vector.broadcast %get3A_73 : i32 to vector<16xi32>
            %broadcast_in_dim3A_478 = vector.broadcast %get3A_76 : i32 to vector<16xi32>
            %select_n3A_479 = arith.select %eq3A_476, %broadcast_in_dim3A_477, %broadcast_in_dim3A_478 : vector<16xi1>, vector<16xi32>
            %broadcast_in_dim3A_480 = vector.broadcast %get3A_70 : i32 to vector<16xi32>
            %select_n3A_481 = arith.select %eq3A_473, %broadcast_in_dim3A_480, %select_n3A_479 : vector<16xi1>, vector<16xi32>
            %gt3A_482 = arith.constant 0 : i32
            %gt3A_483 = vector.broadcast %gt3A_482 : i32 to vector<16xi32>
            %gt3A_484 = arith.cmpi sgt, %get3A_444, %gt3A_483 : vector<16xi32>
            %gt3A_485 = arith.cmpi sgt, %get3A_444, %select_n3A_470 : vector<16xi32>
            %eq3A_486 = arith.cmpi eq, %get3A_444, %select_n3A_470 : vector<16xi32>
            %ge3A_487 = arith.cmpi sge, %sub3A_459, %select_n3A_481 : vector<16xi32>
            %and3A_488 = arith.andi %eq3A_486, %ge3A_487 : vector<16xi1>
            %or3A_489 = arith.ori %gt3A_485, %and3A_488 : vector<16xi1>
            %and3A_490 = arith.andi %gt3A_484, %or3A_489 : vector<16xi1>
            %gt3A_491 = arith.constant 0 : i32
            %gt3A_492 = vector.broadcast %gt3A_491 : i32 to vector<16xi32>
            %gt3A_493 = arith.cmpi sgt, %get3A_444, %gt3A_492 : vector<16xi32>
            %not3A_494 = arith.constant dense<true> : vector<16xi1>
            %not3A_495 = arith.xori %and3A_490, %not3A_494 : vector<16xi1>
            %and3A_496 = arith.andi %gt3A_493, %not3A_495 : vector<16xi1>
            %lt3A_497 = vector.broadcast %scan3A_129 : i32 to vector<16xi32>
            %lt3A_498 = arith.cmpi slt, %get3A_444, %lt3A_497 : vector<16xi32>
            %eq3A_499 = vector.broadcast %scan3A_129 : i32 to vector<16xi32>
            %eq3A_500 = arith.cmpi eq, %get3A_444, %eq3A_499 : vector<16xi32>
            %lt3A_501 = vector.broadcast %scan3A_130 : i32 to vector<16xi32>
            %lt3A_502 = arith.cmpi slt, %sub3A_459, %lt3A_501 : vector<16xi32>
            %and3A_503 = arith.andi %eq3A_500, %lt3A_502 : vector<16xi1>
            %or3A_504 = arith.ori %lt3A_498, %and3A_503 : vector<16xi1>
            %and3A_505 = arith.andi %and3A_496, %or3A_504 : vector<16xi1>
            %le3A_506 = vector.broadcast %scan3A_131 : f32 to vector<16xf32>
            %le3A_507 = arith.cmpf ole, %get3A_452, %le3A_506 : vector<16xf32>
            %and3A_508 = arith.andi %and3A_505, %le3A_507 : vector<16xi1>
            %jit3A_509 = arith.constant -1 : i32
            %broadcast_in_dim3A_510 = vector.broadcast %jit3A_509 : i32 to vector<16xi32>
            %select_n3A_511 = arith.select %and3A_508, %get3A_444, %broadcast_in_dim3A_510 : vector<16xi1>, vector<16xi32>
            %gt3A_512 = arith.cmpi sgt, %select_n3A_511, %select_n3A_434 : vector<16xi32>
            %eq3A_513 = arith.cmpi eq, %select_n3A_511, %select_n3A_434 : vector<16xi32>
            %gt3A_514 = arith.cmpi sgt, %sub3A_459, %select_n3A_435 : vector<16xi32>
            %and3A_515 = arith.andi %eq3A_513, %gt3A_514 : vector<16xi1>
            %or3A_516 = arith.ori %gt3A_512, %and3A_515 : vector<16xi1>
            %select_n3A_517 = arith.select %or3A_516, %select_n3A_511, %select_n3A_434 : vector<16xi1>, vector<16xi32>
            %select_n3A_518 = arith.select %or3A_516, %sub3A_459, %select_n3A_435 : vector<16xi1>, vector<16xi32>
            %select_n3A_519 = arith.select %or3A_516, %get3A_452, %select_n3A_436 : vector<16xi1>, vector<16xf32>
            scf.yield %select_n3A_517, %select_n3A_518, %select_n3A_519 : vector<16xi32>, vector<16xi32>, vector<16xf32>
          }
          %scan3A_144 = arith.constant 64 : i32
          %reduce_max3A_145 = arith.constant true
          %reduce_max3A_146 = vector.broadcast %reduce_max3A_145 : i1 to vector<16xi1>
          %reduce_max3A_147 = arith.constant -2147483648 : i32
          %reduce_max3A_148 = vector.broadcast %reduce_max3A_147 : i32 to vector<16xi32>
          %reduce_max3A_149 = arith.xori %scan3A_143#0, %reduce_max3A_148 : vector<16xi32>
          %reduce_max3A_150 = tpu.scan <max>, %reduce_max3A_149 masked %reduce_max3A_146 : vector<16xi32>, vector<16xi1> -> vector<16xi32>
          %reduce_max3A_151 = arith.xori %reduce_max3A_150, %reduce_max3A_148 : vector<16xi32>
          %reduce_max3A_152 = vector.extract %reduce_max3A_151[15] : i32 from vector<16xi32>
          %eq3A_153 = vector.broadcast %reduce_max3A_152 : i32 to vector<16xi32>
          %eq3A_154 = arith.cmpi eq, %scan3A_143#0, %eq3A_153 : vector<16xi32>
          %jit3A_155 = arith.constant -1 : i32
          %broadcast_in_dim3A_156 = vector.broadcast %jit3A_155 : i32 to vector<16xi32>
          %select_n3A_157 = arith.select %eq3A_154, %scan3A_143#1, %broadcast_in_dim3A_156 : vector<16xi1>, vector<16xi32>
          %reduce_max3A_158 = arith.constant true
          %reduce_max3A_159 = vector.broadcast %reduce_max3A_158 : i1 to vector<16xi1>
          %reduce_max3A_160 = arith.constant -2147483648 : i32
          %reduce_max3A_161 = vector.broadcast %reduce_max3A_160 : i32 to vector<16xi32>
          %reduce_max3A_162 = arith.xori %select_n3A_157, %reduce_max3A_161 : vector<16xi32>
          %reduce_max3A_163 = tpu.scan <max>, %reduce_max3A_162 masked %reduce_max3A_159 : vector<16xi32>, vector<16xi1> -> vector<16xi32>
          %reduce_max3A_164 = arith.xori %reduce_max3A_163, %reduce_max3A_161 : vector<16xi32>
          %reduce_max3A_165 = vector.extract %reduce_max3A_164[15] : i32 from vector<16xi32>
          %eq3A_166 = vector.broadcast %reduce_max3A_152 : i32 to vector<16xi32>
          %eq3A_167 = arith.cmpi eq, %scan3A_143#0, %eq3A_166 : vector<16xi32>
          %eq3A_168 = vector.broadcast %reduce_max3A_165 : i32 to vector<16xi32>
          %eq3A_169 = arith.cmpi eq, %scan3A_143#1, %eq3A_168 : vector<16xi32>
          %and3A_170 = arith.andi %eq3A_167, %eq3A_169 : vector<16xi1>
          %jit3A_171 = arith.constant 0.000000e+00 : f32
          %broadcast_in_dim3A_172 = vector.broadcast %jit3A_171 : f32 to vector<16xf32>
          %select_n3A_173 = arith.select %and3A_170, %scan3A_143#2, %broadcast_in_dim3A_172 : vector<16xi1>, vector<16xf32>
          %reduce_sum3A_174 = arith.constant true
          %reduce_sum3A_175 = vector.broadcast %reduce_sum3A_174 : i1 to vector<16xi1>
          %reduce_sum3A_176 = tpu.scan <sum>, %select_n3A_173 masked %reduce_sum3A_175 : vector<16xf32>, vector<16xi1> -> vector<16xf32>
          %reduce_sum3A_177 = vector.extract %reduce_sum3A_176[15] : f32 from vector<16xf32>
          %ge3A_178 = arith.constant 0 : i32
          %ge3A_179 = arith.cmpi sge, %reduce_max3A_152, %ge3A_178 : i32
          %jit3A_180 = arith.constant -7 : i32
          %select_n3A_181 = arith.select %ge3A_179, %reduce_max3A_165, %jit3A_180 : i32
          %swap3A = arith.index_cast %scan3A_128 : i32 to index
          %swap3A_182 = memref.load %arg23[%swap3A] : memref<4xi32, #tpu.memory_space<smem>>
          memref.store %select_n3A_181, %arg23[%swap3A] : memref<4xi32, #tpu.memory_space<smem>>
          %select_n3A_183 = arith.select %ge3A_179, %reduce_max3A_152, %scan3A_129 : i32
          %select_n3A_184 = arith.select %ge3A_179, %reduce_max3A_165, %scan3A_130 : i32
          %sub3A_185 = arith.subf %scan3A_131, %reduce_sum3A_177 : f32
          %select_n3A_186 = arith.select %ge3A_179, %sub3A_185, %scan3A_131 : f32
          scf.yield %select_n3A_183, %select_n3A_184, %select_n3A_186 : i32, i32, f32
        } else {
          %swap3A = arith.constant -7 : i32
          %swap3A_139 = arith.index_cast %scan3A_128 : i32 to index
          %swap3A_140 = memref.load %arg23[%swap3A_139] : memref<4xi32, #tpu.memory_space<smem>>
          memref.store %swap3A, %arg23[%swap3A_139] : memref<4xi32, #tpu.memory_space<smem>>
          scf.yield %scan3A_129, %scan3A_130, %scan3A_131 : i32, i32, f32
        }
        scf.yield %cond3A_138#0, %cond3A_138#1, %cond3A_138#2 : i32, i32, f32
      }
      %scan3A_112 = arith.constant 3 : i32
      %get3A_113 = arith.constant 0 : i32
      %get3A_114 = arith.index_cast %get3A_113 : i32 to index
      %get3A_115 = memref.load %arg23[%get3A_114] : memref<4xi32, #tpu.memory_space<smem>>
      %get3A_116 = arith.constant 1 : i32
      %get3A_117 = arith.index_cast %get3A_116 : i32 to index
      %get3A_118 = memref.load %arg23[%get3A_117] : memref<4xi32, #tpu.memory_space<smem>>
      %get3A_119 = arith.constant 2 : i32
      %get3A_120 = arith.index_cast %get3A_119 : i32 to index
      %get3A_121 = memref.load %arg23[%get3A_120] : memref<4xi32, #tpu.memory_space<smem>>
      %scan3A_122 = arith.constant 0 : i32
      %scan3A_123 = arith.constant 0 : i32
      %scan3A_124 = arith.constant 64 : i32
      %scan3A_125 = arith.addi %scan3A_123, %scan3A_124 : i32
      %scan3A_126 = arith.constant 1 : i32
      scf.for %scan3A_128 = %scan3A_123 to %scan3A_125 step %scan3A_126  : i32 {
        %mul3A_129 = arith.constant 4 : i32
        %mul3A_130 = arith.muli %scan3A_128, %mul3A_129 : i32
        %add3A_131 = arith.constant 0 : i32
        %add3A_132 = arith.addi %mul3A_130, %add3A_131 : i32
        %mul3A_133 = arith.constant 16 : i32
        %mul3A_134 = arith.muli %add3A_132, %mul3A_133 : i32
        %get3A_135 = arith.index_cast %mul3A_134 : i32 to index
        %get3A_136 = tpu.vector_load %arg10[%get3A_135] {strides = array<i32>} : memref<4096xi32, #tpu.memory_space<vmem>>, vector<16xi32>,
        %mul3A_137 = arith.constant 16 : i32
        %mul3A_138 = arith.muli %add3A_132, %mul3A_137 : i32
        %get3A_139 = arith.index_cast %mul3A_138 : i32 to index
        %get3A_140 = tpu.vector_load %arg11[%get3A_139] {strides = array<i32>} : memref<4096xi32, #tpu.memory_space<vmem>>, vector<16xi32>,
        %mul3A_141 = arith.constant 16 : i32
        %mul3A_142 = arith.muli %add3A_132, %mul3A_141 : i32
        %add3A_143 = vector.broadcast %mul3A_142 : i32 to vector<16xi32>
        %add3A_144 = arith.addi %add3A_143, %iota3A : vector<16xi32>
        %sub3A_145 = arith.constant 4095 : i32
        %sub3A_146 = vector.broadcast %sub3A_145 : i32 to vector<16xi32>
        %sub3A_147 = arith.subi %sub3A_146, %add3A_144 : vector<16xi32>
        %eq3A_148 = arith.constant 0 : i32
        %eq3A_149 = vector.broadcast %eq3A_148 : i32 to vector<16xi32>
        %eq3A_150 = arith.cmpi eq, %get3A_140, %eq3A_149 : vector<16xi32>
        %eq3A_151 = arith.constant 1 : i32
        %eq3A_152 = vector.broadcast %eq3A_151 : i32 to vector<16xi32>
        %eq3A_153 = arith.cmpi eq, %get3A_140, %eq3A_152 : vector<16xi32>
        %broadcast_in_dim3A_154 = vector.broadcast %get3A_64 : i32 to vector<16xi32>
        %broadcast_in_dim3A_155 = vector.broadcast %get3A_67 : i32 to vector<16xi32>
        %select_n3A_156 = arith.select %eq3A_153, %broadcast_in_dim3A_154, %broadcast_in_dim3A_155 : vector<16xi1>, vector<16xi32>
        %broadcast_in_dim3A_157 = vector.broadcast %get3A_61 : i32 to vector<16xi32>
        %select_n3A_158 = arith.select %eq3A_150, %broadcast_in_dim3A_157, %select_n3A_156 : vector<16xi1>, vector<16xi32>
        %eq3A_159 = arith.constant 0 : i32
        %eq3A_160 = vector.broadcast %eq3A_159 : i32 to vector<16xi32>
        %eq3A_161 = arith.cmpi eq, %get3A_140, %eq3A_160 : vector<16xi32>
        %eq3A_162 = arith.constant 1 : i32
        %eq3A_163 = vector.broadcast %eq3A_162 : i32 to vector<16xi32>
        %eq3A_164 = arith.cmpi eq, %get3A_140, %eq3A_163 : vector<16xi32>
        %broadcast_in_dim3A_165 = vector.broadcast %get3A_73 : i32 to vector<16xi32>
        %broadcast_in_dim3A_166 = vector.broadcast %get3A_76 : i32 to vector<16xi32>
        %select_n3A_167 = arith.select %eq3A_164, %broadcast_in_dim3A_165, %broadcast_in_dim3A_166 : vector<16xi1>, vector<16xi32>
        %broadcast_in_dim3A_168 = vector.broadcast %get3A_70 : i32 to vector<16xi32>
        %select_n3A_169 = arith.select %eq3A_161, %broadcast_in_dim3A_168, %select_n3A_167 : vector<16xi1>, vector<16xi32>
        %gt3A_170 = arith.constant 0 : i32
        %gt3A_171 = vector.broadcast %gt3A_170 : i32 to vector<16xi32>
        %gt3A_172 = arith.cmpi sgt, %get3A_136, %gt3A_171 : vector<16xi32>
        %gt3A_173 = arith.cmpi sgt, %get3A_136, %select_n3A_158 : vector<16xi32>
        %eq3A_174 = arith.cmpi eq, %get3A_136, %select_n3A_158 : vector<16xi32>
        %ge3A = arith.cmpi sge, %sub3A_147, %select_n3A_169 : vector<16xi32>
        %and3A = arith.andi %eq3A_174, %ge3A : vector<16xi1>
        %or3A = arith.ori %gt3A_173, %and3A : vector<16xi1>
        %and3A_175 = arith.andi %gt3A_172, %or3A : vector<16xi1>
        %eq3A_176 = vector.broadcast %get3A_115 : i32 to vector<16xi32>
        %eq3A_177 = arith.cmpi eq, %sub3A_147, %eq3A_176 : vector<16xi32>
        %or3A_178 = arith.ori %and3A_175, %eq3A_177 : vector<16xi1>
        %eq3A_179 = vector.broadcast %get3A_118 : i32 to vector<16xi32>
        %eq3A_180 = arith.cmpi eq, %sub3A_147, %eq3A_179 : vector<16xi32>
        %or3A_181 = arith.ori %or3A_178, %eq3A_180 : vector<16xi1>
        %eq3A_182 = vector.broadcast %get3A_121 : i32 to vector<16xi32>
        %eq3A_183 = arith.cmpi eq, %sub3A_147, %eq3A_182 : vector<16xi32>
        %or3A_184 = arith.ori %or3A_181, %eq3A_183 : vector<16xi1>
        %convert_element_type3A_185 = arith.sitofp %get3A_140 : vector<16xi32> to vector<16xf32>
        %jit3A_186 = arith.constant -1.000000e+00 : f32
        %broadcast_in_dim3A_187 = vector.broadcast %jit3A_186 : f32 to vector<16xf32>
        %select_n3A_188 = arith.select %or3A_184, %convert_element_type3A_185, %broadcast_in_dim3A_187 : vector<16xi1>, vector<16xf32>
        %mul3A_189 = arith.constant 16 : i32
        %mul3A_190 = arith.muli %add3A_132, %mul3A_189 : i32
        %swap3A = arith.index_cast %mul3A_190 : i32 to index
        %swap3A_191 = tpu.vector_load %arg16[%swap3A] {strides = array<i32>} : memref<4096xf32, #tpu.memory_space<vmem>>, vector<16xf32>,
        tpu.vector_store %arg16[%swap3A], %select_n3A_188 {strides = array<i32>} : memref<4096xf32, #tpu.memory_space<vmem>>, vector<16xf32>,
        %mul3A_192 = arith.constant 4 : i32
        %mul3A_193 = arith.muli %scan3A_128, %mul3A_192 : i32
        %add3A_194 = arith.constant 1 : i32
        %add3A_195 = arith.addi %mul3A_193, %add3A_194 : i32
        %mul3A_196 = arith.constant 16 : i32
        %mul3A_197 = arith.muli %add3A_195, %mul3A_196 : i32
        %get3A_198 = arith.index_cast %mul3A_197 : i32 to index
        %get3A_199 = tpu.vector_load %arg10[%get3A_198] {strides = array<i32>} : memref<4096xi32, #tpu.memory_space<vmem>>, vector<16xi32>,
        %mul3A_200 = arith.constant 16 : i32
        %mul3A_201 = arith.muli %add3A_195, %mul3A_200 : i32
        %get3A_202 = arith.index_cast %mul3A_201 : i32 to index
        %get3A_203 = tpu.vector_load %arg11[%get3A_202] {strides = array<i32>} : memref<4096xi32, #tpu.memory_space<vmem>>, vector<16xi32>,
        %mul3A_204 = arith.constant 16 : i32
        %mul3A_205 = arith.muli %add3A_195, %mul3A_204 : i32
        %add3A_206 = vector.broadcast %mul3A_205 : i32 to vector<16xi32>
        %add3A_207 = arith.addi %add3A_206, %iota3A : vector<16xi32>
        %sub3A_208 = arith.constant 4095 : i32
        %sub3A_209 = vector.broadcast %sub3A_208 : i32 to vector<16xi32>
        %sub3A_210 = arith.subi %sub3A_209, %add3A_207 : vector<16xi32>
        %eq3A_211 = arith.constant 0 : i32
        %eq3A_212 = vector.broadcast %eq3A_211 : i32 to vector<16xi32>
        %eq3A_213 = arith.cmpi eq, %get3A_203, %eq3A_212 : vector<16xi32>
        %eq3A_214 = arith.constant 1 : i32
        %eq3A_215 = vector.broadcast %eq3A_214 : i32 to vector<16xi32>
        %eq3A_216 = arith.cmpi eq, %get3A_203, %eq3A_215 : vector<16xi32>
        %broadcast_in_dim3A_217 = vector.broadcast %get3A_64 : i32 to vector<16xi32>
        %broadcast_in_dim3A_218 = vector.broadcast %get3A_67 : i32 to vector<16xi32>
        %select_n3A_219 = arith.select %eq3A_216, %broadcast_in_dim3A_217, %broadcast_in_dim3A_218 : vector<16xi1>, vector<16xi32>
        %broadcast_in_dim3A_220 = vector.broadcast %get3A_61 : i32 to vector<16xi32>
        %select_n3A_221 = arith.select %eq3A_213, %broadcast_in_dim3A_220, %select_n3A_219 : vector<16xi1>, vector<16xi32>
        %eq3A_222 = arith.constant 0 : i32
        %eq3A_223 = vector.broadcast %eq3A_222 : i32 to vector<16xi32>
        %eq3A_224 = arith.cmpi eq, %get3A_203, %eq3A_223 : vector<16xi32>
        %eq3A_225 = arith.constant 1 : i32
        %eq3A_226 = vector.broadcast %eq3A_225 : i32 to vector<16xi32>
        %eq3A_227 = arith.cmpi eq, %get3A_203, %eq3A_226 : vector<16xi32>
        %broadcast_in_dim3A_228 = vector.broadcast %get3A_73 : i32 to vector<16xi32>
        %broadcast_in_dim3A_229 = vector.broadcast %get3A_76 : i32 to vector<16xi32>
        %select_n3A_230 = arith.select %eq3A_227, %broadcast_in_dim3A_228, %broadcast_in_dim3A_229 : vector<16xi1>, vector<16xi32>
        %broadcast_in_dim3A_231 = vector.broadcast %get3A_70 : i32 to vector<16xi32>
        %select_n3A_232 = arith.select %eq3A_224, %broadcast_in_dim3A_231, %select_n3A_230 : vector<16xi1>, vector<16xi32>
        %gt3A_233 = arith.constant 0 : i32
        %gt3A_234 = vector.broadcast %gt3A_233 : i32 to vector<16xi32>
        %gt3A_235 = arith.cmpi sgt, %get3A_199, %gt3A_234 : vector<16xi32>
        %gt3A_236 = arith.cmpi sgt, %get3A_199, %select_n3A_221 : vector<16xi32>
        %eq3A_237 = arith.cmpi eq, %get3A_199, %select_n3A_221 : vector<16xi32>
        %ge3A_238 = arith.cmpi sge, %sub3A_210, %select_n3A_232 : vector<16xi32>
        %and3A_239 = arith.andi %eq3A_237, %ge3A_238 : vector<16xi1>
        %or3A_240 = arith.ori %gt3A_236, %and3A_239 : vector<16xi1>
        %and3A_241 = arith.andi %gt3A_235, %or3A_240 : vector<16xi1>
        %eq3A_242 = vector.broadcast %get3A_115 : i32 to vector<16xi32>
        %eq3A_243 = arith.cmpi eq, %sub3A_210, %eq3A_242 : vector<16xi32>
        %or3A_244 = arith.ori %and3A_241, %eq3A_243 : vector<16xi1>
        %eq3A_245 = vector.broadcast %get3A_118 : i32 to vector<16xi32>
        %eq3A_246 = arith.cmpi eq, %sub3A_210, %eq3A_245 : vector<16xi32>
        %or3A_247 = arith.ori %or3A_244, %eq3A_246 : vector<16xi1>
        %eq3A_248 = vector.broadcast %get3A_121 : i32 to vector<16xi32>
        %eq3A_249 = arith.cmpi eq, %sub3A_210, %eq3A_248 : vector<16xi32>
        %or3A_250 = arith.ori %or3A_247, %eq3A_249 : vector<16xi1>
        %convert_element_type3A_251 = arith.sitofp %get3A_203 : vector<16xi32> to vector<16xf32>
        %jit3A_252 = arith.constant -1.000000e+00 : f32
        %broadcast_in_dim3A_253 = vector.broadcast %jit3A_252 : f32 to vector<16xf32>
        %select_n3A_254 = arith.select %or3A_250, %convert_element_type3A_251, %broadcast_in_dim3A_253 : vector<16xi1>, vector<16xf32>
        %mul3A_255 = arith.constant 16 : i32
        %mul3A_256 = arith.muli %add3A_195, %mul3A_255 : i32
        %swap3A_257 = arith.index_cast %mul3A_256 : i32 to index
        %swap3A_258 = tpu.vector_load %arg16[%swap3A_257] {strides = array<i32>} : memref<4096xf32, #tpu.memory_space<vmem>>, vector<16xf32>,
        tpu.vector_store %arg16[%swap3A_257], %select_n3A_254 {strides = array<i32>} : memref<4096xf32, #tpu.memory_space<vmem>>, vector<16xf32>,
        %mul3A_259 = arith.constant 4 : i32
        %mul3A_260 = arith.muli %scan3A_128, %mul3A_259 : i32
        %add3A_261 = arith.constant 2 : i32
        %add3A_262 = arith.addi %mul3A_260, %add3A_261 : i32
        %mul3A_263 = arith.constant 16 : i32
        %mul3A_264 = arith.muli %add3A_262, %mul3A_263 : i32
        %get3A_265 = arith.index_cast %mul3A_264 : i32 to index
        %get3A_266 = tpu.vector_load %arg10[%get3A_265] {strides = array<i32>} : memref<4096xi32, #tpu.memory_space<vmem>>, vector<16xi32>,
        %mul3A_267 = arith.constant 16 : i32
        %mul3A_268 = arith.muli %add3A_262, %mul3A_267 : i32
        %get3A_269 = arith.index_cast %mul3A_268 : i32 to index
        %get3A_270 = tpu.vector_load %arg11[%get3A_269] {strides = array<i32>} : memref<4096xi32, #tpu.memory_space<vmem>>, vector<16xi32>,
        %mul3A_271 = arith.constant 16 : i32
        %mul3A_272 = arith.muli %add3A_262, %mul3A_271 : i32
        %add3A_273 = vector.broadcast %mul3A_272 : i32 to vector<16xi32>
        %add3A_274 = arith.addi %add3A_273, %iota3A : vector<16xi32>
        %sub3A_275 = arith.constant 4095 : i32
        %sub3A_276 = vector.broadcast %sub3A_275 : i32 to vector<16xi32>
        %sub3A_277 = arith.subi %sub3A_276, %add3A_274 : vector<16xi32>
        %eq3A_278 = arith.constant 0 : i32
        %eq3A_279 = vector.broadcast %eq3A_278 : i32 to vector<16xi32>
        %eq3A_280 = arith.cmpi eq, %get3A_270, %eq3A_279 : vector<16xi32>
        %eq3A_281 = arith.constant 1 : i32
        %eq3A_282 = vector.broadcast %eq3A_281 : i32 to vector<16xi32>
        %eq3A_283 = arith.cmpi eq, %get3A_270, %eq3A_282 : vector<16xi32>
        %broadcast_in_dim3A_284 = vector.broadcast %get3A_64 : i32 to vector<16xi32>
        %broadcast_in_dim3A_285 = vector.broadcast %get3A_67 : i32 to vector<16xi32>
        %select_n3A_286 = arith.select %eq3A_283, %broadcast_in_dim3A_284, %broadcast_in_dim3A_285 : vector<16xi1>, vector<16xi32>
        %broadcast_in_dim3A_287 = vector.broadcast %get3A_61 : i32 to vector<16xi32>
        %select_n3A_288 = arith.select %eq3A_280, %broadcast_in_dim3A_287, %select_n3A_286 : vector<16xi1>, vector<16xi32>
        %eq3A_289 = arith.constant 0 : i32
        %eq3A_290 = vector.broadcast %eq3A_289 : i32 to vector<16xi32>
        %eq3A_291 = arith.cmpi eq, %get3A_270, %eq3A_290 : vector<16xi32>
        %eq3A_292 = arith.constant 1 : i32
        %eq3A_293 = vector.broadcast %eq3A_292 : i32 to vector<16xi32>
        %eq3A_294 = arith.cmpi eq, %get3A_270, %eq3A_293 : vector<16xi32>
        %broadcast_in_dim3A_295 = vector.broadcast %get3A_73 : i32 to vector<16xi32>
        %broadcast_in_dim3A_296 = vector.broadcast %get3A_76 : i32 to vector<16xi32>
        %select_n3A_297 = arith.select %eq3A_294, %broadcast_in_dim3A_295, %broadcast_in_dim3A_296 : vector<16xi1>, vector<16xi32>
        %broadcast_in_dim3A_298 = vector.broadcast %get3A_70 : i32 to vector<16xi32>
        %select_n3A_299 = arith.select %eq3A_291, %broadcast_in_dim3A_298, %select_n3A_297 : vector<16xi1>, vector<16xi32>
        %gt3A_300 = arith.constant 0 : i32
        %gt3A_301 = vector.broadcast %gt3A_300 : i32 to vector<16xi32>
        %gt3A_302 = arith.cmpi sgt, %get3A_266, %gt3A_301 : vector<16xi32>
        %gt3A_303 = arith.cmpi sgt, %get3A_266, %select_n3A_288 : vector<16xi32>
        %eq3A_304 = arith.cmpi eq, %get3A_266, %select_n3A_288 : vector<16xi32>
        %ge3A_305 = arith.cmpi sge, %sub3A_277, %select_n3A_299 : vector<16xi32>
        %and3A_306 = arith.andi %eq3A_304, %ge3A_305 : vector<16xi1>
        %or3A_307 = arith.ori %gt3A_303, %and3A_306 : vector<16xi1>
        %and3A_308 = arith.andi %gt3A_302, %or3A_307 : vector<16xi1>
        %eq3A_309 = vector.broadcast %get3A_115 : i32 to vector<16xi32>
        %eq3A_310 = arith.cmpi eq, %sub3A_277, %eq3A_309 : vector<16xi32>
        %or3A_311 = arith.ori %and3A_308, %eq3A_310 : vector<16xi1>
        %eq3A_312 = vector.broadcast %get3A_118 : i32 to vector<16xi32>
        %eq3A_313 = arith.cmpi eq, %sub3A_277, %eq3A_312 : vector<16xi32>
        %or3A_314 = arith.ori %or3A_311, %eq3A_313 : vector<16xi1>
        %eq3A_315 = vector.broadcast %get3A_121 : i32 to vector<16xi32>
        %eq3A_316 = arith.cmpi eq, %sub3A_277, %eq3A_315 : vector<16xi32>
        %or3A_317 = arith.ori %or3A_314, %eq3A_316 : vector<16xi1>
        %convert_element_type3A_318 = arith.sitofp %get3A_270 : vector<16xi32> to vector<16xf32>
        %jit3A_319 = arith.constant -1.000000e+00 : f32
        %broadcast_in_dim3A_320 = vector.broadcast %jit3A_319 : f32 to vector<16xf32>
        %select_n3A_321 = arith.select %or3A_317, %convert_element_type3A_318, %broadcast_in_dim3A_320 : vector<16xi1>, vector<16xf32>
        %mul3A_322 = arith.constant 16 : i32
        %mul3A_323 = arith.muli %add3A_262, %mul3A_322 : i32
        %swap3A_324 = arith.index_cast %mul3A_323 : i32 to index
        %swap3A_325 = tpu.vector_load %arg16[%swap3A_324] {strides = array<i32>} : memref<4096xf32, #tpu.memory_space<vmem>>, vector<16xf32>,
        tpu.vector_store %arg16[%swap3A_324], %select_n3A_321 {strides = array<i32>} : memref<4096xf32, #tpu.memory_space<vmem>>, vector<16xf32>,
        %mul3A_326 = arith.constant 4 : i32
        %mul3A_327 = arith.muli %scan3A_128, %mul3A_326 : i32
        %add3A_328 = arith.constant 3 : i32
        %add3A_329 = arith.addi %mul3A_327, %add3A_328 : i32
        %mul3A_330 = arith.constant 16 : i32
        %mul3A_331 = arith.muli %add3A_329, %mul3A_330 : i32
        %get3A_332 = arith.index_cast %mul3A_331 : i32 to index
        %get3A_333 = tpu.vector_load %arg10[%get3A_332] {strides = array<i32>} : memref<4096xi32, #tpu.memory_space<vmem>>, vector<16xi32>,
        %mul3A_334 = arith.constant 16 : i32
        %mul3A_335 = arith.muli %add3A_329, %mul3A_334 : i32
        %get3A_336 = arith.index_cast %mul3A_335 : i32 to index
        %get3A_337 = tpu.vector_load %arg11[%get3A_336] {strides = array<i32>} : memref<4096xi32, #tpu.memory_space<vmem>>, vector<16xi32>,
        %mul3A_338 = arith.constant 16 : i32
        %mul3A_339 = arith.muli %add3A_329, %mul3A_338 : i32
        %add3A_340 = vector.broadcast %mul3A_339 : i32 to vector<16xi32>
        %add3A_341 = arith.addi %add3A_340, %iota3A : vector<16xi32>
        %sub3A_342 = arith.constant 4095 : i32
        %sub3A_343 = vector.broadcast %sub3A_342 : i32 to vector<16xi32>
        %sub3A_344 = arith.subi %sub3A_343, %add3A_341 : vector<16xi32>
        %eq3A_345 = arith.constant 0 : i32
        %eq3A_346 = vector.broadcast %eq3A_345 : i32 to vector<16xi32>
        %eq3A_347 = arith.cmpi eq, %get3A_337, %eq3A_346 : vector<16xi32>
        %eq3A_348 = arith.constant 1 : i32
        %eq3A_349 = vector.broadcast %eq3A_348 : i32 to vector<16xi32>
        %eq3A_350 = arith.cmpi eq, %get3A_337, %eq3A_349 : vector<16xi32>
        %broadcast_in_dim3A_351 = vector.broadcast %get3A_64 : i32 to vector<16xi32>
        %broadcast_in_dim3A_352 = vector.broadcast %get3A_67 : i32 to vector<16xi32>
        %select_n3A_353 = arith.select %eq3A_350, %broadcast_in_dim3A_351, %broadcast_in_dim3A_352 : vector<16xi1>, vector<16xi32>
        %broadcast_in_dim3A_354 = vector.broadcast %get3A_61 : i32 to vector<16xi32>
        %select_n3A_355 = arith.select %eq3A_347, %broadcast_in_dim3A_354, %select_n3A_353 : vector<16xi1>, vector<16xi32>
        %eq3A_356 = arith.constant 0 : i32
        %eq3A_357 = vector.broadcast %eq3A_356 : i32 to vector<16xi32>
        %eq3A_358 = arith.cmpi eq, %get3A_337, %eq3A_357 : vector<16xi32>
        %eq3A_359 = arith.constant 1 : i32
        %eq3A_360 = vector.broadcast %eq3A_359 : i32 to vector<16xi32>
        %eq3A_361 = arith.cmpi eq, %get3A_337, %eq3A_360 : vector<16xi32>
        %broadcast_in_dim3A_362 = vector.broadcast %get3A_73 : i32 to vector<16xi32>
        %broadcast_in_dim3A_363 = vector.broadcast %get3A_76 : i32 to vector<16xi32>
        %select_n3A_364 = arith.select %eq3A_361, %broadcast_in_dim3A_362, %broadcast_in_dim3A_363 : vector<16xi1>, vector<16xi32>
        %broadcast_in_dim3A_365 = vector.broadcast %get3A_70 : i32 to vector<16xi32>
        %select_n3A_366 = arith.select %eq3A_358, %broadcast_in_dim3A_365, %select_n3A_364 : vector<16xi1>, vector<16xi32>
        %gt3A_367 = arith.constant 0 : i32
        %gt3A_368 = vector.broadcast %gt3A_367 : i32 to vector<16xi32>
        %gt3A_369 = arith.cmpi sgt, %get3A_333, %gt3A_368 : vector<16xi32>
        %gt3A_370 = arith.cmpi sgt, %get3A_333, %select_n3A_355 : vector<16xi32>
        %eq3A_371 = arith.cmpi eq, %get3A_333, %select_n3A_355 : vector<16xi32>
        %ge3A_372 = arith.cmpi sge, %sub3A_344, %select_n3A_366 : vector<16xi32>
        %and3A_373 = arith.andi %eq3A_371, %ge3A_372 : vector<16xi1>
        %or3A_374 = arith.ori %gt3A_370, %and3A_373 : vector<16xi1>
        %and3A_375 = arith.andi %gt3A_369, %or3A_374 : vector<16xi1>
        %eq3A_376 = vector.broadcast %get3A_115 : i32 to vector<16xi32>
        %eq3A_377 = arith.cmpi eq, %sub3A_344, %eq3A_376 : vector<16xi32>
        %or3A_378 = arith.ori %and3A_375, %eq3A_377 : vector<16xi1>
        %eq3A_379 = vector.broadcast %get3A_118 : i32 to vector<16xi32>
        %eq3A_380 = arith.cmpi eq, %sub3A_344, %eq3A_379 : vector<16xi32>
        %or3A_381 = arith.ori %or3A_378, %eq3A_380 : vector<16xi1>
        %eq3A_382 = vector.broadcast %get3A_121 : i32 to vector<16xi32>
        %eq3A_383 = arith.cmpi eq, %sub3A_344, %eq3A_382 : vector<16xi32>
        %or3A_384 = arith.ori %or3A_381, %eq3A_383 : vector<16xi1>
        %convert_element_type3A_385 = arith.sitofp %get3A_337 : vector<16xi32> to vector<16xf32>
        %jit3A_386 = arith.constant -1.000000e+00 : f32
        %broadcast_in_dim3A_387 = vector.broadcast %jit3A_386 : f32 to vector<16xf32>
        %select_n3A_388 = arith.select %or3A_384, %convert_element_type3A_385, %broadcast_in_dim3A_387 : vector<16xi1>, vector<16xf32>
        %mul3A_389 = arith.constant 16 : i32
        %mul3A_390 = arith.muli %add3A_329, %mul3A_389 : i32
        %swap3A_391 = arith.index_cast %mul3A_390 : i32 to index
        %swap3A_392 = tpu.vector_load %arg16[%swap3A_391] {strides = array<i32>} : memref<4096xf32, #tpu.memory_space<vmem>>, vector<16xf32>,
        tpu.vector_store %arg16[%swap3A_391], %select_n3A_388 {strides = array<i32>} : memref<4096xf32, #tpu.memory_space<vmem>>, vector<16xf32>,
      }
      %scan3A_127 = arith.constant 64 : i32
      "tpu.region"() ({
        %run_scoped3A = tpu.sem_alloc : memref<!tpu.dma_semaphore, #tpu.memory_space<semaphore_mem>>
        %dma_start3A = arith.constant 0 : i32
        %dma_start3A_128 = tpu.memref_slice %arg6[%add3A, %dma_start3A] : memref<4x4096xf32, #tpu.memory_space<hbm>> -> memref<1x4096xf32, #tpu.memory_space<hbm>>
        %dma_start3A_129 = tpu.memref_squeeze %dma_start3A_128 : memref<1x4096xf32, #tpu.memory_space<hbm>> -> memref<4096xf32, #tpu.memory_space<hbm>>
        %dma_start3A_130 = arith.constant 0 : i32
        %dma_start3A_131 = tpu.memref_slice %arg6[%add3A, %dma_start3A_130] : memref<4x4096xf32, #tpu.memory_space<hbm>> -> memref<1x4096xf32, #tpu.memory_space<hbm>>
        %dma_start3A_132 = tpu.memref_squeeze %dma_start3A_131 : memref<1x4096xf32, #tpu.memory_space<hbm>> -> memref<4096xf32, #tpu.memory_space<hbm>>
        tpu.enqueue_dma source(%arg16 : memref<4096xf32, #tpu.memory_space<vmem>>) target(%dma_start3A_132 : memref<4096xf32, #tpu.memory_space<hbm>>) target_semaphore(%run_scoped3A : memref<!tpu.dma_semaphore, #tpu.memory_space<semaphore_mem>>)
        %dma_wait3A = arith.constant 0 : i32
        %dma_wait3A_133 = tpu.memref_slice %arg6[%add3A, %dma_wait3A] : memref<4x4096xf32, #tpu.memory_space<hbm>> -> memref<1x4096xf32, #tpu.memory_space<hbm>>
        %dma_wait3A_134 = tpu.memref_squeeze %dma_wait3A_133 : memref<1x4096xf32, #tpu.memory_space<hbm>> -> memref<4096xf32, #tpu.memory_space<hbm>>
        %dma_wait3A_135 = arith.constant 0 : i32
        %dma_wait3A_136 = tpu.memref_slice %arg6[%add3A, %dma_wait3A_135] : memref<4x4096xf32, #tpu.memory_space<hbm>> -> memref<1x4096xf32, #tpu.memory_space<hbm>>
        %dma_wait3A_137 = tpu.memref_squeeze %dma_wait3A_136 : memref<1x4096xf32, #tpu.memory_space<hbm>> -> memref<4096xf32, #tpu.memory_space<hbm>>
        tpu.wait_dma2 semaphore(%run_scoped3A : memref<!tpu.dma_semaphore, #tpu.memory_space<semaphore_mem>>) src(%arg16 : memref<4096xf32, #tpu.memory_space<vmem>>) dst(%dma_wait3A_137 : memref<4096xf32, #tpu.memory_space<hbm>>)
        tpu.yield
      }) : () -> ()
    } else {
    }
    return
  }
}

module attributes {stable_mosaic.version = 14 : i64} {
  func.func @_mask_mult_body(%arg0: i32, %arg1: memref<4x4096xf32, #tpu.memory_space<vmem>>, %arg2: memref<4x32x4096xf32, #tpu.memory_space<vmem>>, %arg3: memref<4x32x4096xf32, #tpu.memory_space<vmem>>) attributes {dimension_semantics = [#tpu.dimension_semantics<arbitrary>], iteration_bounds = array<i64: 7>, scalar_prefetch = 0 : i64, scratch_operands = 0 : i64, tpu.core_type = #tpu.core_type<tc>, window_params = [{pipeline_mode = #tpu.pipeline_mode<synchronous>, transform_indices = @transform_0, window_bounds = array<i64: 4, 4096>}, {transform_indices = @transform_1, window_bounds = array<i64: 4, 32, 4096>}, {transform_indices = @transform_2, window_bounds = array<i64: 4, 32, 4096>}]} {
    %get3A = arith.constant 0 : index
    %get3A_0 = arith.constant 0 : index
    %get3A_1 = vector.load %arg1[%get3A, %get3A_0] : memref<4x4096xf32, #tpu.memory_space<vmem>>, vector<4x4096xf32>
    %lt3A = arith.constant 2 : i32
    %lt3A_2 = arith.cmpi slt, %arg0, %lt3A : i32
    %lt3A_3 = arith.constant 6 : i32
    %lt3A_4 = arith.cmpi slt, %arg0, %lt3A_3 : i32
    %jit3A = arith.constant 1.000000e+00 : f32
    %jit3A_5 = arith.constant 2.000000e+00 : f32
    %select_n3A = arith.select %lt3A_4, %jit3A, %jit3A_5 : f32
    %jit3A_6 = arith.constant 0.000000e+00 : f32
    %select_n3A_7 = arith.select %lt3A_2, %jit3A_6, %select_n3A : f32
    %get3A_8 = arith.constant 0 : index
    %get3A_9 = arith.constant 0 : index
    %get3A_10 = arith.constant 0 : index
    %get3A_11 = vector.load %arg2[%get3A_8, %get3A_9, %get3A_10] : memref<4x32x4096xf32, #tpu.memory_space<vmem>>, vector<4x32x4096xf32>
    %eq3A = vector.broadcast %select_n3A_7 : f32 to vector<4x4096xf32>
    %eq3A_12 = arith.cmpf oeq, %get3A_1, %eq3A : vector<4x4096xf32>
    %jit3A_13 = arith.constant 1.000000e+00 : f32
    %jit3A_14 = arith.constant 0.000000e+00 : f32
    %broadcast_in_dim3A = vector.broadcast %jit3A_13 : f32 to vector<4x4096xf32>
    %broadcast_in_dim3A_15 = vector.broadcast %jit3A_14 : f32 to vector<4x4096xf32>
    %select_n3A_16 = arith.select %eq3A_12, %broadcast_in_dim3A, %broadcast_in_dim3A_15 : vector<4x4096xi1>, vector<4x4096xf32>
    %broadcast_in_dim3A_17 = vector.shape_cast %select_n3A_16 : vector<4x4096xf32> to vector<4x1x4096xf32>
    %mul3A = vector.broadcast %broadcast_in_dim3A_17 : vector<4x1x4096xf32> to vector<4x32x4096xf32>
    %mul3A_18 = arith.mulf %get3A_11, %mul3A : vector<4x32x4096xf32>
    %swap3A = arith.constant 0 : index
    %swap3A_19 = arith.constant 0 : index
    %swap3A_20 = arith.constant 0 : index
    %swap3A_21 = vector.load %arg3[%swap3A, %swap3A_19, %swap3A_20] : memref<4x32x4096xf32, #tpu.memory_space<vmem>>, vector<4x32x4096xf32>
    tpu.vector_store %arg3[%swap3A, %swap3A_19, %swap3A_20], %mul3A_18 {strides = array<i32>} : memref<4x32x4096xf32, #tpu.memory_space<vmem>>, vector<4x32x4096xf32>,
    return
  }
  func.func @transform_0(%arg0: i32) -> (i32, i32) {
    %c0_i32 = arith.constant 0 : i32
    %c0_i32_0 = arith.constant 0 : i32
    %c0_i32_1 = arith.constant 0 : i32
    return %c0_i32, %c0_i32_0 : i32, i32
  }
  func.func @transform_1(%arg0: i32) -> (i32, i32, i32) {
    %c0_i32 = arith.constant 0 : i32
    %c0_i32_0 = arith.constant 0 : i32
    %c0_i32_1 = arith.constant 0 : i32
    return %c0_i32, %arg0, %c0_i32_0 : i32, i32, i32
  }
  func.func @transform_2(%arg0: i32) -> (i32, i32, i32) {
    %c0_i32 = arith.constant 0 : i32
    %c0_i32_0 = arith.constant 0 : i32
    %c0_i32_1 = arith.constant 0 : i32
    return %c0_i32, %arg0, %c0_i32_0 : i32, i32, i32
  }
}

</mosaic_0001>

<sc_bundles>
// kernel: kernel.4.cloned.1.call-start
scs
__scs_entry_jumppad:
0x0: {  	(pc) =	sbr.rel $0x88, $3  }
0x1: {  	(tag) =	ssettag $0x0;
	lr =	simm.s32 $0x1  }
0x2: {  	[smem:$0x3F9E] =	sst lr;
	_ =	strace $0xD0000000  }
0x3: {  	_ = 	snop  }
0x4: {  	_ = 	snop  }
0x5: {  	_ = 	snop  }
0x6: {  	_ = 	snop  }
0x7: {  	_ = 	snop  }
__scs_overlays_trampoline_lowered:
0x8: {  	[smem:$0x3FAD] =	sst s0  }
0x9: {  	[smem:$0x3FAE] =	sst s1  }
0xa: {  	[smem:$0x3FAF] =	sst s2  }
0xb: {  	[smem:$0x3FB0] =	sst s3  }
0xc: {  	[smem:$0x3FB1] =	sst s4  }
0xd: {  	[smem:$0x3FB2] =	sst s5  }
0xe: {  	[smem:$0x3FB3] =	sst s6  }
0xf: {  	[smem:$0x3FB4] =	sst s7  }
0x10: {  	[smem:$0x3FB5] =	sst s8  }
0x11: {  	[smem:$0x3FB6] =	sst s9;
	s0 =	simm.s32 @!p0 $0x0  }
0x12: {  	s1 =	sld [smem:$0x3F9C];
	s0 =	simm.s32 @p0 $0x1  }
0x13: {  	[smem:$0x3FB7] =	sst s0;
	s0 =	simm.s32 @!p1 $0x0  }
0x14: {  	s2 =	sld [smem:$0x3F9B];
	s0 =	simm.s32 @p1 $0x1  }
0x15: {  	[smem:$0x3FB8] =	sst s0;
	s0 =	simm.s32 @!p2 $0x0  }
0x16: {  	s3 =	sld [smem:$0x3FDB];
	s0 =	simm.s32 @p2 $0x1  }
0x17: {  	s4 =	simm.s32 $0x1BF5;
	[smem:$0x3FBA] =	sst s0  }
0x18: {  	s0 =	sld [smem:$0x3F9D];
	_ =	swait.ge [sflag:s4], $0x0  }
0x19: {  	s7 =	sld [smem:$0x3F9E]  }
0x1a: {  	s8 =	sadd.s32 $0xFFFFE003, lr  }
0x1b: {  	s9 =	sadd.s32 $0xFFFFFEF7, lr;
	s5 =	simm.s32 $0xFFFFFFFF;
	p2 =	slt.u32 s8, $0xFFFFF086  }
0x1c: {  	p1 =	slt.u32 s9, $0xF7A;
	s5 =	simm.s32 @!p2 $0x0  }
0x1d: {  	s5 =	simm.s32 @p1 $0x1;
	p0 =	seq.s32 s7, s2  }
0x1e: {  	s7 =	smul.u32 @!p0 $0xF7A, s2;
	p2 =	seq.s32 @!p0 s5, $0x0  }
0x1f: {  	s9 =	smul.u32 $0xF7A, s1;
	s8 =	simm.s32 @!p0 $0x1BF5;
	p2 =	por !p2, p0  }
0x20: {  	[sflag:s8] =	ssyncset.s32 @!p0 $0xFFFFF086;
	s6 =	sadd.s32 @!p0 s3, s7;
	s7 =	simm.s32 @!p0 $0x108  }
0x21: {  	s3 =	sadd.s32 s3, s9;
	s6 =	sadd.s32 @!p0 $0x88, s6;
	s7 =	simm.s32 @p2 $0x1082  }
0x22: {  	[simem:s7], [sflag:s8] =	dma.local @!p0 [hbm:s6], $0xF7A  }
0x23: {  	s9 =	sor.u32 $0xD0000000, s2;
	s6 =	simm.s32 $0x108;
	_ =	swait.ge @!p0 [sflag:s8], $0x0  }
0x24: {  	s3 =	sadd.s32 $0x88, s3;
	s6 =	simm.s32 @!p1 $0x1082;
	[sflag:s4] =	ssyncset.s32 $0xFFFFF086  }
0x25: {  	[simem:s6], [sflag:s4] =	dma.local [hbm:s3], $0xF7A  }
0x26: {  	[smem:$0x3F9E] =	sst s1;
	(tag) =	ssettag s2;
	_ =	strace s9  }
0x27: {  	s1 =	sld [smem:$0x3FAE]  }
0x28: {  	s2 =	sld [smem:$0x3FAF]  }
0x29: {  	s4 =	sld [smem:$0x3FB1]  }
0x2a: {  	p0 =	seq.s32 s5, $0x0;
	s5 =	sld [smem:$0x3FB2]  }
0x2b: {  	s6 =	sld [smem:$0x3FB3]  }
0x2c: {  	s7 =	sld [smem:$0x3FB4]  }
0x2d: {  	s3 =	simm.s32 $0x108;
	s8 =	sld [smem:$0x3FB5]  }
0x2e: {  	s3 =	simm.s32 @!p0 $0x1082;
	s9 =	sld [smem:$0x3FB6]  }
0x2f: {  	lr =	sadd.s32 s0, s3;
	s0 =	sld [smem:$0x3FAD]  }
0x30: {  	s3 =	sld [smem:$0x3FB0]  }
0x31: {  	[smem:$0x3FB9] =	sst s10  }
0x32: {  	s10 =	sld [smem:$0x3FB7];
	_ =	sdelay $0x3  }
0x33: {  	p0 =	seq.s32 s10, $0x1;
	s10 =	sld [smem:$0x3FB9];
	_ =	sdelay $0x3  }
0x34: {  	[smem:$0x3FB9] =	sst s10  }
0x35: {  	s10 =	sld [smem:$0x3FB8];
	_ =	sdelay $0x3  }
0x36: {  	p1 =	seq.s32 s10, $0x1;
	s10 =	sld [smem:$0x3FB9];
	_ =	sdelay $0x3  }
0x37: {  	[smem:$0x3FB9] =	sst s10  }
0x38: {  	s10 =	sld [smem:$0x3FBA]  }
0x39: {  	_ = 	snop;
	(pc) =	sbr.ind lr, $3  }
0x3a: {  	_ = 	snop  }
0x3b: {  	_ = 	snop  }
0x3c: {  	p2 =	seq.s32 s10, $0x1;
	s10 =	sld [smem:$0x3FB9]  }
0x3d: {  	_ =	shalt  }
0x3e: {  	_ =	shalt  }
0x3f: {  	_ =	shalt  }
0x40: {  	_ =	shalt  }
0x41: {  	_ =	shalt  }
0x42: {  	_ =	shalt  }
0x43: {  	_ =	shalt  }
0x44: {  	_ =	shalt  }
0x45: {  	_ =	shalt  }
0x46: {  	_ =	shalt  }
0x47: {  	_ =	shalt  }
0x48: {  	_ =	shalt  }
0x49: {  	_ =	shalt  }
0x4a: {  	_ =	shalt  }
0x4b: {  	_ =	shalt  }
0x4c: {  	_ =	shalt  }
0x4d: {  	_ =	shalt  }
0x4e: {  	_ =	shalt  }
0x4f: {  	_ =	shalt  }
0x50: {  	_ =	shalt  }
0x51: {  	_ =	shalt  }
0x52: {  	_ =	shalt  }
0x53: {  	_ =	shalt  }
0x54: {  	_ =	shalt  }
0x55: {  	_ =	shalt  }
0x56: {  	_ =	shalt  }
0x57: {  	_ =	shalt  }
0x58: {  	_ =	shalt  }
0x59: {  	_ =	shalt  }
0x5a: {  	_ =	shalt  }
0x5b: {  	_ =	shalt  }
0x5c: {  	_ =	shalt  }
0x5d: {  	_ =	shalt  }
0x5e: {  	_ =	shalt  }
0x5f: {  	_ =	shalt  }
0x60: {  	_ =	shalt  }
0x61: {  	_ =	shalt  }
0x62: {  	_ =	shalt  }
0x63: {  	_ =	shalt  }
0x64: {  	_ =	shalt  }
0x65: {  	_ =	shalt  }
0x66: {  	_ =	shalt  }
0x67: {  	_ =	shalt  }
0x68: {  	_ =	shalt  }
0x69: {  	_ =	shalt  }
0x6a: {  	_ =	shalt  }
0x6b: {  	_ =	shalt  }
0x6c: {  	_ =	shalt  }
0x6d: {  	_ =	shalt  }
0x6e: {  	_ =	shalt  }
0x6f: {  	_ =	shalt  }
0x70: {  	_ =	shalt  }
0x71: {  	_ =	shalt  }
0x72: {  	_ =	shalt  }
0x73: {  	_ =	shalt  }
0x74: {  	_ =	shalt  }
0x75: {  	_ =	shalt  }
0x76: {  	_ =	shalt  }
0x77: {  	_ =	shalt  }
0x78: {  	_ =	shalt  }
0x79: {  	_ =	shalt  }
0x7a: {  	_ =	shalt  }
0x7b: {  	_ =	shalt  }
0x7c: {  	_ =	shalt  }
0x7d: {  	_ =	shalt  }
0x7e: {  	_ =	shalt  }
0x7f: {  	_ =	shalt  }
0x80: {  	_ =	shalt  }
0x81: {  	_ =	shalt  }
0x82: {  	_ =	shalt  }
0x83: {  	_ =	shalt  }
0x84: {  	_ =	shalt  }
0x85: {  	_ =	shalt  }
0x86: {  	_ =	shalt  }
0x87: {  	_ =	shalt  }
.Lfunc_end0:
.L_simem_size_0:
called_computation_lowered:
.L_overlay_start_0:
0x88: {  	s2 =	sld [smem:$0x3FD9]  }
0x89: {  	s3 =	sld [smem:$0x3FFE];
	_ =	sdelay $0x1  }
0x8a: {  	s1 =	srdreg.scid  }
0x8b: {  	s0 =	sand.u32 $0x1, s1  }
0x8c: {  	s14 =	sshll.u32 s0, $0xA;
	s2 =	sadd.s32 s3, s2  }
0x8d: {  	s2 =	sadd.s32 s2, s14  }
0x8e: {  	[smem:$0x3FC5] =	sst s2  }
0x8f: {  	_ = 	snop  }
0x90: {  	s2 =	sld [smem:$0x3FD0];
	_ =	sdelay $0x2  }
0x91: {  	s15 =	simm.s32 $0xA;
	s4 =	simm.s32 $0x10  }
0x92: {  	[smem:s4], [sflag:s15] =	dma.local [hbm:s2], $0x1  }
0x93: {  	_ =	swait.eq [sflag:s15], $0x1  }
0x94: {  	[sflag:s15] =	ssyncset.done $0x0  }
0x95: {  	[sflag:s15] =	ssyncadd.s32 $0xFFFFFFFF  }
0x96: {  	s16 =	sld [smem:$0x11];
	(tm) =	ssettm $0x1  }
0x97: {  	s17 =	sld [smem:$0x3FFB];
	_ =	sdelay $0x3  }
0x98: {  	_ =	strace s17  }
0x99: {  	s3 =	sld [smem:$0x3FFC];
	_ =	sdelay $0x3  }
0x9a: {  	_ =	strace s3  }
0x9b: {  	s3 =	sld [smem:$0x3FFD];
	_ =	sdelay $0x3  }
0x9c: {  	_ =	strace s3  }
0x9d: {  	_ =	strace $0x8FFFFFFF  }
0x9e: {  	s18 =	sld [smem:$0x3FDB];
	_ =	sdelay $0x1  }
0x9f: {  	s19 =	simm.s32 $_scs_section_size  }
0xa0: {  	s5 =	simm.s32 $_size__tile_overlayer_lowered;
	s6 =	simm.s32 $_tile_overlayer_lowered  }
0xa1: {  	s22 =	simm.s32 $0x1BFF;
	s21 =	sshll.u32 s6, $0x1;
	s3 =	sadd.s32 s19, s18  }
0xa2: {  	s7 =	simm.s32 $0x0;
	s20 =	sshll.u32 s5, $0x1;
	s5 =	sadd.s32 s21, s3  }
0xa3: {  	[timem:s7], [sflag:s22] =	dma.local [hbm:s5], s20  }
0xa4: {  	_ =	swait.ge [sflag:s22], s20  }
0xa5: {  	s4 =	ssub.s32 $0x0, s20;
	[sflag:s22] =	ssyncset.done $0x0  }
0xa6: {  	[sflag:s22] =	ssyncadd.s32 s4;
	_ =	sdelay $0x1  }
0xa7: {  	s23 =	simm.s32 $0x1B8B  }
0xa8: {  	_ =	swait.ge [sflag:s23], $0x1  }
0xa9: {  	[sflag:s23] =	ssyncset.done $0x0  }
0xaa: {  	s25 =	simm.s32 $0x1B8E;
	s24 =	sld [smem:$0x3FFE];
	[sflag:s23] =	ssyncadd.s32 $0xFFFFFFFF  }
0xab: {  	s26 =	simm.s32 $execute0_lowered;
	[smem:$0x3FD2] =	sst s25  }
0xac: {  	s5 =	sshll.u32 s26, $0x1;
	_ =	strace $0x80000046;
	[dreg:$0x1] =	wrdreg $0xFFFFFFFF  }
0xad: {  	s28 =	simm.s32 $_size_execute0_lowered;
	s3 =	sadd.s32 s3, s5;
	[dreg:$0x0] =	wrdreg $0x0  }
0xae: {  	s5 =	sshll.u32 s28, $0x1;
	[dreg:$0x2] =	wrdreg s3  }
0xaf: {  	[dreg:$0x3] =	wrdreg s5  }
0xb0: {  	[dreg:$0x4] =	wrdreg $0xC0  }
0xb1: {  	_ =	task [dreg:s7], $0x5FFFF  }
0xb2: {  	[dreg:$0x1] =	wrdreg $0xFFFFFFFF  }
0xb3: {  	[dreg:$0x0] =	wrdreg $0x60  }
0xb4: {  	[dreg:$0x2] =	wrdreg s16  }
0xb5: {  	[dreg:$0x3] =	wrdreg s24  }
0xb6: {  	[dreg:$0x4] =	wrdreg $0x9  }
0xb7: {  	_ =	task.clear_ibuf [dreg:s7], $0x5FFFF;
	_ =	strace $0x90000046  }
0xb8: {  	s29 =	simm.s32 $0x9;
	_ =	strace $0x80000048  }
0xb9: {  	_ =	swait.ge [sflag:s29], $0x1  }
0xba: {  	[sflag:s29] =	ssyncadd.s32 $0xFFFFFFFF  }
0xbb: {  	_ =	strace $0x90000048  }
0xbc: {  	_ =	sfence  }
0xbd: {  	s30 =	sld [smem:$0x0];
	_ =	sdelay $0x2  }
0xbe: {  	s31 =	sshll.u32 s1, $0xD;
	s1 =	sshrl.u32 s1, $0x2  }
0xbf: {  	s3 =	sand.u32 $0x4000, s31;
	s1 =	sadd.s32 s1, s30  }
0xc0: {  	s0 =	sor.u32 s3, s0;
	s1 =	sshll.u32 s1, $0x11  }
0xc1: {  	s0 =	sor.u32 s1, s0  }
0xc2: {  	s0 =	sadd.s32 $0x8F2B, s0  }
0xc3: {  	[sflag:s0] =	ssyncadd.remote.s32 $0x1  }
0xc4: {  	_ =	sfence.sel $0xFFFF  }
0xc5: {  	[dreg:$0x0] =	wrdreg $0xFFFFFFFF;
	(pc) =	sbr.abs _section_cstart, $3  }
0xc6: {  	[dreg:$0x1] =	wrdreg $0xFFFFFFFF  }
0xc7: {  	_ =	task.clear_ibuf [dreg:s7], $0x2FFFF;
	_ =	strace $0x9FFFFFFF  }
0xc8: {  	(tm) =	ssettm $0x7FFFFFFF  }
0xc9: {  	_ =	shalt  }
tec
execute0_lowered:
.L_overlay_start_1:
0x0: {  	(tag) =	ssettag $0x1  }
0x1: {  	s0 =	stileid.u32  }
0x2: {  	p0 =	sgt.u32 s0, $0x1  }
.Ltmp0:
0x3: {  	_ = 	snop;
	(pc) =	sbr.rel @p0 .LBB2_42-.Ltmp0, $4  }
0x4: {  	_ = 	snop  }
0x5: {  	s4 =	rddreg [dreg:$0x0];
	s2 =	simm.s32 $0x0  }
0x6: {  	[smem:$0x7FF] =	sst s2  }
0x7: {  	s5 =	rddreg [dreg:$0x1];
	_ =	strace $0x80000047  }
0x8: {  	s3 =	srdreg.scid;
	s0 =	stileid.u32;
	s10 =	simm.s32 $0x1  }
0x9: {  	s11 =	simm.s32 $0x80;
	s12 =	simm.s32 $0x200;
	s14 =	simm.s32 $0x2000  }
0xa: {  	s15 =	simm.s32 $0x6000;
	s16 =	simm.s32 $0x9000;
	s6 =	sand.u32 $0x1, s3  }
0xb: {  	s17 =	simm.s32 $0xC100;
	s7 =	sshll.u32 s0, $0x5;
	s8 =	sshll.u32 s6, $0x4  }
0xc: {  	v0 =	vlaneseq.u32;
	s18 =	simm.s32 $0xFFFFFFF9;
	s30 =	ssub.s32 $0x2, s6;
	s7 =	sor.u32 s8, s7  }
0xd: {  	vm0 =	vmmov $0x1;
	v5 =	vimm.s32 $0x0;
	s3 =	sadd.s32 $0x1A00, s5;
	v1 =	vmul.u32 $0x100, v0;
	s31 =	sshrl.u32 s30, $0x1;
	s9 =	sadd.s32 s7, s5  }
0xe: {  	v2 =	vimm.f32 $0.0e+00;
	v3 =	vimm.s32 $0x2;
	v5 =	vsel vm0, $0xFFFFFFFF, v5;
	s4 =	sadd.s32 s4, s7;
	s8 =	ssub.s32 s30, s31;
	s5 =	sadd.s32 $0x1200, s9  }
0xf: {  	v4 =	vimm.f32 $1.000000000e+00;
	[tilespmem:$0x1FFF0] =	vst v5;
	v5 =	vor.u32 $0x80000000, v0;
	v6 =	vor.u32 $0x1000, v1;
	s6 =	sadd.s32 $0xA00, s9;
	s7 =	sadd.s32 $0x1C00, s9;
	s8 =	smax.u32 s8, $0x1  }
.LBB2_2:
0x10: {  	s19 =	simm.s32 $0x0;
	s0 =	simm.s32 $0xD100  }
0x11: {  	[tilespmem:s0], [sflag:$0x1] =	stream.linear.gather [hbm4b:s3+s19], $0x80, $0x38;
	[tilespmem:$0xD180] =	vst v63  }
0x12: {  	_ =	swait.ge [sflag:s10], $0x80  }
0x13: {  	[sflag:s10] =	ssyncset.done $0x0  }
0x14: {  	[sflag:s10] =	ssyncadd.s32 $0xFFFFFF80  }
0x15: {  	[tilespmem:s19], [sflag:$0x1] =	stream.strided.gather [hbm4b:s4+s11], $0x1000, s12, s11, $0x38;
	[tilespmem:$0xD180] =	vst v63  }
0x16: {  	_ =	swait.ge [sflag:s10], $0x1000  }
0x17: {  	[sflag:s10] =	ssyncset.done $0x0  }
0x18: {  	s31 =	simm.s32 $0x1000;
	[sflag:s10] =	ssyncadd.s32 $0xFFFFF000  }
0x19: {  	[tilespmem:s31], [sflag:$0x1] =	stream.strided.gather [hbm4b:s5+s11], $0x1000, s12, s11, $0x38;
	[tilespmem:$0xD180] =	vst v63  }
0x1a: {  	_ =	swait.ge [sflag:s10], $0x1000  }
0x1b: {  	[sflag:s10] =	ssyncset.done $0x0  }
0x1c: {  	[sflag:s10] =	ssyncadd.s32 $0xFFFFF000  }
0x1d: {  	[tilespmem:s14], [sflag:$0x1] =	stream.strided.gather [hbm4b:s6+s11], $0x1000, s12, s11, $0x38;
	[tilespmem:$0xD180] =	vst v63  }
0x1e: {  	_ =	swait.ge [sflag:s10], $0x1000  }
0x1f: {  	[sflag:s10] =	ssyncset.done $0x0  }
0x20: {  	[sflag:s10] =	ssyncadd.s32 $0xFFFFF000  }
0x21: {  	s21 =	simm.s32 $0x100;
	s20 =	simm.s32 $0x0;
	v7 =	vld [tilespmem:$0xD100]  }
.LBB2_3:
0x22: {  	p0 =	sne.s32 s21, $0x3F00;
	[tilespmem:s20+$0x6030] =	vst v2;
	s22 =	smov.u32 s21;
	s21 =	sadd.s32 $0x100, s21  }
.Ltmp1:
0x23: {  	[tilespmem:s20+$0x6020] =	vst v2;
	(pc) =	sbr.rel @p0 .LBB2_3-.Ltmp1, $3  }
0x24: {  	[tilespmem:s20+$0x6000] =	vst v2  }
0x25: {  	[tilespmem:s20+$0x6010] =	vst v2;
	_ =	sdelay $0x1  }
0x26: {  	s20 =	sshra.s32 s22, $0x2  }
0x27: {  	[tilespmem:s20+$0x6030] =	vst v2  }
0x28: {  	[tilespmem:s20+$0x6020] =	vst v2  }
0x29: {  	[tilespmem:s20+$0x6000] =	vst v2  }
0x2a: {  	[tilespmem:s20+$0x6010] =	vst v2  }
.LBB2_5:
0x2b: {  	s20 =	sshra.s32 s19, $0x2  }
0x2c: {  	v8 =	vld [tilespmem:s20+$0x1000]  }
0x2d: {  	v9 =	vld [tilespmem:s20+$0x2000]  }
0x2e: {  	v10 =	vld [tilespmem:s20+$0x0];
	_ =	sdelay $0x3  }
0x2f: {  	v9 =	vmax.f32 v8, v9  }
0x30: {  	v9 =	vmax.f32 v10, v9  }
0x31: {  	v11 =	vmax.f32 v9, $0.0e+00  }
0x32: {  	vm0 =	vne.f32 v10, v9;
	vm1 =	veq.f32 v8, v9;
	v8 =	vshra.s32 v11, $0x18  }
0x33: {  	vm2 =	vmand vm0, vm1;
	v8 =	vadd.s32 v1, v8  }
0x34: {  	v50 =	vsel vm1, $0x1, v3;
	v12 =	vsel vm2, $0x40000000, v4  }
0x35: {  	vm15 =	vgt.f32 v9, $0.0e+00;
	[tilespmem:s20+$0x3000] =	vst v11;
	v10 =	vnsel vm0, $0x0, v50;
	v12 =	vnsel vm0, $0x40800000, v12  }
0x36: {  	[tilespmem:s20+$0x4000] =	vst v10;
	v9 =	vnsel vm15, $0x0, v12  }
0x37: {  	[tilespmem:s20+$0x5000] =	vst v9  }
0x38: {  	[tilespmem:v8+s15+$0x0] =	vst.idx.add.f32.msk $0xffff, v9  }
0x39: {  	v8 =	vld [tilespmem:s20+$0x1010]  }
0x3a: {  	v9 =	vld [tilespmem:s20+$0x2010]  }
0x3b: {  	v51 =	vld [tilespmem:s20+$0x10];
	_ =	sdelay $0x3  }
0x3c: {  	v9 =	vmax.f32 v8, v9  }
0x3d: {  	v9 =	vmax.f32 v51, v9  }
0x3e: {  	v52 =	vmax.f32 v9, $0.0e+00  }
0x3f: {  	vm4 =	vne.f32 v51, v9;
	vm5 =	veq.f32 v8, v9;
	v8 =	vshra.s32 v52, $0x18  }
0x40: {  	vm6 =	vmand vm4, vm5;
	v8 =	vadd.s32 v1, v8  }
0x41: {  	v53 =	vsel vm5, $0x1, v3;
	v54 =	vsel vm6, $0x40000000, v4  }
0x42: {  	vm7 =	vgt.f32 v9, $0.0e+00;
	[tilespmem:s20+$0x3010] =	vst v52;
	v10 =	vnsel vm4, $0x0, v53;
	v12 =	vnsel vm4, $0x40800000, v54  }
0x43: {  	[tilespmem:s20+$0x4010] =	vst v10;
	v9 =	vnsel vm7, $0x0, v12  }
0x44: {  	[tilespmem:s20+$0x5010] =	vst v9  }
0x45: {  	[tilespmem:v8+s15+$0x0] =	vst.idx.add.f32.msk $0xffff, v9  }
0x46: {  	v8 =	vld [tilespmem:s20+$0x1020]  }
0x47: {  	v9 =	vld [tilespmem:s20+$0x2020]  }
0x48: {  	v55 =	vld [tilespmem:s20+$0x20];
	_ =	sdelay $0x3  }
0x49: {  	v9 =	vmax.f32 v8, v9  }
0x4a: {  	v9 =	vmax.f32 v55, v9  }
0x4b: {  	v56 =	vmax.f32 v9, $0.0e+00  }
0x4c: {  	vm8 =	vne.f32 v55, v9;
	vm9 =	veq.f32 v8, v9;
	v8 =	vshra.s32 v56, $0x18  }
0x4d: {  	vm10 =	vmand vm8, vm9;
	v8 =	vadd.s32 v1, v8  }
0x4e: {  	v57 =	vsel vm9, $0x1, v3;
	v58 =	vsel vm10, $0x40000000, v4  }
0x4f: {  	vm11 =	vgt.f32 v9, $0.0e+00;
	[tilespmem:s20+$0x3020] =	vst v56;
	v10 =	vnsel vm8, $0x0, v57;
	v12 =	vnsel vm8, $0x40800000, v58  }
0x50: {  	[tilespmem:s20+$0x4020] =	vst v10;
	v9 =	vnsel vm11, $0x0, v12  }
0x51: {  	[tilespmem:s20+$0x5020] =	vst v9  }
0x52: {  	[tilespmem:v8+s15+$0x0] =	vst.idx.add.f32.msk $0xffff, v9  }
0x53: {  	v8 =	vld [tilespmem:s20+$0x1030]  }
0x54: {  	v9 =	vld [tilespmem:s20+$0x2030]  }
0x55: {  	v59 =	vld [tilespmem:s20+$0x30];
	_ =	sdelay $0x3  }
0x56: {  	v9 =	vmax.f32 v8, v9  }
0x57: {  	v9 =	vmax.f32 v59, v9  }
0x58: {  	v60 =	vmax.f32 v9, $0.0e+00  }
0x59: {  	vm12 =	vne.f32 v59, v9;
	vm13 =	veq.f32 v8, v9;
	v8 =	vshra.s32 v60, $0x18  }
0x5a: {  	p0 =	seq.s32 s19, $0x3F00;
	vm14 =	vmand vm12, vm13;
	v8 =	vadd.s32 v1, v8  }
.Ltmp2:
0x5b: {  	v61 =	vsel vm13, $0x1, v3;
	v62 =	vsel vm14, $0x40000000, v4;
	(pc) =	sbr.rel @!p0 .LBB2_5-.Ltmp2, $4  }
0x5c: {  	vm15 =	vgt.f32 v9, $0.0e+00;
	[tilespmem:s20+$0x3030] =	vst v60;
	v10 =	vnsel vm12, $0x0, v61;
	v63 =	vnsel vm12, $0x40800000, v62  }
0x5d: {  	[tilespmem:s20+$0x4030] =	vst v10;
	v9 =	vnsel vm15, $0x0, v63  }
0x5e: {  	[tilespmem:s20+$0x5030] =	vst v9  }
0x5f: {  	s19 =	sadd.s32 $0x100, s19;
	[tilespmem:v8+s15+$0x0] =	vst.idx.add.f32.msk $0xffff, v9  }
0x60: {  	s22 =	simm.s32 $0x6800  }
0x61: {  	v9 =	vld [tilespmem:s22+$0xFFFFF900]  }
0x62: {  	v10 =	vld [tilespmem:s22+$0xFFFFF800];
	_ =	sdelay $0x1  }
0x63: {  	v11 =	vld [tilespmem:s22+$0xFFFFFA00];
	_ =	sdelay $0x1  }
0x64: {  	v12 =	vld [tilespmem:s22+$0xFFFFFB00]  }
0x65: {  	v9 =	vadd.f32 v9, v10  }
0x66: {  	v10 =	vld [tilespmem:s22+$0xFFFFFC00]  }
0x67: {  	v9 =	vadd.f32 v11, v9  }
0x68: {  	v11 =	vld [tilespmem:s22+$0xFFFFFD00]  }
0x69: {  	v9 =	vadd.f32 v12, v9  }
0x6a: {  	v12 =	vld [tilespmem:s22+$0xFFFFFE00]  }
0x6b: {  	v9 =	vadd.f32 v10, v9  }
0x6c: {  	v10 =	vld [tilespmem:s22+$0xFFFFFF00]  }
0x6d: {  	v9 =	vadd.f32 v11, v9  }
0x6e: {  	v11 =	vld [tilespmem:s22+$0x0]  }
0x6f: {  	v9 =	vadd.f32 v12, v9  }
0x70: {  	v12 =	vld [tilespmem:s22+$0x100]  }
0x71: {  	v9 =	vadd.f32 v10, v9  }
0x72: {  	v10 =	vld [tilespmem:s22+$0x200]  }
0x73: {  	v9 =	vadd.f32 v11, v9  }
0x74: {  	v11 =	vld [tilespmem:s22+$0x300]  }
0x75: {  	v9 =	vadd.f32 v12, v9  }
0x76: {  	v12 =	vld [tilespmem:s22+$0x400]  }
0x77: {  	v9 =	vadd.f32 v10, v9  }
0x78: {  	v10 =	vld [tilespmem:s22+$0x500]  }
0x79: {  	v9 =	vadd.f32 v11, v9  }
0x7a: {  	v11 =	vld [tilespmem:s22+$0x600]  }
0x7b: {  	v9 =	vadd.f32 v12, v9  }
0x7c: {  	v12 =	vld [tilespmem:s22+$0x700]  }
0x7d: {  	v9 =	vadd.f32 v10, v9;
	_ =	sdelay $0x1  }
0x7e: {  	v9 =	vadd.f32 v11, v9;
	_ =	sdelay $0x1  }
0x7f: {  	v9 =	vadd.f32 v12, v9  }
0x80: {  	s20 =	simm.s32 $0xC000  }
0x81: {  	s23 =	simm.s32 $0x6810;
	[tilespmem:s20+$0x0] =	vst v9  }
0x82: {  	(xrf2) =	vadd.scan.msk.f32 $0xffff, v9;
	v9 =	vld [tilespmem:s23+$0xFFFFF900]  }
0x83: {  	v10 =	vld [tilespmem:s23+$0xFFFFF800];
	_ =	sdelay $0x1  }
0x84: {  	v11 =	vld [tilespmem:s23+$0xFFFFFA00];
	_ =	sdelay $0x2  }
0x85: {  	v12 =	vld [tilespmem:s23+$0xFFFFFB00];
	v9 =	vadd.f32 v9, v10;
	_ =	sdelay $0x1  }
0x86: {  	v9 =	vadd.f32 v11, v9;
	v11 =	vld [tilespmem:s23+$0xFFFFFC00]  }
0x87: {  	s21 =	simm.s32 $0x0  }
0x88: {  	v14 =	vmov s21;
	v10 =	vld [tilespmem:s23+$0xFFFFFD00];
	v15, _, _ =	vpop (xrf2)  }
0x89: {  	s19 =	simm.f32 $0.0e+00;
	v13 =	vadd.f32 v12, v9;
	v9 =	vbroadcast v15, $0xF;
	(v2sf) =	vpush v15, $0xF  }
0x8a: {  	v8 =	vimm.f32 $0.0e+00;
	s24 =	simm.s32 $0x3;
	s21 =	simm.s32 $0x2;
	vm1 =	veq.s32 v14, v0;
	s22 =	simm.s32 $0x1;
	v12 =	vld [tilespmem:s23+$0xFFFFFE00]  }
.LBB2_7:
0x8b: {  	p0 =	seq.s32 s24, $0x7;
	v11 =	vadd.f32 v11, v13;
	v8 =	vsel vm1, v9, v8  }
0x8c: {  	v9 =	vld [tilespmem:s23+$0xFFFFFF00]  }
0x8d: {  	v10 =	vadd.f32 v10, v11  }
0x8e: {  	v11 =	vld [tilespmem:s23+$0x0]  }
0x8f: {  	v10 =	vadd.f32 v12, v10  }
0x90: {  	v12 =	vld [tilespmem:s23+$0x100]  }
0x91: {  	v9 =	vadd.f32 v9, v10  }
0x92: {  	v10 =	vld [tilespmem:s23+$0x200]  }
0x93: {  	v9 =	vadd.f32 v11, v9  }
0x94: {  	v11 =	vld [tilespmem:s23+$0x300]  }
0x95: {  	v9 =	vadd.f32 v12, v9  }
0x96: {  	v12 =	vld [tilespmem:s23+$0x400]  }
0x97: {  	v9 =	vadd.f32 v10, v9  }
0x98: {  	v10 =	vld [tilespmem:s23+$0x500];
	s0 =	spop (v2sf)  }
0x99: {  	v9 =	vadd.f32 v11, v9;
	s19 =	sadd.f32 s0, s19  }
0x9a: {  	v11 =	vld [tilespmem:s23+$0x600]  }
0x9b: {  	v9 =	vadd.f32 v12, v9  }
0x9c: {  	v12 =	vld [tilespmem:s23+$0x700]  }
0x9d: {  	v9 =	vadd.f32 v10, v9;
	_ =	sdelay $0x1  }
0x9e: {  	v9 =	vadd.f32 v11, v9;
	_ =	sdelay $0x1  }
0x9f: {  	v9 =	vadd.f32 v12, v9  }
0xa0: {  	s20 =	sadd.s32 $0x10, s20  }
0xa1: {  	s23 =	sadd.s32 $0x10, s23;
	[tilespmem:s20+$0x0] =	vst v9;
	(xrf2) =	vadd.scan.msk.f32 $0xffff, v9  }
0xa2: {  	v9 =	vld [tilespmem:s23+$0xFFFFF900]  }
0xa3: {  	v10 =	vld [tilespmem:s23+$0xFFFFF800];
	_ =	sdelay $0x1  }
0xa4: {  	v12 =	vld [tilespmem:s23+$0xFFFFFA00];
	_ =	sdelay $0x1  }
0xa5: {  	v13 =	vld [tilespmem:s23+$0xFFFFFB00]  }
0xa6: {  	v9 =	vadd.f32 v9, v10  }
.Ltmp3:
0xa7: {  	v11 =	vld [tilespmem:s23+$0xFFFFFC00];
	(pc) =	sbr.rel @!p0 .LBB2_7-.Ltmp3, $4  }
0xa8: {  	v9 =	vadd.f32 v12, v9  }
0xa9: {  	v14 =	vmov s22;
	s22 =	smov.u32 s21;
	s21 =	smov.u32 s24;
	v10 =	vld [tilespmem:s23+$0xFFFFFD00];
	v12, _, _ =	vpop (xrf2)  }
0xaa: {  	v13 =	vadd.f32 v13, v9;
	v9 =	vbroadcast v12, $0xF;
	(v2sf) =	vpush v12, $0xF  }
0xab: {  	s24 =	sadd.s32 $0x1, s24;
	vm1 =	veq.s32 v14, v0;
	v12 =	vld [tilespmem:s23+$0xFFFFFE00]  }
0xac: {  	v11 =	vadd.f32 v11, v13  }
0xad: {  	v17 =	vld [tilespmem:s23+$0xFFFFFF00]  }
0xae: {  	v10 =	vadd.f32 v10, v11  }
0xaf: {  	v18 =	vld [tilespmem:s23+$0x0]  }
0xb0: {  	v10 =	vadd.f32 v12, v10  }
0xb1: {  	v19 =	vld [tilespmem:s23+$0x100]  }
0xb2: {  	v10 =	vadd.f32 v17, v10  }
0xb3: {  	v20 =	vld [tilespmem:s23+$0x200]  }
0xb4: {  	v10 =	vadd.f32 v18, v10  }
0xb5: {  	v21 =	vld [tilespmem:s23+$0x300]  }
0xb6: {  	v10 =	vadd.f32 v19, v10  }
0xb7: {  	v22 =	vld [tilespmem:s23+$0x400]  }
0xb8: {  	v10 =	vadd.f32 v20, v10  }
0xb9: {  	v23 =	vld [tilespmem:s23+$0x500]  }
0xba: {  	v10 =	vadd.f32 v21, v10  }
0xbb: {  	v24 =	vld [tilespmem:s23+$0x600]  }
0xbc: {  	v10 =	vadd.f32 v22, v10  }
0xbd: {  	v25 =	vld [tilespmem:s23+$0x700]  }
0xbe: {  	v10 =	vadd.f32 v23, v10;
	_ =	sdelay $0x1  }
0xbf: {  	v10 =	vadd.f32 v24, v10;
	_ =	sdelay $0x1  }
0xc0: {  	v10 =	vadd.f32 v25, v10  }
0xc1: {  	s0 =	sadd.s32 $0x10, s20  }
0xc2: {  	s1 =	sadd.s32 $0x10, s23;
	[tilespmem:s0+$0x0] =	vst v10  }
0xc3: {  	v26 =	vld [tilespmem:s1+$0xFFFFF900]  }
0xc4: {  	v27 =	vld [tilespmem:s1+$0xFFFFF800];
	_ =	sdelay $0x1  }
0xc5: {  	v28 =	vld [tilespmem:s1+$0xFFFFFA00];
	_ =	sdelay $0x1  }
0xc6: {  	v14 =	vld [tilespmem:s1+$0xFFFFFB00]  }
0xc7: {  	v11 =	vadd.f32 v26, v27  }
0xc8: {  	v29 =	vld [tilespmem:s1+$0xFFFFFC00]  }
0xc9: {  	v11 =	vadd.f32 v28, v11  }
0xca: {  	v30 =	vld [tilespmem:s1+$0xFFFFFD00]  }
0xcb: {  	v11 =	vadd.f32 v14, v11  }
0xcc: {  	v31 =	vld [tilespmem:s1+$0xFFFFFE00]  }
0xcd: {  	v11 =	vadd.f32 v29, v11  }
0xce: {  	v32 =	vld [tilespmem:s1+$0xFFFFFF00]  }
0xcf: {  	v11 =	vadd.f32 v30, v11  }
0xd0: {  	v33 =	vld [tilespmem:s1+$0x0]  }
0xd1: {  	v11 =	vadd.f32 v31, v11  }
0xd2: {  	v34 =	vld [tilespmem:s1+$0x100]  }
0xd3: {  	v11 =	vadd.f32 v32, v11  }
0xd4: {  	v35 =	vld [tilespmem:s1+$0x200]  }
0xd5: {  	v11 =	vadd.f32 v33, v11  }
0xd6: {  	v36 =	vld [tilespmem:s1+$0x300]  }
0xd7: {  	v11 =	vadd.f32 v34, v11  }
0xd8: {  	v37 =	vld [tilespmem:s1+$0x400]  }
0xd9: {  	v11 =	vadd.f32 v35, v11  }
0xda: {  	v38 =	vld [tilespmem:s1+$0x500]  }
0xdb: {  	v11 =	vadd.f32 v36, v11  }
0xdc: {  	v39 =	vld [tilespmem:s1+$0x600]  }
0xdd: {  	v11 =	vadd.f32 v37, v11  }
0xde: {  	v40 =	vld [tilespmem:s1+$0x700]  }
0xdf: {  	v11 =	vadd.f32 v38, v11  }
0xe0: {  	(xrf2) =	vadd.scan.msk.f32 $0xffff, v10  }
0xe1: {  	v11 =	vadd.f32 v39, v11;
	_ =	sdelay $0x1  }
0xe2: {  	v41 =	vadd.f32 v40, v11;
	_ =	sdelay $0x1  }
0xe3: {  	(xrf2) =	vadd.scan.msk.f32 $0xffff, v41;
	_ =	sdelay $0x2  }
0xe4: {  	v46 =	vld [tilespmem:$0x1FFF0];
	_ =	sdelay $0x1  }
0xe5: {  	v42, _, _ =	vpop (xrf2)  }
0xe6: {  	(v2sf) =	vpush v42, $0xF;
	_ =	sdelay $0x1  }
0xe7: {  	vm15 =	vnez.u8 v46  }
0xe8: {  	v7 =	vnsel vm15, $0x0, v7  }
0xe9: {  	v43, _, _ =	vpop (xrf2);
	(xrf2) =	vadd.scan.msk.f32 $0xffff, v7;
	_ =	sdelay $0x9  }
0xea: {  	s29 =	spop (v2sf);
	(v2sf) =	vpush v43, $0xF;
	v7, _, _ =	vpop (xrf2)  }
0xeb: {  	s9 =	spop (v2sf);
	(v2sf) =	vpush v7, $0xF;
	_ =	sdelay $0x4  }
0xec: {  	v8 =	vsel vm1, v9, v8;
	v44 =	vmov s22;
	v11 =	vbroadcast v42, $0xF  }
0xed: {  	v45 =	vmov s21;
	vm0 =	veq.s32 v44, v0;
	v12 =	vbroadcast v43, $0xF  }
0xee: {  	vm14 =	veq.s32 v45, v0;
	v8 =	vsel vm0, v11, v8  }
0xef: {  	v8 =	vsel vm14, v12, v8  }
0xf0: {  	(xrf2) =	vadd.scan.msk.f32 $0xffff, v8;
	_ =	sdelay $0x1  }
0xf1: {  	s1 =	sadd.f32 s29, s19;
	_ =	sdelay $0x1  }
0xf2: {  	s1 =	sadd.f32 s9, s1  }
0xf3: {  	s30 =	spop (v2sf)  }
0xf4: {  	s20 =	sadd.f32 s30, s1;
	s19 =	spop (v2sf)  }
0xf5: {  	s21 =	sadd.f32 $-4.000000000e+00, s19;
	_ =	sdelay $0x1  }
0xf6: {  	s31 =	ssub.f32 s20, s21  }
0xf7: {  	v7, _, _ =	vpop (xrf2)  }
0xf8: {  	vm4 =	vge.f32 v7, s31  }
0xf9: {  	v47 =	vnsel vm4, $0x80000010, v5  }
0xfa: {  	(xrf0) =	vmin.scan.msk.u32 $0xffff, v47;
	_ =	sdelay $0x5  }
0xfb: {  	v9, _, _ =	vpop (xrf0)  }
0xfc: {  	(v2sf) =	vpush v9, $0xF;
	_ =	sdelay $0xd  }
0xfd: {  	s0 =	sadd.s32 $0x10, s0  }
0xfe: {  	[tilespmem:s0+$0x0] =	vst v41;
	s0 =	spop (v2sf)  }
0xff: {  	s24 =	sxor.u32 $0x80000000, s0  }
0x100: {  	p0 =	slt.s32 s24, $0x10  }
0x101: {  	s24 =	simm.s32 @!p0 $0x0  }
0x102: {  	s22 =	sshll.u32 s24, $0x4  }
0x103: {  	v8 =	vsub.f32 v7, v8;
	v48 =	vmov s24;
	v10 =	vld [tilespmem:s22+$0xC000]  }
0x104: {  	vm5 =	veq.s32 v48, v0  }
0x105: {  	v9 =	vnsel vm5, $0x0, v8  }
0x106: {  	(xrf2) =	vadd.scan.msk.f32 $0xffff, v9;
	_ =	sdelay $0x1  }
0x107: {  	(xrf2) =	vadd.scan.msk.f32 $0xffff, v10;
	_ =	sdelay $0x7  }
0x108: {  	v9, _, _ =	vpop (xrf2)  }
0x109: {  	v9 =	vbroadcast v9, $0xF  }
0x10a: {  	v49, _, _ =	vpop (xrf2)  }
0x10b: {  	v9 =	vadd.f32 v49, v9;
	_ =	sdelay $0x1  }
0x10c: {  	vm6 =	vge.f32 v9, s31  }
0x10d: {  	v50 =	vnsel vm6, $0x80000010, v5  }
0x10e: {  	(xrf0) =	vmin.scan.msk.u32 $0xffff, v50;
	_ =	sdelay $0x5  }
0x10f: {  	v11, _, _ =	vpop (xrf0)  }
0x110: {  	(v2sf) =	vpush v11, $0xF;
	_ =	sdelay $0xe  }
0x111: {  	s1 =	spop (v2sf)  }
0x112: {  	s24 =	sxor.u32 $0x80000000, s1  }
0x113: {  	p1 =	slt.s32 s24, $0x10  }
0x114: {  	s24 =	simm.s32 @!p1 $0x0  }
0x115: {  	v51 =	vmov s24  }
0x116: {  	vm7 =	veq.s32 v51, v0  }
0x117: {  	v9 =	vnsel vm7, $0x0, v9  }
0x118: {  	s23 =	sadd.f32 $-2.000000000e+00, s19;
	v52 =	vnsel vm7, $0x0, v10;
	(xrf2) =	vadd.scan.msk.f32 $0xffff, v9  }
0x119: {  	(xrf2) =	vadd.scan.msk.f32 $0xffff, v52  }
0x11a: {  	s29 =	ssub.f32 s20, s23;
	_ =	sdelay $0x1  }
0x11b: {  	vm8 =	vge.f32 v7, s29  }
0x11c: {  	v53 =	vnsel vm8, $0x80000010, v5  }
0x11d: {  	(xrf0) =	vmin.scan.msk.u32 $0xffff, v53;
	_ =	sdelay $0x3  }
0x11e: {  	v54, _, _ =	vpop (xrf2)  }
0x11f: {  	(v2sf) =	vpush v54, $0xF;
	v55, _, _ =	vpop (xrf2)  }
0x120: {  	v56, _, _ =	vpop (xrf0);
	(v2sf) =	vpush v55, $0xF  }
0x121: {  	(v2sf) =	vpush v56, $0xF;
	_ =	sdelay $0xc  }
0x122: {  	s28 =	spop (v2sf)  }
0x123: {  	s25 =	spop (v2sf)  }
0x124: {  	s26 =	spop (v2sf)  }
0x125: {  	s30 =	sxor.u32 $0x80000000, s26  }
0x126: {  	p1 =	slt.s32 s30, $0x10  }
0x127: {  	s30 =	simm.s32 @!p1 $0x0  }
0x128: {  	s26 =	sshll.u32 s30, $0x4  }
0x129: {  	v57 =	vmov s30;
	v58 =	vld [tilespmem:s26+$0xC000]  }
0x12a: {  	vm9 =	veq.s32 v57, v0  }
0x12b: {  	v9 =	vnsel vm9, $0x0, v8  }
0x12c: {  	(xrf2) =	vadd.scan.msk.f32 $0xffff, v9;
	_ =	sdelay $0x1  }
0x12d: {  	(xrf2) =	vadd.scan.msk.f32 $0xffff, v58;
	_ =	sdelay $0x7  }
0x12e: {  	v9, _, _ =	vpop (xrf2)  }
0x12f: {  	v9 =	vbroadcast v9, $0xF  }
0x130: {  	v59, _, _ =	vpop (xrf2)  }
0x131: {  	v9 =	vadd.f32 v59, v9;
	_ =	sdelay $0x1  }
0x132: {  	vm10 =	vge.f32 v9, s29  }
0x133: {  	v60 =	vnsel vm10, $0x80000010, v5  }
0x134: {  	(xrf0) =	vmin.scan.msk.u32 $0xffff, v60;
	_ =	sdelay $0x5  }
0x135: {  	v11, _, _ =	vpop (xrf0)  }
0x136: {  	(v2sf) =	vpush v11, $0xF;
	_ =	sdelay $0xe  }
0x137: {  	s9 =	spop (v2sf)  }
0x138: {  	s30 =	sxor.u32 $0x80000000, s9  }
0x139: {  	p2 =	slt.s32 s30, $0x10  }
0x13a: {  	s30 =	simm.s32 @!p2 $0x0  }
0x13b: {  	v61 =	vmov s30  }
0x13c: {  	vm11 =	veq.s32 v61, v0  }
0x13d: {  	v9 =	vnsel vm11, $0x0, v9  }
0x13e: {  	s29 =	sadd.f32 $-1.000000000e+00, s19;
	v62 =	vnsel vm11, $0x0, v58;
	(xrf2) =	vadd.scan.msk.f32 $0xffff, v9  }
0x13f: {  	(xrf2) =	vadd.scan.msk.f32 $0xffff, v62  }
0x140: {  	s31 =	ssub.f32 s20, s29;
	_ =	sdelay $0x1  }
0x141: {  	vm12 =	vge.f32 v7, s31  }
0x142: {  	v7 =	vnsel vm12, $0x80000010, v5  }
0x143: {  	(xrf0) =	vmin.scan.msk.u32 $0xffff, v7;
	_ =	sdelay $0x3  }
0x144: {  	v7, _, _ =	vpop (xrf2)  }
0x145: {  	(v2sf) =	vpush v7, $0xF;
	v7, _, _ =	vpop (xrf2)  }
0x146: {  	(v2sf) =	vpush v7, $0xF;
	v7, _, _ =	vpop (xrf0)  }
0x147: {  	(v2sf) =	vpush v7, $0xF;
	_ =	sdelay $0xc  }
0x148: {  	s0 =	spop (v2sf)  }
0x149: {  	s1 =	spop (v2sf)  }
0x14a: {  	s13 =	spop (v2sf)  }
0x14b: {  	s9 =	sxor.u32 $0x80000000, s13  }
0x14c: {  	p2 =	slt.s32 s9, $0x10  }
0x14d: {  	s9 =	simm.s32 @!p2 $0x0  }
0x14e: {  	s13 =	sshll.u32 s9, $0x4  }
0x14f: {  	v7 =	vmov s9;
	v63 =	vld [tilespmem:s13+$0xC000]  }
0x150: {  	vm13 =	veq.s32 v7, v0  }
0x151: {  	v7 =	vnsel vm13, $0x0, v8  }
0x152: {  	(xrf2) =	vadd.scan.msk.f32 $0xffff, v7;
	_ =	sdelay $0x1  }
0x153: {  	(xrf2) =	vadd.scan.msk.f32 $0xffff, v63;
	_ =	sdelay $0x7  }
0x154: {  	v7, _, _ =	vpop (xrf2)  }
0x155: {  	v7 =	vbroadcast v7, $0xF  }
0x156: {  	v8, _, _ =	vpop (xrf2)  }
0x157: {  	v7 =	vadd.f32 v8, v7;
	_ =	sdelay $0x1  }
0x158: {  	vm14 =	vge.f32 v7, s31  }
0x159: {  	v8 =	vnsel vm14, $0x80000010, v5  }
0x15a: {  	(xrf0) =	vmin.scan.msk.u32 $0xffff, v8;
	_ =	sdelay $0x5  }
0x15b: {  	v8, _, _ =	vpop (xrf0)  }
0x15c: {  	(v2sf) =	vpush v8, $0xF;
	_ =	sdelay $0xe  }
0x15d: {  	s31 =	spop (v2sf)  }
0x15e: {  	s9 =	sxor.u32 $0x80000000, s31  }
0x15f: {  	p3 =	slt.s32 s9, $0x10  }
0x160: {  	s9 =	simm.s32 @!p3 $0x0  }
0x161: {  	v8 =	vmov s9  }
0x162: {  	vm15 =	veq.s32 v8, v0  }
0x163: {  	v7 =	vnsel vm15, $0x0, v7  }
0x164: {  	(xrf2) =	vadd.scan.msk.f32 $0xffff, v7;
	_ =	sdelay $0x4  }
0x165: {  	v7 =	vnsel vm15, $0x0, v63  }
0x166: {  	(xrf2) =	vadd.scan.msk.f32 $0xffff, v7;
	_ =	sdelay $0x3  }
0x167: {  	v7, _, _ =	vpop (xrf2)  }
0x168: {  	(v2sf) =	vpush v7, $0xF;
	_ =	sdelay $0x2  }
0x169: {  	s28 =	simm.s32 @!p0 $0x0  }
0x16a: {  	s28 =	ssub.f32 s28, s20  }
0x16b: {  	s22 =	sadd.s32 s22, s24;
	v7, _, _ =	vpop (xrf2)  }
0x16c: {  	s22 =	simm.s32 @!p0 $0x0;
	s21 =	sadd.f32 s28, s21;
	(v2sf) =	vpush v7, $0xF  }
0x16d: {  	[smem:$0x0] =	sst s22;
	s22 =	simm.s32 $0x1  }
0x16e: {  	s22 =	simm.s32 @!p0 $0x0;
	[smem:$0x80] =	sst s21  }
0x16f: {  	[smem:$0x100] =	sst s22;
	s0 =	simm.s32 @!p1 $0x0  }
0x170: {  	s25 =	simm.s32 @!p0 $0x0;
	s0 =	ssub.f32 s0, s20  }
0x171: {  	[smem:$0x300] =	sst s25;
	s21 =	sadd.s32 s26, s30  }
0x172: {  	s21 =	simm.s32 @!p1 $0x0;
	s0 =	sadd.f32 s0, s23  }
0x173: {  	[smem:$0x1] =	sst s21  }
0x174: {  	[smem:$0x81] =	sst s0;
	s0 =	simm.s32 $0x1  }
0x175: {  	s0 =	simm.s32 @!p1 $0x0;
	s21 =	spop (v2sf)  }
0x176: {  	[smem:$0x101] =	sst s0;
	s21 =	simm.s32 @!p2 $0x0  }
0x177: {  	s1 =	simm.s32 @!p1 $0x0;
	s31 =	ssub.f32 s21, s20  }
0x178: {  	[smem:$0x301] =	sst s1;
	s1 =	sadd.s32 s13, s9  }
.Ltmp4:
0x179: {  	s1 =	simm.s32 @!p2 $0x0;
	s0 =	sadd.f32 s31, s29;
	(pc) =	sbr.rel .LBB2_9-.Ltmp4, $4  }
0x17a: {  	s13 =	simm.s32 $0x1;
	[smem:$0x2] =	sst s1  }
0x17b: {  	s13 =	simm.s32 @!p2 $0x0;
	s9 =	spop (v2sf);
	[smem:$0x82] =	sst s0  }
0x17c: {  	s9 =	simm.s32 @!p2 $0x0;
	[smem:$0x102] =	sst s13  }
0x17d: {  	s20 =	simm.s32 $0x0;
	[smem:$0x302] =	sst s9  }
.LBB2_10:
0x17e: {  	s0 =	sshll.u32 s21, $0x8  }
0x17f: {  	[smem:$0x0] =	sst s0  }
0x180: {  	s0 =	sld [smem:$0x1];
	_ =	sdelay $0x2  }
0x181: {  	s0 =	sshll.u32 s0, $0x8  }
0x182: {  	[smem:$0x1] =	sst s0  }
0x183: {  	s0 =	sld [smem:$0x2];
	_ =	sdelay $0x2  }
0x184: {  	s0 =	sshll.u32 s0, $0x8  }
0x185: {  	[smem:$0x2] =	sst s0  }
.LBB2_18:
0x186: {  	s20 =	sadd.s32 $0x1, s20  }
0x187: {  	p0 =	sne.s32 s20, $0x3  }
.Ltmp5:
0x188: {  	_ = 	snop;
	(pc) =	sbr.rel @!p0 .LBB2_19-.Ltmp5, $1  }
0x189: {  	_ =	sdelay $0x3  }
.LBB2_9:
0x18a: {  	s0 =	sld [smem:$0x300]  }
0x18b: {  	s1 =	sld [smem:$0x301];
	_ =	sdelay $0x1  }
0x18c: {  	s9 =	sld [smem:$0x302]  }
0x18d: {  	s0 =	sadd.f32 s1, s0;
	_ =	sdelay $0x1  }
0x18e: {  	s0 =	sadd.f32 s9, s0;
	_ =	sdelay $0x1  }
0x18f: {  	p0 =	sgt.f32 s0, $0.0e+00  }
.Ltmp6:
0x190: {  	_ = 	snop;
	(pc) =	sbr.rel @!p0 .LBB2_10-.Ltmp6, $2  }
0x191: {  	_ = 	snop  }
0x192: {  	s21 =	sld [smem:$0x0];
	_ =	sdelay $0x2  }
0x193: {  	s22 =	sld [smem:$0x1]  }
0x194: {  	s24 =	sshll.u32 s20, $0x3;
	s23 =	sld [smem:$0x2]  }
0x195: {  	s28 =	simm.s32 $0x100;
	s26 =	simm.s32 $0x0;
	s25 =	ssub.s32 $0x18, s24  }
.LBB2_12:
0x196: {  	p0 =	seq.s32 s28, $0xBF00;
	[tilespmem:s26+$0x6030] =	vst v2;
	s0 =	smov.u32 s28;
	s28 =	sadd.s32 $0x100, s28  }
.Ltmp7:
0x197: {  	[tilespmem:s26+$0x6020] =	vst v2;
	(pc) =	sbr.rel @!p0 .LBB2_12-.Ltmp7, $3  }
0x198: {  	[tilespmem:s26+$0x6000] =	vst v2  }
0x199: {  	[tilespmem:s26+$0x6010] =	vst v2;
	_ =	sdelay $0x1  }
0x19a: {  	s26 =	sshra.s32 s0, $0x2  }
0x19b: {  	[tilespmem:s26+$0x6030] =	vst v2  }
0x19c: {  	[tilespmem:s26+$0x6020] =	vst v2  }
0x19d: {  	[tilespmem:s26+$0x6000] =	vst v2;
	s0 =	ssub.s32 $0x10, s24;
	v7 =	vmov s25;
	v9 =	vmov s21  }
0x19e: {  	[tilespmem:s26+$0x6010] =	vst v2;
	v10 =	vmov s22;
	v11 =	vmov s23;
	s21 =	simm.s32 $0x0;
	s22 =	simm.s32 $0x0;
	v8 =	vmov s0  }
.LBB2_14:
0x19f: {  	s23 =	sshra.s32 s22, $0x2  }
0x1a0: {  	v12 =	vld [tilespmem:s23+$0x3000];
	_ =	sdelay $0x4  }
0x1a1: {  	v13 =	vshra.s32 v12, v8  }
0x1a2: {  	v17 =	vor.u32 $0x2000, v1;
	v12 =	vshra.s32 v12, v7;
	v14 =	vand.u32 $0xFF, v13  }
0x1a3: {  	vm0 =	veq.s32 v12, v9;
	v13 =	vand.u32 $0x7F, v13;
	v15 =	vor.u32 v1, v14  }
0x1a4: {  	vm1 =	veq.s32 v12, v10;
	v16 =	vor.u32 v6, v14;
	v15 =	vand.u32 $0xF80, v15  }
0x1a5: {  	v18 =	vld [tilespmem:s23+$0x5000];
	v14 =	vor.u32 v17, v14;
	v16 =	vand.u32 $0x1F80, v16;
	v15 =	vor.u32 v13, v15  }
0x1a6: {  	vm2 =	veq.s32 v12, v11;
	v47 =	vand.u32 $0x2F80, v14;
	v16 =	vor.u32 v13, v16  }
0x1a7: {  	v12 =	vor.u32 v13, v47;
	_ =	sdelay $0x2  }
0x1a8: {  	[tilespmem:v15+s15+$0x0] =	vst.idx.add.f32.msk vm0, v18  }
0x1a9: {  	[tilespmem:v16+s15+$0x0] =	vst.idx.add.f32.msk vm1, v18  }
0x1aa: {  	[tilespmem:v12+s15+$0x0] =	vst.idx.add.f32.msk vm2, v18  }
0x1ab: {  	v12 =	vld [tilespmem:s23+$0x3010];
	_ =	sdelay $0x4  }
0x1ac: {  	v48 =	vshra.s32 v12, v8  }
0x1ad: {  	v12 =	vshra.s32 v12, v7;
	v49 =	vand.u32 $0xFF, v48  }
0x1ae: {  	v13 =	vand.u32 $0x7F, v48;
	vm7 =	veq.s32 v12, v9;
	v50 =	vor.u32 v1, v49  }
0x1af: {  	vm8 =	veq.s32 v12, v10;
	v51 =	vor.u32 v6, v49;
	v15 =	vand.u32 $0xF80, v50  }
0x1b0: {  	v18 =	vld [tilespmem:s23+$0x5010];
	v14 =	vor.u32 v17, v49;
	v16 =	vand.u32 $0x1F80, v51;
	v15 =	vor.u32 v13, v15  }
0x1b1: {  	vm9 =	veq.s32 v12, v11;
	v52 =	vand.u32 $0x2F80, v14;
	v16 =	vor.u32 v13, v16  }
0x1b2: {  	v12 =	vor.u32 v13, v52;
	_ =	sdelay $0x2  }
0x1b3: {  	[tilespmem:v15+s15+$0x0] =	vst.idx.add.f32.msk vm7, v18  }
0x1b4: {  	[tilespmem:v16+s15+$0x0] =	vst.idx.add.f32.msk vm8, v18  }
0x1b5: {  	[tilespmem:v12+s15+$0x0] =	vst.idx.add.f32.msk vm9, v18  }
0x1b6: {  	v12 =	vld [tilespmem:s23+$0x3020];
	_ =	sdelay $0x4  }
0x1b7: {  	v53 =	vshra.s32 v12, v8  }
0x1b8: {  	v12 =	vshra.s32 v12, v7;
	v54 =	vand.u32 $0xFF, v53  }
0x1b9: {  	v13 =	vand.u32 $0x7F, v53;
	vm10 =	veq.s32 v12, v9;
	v55 =	vor.u32 v1, v54  }
0x1ba: {  	vm11 =	veq.s32 v12, v10;
	v56 =	vor.u32 v6, v54;
	v15 =	vand.u32 $0xF80, v55  }
0x1bb: {  	v18 =	vld [tilespmem:s23+$0x5020];
	v14 =	vor.u32 v17, v54;
	v16 =	vand.u32 $0x1F80, v56;
	v15 =	vor.u32 v13, v15  }
0x1bc: {  	vm12 =	veq.s32 v12, v11;
	v14 =	vand.u32 $0x2F80, v14;
	v57 =	vor.u32 v13, v16  }
0x1bd: {  	v13 =	vor.u32 v13, v14;
	_ =	sdelay $0x2  }
0x1be: {  	[tilespmem:v15+s15+$0x0] =	vst.idx.add.f32.msk vm10, v18  }
0x1bf: {  	[tilespmem:v57+s15+$0x0] =	vst.idx.add.f32.msk vm11, v18  }
0x1c0: {  	[tilespmem:v13+s15+$0x0] =	vst.idx.add.f32.msk vm12, v18  }
0x1c1: {  	v12 =	vld [tilespmem:s23+$0x3030];
	_ =	sdelay $0x4  }
0x1c2: {  	v58 =	vshra.s32 v12, v8  }
0x1c3: {  	v12 =	vshra.s32 v12, v7;
	v59 =	vand.u32 $0xFF, v58  }
0x1c4: {  	vm13 =	veq.s32 v12, v9;
	v13 =	vand.u32 $0x7F, v58;
	v60 =	vor.u32 v1, v59  }
0x1c5: {  	vm14 =	veq.s32 v12, v10;
	v61 =	vor.u32 v6, v59;
	v15 =	vand.u32 $0xF80, v60  }
0x1c6: {  	v62 =	vld [tilespmem:s23+$0x5030];
	v14 =	vor.u32 v17, v59;
	v16 =	vand.u32 $0x1F80, v61;
	v15 =	vor.u32 v13, v15  }
0x1c7: {  	vm15 =	veq.s32 v12, v11;
	v63 =	vand.u32 $0x2F80, v14;
	v16 =	vor.u32 v13, v16  }
0x1c8: {  	p0 =	sne.s32 s22, $0x3F00;
	v12 =	vor.u32 v13, v63  }
.Ltmp8:
0x1c9: {  	_ = 	snop;
	(pc) =	sbr.rel @p0 .LBB2_14-.Ltmp8, $4  }
0x1ca: {  	_ = 	snop  }
0x1cb: {  	[tilespmem:v15+s15+$0x0] =	vst.idx.add.f32.msk vm13, v62  }
0x1cc: {  	[tilespmem:v16+s15+$0x0] =	vst.idx.add.f32.msk vm14, v62  }
0x1cd: {  	s22 =	sadd.s32 $0x100, s22;
	[tilespmem:v12+s15+$0x0] =	vst.idx.add.f32.msk vm15, v62  }
.LBB2_15:
0x1ce: {  	s0 =	sshll.u32 s21, $0xC  }
0x1cf: {  	s22 =	simm.s32 $0x0;
	s0 =	sand.u32 $0x3FFFF000, s0  }
0x1d0: {  	s23 =	sand.u32 $0x80, s22;
	s24 =	sadd.s32 $0x6000, s0  }
0x1d1: {  	s1 =	sand.u32 $0x70, s22;
	s0 =	sadd.s32 s23, s24  }
0x1d2: {  	s0 =	sadd.s32 s1, s0  }
0x1d3: {  	v7 =	vld [tilespmem:s0+$0x100]  }
0x1d4: {  	v8 =	vld [tilespmem:s0+$0x0];
	_ =	sdelay $0x1  }
0x1d5: {  	v9 =	vld [tilespmem:s0+$0x200];
	_ =	sdelay $0x1  }
0x1d6: {  	v10 =	vld [tilespmem:s0+$0x300]  }
0x1d7: {  	v7 =	vadd.f32 v7, v8  }
0x1d8: {  	v8 =	vld [tilespmem:s0+$0x400]  }
0x1d9: {  	v7 =	vadd.f32 v9, v7  }
0x1da: {  	v9 =	vld [tilespmem:s0+$0x500]  }
0x1db: {  	v7 =	vadd.f32 v10, v7  }
0x1dc: {  	v10 =	vld [tilespmem:s0+$0x600]  }
0x1dd: {  	v7 =	vadd.f32 v8, v7  }
0x1de: {  	v8 =	vld [tilespmem:s0+$0x700]  }
0x1df: {  	v7 =	vadd.f32 v9, v7  }
0x1e0: {  	v9 =	vld [tilespmem:s0+$0x800]  }
0x1e1: {  	v7 =	vadd.f32 v10, v7  }
0x1e2: {  	v10 =	vld [tilespmem:s0+$0x900]  }
0x1e3: {  	v7 =	vadd.f32 v8, v7  }
0x1e4: {  	v8 =	vld [tilespmem:s0+$0xA00]  }
0x1e5: {  	v7 =	vadd.f32 v9, v7  }
0x1e6: {  	v9 =	vld [tilespmem:s0+$0xB00]  }
0x1e7: {  	v7 =	vadd.f32 v10, v7  }
0x1e8: {  	v10 =	vld [tilespmem:s0+$0xC00]  }
0x1e9: {  	v7 =	vadd.f32 v8, v7  }
0x1ea: {  	v8 =	vld [tilespmem:s0+$0xD00]  }
0x1eb: {  	v7 =	vadd.f32 v9, v7  }
0x1ec: {  	v9 =	vld [tilespmem:s0+$0xE00]  }
0x1ed: {  	v7 =	vadd.f32 v10, v7  }
0x1ee: {  	v10 =	vld [tilespmem:s0+$0xF00]  }
0x1ef: {  	v7 =	vadd.f32 v8, v7;
	_ =	sdelay $0x1  }
0x1f0: {  	v7 =	vadd.f32 v9, v7  }
0x1f1: {  	s29 =	simm.s32 $0x10  }
0x1f2: {  	s25 =	sand.u32 $0x80, s29;
	v8 =	vadd.f32 v10, v7  }
0x1f3: {  	s28 =	simm.s32 $0xC000;
	s26 =	sand.u32 $0x70, s29;
	s0 =	sadd.s32 s25, s24  }
0x1f4: {  	s30 =	sadd.s32 s26, s0;
	[tilespmem:s28+$0x0] =	vst v8  }
0x1f5: {  	(xrf2) =	vadd.scan.msk.f32 $0xffff, v8;
	v7 =	vld [tilespmem:s30+$0x100]  }
0x1f6: {  	v9 =	vld [tilespmem:s30+$0x0];
	_ =	sdelay $0x2  }
0x1f7: {  	v10 =	vld [tilespmem:s30+$0x200];
	_ =	sdelay $0x1  }
0x1f8: {  	v11 =	vadd.f32 v7, v9;
	v9 =	vld [tilespmem:s30+$0x300];
	_ =	sdelay $0x1  }
0x1f9: {  	s31 =	simm.s32 $0x3;
	v8 =	vld [tilespmem:s30+$0x400]  }
0x1fa: {  	s23 =	simm.f32 $0.0e+00;
	s25 =	simm.s32 $0x1;
	s26 =	simm.s32 $0x2;
	v7 =	vimm.f32 $0.0e+00;
	v10 =	vadd.f32 v10, v11  }
.LBB2_16:
0x1fb: {  	p0 =	sne.s32 s31, $0xF;
	v11 =	vld [tilespmem:s30+$0x500];
	v12 =	vmov s22;
	v13, _, _ =	vpop (xrf2);
	s22 =	smov.u32 s25;
	s25 =	smov.u32 s26  }
0x1fc: {  	s26 =	smov.u32 s31;
	v9 =	vadd.f32 v9, v10;
	v10 =	vbroadcast v13, $0xF;
	(v2sf) =	vpush v13, $0xF  }
0x1fd: {  	vm0 =	veq.s32 v12, v0;
	v13 =	vld [tilespmem:s30+$0x600]  }
0x1fe: {  	v8 =	vadd.f32 v8, v9;
	v7 =	vsel vm0, v10, v7  }
0x1ff: {  	v9 =	vld [tilespmem:s30+$0x700]  }
0x200: {  	v8 =	vadd.f32 v11, v8  }
0x201: {  	v10 =	vld [tilespmem:s30+$0x800]  }
0x202: {  	v8 =	vadd.f32 v13, v8  }
0x203: {  	v11 =	vld [tilespmem:s30+$0x900]  }
0x204: {  	v8 =	vadd.f32 v9, v8  }
0x205: {  	v9 =	vld [tilespmem:s30+$0xA00]  }
0x206: {  	v8 =	vadd.f32 v10, v8  }
0x207: {  	v10 =	vld [tilespmem:s30+$0xB00]  }
0x208: {  	v8 =	vadd.f32 v11, v8  }
0x209: {  	v11 =	vld [tilespmem:s30+$0xC00]  }
0x20a: {  	v8 =	vadd.f32 v9, v8  }
0x20b: {  	v9 =	vld [tilespmem:s30+$0xD00];
	s0 =	spop (v2sf)  }
0x20c: {  	v8 =	vadd.f32 v10, v8;
	s23 =	sadd.f32 s0, s23  }
0x20d: {  	v10 =	vld [tilespmem:s30+$0xE00]  }
0x20e: {  	v8 =	vadd.f32 v11, v8  }
0x20f: {  	v11 =	vld [tilespmem:s30+$0xF00]  }
0x210: {  	v8 =	vadd.f32 v9, v8;
	_ =	sdelay $0x1  }
0x211: {  	v8 =	vadd.f32 v10, v8  }
0x212: {  	s29 =	sadd.s32 $0x10, s29  }
0x213: {  	s0 =	sand.u32 $0x80, s29;
	v8 =	vadd.f32 v11, v8  }
0x214: {  	s28 =	sadd.s32 $0x10, s28;
	s1 =	sand.u32 $0x70, s29;
	s0 =	sadd.s32 s0, s24  }
0x215: {  	s30 =	sadd.s32 s1, s0;
	[tilespmem:s28+$0x0] =	vst v8;
	(xrf2) =	vadd.scan.msk.f32 $0xffff, v8  }
0x216: {  	v8 =	vld [tilespmem:s30+$0x100]  }
0x217: {  	v10 =	vld [tilespmem:s30+$0x0];
	_ =	sdelay $0x1  }
0x218: {  	v11 =	vld [tilespmem:s30+$0x200]  }
.Ltmp9:
0x219: {  	(pc) =	sbr.rel @p0 .LBB2_16-.Ltmp9, $4  }
0x21a: {  	v9 =	vld [tilespmem:s30+$0x300]  }
0x21b: {  	v10 =	vadd.f32 v8, v10  }
0x21c: {  	v8 =	vld [tilespmem:s30+$0x400]  }
0x21d: {  	s31 =	sadd.s32 $0x1, s31;
	v10 =	vadd.f32 v11, v10  }
0x21e: {  	v11 =	vld [tilespmem:s30+$0x500]  }
0x21f: {  	v9 =	vadd.f32 v9, v10  }
0x220: {  	v30 =	vld [tilespmem:s30+$0x600]  }
0x221: {  	v8 =	vadd.f32 v8, v9  }
0x222: {  	v31 =	vld [tilespmem:s30+$0x700]  }
0x223: {  	v8 =	vadd.f32 v11, v8  }
0x224: {  	v32 =	vld [tilespmem:s30+$0x800]  }
0x225: {  	v8 =	vadd.f32 v30, v8  }
0x226: {  	v33 =	vld [tilespmem:s30+$0x900]  }
0x227: {  	v8 =	vadd.f32 v31, v8  }
0x228: {  	v34 =	vld [tilespmem:s30+$0xA00]  }
0x229: {  	v8 =	vadd.f32 v32, v8  }
0x22a: {  	v35 =	vld [tilespmem:s30+$0xB00]  }
0x22b: {  	v8 =	vadd.f32 v33, v8  }
0x22c: {  	v36 =	vld [tilespmem:s30+$0xC00]  }
0x22d: {  	v8 =	vadd.f32 v34, v8  }
0x22e: {  	v37 =	vld [tilespmem:s30+$0xD00]  }
0x22f: {  	v8 =	vadd.f32 v35, v8  }
0x230: {  	v38 =	vld [tilespmem:s30+$0xE00]  }
0x231: {  	v8 =	vadd.f32 v36, v8  }
0x232: {  	v39 =	vld [tilespmem:s30+$0xF00]  }
0x233: {  	v8 =	vadd.f32 v37, v8;
	_ =	sdelay $0x1  }
0x234: {  	v8 =	vadd.f32 v38, v8  }
0x235: {  	s0 =	sadd.s32 $0x10, s29  }
0x236: {  	s1 =	sand.u32 $0x80, s0;
	v8 =	vadd.f32 v39, v8  }
0x237: {  	s31 =	sadd.s32 $0x10, s28;
	s0 =	sand.u32 $0x70, s0;
	s1 =	sadd.s32 s1, s24  }
0x238: {  	s0 =	sadd.s32 s0, s1;
	[tilespmem:s31+$0x0] =	vst v8  }
0x239: {  	v40 =	vld [tilespmem:s0+$0x100]  }
0x23a: {  	v41 =	vld [tilespmem:s0+$0x0];
	_ =	sdelay $0x1  }
0x23b: {  	v42 =	vld [tilespmem:s0+$0x200];
	_ =	sdelay $0x1  }
0x23c: {  	v12 =	vld [tilespmem:s0+$0x300]  }
0x23d: {  	v9 =	vadd.f32 v40, v41  }
0x23e: {  	v43 =	vld [tilespmem:s0+$0x400]  }
0x23f: {  	v9 =	vadd.f32 v42, v9  }
0x240: {  	v44 =	vld [tilespmem:s0+$0x500]  }
0x241: {  	v9 =	vadd.f32 v12, v9  }
0x242: {  	v45 =	vld [tilespmem:s0+$0x600]  }
0x243: {  	v9 =	vadd.f32 v43, v9  }
0x244: {  	v46 =	vld [tilespmem:s0+$0x700]  }
0x245: {  	v9 =	vadd.f32 v44, v9  }
0x246: {  	v47 =	vld [tilespmem:s0+$0x800]  }
0x247: {  	v9 =	vadd.f32 v45, v9  }
0x248: {  	v48 =	vld [tilespmem:s0+$0x900]  }
0x249: {  	v9 =	vadd.f32 v46, v9  }
0x24a: {  	v49 =	vld [tilespmem:s0+$0xA00]  }
0x24b: {  	v9 =	vadd.f32 v47, v9  }
0x24c: {  	v50 =	vld [tilespmem:s0+$0xB00]  }
0x24d: {  	v9 =	vadd.f32 v48, v9  }
0x24e: {  	v51 =	vld [tilespmem:s0+$0xC00]  }
0x24f: {  	v9 =	vadd.f32 v49, v9  }
0x250: {  	v52 =	vld [tilespmem:s0+$0xD00]  }
0x251: {  	v9 =	vadd.f32 v50, v9  }
0x252: {  	v53 =	vld [tilespmem:s0+$0xE00]  }
0x253: {  	v9 =	vadd.f32 v51, v9  }
0x254: {  	v54 =	vld [tilespmem:s0+$0xF00]  }
0x255: {  	v9 =	vadd.f32 v52, v9;
	_ =	sdelay $0x1  }
0x256: {  	v9 =	vadd.f32 v53, v9;
	_ =	sdelay $0x1  }
0x257: {  	(xrf2) =	vadd.scan.msk.f32 $0xffff, v8;
	v8 =	vadd.f32 v54, v9;
	_ =	sdelay $0x1  }
0x258: {  	(xrf2) =	vadd.scan.msk.f32 $0xffff, v8;
	_ =	sdelay $0x5  }
0x259: {  	v55, _, _ =	vpop (xrf2)  }
0x25a: {  	(v2sf) =	vpush v55, $0xF  }
0x25b: {  	v56, _, _ =	vpop (xrf2)  }
0x25c: {  	(v2sf) =	vpush v56, $0xF  }
0x25d: {  	v57, _, _ =	vpop (xrf2)  }
0x25e: {  	(v2sf) =	vpush v57, $0xF;
	_ =	sdelay $0x3  }
0x25f: {  	v58 =	vmov s22;
	v59 =	vmov s25;
	v9 =	vbroadcast v55, $0xF  }
0x260: {  	v60 =	vmov s26;
	vm0 =	veq.s32 v58, v0;
	v10 =	vbroadcast v56, $0xF  }
0x261: {  	vm10 =	veq.s32 v59, v0;
	v7 =	vsel vm0, v9, v7;
	v11 =	vbroadcast v57, $0xF  }
0x262: {  	vm11 =	veq.s32 v60, v0;
	v7 =	vsel vm10, v10, v7  }
0x263: {  	v7 =	vsel vm11, v11, v7  }
0x264: {  	(xrf2) =	vadd.scan.msk.f32 $0xffff, v7;
	_ =	sdelay $0x1  }
0x265: {  	s13 =	spop (v2sf)  }
0x266: {  	s0 =	sadd.f32 s13, s23  }
0x267: {  	s22 =	spop (v2sf)  }
0x268: {  	s0 =	sadd.f32 s22, s0  }
0x269: {  	s9 =	sld [smem:s21+$0x80];
	s23 =	spop (v2sf)  }
0x26a: {  	s0 =	sadd.f32 s23, s0;
	_ =	sdelay $0x1  }
0x26b: {  	s1 =	ssub.f32 s0, s9  }
0x26c: {  	v61, _, _ =	vpop (xrf2)  }
0x26d: {  	vm12 =	vge.f32 v61, s1  }
0x26e: {  	v62 =	vnsel vm12, $0x80000010, v5  }
0x26f: {  	(xrf0) =	vmin.scan.msk.u32 $0xffff, v62;
	_ =	sdelay $0x5  }
0x270: {  	v10, _, _ =	vpop (xrf0)  }
0x271: {  	(v2sf) =	vpush v10, $0xF;
	_ =	sdelay $0xe  }
0x272: {  	s13 =	spop (v2sf)  }
0x273: {  	s13 =	sxor.u32 $0x80000000, s13  }
0x274: {  	p0 =	slt.s32 s13, $0x10  }
0x275: {  	s25 =	sadd.s32 $0x10, s31;
	s13 =	simm.s32 @!p0 $0x0  }
0x276: {  	[tilespmem:s25+$0x0] =	vst v8;
	s26 =	sshll.u32 s13, $0x4  }
0x277: {  	v7 =	vsub.f32 v61, v7;
	v8 =	vmov s13;
	v63 =	vld [tilespmem:s26+$0xC000]  }
0x278: {  	vm13 =	veq.s32 v8, v0  }
0x279: {  	v7 =	vnsel vm13, $0x0, v7  }
0x27a: {  	(xrf2) =	vadd.scan.msk.f32 $0xffff, v7;
	_ =	sdelay $0x1  }
0x27b: {  	(xrf2) =	vadd.scan.msk.f32 $0xffff, v63;
	_ =	sdelay $0x7  }
0x27c: {  	v7, _, _ =	vpop (xrf2)  }
0x27d: {  	v7 =	vbroadcast v7, $0xF  }
0x27e: {  	v8, _, _ =	vpop (xrf2)  }
0x27f: {  	v7 =	vadd.f32 v7, v8;
	_ =	sdelay $0x1  }
0x280: {  	vm14 =	vge.f32 v7, s1  }
0x281: {  	v8 =	vnsel vm14, $0x80000010, v5  }
0x282: {  	(xrf0) =	vmin.scan.msk.u32 $0xffff, v8;
	_ =	sdelay $0x5  }
0x283: {  	v8, _, _ =	vpop (xrf0)  }
0x284: {  	(v2sf) =	vpush v8, $0xF;
	_ =	sdelay $0xe  }
0x285: {  	s28 =	spop (v2sf)  }
0x286: {  	s1 =	sxor.u32 $0x80000000, s28  }
0x287: {  	p1 =	slt.s32 s1, $0x10  }
0x288: {  	s1 =	simm.s32 @!p1 $0x0  }
0x289: {  	v8 =	vmov s1  }
0x28a: {  	vm15 =	veq.s32 v8, v0  }
0x28b: {  	v7 =	vnsel vm15, $0x0, v7  }
0x28c: {  	(xrf2) =	vadd.scan.msk.f32 $0xffff, v7;
	v7 =	vnsel vm15, $0x0, v63  }
0x28d: {  	(xrf2) =	vadd.scan.msk.f32 $0xffff, v7;
	_ =	sdelay $0x8  }
0x28e: {  	v7, _, _ =	vpop (xrf2)  }
0x28f: {  	(v2sf) =	vpush v7, $0xF;
	v7, _, _ =	vpop (xrf2)  }
0x290: {  	(v2sf) =	vpush v7, $0xF;
	_ =	sdelay $0x8  }
0x291: {  	s29 =	sld [smem:s21+$0x0];
	s1 =	sadd.s32 s26, s1  }
0x292: {  	s1 =	simm.s32 @!p0 $0x100  }
0x293: {  	p1 =	slt.s32 s1, $0x100  }
0x294: {  	s13 =	sshll.u32 s29, $0x8;
	s1 =	simm.s32 @!p1 $0x0  }
0x295: {  	s30 =	sadd.s32 $0x80, s21;
	s1 =	sor.u32 s13, s1  }
0x296: {  	s31 =	sadd.s32 $0x300, s21;
	[smem:s21] =	sst s1;
	s22 =	spop (v2sf)  }
0x297: {  	s21 =	sadd.s32 $0x1, s21;
	s22 =	simm.s32 @!p0 $0x0;
	s13 =	spop (v2sf)  }
0x298: {  	s0 =	ssub.f32 s0, s22;
	s13 =	simm.s32 @!p0 $0x0;
	p0 =	sne.s32 s21, $0x3  }
.Ltmp10:
0x299: {  	_ = 	snop;
	(pc) =	sbr.rel @p0 .LBB2_15-.Ltmp10, $4  }
.Ltmp11:
0x29a: {  	s0 =	ssub.f32 s9, s0;
	(pc) =	sbr.rel @!p0 .LBB2_18-.Ltmp11, $4  }
0x29b: {  	_ = 	snop  }
0x29c: {  	[smem:s30] =	sst s0  }
0x29d: {  	[smem:s31] =	sst s13  }
0x29e: {  	_ = 	snop  }
.LBB2_19:
0x29f: {  	s0 =	sld [smem:$0x300]  }
0x2a0: {  	s1 =	sld [smem:$0x301];
	_ =	sdelay $0x1  }
0x2a1: {  	s9 =	sld [smem:$0x302]  }
0x2a2: {  	s0 =	sadd.f32 s1, s0;
	_ =	sdelay $0x1  }
0x2a3: {  	s0 =	sadd.f32 s9, s0;
	_ =	sdelay $0x1  }
0x2a4: {  	p0 =	sgt.f32 s0, $0.0e+00  }
.Ltmp12:
0x2a5: {  	_ = 	snop;
	(pc) =	sbr.rel @!p0 .LBB2_20-.Ltmp12, $1  }
0x2a6: {  	_ =	sdelay $0x3  }
0x2a7: {  	s21 =	simm.s32 $0x100;
	s20 =	simm.s32 $0x0  }
.LBB2_22:
0x2a8: {  	p0 =	sne.s32 s21, $0xBF00;
	[tilespmem:s20+$0x9030] =	vst v2;
	s0 =	smov.u32 s21;
	s21 =	sadd.s32 $0x100, s21  }
.Ltmp13:
0x2a9: {  	[tilespmem:s20+$0x9020] =	vst v2;
	(pc) =	sbr.rel @p0 .LBB2_22-.Ltmp13, $3  }
0x2aa: {  	[tilespmem:s20+$0x9000] =	vst v2  }
0x2ab: {  	[tilespmem:s20+$0x9010] =	vst v2;
	_ =	sdelay $0x1  }
0x2ac: {  	s20 =	sshra.s32 s0, $0x2  }
0x2ad: {  	[tilespmem:s20+$0x9030] =	vst v2  }
0x2ae: {  	[tilespmem:s20+$0x9020] =	vst v2  }
0x2af: {  	[tilespmem:s20+$0x9000] =	vst v2  }
0x2b0: {  	[tilespmem:s20+$0x9010] =	vst v2;
	s20 =	simm.s32 $0x100;
	s21 =	simm.s32 $0x0  }
.LBB2_24:
0x2b1: {  	p0 =	sne.s32 s20, $0xBF00;
	[tilespmem:s21+$0x6030] =	vst v2;
	s0 =	smov.u32 s20;
	s20 =	sadd.s32 $0x100, s20  }
.Ltmp14:
0x2b2: {  	[tilespmem:s21+$0x6020] =	vst v2;
	(pc) =	sbr.rel @p0 .LBB2_24-.Ltmp14, $3  }
0x2b3: {  	[tilespmem:s21+$0x6000] =	vst v2  }
0x2b4: {  	[tilespmem:s21+$0x6010] =	vst v2;
	_ =	sdelay $0x1  }
0x2b5: {  	s21 =	sshra.s32 s0, $0x2  }
0x2b6: {  	s0 =	sld [smem:$0x0]  }
0x2b7: {  	s1 =	sld [smem:$0x1]  }
0x2b8: {  	[tilespmem:s21+$0x6030] =	vst v2;
	s9 =	sld [smem:$0x2]  }
0x2b9: {  	[tilespmem:s21+$0x6020] =	vst v2  }
0x2ba: {  	[tilespmem:s21+$0x6000] =	vst v2;
	s20 =	simm.s32 $0x0  }
0x2bb: {  	[tilespmem:s21+$0x6010] =	vst v2;
	s21 =	simm.s32 $0x5020;
	s22 =	simm.s32 $0x3020;
	s23 =	simm.s32 $0x0;
	v7 =	vmov s0;
	v8 =	vmov s1;
	v9 =	vmov s9  }
.LBB2_26:
0x2bc: {  	v10 =	vld [tilespmem:s22+$0xFFFFFFE0];
	_ =	sdelay $0x1  }
0x2bd: {  	v11 =	vmul.u32 $0xFFFFFFFF, v0;
	_ =	sdelay $0x1  }
0x2be: {  	v12 =	vmov s23;
	v13 =	vadd.s32 $0xFFF, v11  }
0x2bf: {  	v14 =	vsub.s32 v13, v12;
	vm0 =	veq.s32 v10, v7  }
0x2c0: {  	v15 =	vld [tilespmem:s21+$0xFFFFFFE0];
	v16 =	vshrl.u32 v14, $0x4  }
0x2c1: {  	v18 =	vadd.s32 $0x1FFF, v11;
	v17 =	vor.u32 v1, v16;
	vm1 =	veq.s32 v10, v8  }
0x2c2: {  	v19 =	vsub.s32 v18, v12  }
0x2c3: {  	v20 =	vor.u32 v6, v16;
	vm2 =	veq.s32 v10, v9;
	v10 =	vadd.s32 $0x2FFF, v11  }
0x2c4: {  	v46 =	vor.u32 $0x2000, v1;
	v11 =	vsub.s32 v10, v12  }
0x2c5: {  	v47 =	vor.u32 v46, v16;
	[tilespmem:v14+s16+$0x0] =	vst.idx.add.f32.msk vm0, v15  }
0x2c6: {  	[tilespmem:v17+s15+$0x0] =	vst.idx.add.f32.msk vm0, v15  }
0x2c7: {  	[tilespmem:v19+s16+$0x0] =	vst.idx.add.f32.msk vm1, v15  }
0x2c8: {  	[tilespmem:v20+s15+$0x0] =	vst.idx.add.f32.msk vm1, v15  }
0x2c9: {  	[tilespmem:v11+s16+$0x0] =	vst.idx.add.f32.msk vm2, v15  }
0x2ca: {  	[tilespmem:v47+s15+$0x0] =	vst.idx.add.f32.msk vm2, v15  }
0x2cb: {  	v11 =	vld [tilespmem:s22+$0xFFFFFFF0];
	_ =	sdelay $0x2  }
0x2cc: {  	s0 =	sadd.s32 $0x10, s23  }
0x2cd: {  	v48 =	vmov s0  }
0x2ce: {  	v49 =	vsub.s32 v13, v48;
	vm7 =	veq.s32 v11, v7  }
0x2cf: {  	v51 =	vshrl.u32 v49, $0x4;
	v50 =	vld [tilespmem:s21+$0xFFFFFFF0]  }
0x2d0: {  	v52 =	vor.u32 v1, v51;
	vm8 =	veq.s32 v11, v8  }
0x2d1: {  	v53 =	vsub.s32 v18, v48  }
0x2d2: {  	vm9 =	veq.s32 v11, v9;
	v11 =	vor.u32 v6, v51  }
0x2d3: {  	v14 =	vsub.s32 v10, v48  }
0x2d4: {  	v54 =	vor.u32 v46, v51;
	[tilespmem:v49+s16+$0x0] =	vst.idx.add.f32.msk vm7, v50  }
0x2d5: {  	[tilespmem:v52+s15+$0x0] =	vst.idx.add.f32.msk vm7, v50  }
0x2d6: {  	[tilespmem:v53+s16+$0x0] =	vst.idx.add.f32.msk vm8, v50  }
0x2d7: {  	[tilespmem:v11+s15+$0x0] =	vst.idx.add.f32.msk vm8, v50  }
0x2d8: {  	[tilespmem:v14+s16+$0x0] =	vst.idx.add.f32.msk vm9, v50  }
0x2d9: {  	[tilespmem:v54+s15+$0x0] =	vst.idx.add.f32.msk vm9, v50  }
0x2da: {  	v11 =	vld [tilespmem:s22+$0x0];
	_ =	sdelay $0x2  }
0x2db: {  	s30 =	sadd.s32 $0x20, s23  }
0x2dc: {  	v55 =	vmov s30  }
0x2dd: {  	v56 =	vsub.s32 v13, v55;
	vm10 =	veq.s32 v11, v7  }
0x2de: {  	v57 =	vshrl.u32 v56, $0x4;
	v16 =	vld [tilespmem:s21+$0x0]  }
0x2df: {  	v58 =	vor.u32 v1, v57;
	vm11 =	veq.s32 v11, v8  }
0x2e0: {  	v59 =	vsub.s32 v18, v55  }
0x2e1: {  	vm12 =	veq.s32 v11, v9;
	v11 =	vor.u32 v6, v57  }
0x2e2: {  	v14 =	vsub.s32 v10, v55  }
0x2e3: {  	v60 =	vor.u32 v46, v57;
	[tilespmem:v56+s16+$0x0] =	vst.idx.add.f32.msk vm10, v16  }
0x2e4: {  	[tilespmem:v58+s15+$0x0] =	vst.idx.add.f32.msk vm10, v16  }
0x2e5: {  	[tilespmem:v59+s16+$0x0] =	vst.idx.add.f32.msk vm11, v16  }
0x2e6: {  	[tilespmem:v11+s15+$0x0] =	vst.idx.add.f32.msk vm11, v16  }
0x2e7: {  	[tilespmem:v14+s16+$0x0] =	vst.idx.add.f32.msk vm12, v16  }
0x2e8: {  	[tilespmem:v60+s15+$0x0] =	vst.idx.add.f32.msk vm12, v16  }
0x2e9: {  	v11 =	vld [tilespmem:s22+$0x10];
	_ =	sdelay $0x2  }
0x2ea: {  	s31 =	sadd.s32 $0x30, s23  }
0x2eb: {  	v61 =	vmov s31  }
0x2ec: {  	v13 =	vsub.s32 v13, v61;
	vm13 =	veq.s32 v11, v7  }
0x2ed: {  	v62 =	vshrl.u32 v13, $0x4;
	v15 =	vld [tilespmem:s21+$0x10]  }
0x2ee: {  	v63 =	vor.u32 v1, v62;
	vm14 =	veq.s32 v11, v8  }
0x2ef: {  	v18 =	vsub.s32 v18, v61  }
0x2f0: {  	vm15 =	veq.s32 v11, v9;
	v11 =	vor.u32 v6, v62  }
0x2f1: {  	v10 =	vsub.s32 v10, v61  }
0x2f2: {  	p0 =	sne.s32 s23, $0xFC0;
	v12 =	vor.u32 v46, v62;
	[tilespmem:v13+s16+$0x0] =	vst.idx.add.f32.msk vm13, v15  }
.Ltmp15:
0x2f3: {  	[tilespmem:v63+s15+$0x0] =	vst.idx.add.f32.msk vm13, v15;
	(pc) =	sbr.rel @p0 .LBB2_26-.Ltmp15, $4  }
0x2f4: {  	[tilespmem:v18+s16+$0x0] =	vst.idx.add.f32.msk vm14, v15  }
0x2f5: {  	[tilespmem:v11+s15+$0x0] =	vst.idx.add.f32.msk vm14, v15  }
0x2f6: {  	[tilespmem:v10+s16+$0x0] =	vst.idx.add.f32.msk vm15, v15  }
0x2f7: {  	s23 =	sadd.s32 $0x40, s23;
	s21 =	sadd.s32 $0x40, s21;
	s22 =	sadd.s32 $0x40, s22;
	[tilespmem:v12+s15+$0x0] =	vst.idx.add.f32.msk vm15, v15  }
.LBB2_27:
0x2f8: {  	s21 =	sshll.u32 s20, $0xC;
	s22 =	simm.s32 $0x0  }
0x2f9: {  	s24 =	sadd.s32 $0x6000, s21;
	s0 =	sand.u32 $0x80, s22  }
0x2fa: {  	s1 =	sand.u32 $0x70, s22;
	s0 =	sadd.s32 s0, s24  }
0x2fb: {  	s0 =	sadd.s32 s1, s0  }
0x2fc: {  	v7 =	vld [tilespmem:s0+$0x100]  }
0x2fd: {  	v8 =	vld [tilespmem:s0+$0x0];
	_ =	sdelay $0x1  }
0x2fe: {  	v9 =	vld [tilespmem:s0+$0x200];
	_ =	sdelay $0x1  }
0x2ff: {  	v10 =	vld [tilespmem:s0+$0x300]  }
0x300: {  	v7 =	vadd.f32 v7, v8  }
0x301: {  	v8 =	vld [tilespmem:s0+$0x400]  }
0x302: {  	v7 =	vadd.f32 v9, v7  }
0x303: {  	v9 =	vld [tilespmem:s0+$0x500]  }
0x304: {  	v7 =	vadd.f32 v10, v7  }
0x305: {  	v10 =	vld [tilespmem:s0+$0x600]  }
0x306: {  	v7 =	vadd.f32 v8, v7  }
0x307: {  	v8 =	vld [tilespmem:s0+$0x700]  }
0x308: {  	v7 =	vadd.f32 v9, v7  }
0x309: {  	v9 =	vld [tilespmem:s0+$0x800]  }
0x30a: {  	v7 =	vadd.f32 v10, v7  }
0x30b: {  	v10 =	vld [tilespmem:s0+$0x900]  }
0x30c: {  	v7 =	vadd.f32 v8, v7  }
0x30d: {  	v8 =	vld [tilespmem:s0+$0xA00]  }
0x30e: {  	v7 =	vadd.f32 v9, v7  }
0x30f: {  	v9 =	vld [tilespmem:s0+$0xB00]  }
0x310: {  	v7 =	vadd.f32 v10, v7  }
0x311: {  	v10 =	vld [tilespmem:s0+$0xC00]  }
0x312: {  	v7 =	vadd.f32 v8, v7  }
0x313: {  	v8 =	vld [tilespmem:s0+$0xD00]  }
0x314: {  	v7 =	vadd.f32 v9, v7  }
0x315: {  	v9 =	vld [tilespmem:s0+$0xE00]  }
0x316: {  	v7 =	vadd.f32 v10, v7  }
0x317: {  	v10 =	vld [tilespmem:s0+$0xF00]  }
0x318: {  	v7 =	vadd.f32 v8, v7;
	_ =	sdelay $0x1  }
0x319: {  	v7 =	vadd.f32 v9, v7  }
0x31a: {  	s29 =	simm.s32 $0x10  }
0x31b: {  	s25 =	sand.u32 $0x80, s29;
	v8 =	vadd.f32 v10, v7  }
0x31c: {  	s28 =	simm.s32 $0xC000;
	s26 =	sand.u32 $0x70, s29;
	s0 =	sadd.s32 s25, s24  }
0x31d: {  	s30 =	sadd.s32 s26, s0;
	[tilespmem:s28+$0x0] =	vst v8  }
0x31e: {  	(xrf2) =	vadd.scan.msk.f32 $0xffff, v8;
	v7 =	vld [tilespmem:s30+$0x100]  }
0x31f: {  	v9 =	vld [tilespmem:s30+$0x0];
	_ =	sdelay $0x2  }
0x320: {  	v10 =	vld [tilespmem:s30+$0x200];
	_ =	sdelay $0x1  }
0x321: {  	v11 =	vadd.f32 v7, v9;
	v9 =	vld [tilespmem:s30+$0x300];
	_ =	sdelay $0x1  }
0x322: {  	s23 =	simm.f32 $0.0e+00;
	v8 =	vld [tilespmem:s30+$0x400]  }
0x323: {  	s31 =	simm.s32 $0x3;
	s25 =	simm.s32 $0x1;
	s26 =	simm.s32 $0x2;
	v7 =	vimm.f32 $0.0e+00;
	v10 =	vadd.f32 v10, v11  }
.LBB2_28:
0x324: {  	p0 =	sne.s32 s31, $0xF;
	v11 =	vld [tilespmem:s30+$0x500];
	v12 =	vmov s22;
	v13, _, _ =	vpop (xrf2);
	s22 =	smov.u32 s25;
	s25 =	smov.u32 s26  }
0x325: {  	s26 =	smov.u32 s31;
	v9 =	vadd.f32 v9, v10;
	v10 =	vbroadcast v13, $0xF;
	(v2sf) =	vpush v13, $0xF  }
0x326: {  	vm0 =	veq.s32 v12, v0;
	v13 =	vld [tilespmem:s30+$0x600]  }
0x327: {  	v8 =	vadd.f32 v8, v9;
	v7 =	vsel vm0, v10, v7  }
0x328: {  	v9 =	vld [tilespmem:s30+$0x700]  }
0x329: {  	v8 =	vadd.f32 v11, v8  }
0x32a: {  	v10 =	vld [tilespmem:s30+$0x800]  }
0x32b: {  	v8 =	vadd.f32 v13, v8  }
0x32c: {  	v11 =	vld [tilespmem:s30+$0x900]  }
0x32d: {  	v8 =	vadd.f32 v9, v8  }
0x32e: {  	v9 =	vld [tilespmem:s30+$0xA00]  }
0x32f: {  	v8 =	vadd.f32 v10, v8  }
0x330: {  	v10 =	vld [tilespmem:s30+$0xB00]  }
0x331: {  	v8 =	vadd.f32 v11, v8  }
0x332: {  	v11 =	vld [tilespmem:s30+$0xC00]  }
0x333: {  	v8 =	vadd.f32 v9, v8  }
0x334: {  	v9 =	vld [tilespmem:s30+$0xD00];
	s0 =	spop (v2sf)  }
0x335: {  	v8 =	vadd.f32 v10, v8;
	s23 =	sadd.f32 s0, s23  }
0x336: {  	v10 =	vld [tilespmem:s30+$0xE00]  }
0x337: {  	v8 =	vadd.f32 v11, v8  }
0x338: {  	v11 =	vld [tilespmem:s30+$0xF00]  }
0x339: {  	v8 =	vadd.f32 v9, v8;
	_ =	sdelay $0x1  }
0x33a: {  	v8 =	vadd.f32 v10, v8  }
0x33b: {  	s29 =	sadd.s32 $0x10, s29  }
0x33c: {  	s0 =	sand.u32 $0x80, s29;
	v8 =	vadd.f32 v11, v8  }
0x33d: {  	s28 =	sadd.s32 $0x10, s28;
	s1 =	sand.u32 $0x70, s29;
	s0 =	sadd.s32 s0, s24  }
0x33e: {  	s30 =	sadd.s32 s1, s0;
	[tilespmem:s28+$0x0] =	vst v8;
	(xrf2) =	vadd.scan.msk.f32 $0xffff, v8  }
0x33f: {  	v8 =	vld [tilespmem:s30+$0x100]  }
0x340: {  	v10 =	vld [tilespmem:s30+$0x0];
	_ =	sdelay $0x1  }
0x341: {  	v11 =	vld [tilespmem:s30+$0x200]  }
.Ltmp16:
0x342: {  	(pc) =	sbr.rel @p0 .LBB2_28-.Ltmp16, $4  }
0x343: {  	v9 =	vld [tilespmem:s30+$0x300]  }
0x344: {  	v10 =	vadd.f32 v8, v10  }
0x345: {  	v8 =	vld [tilespmem:s30+$0x400]  }
0x346: {  	s31 =	sadd.s32 $0x1, s31;
	v10 =	vadd.f32 v11, v10  }
0x347: {  	v11 =	vld [tilespmem:s30+$0x500]  }
0x348: {  	v9 =	vadd.f32 v9, v10  }
0x349: {  	v29 =	vld [tilespmem:s30+$0x600]  }
0x34a: {  	v8 =	vadd.f32 v8, v9  }
0x34b: {  	v30 =	vld [tilespmem:s30+$0x700]  }
0x34c: {  	v8 =	vadd.f32 v11, v8  }
0x34d: {  	v31 =	vld [tilespmem:s30+$0x800]  }
0x34e: {  	v8 =	vadd.f32 v29, v8  }
0x34f: {  	v32 =	vld [tilespmem:s30+$0x900]  }
0x350: {  	v8 =	vadd.f32 v30, v8  }
0x351: {  	v33 =	vld [tilespmem:s30+$0xA00]  }
0x352: {  	v8 =	vadd.f32 v31, v8  }
0x353: {  	v34 =	vld [tilespmem:s30+$0xB00]  }
0x354: {  	v8 =	vadd.f32 v32, v8  }
0x355: {  	v35 =	vld [tilespmem:s30+$0xC00]  }
0x356: {  	v8 =	vadd.f32 v33, v8  }
0x357: {  	v36 =	vld [tilespmem:s30+$0xD00]  }
0x358: {  	v8 =	vadd.f32 v34, v8  }
0x359: {  	v37 =	vld [tilespmem:s30+$0xE00]  }
0x35a: {  	v8 =	vadd.f32 v35, v8  }
0x35b: {  	v38 =	vld [tilespmem:s30+$0xF00]  }
0x35c: {  	v8 =	vadd.f32 v36, v8;
	_ =	sdelay $0x1  }
0x35d: {  	v8 =	vadd.f32 v37, v8  }
0x35e: {  	s0 =	sadd.s32 $0x10, s29  }
0x35f: {  	s1 =	sand.u32 $0x80, s0;
	v8 =	vadd.f32 v38, v8  }
0x360: {  	s31 =	sadd.s32 $0x10, s28;
	s0 =	sand.u32 $0x70, s0;
	s1 =	sadd.s32 s1, s24  }
0x361: {  	s0 =	sadd.s32 s0, s1;
	[tilespmem:s31+$0x0] =	vst v8  }
0x362: {  	v39 =	vld [tilespmem:s0+$0x100]  }
0x363: {  	v40 =	vld [tilespmem:s0+$0x0];
	_ =	sdelay $0x1  }
0x364: {  	v41 =	vld [tilespmem:s0+$0x200];
	_ =	sdelay $0x1  }
0x365: {  	v12 =	vld [tilespmem:s0+$0x300]  }
0x366: {  	v9 =	vadd.f32 v39, v40  }
0x367: {  	v42 =	vld [tilespmem:s0+$0x400]  }
0x368: {  	v9 =	vadd.f32 v41, v9  }
0x369: {  	v43 =	vld [tilespmem:s0+$0x500]  }
0x36a: {  	v9 =	vadd.f32 v12, v9  }
0x36b: {  	v44 =	vld [tilespmem:s0+$0x600]  }
0x36c: {  	v9 =	vadd.f32 v42, v9  }
0x36d: {  	v45 =	vld [tilespmem:s0+$0x700]  }
0x36e: {  	v9 =	vadd.f32 v43, v9  }
0x36f: {  	v46 =	vld [tilespmem:s0+$0x800]  }
0x370: {  	v9 =	vadd.f32 v44, v9  }
0x371: {  	v47 =	vld [tilespmem:s0+$0x900]  }
0x372: {  	v9 =	vadd.f32 v45, v9  }
0x373: {  	v48 =	vld [tilespmem:s0+$0xA00]  }
0x374: {  	v9 =	vadd.f32 v46, v9  }
0x375: {  	v49 =	vld [tilespmem:s0+$0xB00]  }
0x376: {  	v9 =	vadd.f32 v47, v9  }
0x377: {  	v50 =	vld [tilespmem:s0+$0xC00]  }
0x378: {  	v9 =	vadd.f32 v48, v9  }
0x379: {  	v51 =	vld [tilespmem:s0+$0xD00]  }
0x37a: {  	v9 =	vadd.f32 v49, v9  }
0x37b: {  	v52 =	vld [tilespmem:s0+$0xE00]  }
0x37c: {  	v9 =	vadd.f32 v50, v9  }
0x37d: {  	v53 =	vld [tilespmem:s0+$0xF00]  }
0x37e: {  	v9 =	vadd.f32 v51, v9;
	_ =	sdelay $0x1  }
0x37f: {  	v9 =	vadd.f32 v52, v9;
	_ =	sdelay $0x1  }
0x380: {  	(xrf2) =	vadd.scan.msk.f32 $0xffff, v8;
	v8 =	vadd.f32 v53, v9;
	_ =	sdelay $0x1  }
0x381: {  	(xrf2) =	vadd.scan.msk.f32 $0xffff, v8;
	_ =	sdelay $0x5  }
0x382: {  	v54, _, _ =	vpop (xrf2)  }
0x383: {  	(v2sf) =	vpush v54, $0xF  }
0x384: {  	v55, _, _ =	vpop (xrf2)  }
0x385: {  	(v2sf) =	vpush v55, $0xF  }
0x386: {  	v56, _, _ =	vpop (xrf2)  }
0x387: {  	(v2sf) =	vpush v56, $0xF;
	_ =	sdelay $0x3  }
0x388: {  	v57 =	vmov s22;
	v58 =	vmov s25;
	v9 =	vbroadcast v54, $0xF  }
0x389: {  	v59 =	vmov s26;
	vm0 =	veq.s32 v57, v0;
	v10 =	vbroadcast v55, $0xF  }
0x38a: {  	vm9 =	veq.s32 v58, v0;
	v7 =	vsel vm0, v9, v7;
	v11 =	vbroadcast v56, $0xF  }
0x38b: {  	vm10 =	veq.s32 v59, v0;
	v7 =	vsel vm9, v10, v7  }
0x38c: {  	v7 =	vsel vm10, v11, v7  }
0x38d: {  	(xrf2) =	vadd.scan.msk.f32 $0xffff, v7;
	_ =	sdelay $0x1  }
0x38e: {  	s9 =	spop (v2sf)  }
0x38f: {  	s0 =	sadd.f32 s9, s23  }
0x390: {  	s13 =	spop (v2sf)  }
0x391: {  	s0 =	sadd.f32 s13, s0  }
0x392: {  	s9 =	sld [smem:s20+$0x80];
	s22 =	spop (v2sf)  }
0x393: {  	s0 =	sadd.f32 s22, s0;
	_ =	sdelay $0x1  }
0x394: {  	s0 =	ssub.f32 s0, s9  }
0x395: {  	v60, _, _ =	vpop (xrf2)  }
0x396: {  	vm11 =	vge.f32 v60, s0  }
0x397: {  	v61 =	vnsel vm11, $0x80000010, v5  }
0x398: {  	(xrf0) =	vmin.scan.msk.u32 $0xffff, v61;
	_ =	sdelay $0x5  }
0x399: {  	v10, _, _ =	vpop (xrf0)  }
0x39a: {  	(v2sf) =	vpush v10, $0xF;
	_ =	sdelay $0xe  }
0x39b: {  	s23 =	spop (v2sf)  }
0x39c: {  	s1 =	sxor.u32 $0x80000000, s23  }
0x39d: {  	p0 =	slt.s32 s1, $0x10  }
0x39e: {  	s24 =	sadd.s32 $0x10, s31;
	s1 =	simm.s32 @!p0 $0x0  }
0x39f: {  	[tilespmem:s24+$0x0] =	vst v8;
	s25 =	sshll.u32 s1, $0x4  }
0x3a0: {  	v7 =	vsub.f32 v60, v7;
	v8 =	vmov s1;
	v62 =	vld [tilespmem:s25+$0xC000]  }
0x3a1: {  	vm12 =	veq.s32 v8, v0  }
0x3a2: {  	v7 =	vnsel vm12, $0x0, v7  }
0x3a3: {  	(xrf2) =	vadd.scan.msk.f32 $0xffff, v7;
	_ =	sdelay $0x1  }
0x3a4: {  	(xrf2) =	vadd.scan.msk.f32 $0xffff, v62;
	_ =	sdelay $0x7  }
0x3a5: {  	v7, _, _ =	vpop (xrf2)  }
0x3a6: {  	v7 =	vbroadcast v7, $0xF  }
0x3a7: {  	v8, _, _ =	vpop (xrf2)  }
0x3a8: {  	v7 =	vadd.f32 v7, v8;
	_ =	sdelay $0x1  }
0x3a9: {  	vm13 =	vge.f32 v7, s0  }
0x3aa: {  	v8 =	vnsel vm13, $0x80000010, v5  }
0x3ab: {  	(xrf0) =	vmin.scan.msk.u32 $0xffff, v8;
	_ =	sdelay $0x5  }
0x3ac: {  	v8, _, _ =	vpop (xrf0)  }
0x3ad: {  	(v2sf) =	vpush v8, $0xF;
	_ =	sdelay $0xe  }
0x3ae: {  	s26 =	spop (v2sf)  }
0x3af: {  	s1 =	sxor.u32 $0x80000000, s26  }
0x3b0: {  	p1 =	slt.s32 s1, $0x10  }
0x3b1: {  	s1 =	simm.s32 @!p1 $0x0  }
0x3b2: {  	s9 =	sadd.s32 s25, s1  }
0x3b3: {  	s9 =	simm.s32 @!p0 $0x100  }
0x3b4: {  	p1 =	slt.s32 s9, $0x100;
	s9 =	sshll.u32 s9, $0x4  }
0x3b5: {  	s9 =	simm.s32 @!p1 $0x0  }
0x3b6: {  	s13 =	sadd.s32 s21, s9  }
0x3b7: {  	s28 =	sand.u32 $0x70, s9;
	s13 =	sand.u32 $0xFFFFFF80, s13  }
0x3b8: {  	s13 =	sor.u32 s28, s13  }
0x3b9: {  	v8 =	vld [tilespmem:s13+$0x9000]  }
0x3ba: {  	v63 =	vmov s1  }
0x3bb: {  	vm14 =	veq.s32 v63, v0  }
0x3bc: {  	v7 =	vnsel vm14, $0x0, v7  }
0x3bd: {  	(xrf2) =	vadd.scan.msk.f32 $0xffff, v7  }
0x3be: {  	(xrf2) =	vadd.scan.msk.f32 $0xffff, v8;
	_ =	sdelay $0x8  }
0x3bf: {  	v7, _, _ =	vpop (xrf2)  }
0x3c0: {  	(v2sf) =	vpush v7, $0xF;
	v7, _, _ =	vpop (xrf2)  }
0x3c1: {  	(v2sf) =	vpush v7, $0xF;
	_ =	sdelay $0xd  }
0x3c2: {  	s1 =	spop (v2sf)  }
0x3c3: {  	s1 =	simm.s32 @!p0 $0x0;
	s29 =	spop (v2sf)  }
0x3c4: {  	s1 =	ssub.f32 s1, s29;
	_ =	sdelay $0x1  }
0x3c5: {  	v7 =	vadd.f32 s1, v7;
	_ =	sdelay $0x1  }
0x3c6: {  	vm15 =	vge.f32 v7, s0  }
0x3c7: {  	v7 =	vnsel vm15, $0x80000010, v5  }
0x3c8: {  	(xrf0) =	vmin.scan.msk.u32 $0xffff, v7;
	_ =	sdelay $0x5  }
0x3c9: {  	v7, _, _ =	vpop (xrf0)  }
0x3ca: {  	(v2sf) =	vpush v7, $0xF;
	_ =	sdelay $0xe  }
0x3cb: {  	s31 =	sld [smem:s20+$0x100];
	s30 =	spop (v2sf)  }
0x3cc: {  	s13 =	sld [smem:s20+$0x0];
	s0 =	sxor.u32 $0x80000000, s30  }
0x3cd: {  	p0 =	slt.s32 s0, $0x10  }
0x3ce: {  	s0 =	simm.s32 @!p0 $0x0;
	p0 =	sgt.s32 s31, $0x0  }
0x3cf: {  	s0 =	sadd.s32 s9, s0;
	s13 =	simm.s32 @!p0 $0x40000000  }
0x3d0: {  	[smem:s20+$0x180] =	sst s13;
	s0 =	simm.s32 @!p0 $0x40000000  }
0x3d1: {  	[smem:s20+$0x200] =	sst s0;
	s20 =	sadd.s32 $0x1, s20  }
0x3d2: {  	p0 =	sne.s32 s20, $0x3  }
.Ltmp17:
0x3d3: {  	_ = 	snop;
	(pc) =	sbr.rel @p0 .LBB2_27-.Ltmp17, $4  }
.Ltmp18:
0x3d4: {  	_ = 	snop;
	(pc) =	sbr.rel @!p0 .LBB2_30-.Ltmp18, $4  }
0x3d5: {  	_ = 	snop  }
0x3d6: {  	_ = 	snop  }
0x3d7: {  	_ = 	snop  }
0x3d8: {  	_ = 	snop  }
.LBB2_20:
0x3d9: {  	s0 =	sld [smem:$0x100]  }
0x3da: {  	s1 =	sld [smem:$0x0];
	_ =	sdelay $0x1  }
0x3db: {  	p0 =	sgt.s32 s0, $0x0  }
0x3dc: {  	s0 =	simm.s32 $0x0;
	s1 =	simm.s32 @!p0 $0x40000000  }
0x3dd: {  	s0 =	simm.s32 @!p0 $0x40000000;
	[smem:$0x180] =	sst s1  }
0x3de: {  	[smem:$0x200] =	sst s0  }
0x3df: {  	s0 =	sld [smem:$0x101]  }
0x3e0: {  	s1 =	sld [smem:$0x1];
	_ =	sdelay $0x1  }
0x3e1: {  	p0 =	sgt.s32 s0, $0x0  }
0x3e2: {  	s0 =	simm.s32 $0x0;
	s1 =	simm.s32 @!p0 $0x40000000  }
0x3e3: {  	s0 =	simm.s32 @!p0 $0x40000000;
	[smem:$0x181] =	sst s1  }
0x3e4: {  	[smem:$0x201] =	sst s0  }
0x3e5: {  	s0 =	sld [smem:$0x102]  }
0x3e6: {  	s1 =	sld [smem:$0x2];
	_ =	sdelay $0x1  }
0x3e7: {  	p0 =	sgt.s32 s0, $0x0  }
0x3e8: {  	s0 =	simm.s32 $0x0;
	s1 =	simm.s32 @!p0 $0x40000000  }
0x3e9: {  	s0 =	simm.s32 @!p0 $0x40000000;
	[smem:$0x182] =	sst s1  }
0x3ea: {  	[smem:$0x202] =	sst s0  }
.LBB2_30:
0x3eb: {  	s0 =	sld [smem:$0x180]  }
0x3ec: {  	s1 =	sld [smem:$0x181];
	s20 =	simm.s32 $0x3020  }
0x3ed: {  	s9 =	sld [smem:$0x182];
	s22 =	simm.s32 $0x4020;
	v14 =	vld [tilespmem:s20+$0x10]  }
0x3ee: {  	s21 =	sld [smem:$0x201];
	v15 =	vld [tilespmem:s22+$0x10]  }
0x3ef: {  	s23 =	sld [smem:$0x202];
	v16 =	vld [tilespmem:s20+$0x0]  }
0x3f0: {  	v13 =	vmul.u32 $0xFFFFFFFF, v0;
	v19 =	vimm.f32 $0.0e+00;
	v20 =	vimm.s32 $0xFFFFFFFF;
	s24 =	simm.s32 $0x20;
	s25 =	simm.s32 $0x30;
	s26 =	simm.s32 $0x10;
	v17 =	vld [tilespmem:s22+$0x0]  }
0x3f1: {  	s13 =	sld [smem:$0x200];
	v18 =	vld [tilespmem:s20+$0xFFFFFFF0];
	v24 =	vmov s24;
	v25 =	vmov s25;
	v27 =	vmov s26  }
0x3f2: {  	v22 =	vld [tilespmem:s22+$0xFFFFFFF0];
	v13 =	vadd.s32 $0xFFF, v13;
	v7 =	vmov s1;
	v8 =	vmov s9  }
0x3f3: {  	v23 =	vld [tilespmem:s20+$0xFFFFFFE0];
	v9 =	vmov s0;
	v10 =	vmov s21;
	v11 =	vmov s23;
	s23 =	simm.s32 $0x0  }
0x3f4: {  	v26 =	vld [tilespmem:s22+$0xFFFFFFE0];
	v12 =	vmov s13;
	v24 =	vsub.s32 v13, v24;
	v21 =	vmov s23  }
0x3f5: {  	v25 =	vsub.s32 v13, v25;
	v27 =	vsub.s32 v13, v27;
	v21 =	vsub.s32 v13, v21  }
0x3f6: {  	vm1 =	vgt.s32 v14, $0x0;
	vm2 =	vgt.s32 v16, $0x0;
	vm3 =	veq.s32 v15, $0x0  }
0x3f7: {  	vm5 =	veq.s32 v15, $0x1;
	vm0 =	vgt.s32 v18, $0x0;
	vm6 =	veq.s32 v17, $0x0  }
0x3f8: {  	vm7 =	veq.s32 v17, $0x1;
	vm4 =	vgt.s32 v23, $0x0;
	vm8 =	veq.s32 v22, $0x0  }
0x3f9: {  	vm9 =	veq.s32 v22, $0x1;
	vm10 =	veq.s32 v26, $0x0;
	vm11 =	veq.s32 v26, $0x1  }
0x3fa: {  	v15 =	vsel vm5, v7, v8;
	v17 =	vsel vm7, v7, v8;
	v22 =	vsel vm7, v10, v11  }
0x3fb: {  	v26 =	vsel vm5, v10, v11;
	v28 =	vsel vm11, v7, v8;
	v29 =	vsel vm9, v7, v8  }
0x3fc: {  	v30 =	vsel vm9, v10, v11;
	v31 =	vsel vm11, v10, v11;
	v15 =	vsel vm3, v9, v15  }
0x3fd: {  	v26 =	vsel vm3, v12, v26;
	v29 =	vsel vm8, v9, v29;
	v17 =	vsel vm6, v9, v17  }
0x3fe: {  	v22 =	vsel vm6, v12, v22;
	v28 =	vsel vm10, v9, v28;
	v31 =	vsel vm10, v12, v31  }
0x3ff: {  	v30 =	vsel vm8, v12, v30;
	vm5 =	vgt.s32 v14, v15;
	vm6 =	veq.s32 v14, v15  }
0x400: {  	vm7 =	vge.s32 v25, v26;
	vm3 =	veq.s32 v23, v28;
	vm8 =	vge.s32 v21, v31  }
0x401: {  	vm9 =	vgt.s32 v16, v17;
	vm10 =	vgt.s32 v23, v28;
	vm3 =	vmand vm3, vm8  }
0x402: {  	vm11 =	vge.s32 v24, v22;
	vm12 =	veq.s32 v18, v29;
	vm3 =	vmor vm10, vm3  }
0x403: {  	vm13 =	vge.s32 v27, v30;
	vm8 =	veq.s32 v16, v17;
	vm3 =	vmand vm4, vm3  }
0x404: {  	vm6 =	vmand vm6, vm7;
	vm7 =	vgt.s32 v21, v20;
	vm4 =	vmxor vm4, vm3  }
0x405: {  	vm10 =	vgt.s32 v18, v29;
	v15 =	vnsel vm4, $0xFFFFFFFF, v23;
	vm4 =	vmand vm12, vm13  }
0x406: {  	s20 =	simm.s32 $0x5020;
	vm5 =	vmor vm5, vm6;
	vm6 =	veq.s32 v15, v20;
	vm4 =	vmor vm10, vm4  }
0x407: {  	v17 =	vld [tilespmem:s20+$0xFFFFFFE0];
	vm10 =	vgt.s32 v15, v20;
	vm6 =	vmand vm7, vm6;
	vm4 =	vmand vm0, vm4  }
0x408: {  	vm8 =	vmand vm8, vm11;
	vm6 =	vmor vm10, vm6;
	vm0 =	vmxor vm0, vm4  }
0x409: {  	v15 =	vsel vm6, v15, v20;
	v20 =	vsel vm6, v21, v20;
	v18 =	vnsel vm0, $0xFFFFFFFF, v18  }
0x40a: {  	vm7 =	vmor vm9, vm8;
	vm6 =	veq.s32 v18, v15;
	vm8 =	vgt.s32 v27, v20  }
0x40b: {  	vm0 =	vmand vm1, vm5;
	v21 =	vld [tilespmem:s20+$0xFFFFFFF0];
	vm5 =	vgt.s32 v18, v15;
	vm6 =	vmand vm6, vm8  }
0x40c: {  	v17 =	vnsel vm3, $0x0, v17;
	vm7 =	vmand vm2, vm7;
	vm5 =	vmor vm5, vm6  }
0x40d: {  	vm2 =	vmxor vm2, vm7;
	v15 =	vsel vm5, v18, v15;
	v18 =	vsel vm5, v27, v20;
	v20 =	vld [tilespmem:s20+$0x0]  }
0x40e: {  	v17 =	vadd.f32 v17, v19;
	v16 =	vnsel vm2, $0xFFFFFFFF, v16  }
0x40f: {  	v19 =	vld [tilespmem:s20+$0x10];
	vm1 =	vmxor vm1, vm0;
	vm2 =	veq.s32 v16, v15;
	vm3 =	vgt.s32 v24, v18  }
0x410: {  	s22 =	simm.s32 $0x4060;
	vm5 =	vgt.s32 v16, v15;
	v21 =	vnsel vm4, $0x0, v21;
	vm2 =	vmand vm2, vm3  }
0x411: {  	v63 =	vld [tilespmem:s22+$0xFFFFFFF0];
	v22 =	vnsel vm1, $0xFFFFFFFF, v14;
	v21 =	vadd.f32 v21, v17;
	vm2 =	vmor vm5, vm2  }
0x412: {  	s21 =	simm.s32 $0x3060;
	v26 =	vld [tilespmem:s22+$0x10];
	v15 =	vsel vm2, v16, v15;
	v18 =	vsel vm2, v24, v18;
	v16 =	vnsel vm7, $0x0, v20  }
0x413: {  	v14 =	vld [tilespmem:s21+$0x10];
	vm1 =	veq.s32 v22, v15;
	vm2 =	vgt.s32 v25, v18;
	v16 =	vadd.f32 v16, v21  }
0x414: {  	s30 =	simm.s32 $0x70;
	v27 =	vld [tilespmem:s22+$0x0];
	vm3 =	vgt.s32 v22, v15;
	v20 =	vnsel vm0, $0x0, v19;
	vm1 =	vmand vm1, vm2  }
0x415: {  	s29 =	simm.s32 $0x60;
	v23 =	vmov s30;
	v17 =	vld [tilespmem:s21+$0x0];
	vm0 =	vmor vm3, vm1;
	v16 =	vadd.f32 v20, v16  }
0x416: {  	s28 =	simm.s32 $0x40;
	s31 =	simm.s32 $0x50;
	v24 =	vld [tilespmem:s21+$0xFFFFFFE0];
	v20 =	vsel vm0, v22, v15;
	v21 =	vsel vm0, v25, v18;
	v15 =	vmov s29  }
0x417: {  	v19 =	vld [tilespmem:s21+$0xFFFFFFF0];
	v22 =	vmov s28;
	v25 =	vmov s31;
	v18 =	vsub.s32 v13, v15  }
0x418: {  	v15 =	vsub.s32 v13, v23;
	v23 =	vsub.s32 v13, v22;
	v22 =	vsub.s32 v13, v25;
	v25 =	vld [tilespmem:s22+$0xFFFFFFE0]  }
0x419: {  	vm8 =	veq.s32 v63, $0x1  }
0x41a: {  	vm6 =	veq.s32 v63, $0x0;
	vm7 =	veq.s32 v26, $0x1;
	vm5 =	veq.s32 v27, $0x0  }
0x41b: {  	vm9 =	veq.s32 v27, $0x1;
	vm1 =	vgt.s32 v14, $0x0;
	vm2 =	vgt.s32 v17, $0x0  }
0x41c: {  	s23 =	simm.s32 $0x80;
	vm0 =	veq.s32 v26, $0x0;
	vm4 =	vgt.s32 v24, $0x0;
	vm3 =	vgt.s32 v19, $0x0  }
.LBB2_31:
0x41d: {  	p0 =	sne.s32 s23, $0xFC0;
	vm10 =	veq.s32 v25, $0x0;
	vm11 =	veq.s32 v25, $0x1;
	v25 =	vsel vm7, v7, v8  }
0x41e: {  	v26 =	vsel vm9, v7, v8;
	v27 =	vsel vm9, v10, v11;
	v28 =	vsel vm7, v10, v11  }
0x41f: {  	v30 =	vsel vm8, v7, v8;
	v31 =	vsel vm8, v10, v11;
	v29 =	vsel vm11, v7, v8  }
0x420: {  	v32 =	vsel vm11, v10, v11;
	v25 =	vsel vm0, v9, v25;
	v28 =	vsel vm0, v12, v28  }
0x421: {  	v30 =	vsel vm6, v9, v30;
	v26 =	vsel vm5, v9, v26;
	v27 =	vsel vm5, v12, v27  }
0x422: {  	v31 =	vsel vm6, v12, v31;
	v29 =	vsel vm10, v9, v29;
	v32 =	vsel vm10, v12, v32  }
0x423: {  	vm5 =	vgt.s32 v14, v25;
	vm6 =	veq.s32 v14, v25;
	vm7 =	vge.s32 v15, v28  }
0x424: {  	vm9 =	vgt.s32 v17, v26;
	vm0 =	veq.s32 v24, v29;
	vm8 =	vge.s32 v23, v32  }
0x425: {  	vm10 =	vgt.s32 v24, v29;
	vm0 =	vmand vm0, vm8;
	vm8 =	veq.s32 v17, v26  }
0x426: {  	vm11 =	vge.s32 v18, v27;
	vm0 =	vmor vm10, vm0;
	vm10 =	vgt.s32 v19, v30  }
0x427: {  	vm12 =	veq.s32 v19, v30;
	vm13 =	vge.s32 v22, v31;
	vm0 =	vmand vm4, vm0  }
0x428: {  	vm6 =	vmand vm6, vm7;
	vm8 =	vmand vm8, vm11;
	vm4 =	vmxor vm4, vm0  }
0x429: {  	vm5 =	vmor vm5, vm6;
	v24 =	vnsel vm4, $0xFFFFFFFF, v24;
	vm4 =	vmand vm12, vm13  }
0x42a: {  	vm7 =	vgt.s32 v23, v21;
	vm6 =	veq.s32 v24, v20;
	vm4 =	vmor vm10, vm4  }
0x42b: {  	vm10 =	vgt.s32 v24, v20;
	vm6 =	vmand vm7, vm6;
	vm4 =	vmand vm3, vm4  }
0x42c: {  	s20 =	sadd.s32 $0x40, s20;
	vm7 =	vmor vm9, vm8;
	vm6 =	vmor vm10, vm6;
	vm3 =	vmxor vm3, vm4  }
0x42d: {  	v20 =	vsel vm6, v24, v20;
	v21 =	vsel vm6, v23, v21;
	v19 =	vnsel vm3, $0xFFFFFFFF, v19;
	v25 =	vld [tilespmem:s20+$0xFFFFFFE0]  }
0x42e: {  	vm3 =	vmand vm1, vm5;
	vm6 =	veq.s32 v19, v20;
	vm8 =	vgt.s32 v22, v21  }
0x42f: {  	vm7 =	vmand vm2, vm7;
	vm5 =	vgt.s32 v19, v20;
	vm6 =	vmand vm6, vm8;
	v23 =	vld [tilespmem:s20+$0xFFFFFFF0]  }
0x430: {  	vm2 =	vmxor vm2, vm7;
	vm1 =	vmxor vm1, vm3;
	vm5 =	vmor vm5, vm6  }
0x431: {  	v17 =	vnsel vm2, $0xFFFFFFFF, v17;
	v19 =	vsel vm5, v19, v20;
	v20 =	vsel vm5, v22, v21;
	v21 =	vld [tilespmem:s20+$0x0]  }
0x432: {  	vm2 =	vgt.s32 v18, v20;
	v22 =	vnsel vm0, $0x0, v25;
	vm0 =	veq.s32 v17, v19  }
0x433: {  	vm5 =	vgt.s32 v17, v19;
	v16 =	vadd.f32 v22, v16;
	vm0 =	vmand vm0, vm2;
	v22 =	vld [tilespmem:s20+$0x10]  }
0x434: {  	s21 =	sadd.s32 $0x40, s21;
	v24 =	vnsel vm1, $0xFFFFFFFF, v14;
	v23 =	vnsel vm4, $0x0, v23;
	vm0 =	vmor vm5, vm0  }
0x435: {  	s22 =	sadd.s32 $0x40, s22;
	v14 =	vld [tilespmem:s21+$0x10];
	v16 =	vadd.f32 v23, v16;
	v23 =	vsel vm0, v17, v19;
	v18 =	vsel vm0, v18, v20  }
0x436: {  	v26 =	vld [tilespmem:s22+$0x10];
	v19 =	vnsel vm7, $0x0, v21;
	vm0 =	veq.s32 v24, v23;
	vm1 =	vgt.s32 v15, v18  }
0x437: {  	vm2 =	vgt.s32 v24, v23;
	v17 =	vld [tilespmem:s21+$0x0];
	v16 =	vadd.f32 v19, v16;
	vm0 =	vmand vm0, vm1  }
0x438: {  	v27 =	vld [tilespmem:s22+$0x0];
	v20 =	vnsel vm3, $0x0, v22;
	vm0 =	vmor vm2, vm0  }
0x439: {  	v19 =	vld [tilespmem:s21+$0xFFFFFFF0];
	v16 =	vadd.f32 v20, v16;
	v20 =	vsel vm0, v24, v23;
	v21 =	vsel vm0, v15, v18  }
0x43a: {  	s0 =	sadd.s32 $0x20, s23;
	s1 =	sadd.s32 $0x30, s23;
	v22 =	vmov s23;
	v28 =	vld [tilespmem:s22+$0xFFFFFFF0]  }
0x43b: {  	s9 =	sadd.s32 $0x10, s23;
	v15 =	vmov s0;
	v23 =	vmov s1;
	v24 =	vld [tilespmem:s21+$0xFFFFFFE0]  }
.Ltmp19:
0x43c: {  	v29 =	vmov s9;
	v18 =	vsub.s32 v13, v15;
	v15 =	vsub.s32 v13, v23;
	v25 =	vld [tilespmem:s22+$0xFFFFFFE0];
	(pc) =	sbr.rel @p0 .LBB2_31-.Ltmp19, $4  }
0x43d: {  	v23 =	vsub.s32 v13, v22;
	v22 =	vsub.s32 v13, v29;
	vm1 =	vgt.s32 v14, $0x0  }
0x43e: {  	vm0 =	veq.s32 v26, $0x0;
	vm7 =	veq.s32 v26, $0x1;
	vm2 =	vgt.s32 v17, $0x0  }
0x43f: {  	vm5 =	veq.s32 v27, $0x0;
	vm9 =	veq.s32 v27, $0x1;
	vm3 =	vgt.s32 v19, $0x0  }
0x440: {  	s23 =	sadd.s32 $0x40, s23;
	vm6 =	veq.s32 v28, $0x0;
	vm8 =	veq.s32 v28, $0x1;
	vm4 =	vgt.s32 v24, $0x0  }
0x441: {  	vm10 =	veq.s32 v25, $0x0;
	vm11 =	veq.s32 v25, $0x1;
	v51 =	vsel vm7, v7, v8  }
0x442: {  	v26 =	vsel vm9, v7, v8;
	v27 =	vsel vm9, v10, v11;
	v28 =	vsel vm7, v10, v11  }
0x443: {  	v30 =	vsel vm8, v7, v8;
	v31 =	vsel vm8, v10, v11;
	v29 =	vsel vm11, v7, v8  }
0x444: {  	v32 =	vsel vm11, v10, v11;
	v25 =	vsel vm0, v9, v51;
	v28 =	vsel vm0, v12, v28  }
0x445: {  	v30 =	vsel vm6, v9, v30;
	v26 =	vsel vm5, v9, v26;
	v27 =	vsel vm5, v12, v27  }
0x446: {  	v31 =	vsel vm6, v12, v31;
	v29 =	vsel vm10, v9, v29;
	v32 =	vsel vm10, v12, v32  }
0x447: {  	vm5 =	vgt.s32 v14, v25;
	vm12 =	veq.s32 v24, v29;
	vm13 =	vge.s32 v23, v32  }
0x448: {  	vm6 =	veq.s32 v14, v25;
	vm14 =	vgt.s32 v24, v29;
	vm0 =	vmand vm12, vm13  }
0x449: {  	vm7 =	vge.s32 v15, v28;
	vm9 =	vgt.s32 v17, v26;
	vm0 =	vmor vm14, vm0  }
0x44a: {  	vm8 =	veq.s32 v17, v26;
	vm10 =	vgt.s32 v19, v30;
	vm0 =	vmand vm4, vm0  }
0x44b: {  	vm11 =	veq.s32 v19, v30;
	vm12 =	vge.s32 v22, v31;
	vm4 =	vmxor vm4, vm0  }
0x44c: {  	vm13 =	vge.s32 v18, v27;
	v52 =	vnsel vm4, $0xFFFFFFFF, v24;
	vm4 =	vmand vm11, vm12  }
0x44d: {  	vm12 =	vgt.s32 v23, v21;
	vm11 =	veq.s32 v52, v20;
	vm4 =	vmor vm10, vm4  }
0x44e: {  	vm15 =	vgt.s32 v52, v20;
	vm11 =	vmand vm12, vm11;
	vm4 =	vmand vm3, vm4  }
0x44f: {  	vm8 =	vmand vm8, vm13;
	vm10 =	vmor vm15, vm11;
	vm3 =	vmxor vm3, vm4  }
0x450: {  	v53 =	vsel vm10, v52, v20;
	v54 =	vsel vm10, v23, v21;
	v55 =	vnsel vm3, $0xFFFFFFFF, v19  }
0x451: {  	vm12 =	vmor vm9, vm8;
	vm13 =	veq.s32 v55, v53;
	vm14 =	vgt.s32 v22, v54  }
0x452: {  	vm3 =	vmand vm2, vm12;
	vm15 =	vgt.s32 v55, v53;
	vm8 =	vmand vm13, vm14  }
0x453: {  	vm6 =	vmand vm6, vm7;
	vm2 =	vmxor vm2, vm3;
	vm9 =	vmor vm15, vm8  }
0x454: {  	v57 =	vnsel vm2, $0xFFFFFFFF, v17;
	v19 =	vsel vm9, v55, v53;
	v56 =	vsel vm9, v22, v54  }
0x455: {  	vm10 =	vmor vm5, vm6;
	vm11 =	veq.s32 v57, v19;
	vm12 =	vgt.s32 v18, v56  }
0x456: {  	vm2 =	vmand vm1, vm10;
	vm13 =	vgt.s32 v57, v19;
	vm5 =	vmand vm11, vm12  }
0x457: {  	vm1 =	vmxor vm1, vm2;
	vm5 =	vmor vm13, vm5  }
0x458: {  	v14 =	vnsel vm1, $0xFFFFFFFF, v14;
	v17 =	vsel vm5, v57, v19;
	v58 =	vsel vm5, v18, v56  }
0x459: {  	vm1 =	veq.s32 v14, v17;
	vm5 =	vgt.s32 v15, v58  }
0x45a: {  	vm14 =	vgt.s32 v14, v17;
	vm1 =	vmand vm1, vm5  }
0x45b: {  	vm1 =	vmor vm14, vm1  }
0x45c: {  	v14 =	vsel vm1, v14, v17  }
0x45d: {  	v17 =	vxor.u32 $0x80000000, v14  }
0x45e: {  	(xrf0) =	vmax.scan.msk.u32 $0xffff, v17;
	_ =	sdelay $0x5  }
0x45f: {  	v17, _, _ =	vpop (xrf0)  }
0x460: {  	(v2sf) =	vpush v17, $0xF  }
0x461: {  	s0 =	sadd.s32 $0x40, s20  }
0x462: {  	v59 =	vld [tilespmem:s0+$0xFFFFFFE0];
	_ =	sdelay $0x1  }
0x463: {  	v60 =	vld [tilespmem:s0+$0xFFFFFFF0];
	_ =	sdelay $0x1  }
0x464: {  	v61 =	vld [tilespmem:s0+$0x0]  }
0x465: {  	v17 =	vnsel vm0, $0x0, v59  }
0x466: {  	v62 =	vld [tilespmem:s0+$0x10];
	v16 =	vadd.f32 v17, v16  }
0x467: {  	v19 =	vnsel vm4, $0x0, v60  }
0x468: {  	v16 =	vadd.f32 v19, v16  }
0x469: {  	v63 =	vnsel vm3, $0x0, v61  }
0x46a: {  	v16 =	vadd.f32 v63, v16  }
0x46b: {  	v17 =	vnsel vm2, $0x0, v62  }
0x46c: {  	v16 =	vadd.f32 v17, v16  }
0x46d: {  	s30 =	spop (v2sf)  }
0x46e: {  	v15 =	vsel vm1, v15, v58;
	(xrf2) =	vadd.scan.msk.f32 $0xffff, v16;
	s20 =	sxor.u32 $0x80000000, s30  }
0x46f: {  	vm15 =	veq.s32 v14, s20;
	v14 =	vxor.u32 $0x80000000, v15  }
0x470: {  	v14 =	vnsel vm15, $0x7FFFFFFF, v14  }
0x471: {  	(xrf0) =	vmax.scan.msk.u32 $0xffff, v14;
	_ =	sdelay $0x5  }
0x472: {  	v14, _, _ =	vpop (xrf0)  }
0x473: {  	(v2sf) =	vpush v14, $0xF;
	v14, _, _ =	vpop (xrf2)  }
0x474: {  	(v2sf) =	vpush v14, $0xF;
	_ =	sdelay $0xb  }
.Ltmp20:
0x475: {  	_ = 	snop;
	(pc) =	sbr.rel .LBB2_33-.Ltmp20, $4  }
0x476: {  	_ = 	snop  }
0x477: {  	s31 =	spop (v2sf)  }
0x478: {  	s1 =	spop (v2sf)  }
0x479: {  	s22 =	simm.s32 $0x0;
	s21 =	sxor.u32 $0x80000000, s31;
	s19 =	ssub.f32 s19, s1  }
.LBB2_37:
0x47a: {  	[smem:s22+$0x280] =	sst s18  }
.LBB2_38:
0x47b: {  	s22 =	sadd.s32 $0x1, s22  }
0x47c: {  	p0 =	sne.s32 s22, $0x3  }
.Ltmp21:
0x47d: {  	_ = 	snop;
	(pc) =	sbr.rel @!p0 .LBB2_39-.Ltmp21, $1  }
0x47e: {  	_ =	sdelay $0x3  }
.LBB2_33:
0x47f: {  	p0 =	slt.s32 s20, $0x0  }
0x480: {  	p1 =	sge.f32 @!p0 s19, $1.000000000e+00;
	_ =	sdelay $0x1  }
0x481: {  	p0 =	por p0, !p1  }
.Ltmp22:
0x482: {  	_ = 	snop;
	(pc) =	sbr.rel @p0 .LBB2_37-.Ltmp22, $1  }
0x483: {  	_ =	sdelay $0x3  }
0x484: {  	s23 =	simm.s32 $0x5020  }
0x485: {  	v14 =	vld [tilespmem:s23+$0x10]  }
0x486: {  	s24 =	simm.s32 $0x3020  }
0x487: {  	v22 =	vmov s20;
	v23 =	vmov s21;
	v24 =	vmov s19;
	s0 =	simm.s32 $0x0;
	v16 =	vld [tilespmem:s24+$0x10]  }
0x488: {  	v25 =	vimm.s32 $0xFFFFFFFF;
	s1 =	simm.s32 $0x30;
	v19 =	vimm.f32 $0.0e+00;
	v15 =	vld [tilespmem:s23+$0x0];
	v17 =	vmov s0  }
0x489: {  	s25 =	simm.s32 $0x4020;
	v61 =	vimm.s32 $0x0;
	v18 =	vmov s1;
	v21 =	vld [tilespmem:s24+$0x0];
	v28 =	vsub.s32 v13, v17  }
0x48a: {  	v27 =	vld [tilespmem:s25+$0x10];
	v17 =	vsub.s32 v13, v18;
	v18 =	vimm.s32 $0x0;
	vm2 =	vle.f32 v14, v24  }
0x48b: {  	s9 =	simm.s32 $0x20;
	v62 =	vimm.s32 $0x0;
	v63 =	vimm.s32 $0x0;
	v30 =	vld [tilespmem:s25+$0x0];
	v18 =	vsel vm2, $0xFFFFFFFF, v18  }
0x48c: {  	s31 =	simm.s32 $0x10;
	v20 =	vmov s9;
	v29 =	vld [tilespmem:s24+$0xFFFFFFF0];
	vm2 =	vgt.s32 v16, $0x0;
	[tilespmem:$0x1FF80] =	vst v18;
	v18 =	vimm.s32 $0x0  }
0x48d: {  	v26 =	vmov s31;
	v34 =	vld [tilespmem:s25+$0xFFFFFFF0];
	v20 =	vsub.s32 v13, v20;
	v18 =	vsel vm2, $0xFFFFFFFF, v18  }
0x48e: {  	v36 =	vld [tilespmem:s25+$0xFFFFFFE0];
	v26 =	vsub.s32 v13, v26;
	vm4 =	vle.f32 v15, v24;
	[tilespmem:$0x1FF90] =	vst v18;
	v18 =	vimm.s32 $0x0  }
0x48f: {  	v31 =	vld [tilespmem:s24+$0xFFFFFFE0];
	vm8 =	vlt.s32 v28, v23;
	vm0 =	vlt.s32 v17, v23;
	v18 =	vsel vm4, $0xFFFFFFFF, v18  }
0x490: {  	vm1 =	vlt.s32 v26, v23;
	vm4 =	vgt.s32 v21, $0x0;
	[tilespmem:$0x1FFA0] =	vst v18;
	v18 =	vimm.s32 $0x0  }
0x491: {  	vm3 =	vlt.s32 v20, v23;
	vm9 =	vlt.s32 v16, v22;
	v18 =	vsel vm4, $0xFFFFFFFF, v18  }
0x492: {  	vm10 =	vlt.s32 v21, v22;
	vm11 =	veq.s32 v27, $0x0;
	vm5 =	veq.s32 v27, $0x1;
	[tilespmem:$0x1FFB0] =	vst v18;
	v18 =	vld [tilespmem:s23+$0xFFFFFFF0]  }
0x493: {  	vm13 =	veq.s32 v30, $0x0;
	vm6 =	veq.s32 v29, v22;
	vm14 =	veq.s32 v34, $0x0  }
0x494: {  	v27 =	vld [tilespmem:s23+$0xFFFFFFE0];
	vm15 =	veq.s32 v36, $0x0;
	vm12 =	vgt.s32 v31, $0x0;
	v32 =	vsel vm5, v7, v8  }
0x495: {  	v33 =	vsel vm5, v10, v11;
	vm5 =	veq.s32 v34, $0x1;
	vm2 =	veq.s32 v16, v22  }
0x496: {  	vm2 =	vmand vm0, vm2;
	vm0 =	veq.s32 v30, $0x1;
	vm4 =	veq.s32 v21, v22  }
0x497: {  	vm3 =	vmand vm3, vm4;
	vm4 =	vmand vm1, vm6;
	vm1 =	vle.f32 v18, v24  }
0x498: {  	vm6 =	veq.s32 v36, $0x1;
	v36 =	vsel vm1, $0xFFFFFFFF, v61;
	vm1 =	vgt.s32 v29, $0x0  }
0x499: {  	v30 =	vimm.s32 $0xFFFFFFFF;
	vm7 =	vle.f32 v27, v24;
	[tilespmem:$0x1FFC0] =	vst v36;
	v36 =	vsel vm1, $0xFFFFFFFF, v62  }
0x49a: {  	v34 =	vsel vm0, v7, v8;
	v35 =	vsel vm0, v10, v11;
	[tilespmem:$0x1FFD0] =	vst v36;
	v36 =	vsel vm7, $0xFFFFFFFF, v63  }
0x49b: {  	s26 =	simm.s32 $0x40;
	vm0 =	vlt.s32 v29, v22;
	vm1 =	vlt.s32 v31, v22;
	vm7 =	veq.s32 v31, v22;
	[tilespmem:$0x1FFE0] =	vst v36  }
.LBB2_35:
0x49c: {  	vm7 =	vmand vm8, vm7;
	v36 =	vsel vm5, v7, v8;
	v37 =	vsel vm5, v10, v11  }
0x49d: {  	v38 =	vsel vm6, v7, v8;
	v39 =	vsel vm6, v10, v11;
	vm8 =	vmor vm9, vm2  }
0x49e: {  	vm9 =	vmor vm10, vm3;
	v32 =	vsel vm11, v9, v32;
	v33 =	vsel vm11, v12, v33  }
0x49f: {  	vm2 =	vmor vm0, vm4;
	v34 =	vsel vm13, v9, v34;
	v35 =	vsel vm13, v12, v35  }
0x4a0: {  	v49 =	vimm.s32 $0x0;
	v50 =	vimm.s32 $0x0;
	v51 =	vimm.s32 $0x0  }
0x4a1: {  	v52 =	vimm.s32 $0x0;
	v53 =	vimm.s32 $0x0;
	v55 =	vimm.s32 $0x0  }
0x4a2: {  	vm3 =	vmor vm1, vm7;
	v36 =	vsel vm14, v9, v36;
	v39 =	vsel vm15, v12, v39  }
0x4a3: {  	v37 =	vsel vm14, v12, v37;
	v38 =	vsel vm15, v9, v38;
	vm7 =	vlt.s32 v28, v39;
	v39 =	vld [tilespmem:$0x1FFE0]  }
0x4a4: {  	v40 =	vld [tilespmem:$0x1FFD0];
	vm4 =	vne.s32 v16, v32;
	vm5 =	vlt.s32 v17, v33;
	vm6 =	vne.s32 v31, v38  }
0x4a5: {  	vm10 =	vne.s32 v21, v34;
	vm11 =	vlt.s32 v20, v35;
	vm6 =	vmor vm6, vm7  }
0x4a6: {  	v42 =	vld [tilespmem:$0x1FFB0];
	vm13 =	vle.s32 v31, v38;
	vm4 =	vmor vm4, vm5;
	vm6 =	vmand vm12, vm6  }
0x4a7: {  	vm12 =	vne.s32 v29, v36;
	vm6 =	vmand vm13, vm6;
	vm13 =	vlt.s32 v26, v37  }
0x4a8: {  	v43 =	vld [tilespmem:$0x1FFC0];
	vm3 =	vmand vm3, vm6;
	vm6 =	vmor vm10, vm11;
	vm10 =	vnez.u8 v39  }
0x4a9: {  	vm5 =	vmor vm12, vm13;
	vm3 =	vmand vm10, vm3;
	vm10 =	vnez.u8 v40  }
0x4aa: {  	v56 =	vimm.s32 $0x0;
	vm7 =	vle.s32 v29, v36;
	vm5 =	vmand vm10, vm5  }
0x4ab: {  	v31 =	vnsel vm3, $0xFFFFFFFF, v31;
	vm3 =	vmand vm7, vm5;
	vm5 =	vnez.u8 v42  }
0x4ac: {  	vm7 =	vgt.s32 v28, v30;
	vm5 =	vmand vm5, vm6;
	vm6 =	veq.s32 v31, v25  }
0x4ad: {  	vm2 =	vmand vm2, vm3;
	vm6 =	vmand vm7, vm6;
	vm7 =	vnez.u8 v43  }
0x4ae: {  	v57 =	vimm.s32 $0x0;
	vm3 =	vgt.s32 v31, v25;
	vm2 =	vmand vm7, vm2  }
0x4af: {  	v41 =	vld [tilespmem:$0x1FF90];
	v58 =	vimm.s32 $0x0;
	vm3 =	vmor vm3, vm6;
	v29 =	vnsel vm2, $0xFFFFFFFF, v29  }
0x4b0: {  	s25 =	sadd.s32 $0x40, s25;
	v25 =	vsel vm3, v31, v25;
	v28 =	vsel vm3, v28, v30;
	v19 =	vsel vm3, v27, v19;
	v27 =	vld [tilespmem:$0x1FFA0]  }
0x4b1: {  	vm1 =	vle.s32 v21, v34;
	v47 =	vld [tilespmem:s25+$0x0];
	vm2 =	veq.s32 v29, v25;
	vm3 =	vgt.s32 v26, v28  }
0x4b2: {  	s1 =	sadd.s32 $0x10, s26;
	vm1 =	vmand vm1, vm5;
	vm5 =	vgt.s32 v29, v25;
	vm2 =	vmand vm2, vm3  }
0x4b3: {  	s9 =	sadd.s32 $0x20, s26;
	vm0 =	vle.s32 v16, v32;
	v45 =	vmov s1;
	vm2 =	vmor vm5, vm2  }
0x4b4: {  	v46 =	vmov s9;
	vm10 =	vnez.u8 v41;
	v18 =	vsel vm2, v18, v19;
	v19 =	vld [tilespmem:$0x1FF80]  }
0x4b5: {  	v48 =	vld [tilespmem:s25+$0xFFFFFFF0];
	vm4 =	vmand vm10, vm4;
	vm1 =	vmand vm9, vm1;
	vm3 =	vnez.u8 v27  }
0x4b6: {  	vm13 =	veq.s32 v47, $0x0;
	vm0 =	vmand vm0, vm4;
	vm1 =	vmand vm3, vm1  }
0x4b7: {  	v25 =	vsel vm2, v29, v25;
	v26 =	vsel vm2, v26, v28;
	v21 =	vnsel vm1, $0xFFFFFFFF, v21  }
0x4b8: {  	v54 =	vld [tilespmem:s25+$0xFFFFFFE0];
	vm0 =	vmand vm8, vm0;
	vm2 =	vgt.s32 v20, v26;
	vm1 =	veq.s32 v21, v25  }
0x4b9: {  	vm3 =	vgt.s32 v21, v25;
	vm1 =	vmand vm1, vm2;
	vm2 =	vnez.u8 v19  }
0x4ba: {  	vm14 =	veq.s32 v48, $0x0;
	vm0 =	vmand vm2, vm0;
	vm1 =	vmor vm3, vm1  }
0x4bb: {  	v19 =	vnsel vm0, $0xFFFFFFFF, v16;
	v25 =	vsel vm1, v21, v25;
	v20 =	vsel vm1, v20, v26  }
0x4bc: {  	v44 =	vld [tilespmem:s25+$0x10];
	v15 =	vsel vm1, v15, v18;
	vm0 =	veq.s32 v19, v25;
	vm1 =	vgt.s32 v17, v20  }
0x4bd: {  	s23 =	sadd.s32 $0x40, s23;
	vm15 =	veq.s32 v54, $0x0;
	vm2 =	vgt.s32 v19, v25;
	vm0 =	vmand vm0, vm1  }
0x4be: {  	vm10 =	veq.s32 v47, $0x1;
	v27 =	vld [tilespmem:s23+$0x10];
	v26 =	vmov s26;
	vm0 =	vmor vm2, vm0  }
0x4bf: {  	v18 =	vld [tilespmem:s23+$0xFFFFFFF0];
	v28 =	vsub.s32 v13, v26;
	v26 =	vimm.s32 $0x0;
	v25 =	vsel vm0, v19, v25  }
0x4c0: {  	s24 =	sadd.s32 $0x40, s24;
	v29 =	vld [tilespmem:s23+$0x0];
	v30 =	vsel vm0, v17, v20;
	v19 =	vsel vm0, v14, v15;
	vm0 =	vlt.s32 v28, v23  }
0x4c1: {  	s0 =	sadd.s32 $0x30, s26;
	v35 =	vsel vm10, v10, v11;
	vm9 =	veq.s32 v44, $0x1;
	v16 =	vld [tilespmem:s24+$0x10];
	v26 =	vsel vm0, $0xFFFFFFFF, v26  }
0x4c2: {  	vm6 =	veq.s32 v54, $0x1;
	v31 =	vmov s0;
	[tilespmem:$0x1FF30] =	vst v26;
	v26 =	vsub.s32 v13, v45  }
0x4c3: {  	v21 =	vld [tilespmem:s24+$0x0];
	v17 =	vsub.s32 v13, v31;
	v31 =	vimm.s32 $0x0;
	vm0 =	vlt.s32 v26, v23  }
0x4c4: {  	v33 =	vsel vm9, v10, v11;
	v14 =	vmovc v27;
	vm1 =	vle.f32 v18, v24;
	v31 =	vsel vm0, $0xFFFFFFFF, v31  }
0x4c5: {  	v32 =	vsel vm1, $0xFFFFFFFF, v56;
	vm0 =	vle.f32 v14, v24;
	[tilespmem:$0x1FF50] =	vst v31;
	v31 =	vimm.s32 $0x0  }
0x4c6: {  	v20 =	vsub.s32 v13, v46;
	v15 =	vmovc v29;
	v29 =	vld [tilespmem:s24+$0xFFFFFFF0];
	[tilespmem:$0x1FFC0] =	vst v32;
	v31 =	vsel vm0, $0xFFFFFFFF, v31;
	vm0 =	vgt.s32 v16, $0x0  }
0x4c7: {  	v27 =	vld [tilespmem:s23+$0xFFFFFFE0];
	vm12 =	vlt.s32 v17, v23;
	[tilespmem:$0x1FF80] =	vst v31;
	v34 =	vsel vm0, $0xFFFFFFFF, v49;
	vm0 =	vlt.s32 v16, v22  }
0x4c8: {  	vm3 =	vlt.s32 v20, v23;
	v59 =	vld [tilespmem:$0x1FF30];
	[tilespmem:$0x1FF90] =	vst v34;
	v34 =	vsel vm0, $0xFFFFFFFF, v50;
	vm0 =	vlt.s32 v21, v22  }
0x4c9: {  	vm2 =	veq.s32 v16, v22;
	v61 =	vld [tilespmem:$0x1FF50];
	[tilespmem:$0x1FF40] =	vst v34;
	v34 =	vsel vm0, $0xFFFFFFFF, v51;
	vm0 =	vle.f32 v15, v24  }
0x4ca: {  	vm8 =	veq.s32 v21, v22;
	v31 =	vld [tilespmem:s24+$0xFFFFFFE0];
	[tilespmem:$0x1FF70] =	vst v34;
	v34 =	vsel vm0, $0xFFFFFFFF, v52;
	vm0 =	veq.s32 v44, $0x0  }
0x4cb: {  	vm2 =	vmand vm12, vm2;
	vm1 =	vgt.s32 v29, $0x0;
	v60 =	vld [tilespmem:$0x1FF40];
	[tilespmem:$0x1FFA0] =	vst v34;
	v34 =	vsel vm0, $0xFFFFFFFF, v53  }
0x4cc: {  	vm3 =	vmand vm3, vm8;
	vm5 =	vle.f32 v27, v24;
	v32 =	vsel vm1, $0xFFFFFFFF, v57;
	v63 =	vld [tilespmem:$0x1FF70];
	[tilespmem:$0x1FF60] =	vst v34  }
0x4cd: {  	p0 =	sne.s32 s26, $0xFC0;
	vm4 =	veq.s32 v29, v22;
	[tilespmem:$0x1FFD0] =	vst v32;
	v32 =	vsel vm5, $0xFFFFFFFF, v58;
	vm5 =	veq.s32 v48, $0x1;
	v62 =	vld [tilespmem:$0x1FF60]  }
.Ltmp23:
0x4ce: {  	[tilespmem:$0x1FFE0] =	vst v32;
	vm8 =	vnez.u8 v59;
	v32 =	vsel vm9, v7, v8;
	vm0 =	vgt.s32 v21, $0x0;
	(pc) =	sbr.rel @p0 .LBB2_35-.Ltmp23, $4  }
0x4cf: {  	vm12 =	vnez.u8 v61;
	v36 =	vsel vm0, $0xFFFFFFFF, v55;
	vm0 =	vlt.s32 v29, v22  }
0x4d0: {  	vm1 =	vlt.s32 v31, v22;
	vm11 =	vgt.s32 v31, $0x0;
	vm7 =	veq.s32 v31, v22  }
0x4d1: {  	vm4 =	vmand vm12, vm4;
	v34 =	vsel vm10, v7, v8;
	vm12 =	vmmov vm11  }
0x4d2: {  	s26 =	sadd.s32 $0x40, s26;
	[tilespmem:$0x1FFB0] =	vst v36;
	vm9 =	vnez.u8 v60;
	vm10 =	vnez.u8 v63;
	vm11 =	vnez.u8 v62  }
0x4d3: {  	vm7 =	vmand vm8, vm7  }
0x4d4: {  	v22 =	vsel vm5, v7, v8;
	v23 =	vsel vm5, v10, v11;
	v24 =	vsel vm6, v7, v8  }
0x4d5: {  	v36 =	vsel vm6, v10, v11;
	vm8 =	vmor vm9, vm2;
	vm2 =	vmor vm10, vm3  }
0x4d6: {  	v32 =	vsel vm11, v9, v32;
	v33 =	vsel vm11, v12, v33;
	vm0 =	vmor vm0, vm4  }
0x4d7: {  	v34 =	vsel vm13, v9, v34;
	v35 =	vsel vm13, v12, v35;
	vm1 =	vmor vm1, vm7  }
0x4d8: {  	v47 =	vld [tilespmem:$0x1FFE0];
	v24 =	vsel vm15, v9, v24;
	v36 =	vsel vm15, v12, v36;
	v22 =	vsel vm14, v9, v22  }
0x4d9: {  	v48 =	vld [tilespmem:$0x1FFD0];
	v23 =	vsel vm14, v12, v23;
	vm9 =	vne.s32 v16, v32;
	vm10 =	vlt.s32 v17, v33  }
0x4da: {  	v49 =	vld [tilespmem:$0x1FF90];
	vm7 =	vle.s32 v21, v34;
	vm13 =	vne.s32 v31, v24;
	vm15 =	vlt.s32 v28, v36  }
0x4db: {  	v51 =	vld [tilespmem:$0x1FFB0];
	vm11 =	vle.s32 v31, v24;
	vm4 =	vmor vm9, vm10;
	vm14 =	vne.s32 v29, v22  }
0x4dc: {  	v52 =	vld [tilespmem:$0x1FFC0];
	vm3 =	vmor vm13, vm15;
	vm13 =	vlt.s32 v20, v35;
	vm15 =	vlt.s32 v26, v23  }
0x4dd: {  	vm3 =	vmand vm12, vm3;
	vm12 =	vne.s32 v21, v34;
	vm10 =	vmor vm14, vm15  }
0x4de: {  	vm14 =	vle.s32 v29, v22;
	vm3 =	vmand vm11, vm3;
	vm11 =	vmor vm12, vm13  }
0x4df: {  	vm12 =	vnez.u8 v47;
	vm13 =	vnez.u8 v48;
	vm15 =	vnez.u8 v49  }
0x4e0: {  	vm1 =	vmand vm1, vm3;
	vm3 =	vmand vm13, vm10;
	vm4 =	vmand vm15, vm4  }
0x4e1: {  	vm10 =	vnez.u8 v51;
	vm15 =	vnez.u8 v52;
	vm1 =	vmand vm12, vm1  }
0x4e2: {  	v55 =	vld [tilespmem:$0x1FFA0];
	vm9 =	vmand vm14, vm3;
	vm3 =	vmand vm10, vm11;
	v50 =	vnsel vm1, $0xFFFFFFFF, v31  }
0x4e3: {  	vm12 =	vgt.s32 v28, v30;
	vm0 =	vmand vm0, vm9;
	vm11 =	veq.s32 v50, v25  }
0x4e4: {  	vm1 =	vmand vm7, vm3;
	vm14 =	vgt.s32 v50, v25;
	vm13 =	vmand vm12, vm11  }
0x4e5: {  	vm6 =	vmand vm15, vm0;
	vm1 =	vmand vm2, vm1;
	vm0 =	vmor vm14, vm13  }
0x4e6: {  	v53 =	vnsel vm6, $0xFFFFFFFF, v29;
	v22 =	vsel vm0, v50, v25;
	v54 =	vsel vm0, v28, v30  }
0x4e7: {  	v58 =	vld [tilespmem:$0x1FF80];
	vm13 =	vnez.u8 v55;
	vm9 =	veq.s32 v53, v22;
	vm10 =	vgt.s32 v26, v54  }
0x4e8: {  	vm14 =	vle.s32 v16, v32;
	vm12 =	vgt.s32 v53, v22;
	vm11 =	vmand vm9, vm10  }
0x4e9: {  	vm5 =	vmand vm13, vm1;
	vm2 =	vmand vm14, vm4;
	vm1 =	vmor vm12, vm11  }
0x4ea: {  	v56 =	vnsel vm5, $0xFFFFFFFF, v21;
	v22 =	vsel vm1, v53, v22;
	v57 =	vsel vm1, v26, v54  }
0x4eb: {  	vm2 =	vmand vm8, vm2;
	vm15 =	veq.s32 v56, v22;
	vm9 =	vgt.s32 v20, v57  }
0x4ec: {  	vm11 =	vnez.u8 v58;
	vm10 =	vgt.s32 v56, v22;
	vm3 =	vmand vm15, vm9  }
0x4ed: {  	vm2 =	vmand vm11, vm2;
	vm3 =	vmor vm10, vm3  }
0x4ee: {  	v59 =	vnsel vm2, $0xFFFFFFFF, v16;
	v21 =	vsel vm3, v56, v22;
	v60 =	vsel vm3, v20, v57  }
0x4ef: {  	vm2 =	veq.s32 v59, v21;
	vm12 =	vgt.s32 v17, v60  }
0x4f0: {  	vm13 =	vgt.s32 v59, v21;
	vm2 =	vmand vm2, vm12  }
0x4f1: {  	vm2 =	vmor vm13, vm2  }
0x4f2: {  	v16 =	vsel vm2, v59, v21  }
0x4f3: {  	v21 =	vxor.u32 $0x80000000, v16  }
0x4f4: {  	(xrf0) =	vmax.scan.msk.u32 $0xffff, v21;
	_ =	sdelay $0x5  }
0x4f5: {  	v21, _, _ =	vpop (xrf0)  }
0x4f6: {  	(v2sf) =	vpush v21, $0xF;
	_ =	sdelay $0xe  }
0x4f7: {  	s0 =	spop (v2sf)  }
0x4f8: {  	v61 =	vsel vm2, v17, v60;
	s1 =	sxor.u32 $0x80000000, s0  }
0x4f9: {  	v62 =	vxor.u32 $0x80000000, v61;
	vm14 =	veq.s32 v16, s1  }
0x4fa: {  	v16 =	vnsel vm14, $0x7FFFFFFF, v62  }
0x4fb: {  	(xrf0) =	vmax.scan.msk.u32 $0xffff, v16;
	_ =	sdelay $0x5  }
0x4fc: {  	v16, _, _ =	vpop (xrf0)  }
0x4fd: {  	(v2sf) =	vpush v16, $0xF;
	_ =	sdelay $0xe  }
0x4fe: {  	v63 =	vsel vm0, v27, v19;
	s9 =	spop (v2sf)  }
0x4ff: {  	v16 =	vsel vm1, v18, v63;
	s9 =	sxor.u32 $0x80000000, s9  }
0x500: {  	v15 =	vsel vm3, v15, v16;
	vm15 =	veq.s32 v61, s9  }
0x501: {  	v14 =	vsel vm2, v14, v15;
	vm0 =	vmand vm14, vm15  }
0x502: {  	v14 =	vnsel vm0, $0x0, v14  }
0x503: {  	(xrf2) =	vadd.scan.msk.f32 $0xffff, v14;
	_ =	sdelay $0x9  }
0x504: {  	v14, _, _ =	vpop (xrf2)  }
0x505: {  	(v2sf) =	vpush v14, $0xF;
	_ =	sdelay $0xc  }
.Ltmp24:
0x506: {  	_ = 	snop;
	(pc) =	sbr.rel .LBB2_38-.Ltmp24, $4  }
0x507: {  	p0 =	slt.s32 s0, $0x0  }
0x508: {  	s21 =	smov.u32 @p0 s9;
	s9 =	simm.s32 @!p0 $0xFFFFFFF9;
	s0 =	spop (v2sf)  }
0x509: {  	[smem:s22+$0x280] =	sst s9;
	s0 =	simm.s32 @!p0 $0x0  }
0x50a: {  	s20 =	smov.u32 @p0 s1;
	s19 =	ssub.f32 s19, s0  }
.LBB2_39:
0x50b: {  	s19 =	simm.s32 $0x4020  }
0x50c: {  	v17 =	vld [tilespmem:s19+$0xFFFFFFE0];
	_ =	sdelay $0x1  }
0x50d: {  	s20 =	simm.s32 $0x3020  }
0x50e: {  	v15 =	vld [tilespmem:s20+$0xFFFFFFE0]  }
0x50f: {  	s0 =	simm.s32 $0x0  }
0x510: {  	v14 =	vmov s0;
	vm0 =	veq.s32 v17, $0x1  }
0x511: {  	vm1 =	veq.s32 v17, $0x0;
	v16 =	vsel vm0, v7, v8;
	v18 =	vsel vm0, v10, v11  }
0x512: {  	s28 =	sld [smem:$0x280];
	v19 =	vsub.s32 v13, v14;
	v14 =	vsel vm1, v9, v16;
	v16 =	vsel vm1, v12, v18  }
0x513: {  	s1 =	sld [smem:$0x281];
	vm8 =	veq.s32 v15, v14;
	vm1 =	vge.s32 v19, v16  }
0x514: {  	s9 =	sld [smem:$0x282];
	vm2 =	vgt.s32 v15, v14;
	vm0 =	vmand vm8, vm1  }
0x515: {  	vm9 =	vgt.s32 v15, $0x0;
	v14 =	vmov s28;
	vm0 =	vmor vm2, vm0  }
0x516: {  	v15 =	vmov s1;
	vm10 =	veq.s32 v19, v14;
	vm0 =	vmand vm9, vm0  }
0x517: {  	v16 =	vmov s9;
	vm11 =	veq.s32 v19, v15;
	vm0 =	vmor vm10, vm0  }
0x518: {  	v17 =	vcvt.s32.f32 v17;
	vm12 =	veq.s32 v19, v16;
	vm0 =	vmor vm11, vm0  }
0x519: {  	vm0 =	vmor vm12, vm0  }
0x51a: {  	s21 =	simm.s32 $0xC120;
	v17 =	vnsel vm0, $0xBF800000, v17  }
0x51b: {  	[tilespmem:s21+$0xFFFFFFE0] =	vst v17  }
0x51c: {  	v17 =	vld [tilespmem:s19+$0xFFFFFFF0];
	_ =	sdelay $0x2  }
0x51d: {  	v18 =	vld [tilespmem:s20+$0xFFFFFFF0]  }
0x51e: {  	s29 =	simm.s32 $0x10  }
0x51f: {  	v19 =	vmov s29;
	vm14 =	veq.s32 v17, $0x1  }
0x520: {  	vm13 =	veq.s32 v17, $0x0;
	v20 =	vsel vm14, v7, v8;
	v21 =	vsel vm14, v10, v11  }
0x521: {  	v19 =	vsub.s32 v13, v19;
	v20 =	vsel vm13, v9, v20;
	v21 =	vsel vm13, v12, v21  }
0x522: {  	vm15 =	veq.s32 v18, v20;
	vm4 =	vge.s32 v19, v21  }
0x523: {  	vm5 =	vgt.s32 v18, v20;
	vm0 =	vmand vm15, vm4  }
0x524: {  	vm6 =	vgt.s32 v18, $0x0;
	vm0 =	vmor vm5, vm0  }
0x525: {  	vm7 =	veq.s32 v19, v14;
	vm0 =	vmand vm6, vm0  }
0x526: {  	vm8 =	veq.s32 v19, v15;
	vm0 =	vmor vm7, vm0  }
0x527: {  	vm9 =	veq.s32 v19, v16;
	v17 =	vcvt.s32.f32 v17;
	vm0 =	vmor vm8, vm0  }
0x528: {  	vm0 =	vmor vm9, vm0  }
0x529: {  	v17 =	vnsel vm0, $0xBF800000, v17  }
0x52a: {  	[tilespmem:s21+$0xFFFFFFF0] =	vst v17  }
0x52b: {  	v17 =	vld [tilespmem:s19+$0x0];
	_ =	sdelay $0x2  }
0x52c: {  	v18 =	vld [tilespmem:s20+$0x0]  }
0x52d: {  	s30 =	simm.s32 $0x20  }
0x52e: {  	v19 =	vmov s30;
	vm11 =	veq.s32 v17, $0x1  }
0x52f: {  	vm10 =	veq.s32 v17, $0x0;
	v60 =	vsel vm11, v7, v8;
	v61 =	vsel vm11, v10, v11  }
0x530: {  	v19 =	vsub.s32 v13, v19;
	v20 =	vsel vm10, v9, v60;
	v21 =	vsel vm10, v12, v61  }
0x531: {  	vm12 =	veq.s32 v18, v20;
	vm13 =	vge.s32 v19, v21  }
0x532: {  	vm14 =	vgt.s32 v18, v20;
	vm0 =	vmand vm12, vm13  }
0x533: {  	vm15 =	vgt.s32 v18, $0x0;
	vm0 =	vmor vm14, vm0  }
0x534: {  	vm4 =	veq.s32 v19, v14;
	vm0 =	vmand vm15, vm0  }
0x535: {  	vm5 =	veq.s32 v19, v15;
	vm0 =	vmor vm4, vm0  }
0x536: {  	vm6 =	veq.s32 v19, v16;
	v17 =	vcvt.s32.f32 v17;
	vm0 =	vmor vm5, vm0  }
0x537: {  	vm0 =	vmor vm6, vm0  }
0x538: {  	v17 =	vnsel vm0, $0xBF800000, v17  }
0x539: {  	[tilespmem:s21+$0x0] =	vst v17  }
0x53a: {  	v17 =	vld [tilespmem:s19+$0x10];
	_ =	sdelay $0x2  }
0x53b: {  	v18 =	vld [tilespmem:s20+$0x10]  }
0x53c: {  	s31 =	simm.s32 $0x30  }
0x53d: {  	v19 =	vmov s31;
	vm8 =	veq.s32 v17, $0x1  }
0x53e: {  	vm7 =	veq.s32 v17, $0x0;
	v62 =	vsel vm8, v7, v8;
	v63 =	vsel vm8, v10, v11  }
0x53f: {  	v19 =	vsub.s32 v13, v19;
	v20 =	vsel vm7, v9, v62;
	v21 =	vsel vm7, v12, v63  }
0x540: {  	vm9 =	veq.s32 v18, v20;
	vm10 =	vge.s32 v19, v21  }
0x541: {  	vm11 =	vgt.s32 v18, v20;
	vm0 =	vmand vm9, vm10  }
0x542: {  	vm12 =	vgt.s32 v18, $0x0;
	vm0 =	vmor vm11, vm0  }
0x543: {  	vm13 =	veq.s32 v19, v14;
	vm0 =	vmand vm12, vm0  }
0x544: {  	vm14 =	veq.s32 v19, v15;
	vm0 =	vmor vm13, vm0  }
0x545: {  	vm15 =	veq.s32 v19, v16;
	v17 =	vcvt.s32.f32 v17;
	vm0 =	vmor vm14, vm0  }
0x546: {  	vm0 =	vmor vm15, vm0  }
0x547: {  	s22 =	simm.s32 $0x40;
	v17 =	vnsel vm0, $0xBF800000, v17  }
.LBB2_40:
0x548: {  	[tilespmem:s21+$0x10] =	vst v17;
	s21 =	sadd.s32 $0x40, s21;
	s19 =	sadd.s32 $0x40, s19;
	s20 =	sadd.s32 $0x40, s20  }
0x549: {  	p0 =	sne.s32 s22, $0xFC0;
	s23 =	smov.u32 s22;
	s22 =	sadd.s32 $0x40, s22;
	v17 =	vld [tilespmem:s19+$0xFFFFFFE0]  }
0x54a: {  	_ =	sdelay $0x1  }
0x54b: {  	v18 =	vld [tilespmem:s20+$0xFFFFFFE0];
	_ =	sdelay $0x1  }
0x54c: {  	v19 =	vmov s23;
	vm0 =	veq.s32 v17, $0x1  }
0x54d: {  	vm1 =	veq.s32 v17, $0x0;
	v20 =	vsel vm0, v7, v8;
	v21 =	vsel vm0, v10, v11  }
0x54e: {  	v19 =	vsub.s32 v13, v19;
	v20 =	vsel vm1, v9, v20;
	v21 =	vsel vm1, v12, v21  }
0x54f: {  	vm0 =	veq.s32 v18, v20;
	vm1 =	vge.s32 v19, v21  }
0x550: {  	vm2 =	vgt.s32 v18, v20;
	vm0 =	vmand vm0, vm1  }
0x551: {  	vm1 =	vgt.s32 v18, $0x0;
	vm0 =	vmor vm2, vm0  }
0x552: {  	vm0 =	vmand vm1, vm0;
	vm1 =	veq.s32 v19, v14  }
0x553: {  	vm0 =	vmor vm1, vm0;
	vm1 =	veq.s32 v19, v15  }
0x554: {  	v17 =	vcvt.s32.f32 v17;
	vm0 =	vmor vm1, vm0;
	vm1 =	veq.s32 v19, v16  }
0x555: {  	vm0 =	vmor vm1, vm0  }
0x556: {  	v17 =	vnsel vm0, $0xBF800000, v17  }
0x557: {  	[tilespmem:s21+$0xFFFFFFE0] =	vst v17  }
0x558: {  	v17 =	vld [tilespmem:s19+$0xFFFFFFF0];
	_ =	sdelay $0x2  }
0x559: {  	v18 =	vld [tilespmem:s20+$0xFFFFFFF0];
	_ =	sdelay $0x1  }
0x55a: {  	s0 =	sadd.s32 $0x10, s23;
	vm0 =	veq.s32 v17, $0x0;
	vm1 =	veq.s32 v17, $0x1  }
0x55b: {  	v19 =	vmov s0;
	v20 =	vsel vm1, v7, v8;
	v21 =	vsel vm1, v10, v11  }
0x55c: {  	v19 =	vsub.s32 v13, v19;
	v20 =	vsel vm0, v9, v20;
	v21 =	vsel vm0, v12, v21  }
0x55d: {  	vm0 =	veq.s32 v18, v20;
	vm1 =	vge.s32 v19, v21  }
0x55e: {  	vm2 =	vgt.s32 v18, v20;
	vm0 =	vmand vm0, vm1  }
0x55f: {  	vm1 =	vgt.s32 v18, $0x0;
	vm0 =	vmor vm2, vm0  }
0x560: {  	vm0 =	vmand vm1, vm0;
	vm1 =	veq.s32 v19, v14  }
0x561: {  	vm0 =	vmor vm1, vm0;
	vm1 =	veq.s32 v19, v15  }
0x562: {  	v17 =	vcvt.s32.f32 v17;
	vm0 =	vmor vm1, vm0;
	vm1 =	veq.s32 v19, v16  }
0x563: {  	vm0 =	vmor vm1, vm0  }
0x564: {  	v17 =	vnsel vm0, $0xBF800000, v17  }
0x565: {  	[tilespmem:s21+$0xFFFFFFF0] =	vst v17  }
0x566: {  	v17 =	vld [tilespmem:s19+$0x0];
	_ =	sdelay $0x2  }
0x567: {  	v18 =	vld [tilespmem:s20+$0x0];
	_ =	sdelay $0x1  }
0x568: {  	s0 =	sadd.s32 $0x20, s23;
	vm0 =	veq.s32 v17, $0x0;
	vm1 =	veq.s32 v17, $0x1  }
0x569: {  	v19 =	vmov s0;
	v20 =	vsel vm1, v7, v8;
	v21 =	vsel vm1, v10, v11  }
0x56a: {  	v19 =	vsub.s32 v13, v19;
	v20 =	vsel vm0, v9, v20;
	v21 =	vsel vm0, v12, v21  }
0x56b: {  	vm0 =	veq.s32 v18, v20;
	vm1 =	vge.s32 v19, v21  }
0x56c: {  	vm2 =	vgt.s32 v18, v20;
	vm0 =	vmand vm0, vm1  }
0x56d: {  	vm1 =	vgt.s32 v18, $0x0;
	vm0 =	vmor vm2, vm0  }
0x56e: {  	vm0 =	vmand vm1, vm0;
	vm1 =	veq.s32 v19, v14  }
0x56f: {  	vm0 =	vmor vm1, vm0;
	vm1 =	veq.s32 v19, v15  }
0x570: {  	v17 =	vcvt.s32.f32 v17;
	vm0 =	vmor vm1, vm0;
	vm1 =	veq.s32 v19, v16  }
0x571: {  	vm0 =	vmor vm1, vm0  }
0x572: {  	v17 =	vnsel vm0, $0xBF800000, v17  }
0x573: {  	[tilespmem:s21+$0x0] =	vst v17  }
0x574: {  	v17 =	vld [tilespmem:s19+$0x10];
	_ =	sdelay $0x2  }
0x575: {  	v18 =	vld [tilespmem:s20+$0x10];
	_ =	sdelay $0x1  }
0x576: {  	s0 =	sadd.s32 $0x30, s23;
	vm0 =	veq.s32 v17, $0x0;
	vm1 =	veq.s32 v17, $0x1  }
0x577: {  	v19 =	vmov s0;
	v20 =	vsel vm1, v7, v8;
	v21 =	vsel vm1, v10, v11  }
0x578: {  	v19 =	vsub.s32 v13, v19;
	v20 =	vsel vm0, v9, v20;
	v21 =	vsel vm0, v12, v21  }
0x579: {  	vm0 =	veq.s32 v18, v20;
	vm1 =	vge.s32 v19, v21  }
0x57a: {  	vm2 =	vgt.s32 v18, v20;
	vm0 =	vmand vm0, vm1  }
0x57b: {  	vm1 =	vgt.s32 v18, $0x0;
	vm0 =	vmor vm2, vm0  }
.Ltmp25:
0x57c: {  	vm0 =	vmand vm1, vm0;
	vm1 =	veq.s32 v19, v14;
	(pc) =	sbr.rel @p0 .LBB2_40-.Ltmp25, $4  }
0x57d: {  	vm0 =	vmor vm1, vm0;
	vm1 =	veq.s32 v19, v15  }
0x57e: {  	v17 =	vcvt.s32.f32 v17;
	vm0 =	vmor vm1, vm0;
	vm1 =	veq.s32 v19, v16  }
0x57f: {  	vm0 =	vmor vm1, vm0  }
0x580: {  	v17 =	vnsel vm0, $0xBF800000, v17  }
0x581: {  	s2 =	sadd.s32 $0x1, s2  }
0x582: {  	p0 =	sne.s32 s2, s8  }
.Ltmp26:
0x583: {  	[tilespmem:s21+$0x10] =	vst v17;
	(pc) =	sbr.rel @p0 .LBB2_2-.Ltmp26, $4  }
0x584: {  	[hbm4b:s7+s11] =	stream.strided.scatter [tilespmem:s17], [sflag:$0x1], $0x1000, s12, s11, $0x38;
	[tilespmem:$0xD180] =	vst v63  }
0x585: {  	_ =	swait.ge [sflag:s10], $0x1000  }
0x586: {  	[sflag:s10] =	ssyncset.done $0x0  }
0x587: {  	[sflag:s10] =	ssyncadd.s32 $0xFFFFF000  }
.LBB2_42:
0x588: {  	_ =	sfence.sel $0x180000  }
0x589: {  	[bflag:$0x0] =	sbarrier.arrive $0xFFFF  }
0x58a: {  	_ =	strace $0x90000047  }
0x58b: {  	s0 =	stileid.u32;
	[bflag:$0x2] =	sbarrier.arrive $0xFFFF  }
0x58c: {  	p0 =	sne.s32 s0, $0x0;
	s0 =	rddreg [dreg:$0x2]  }
0x58d: {  	s0 =	sadd.s32 @!p0 $0x100000, s0  }
0x58e: {  	[sflag:s0] =	ssyncadd.tile.s32 @!p0 $0x1;
	_ =	shalt  }
.Lfunc_end2:
_tile_overlayer_lowered:
.L_overlay_start_2:
0x58f: {  	(tag) =	ssettag $0x2  }
0x590: {  	s0 =	rddreg [dreg:$0x0];
	s2 =	stileid.u32  }
0x591: {  	s1 =	rddreg [dreg:$0x1];
	p0 =	sne.s32 s2, $0x0  }
0x592: {  	s3 =	rddreg [dreg:$0x2];
	[bflag:$0x3] =	sbarrier.arrive $0xFFFF;
	s2 =	simm.s32 @!p0 $0x1C01  }
0x593: {  	[timem:s3], [sflag:s2] =	dma.local @!p0 [hbm:s0], s1  }
0x594: {  	s0 =	simm.s32 @!p0 $0x1  }
0x595: {  	_ =	swait.ge @!p0 [sflag:s0], s1  }
0x596: {  	s1 =	ssub.s32 @!p0 $0x0, s1;
	[sflag:s0] =	ssyncset.done @!p0 $0x0  }
0x597: {  	[sflag:s0] =	ssyncadd.s32 @!p0 s1  }
0x598: {  	[bflag:$0x3] =	sbarrier.arrive $0xFFFF  }
0x599: {  	_ =	shalt  }

</sc_bundles>
